<compile_context>
chip_gen: v7x
topology: tpu7x:2x2x1
jax: 0.10.2.dev20260603
libtpu: 0.0.44.dev20260713+nightly
codegen_flags: <defaults>
</compile_context>

<pallas_src>
import functools

import jax
import jax.numpy as jnp
from jax import lax
from jax.experimental import pallas as pl
from jax.experimental.pallas import tpu as pltpu
from jax.experimental.pallas import tpu_sc as plsc

B = 16384
EMB = 32
PACK = 4
LANES = EMB * PACK
NU = 1000000
NST = 100000
TBLK = 8192
S_U = 253952
S_S = 32768
NC = 2
NS = 16
NW = NC * NS
BPW = B // NW
CH = 128
NCHUNK = BPW // CH
NSLOT = 4
NCH_TOT = 2 * NCHUNK


def _repack_body(x0, x1, x2, x3, eye, out):
    z = jnp.concatenate([x0[...], x1[...], x2[...], x3[...]], axis=0)
    zh = z.astype(jnp.bfloat16)
    zl = (z - zh.astype(jnp.float32)).astype(jnp.bfloat16)
    dims = (((0,), (0,)), ((), ()))
    yh = lax.dot_general(zh, eye[...], dims,
                         preferred_element_type=jnp.float32)
    yl = lax.dot_general(zl, eye[...], dims,
                         preferred_element_type=jnp.float32)
    out[...] = yh + yl


def _repack(t32, n_rows, stride):
    nb = stride // TBLK
    nb_max = -(-n_rows // TBLK) - 1

    def spec(k):
        return pl.BlockSpec(
            (EMB, TBLK), lambda i, k=k: (0, jnp.minimum(i + nb * k, nb_max)))

    eye = jnp.eye(LANES, dtype=jnp.bfloat16)
    return pl.pallas_call(
        _repack_body,
        grid=(nb,),
        in_specs=[spec(0), spec(1), spec(2), spec(3),
                  pl.BlockSpec((LANES, LANES), lambda i: (0, 0))],
        out_specs=pl.BlockSpec((TBLK, LANES), lambda i: (i, 0)),
        out_shape=jax.ShapeDtypeStruct((stride, LANES), jnp.float32),
    )(t32, t32, t32, t32, eye)


def _section_and_row(v, stride):
    one = jnp.int32(1)
    zero = jnp.int32(0)
    k = jnp.where(v >= stride, one, zero)
    k += jnp.where(v >= 2 * stride, one, zero)
    k += jnp.where(v >= 3 * stride, one, zero)
    return k, v - k * jnp.int32(stride)


def _make_gather(stride):
    def body(tab, idx, out, idx_v, buf0, buf1, buf2, buf3, gsem, wsem):
        bufs = [buf0, buf1, buf2, buf3]
        wid = lax.axis_index("s") * NC + lax.axis_index("c")
        base = wid * BPW
        pltpu.sync_copy(idx.at[wid], idx_v)
        for j in range(NCHUNK):
            for t in range(CH // 16):
                s = pl.ds(t * 16, 16)
                _, q = _section_and_row(idx_v[j, s], stride)
                idx_v[j, s] = q
        gh = [pltpu.async_copy(tab.at[idx_v.at[j]], bufs[j], gsem)
              for j in range(NCHUNK)]
        wh = []
        for j in range(NCHUNK):
            gh[j].wait()
            wh.append(pltpu.async_copy(
                bufs[j], out.at[pl.ds(base + j * CH, CH)], wsem))
        for w in wh:
            w.wait()

    return pl.kernel(
        body,
        out_type=jax.ShapeDtypeStruct((B, LANES), jnp.float32),
        mesh=plsc.VectorSubcoreMesh(core_axis_name="c", subcore_axis_name="s"),
        scratch_types=[
            pltpu.VMEM((NCHUNK, CH), jnp.int32),
            pltpu.VMEM((CH, LANES), jnp.float32),
            pltpu.VMEM((CH, LANES), jnp.float32),
            pltpu.VMEM((CH, LANES), jnp.float32),
            pltpu.VMEM((CH, LANES), jnp.float32),
            pltpu.SemaphoreType.DMA,
            pltpu.SemaphoreType.DMA,
        ],
    )


_gather_user = _make_gather(S_U)
_gather_store = _make_gather(S_S)

BLK = 4096


def _dot3(a, b):
    ah = a.astype(jnp.bfloat16)
    al = (a - ah.astype(jnp.float32)).astype(jnp.bfloat16)
    bh = b.astype(jnp.bfloat16)
    bl = (b - bh.astype(jnp.float32)).astype(jnp.bfloat16)
    pet = jnp.float32
    return (jnp.dot(ah, bh, preferred_element_type=pet) +
            (jnp.dot(ah, bl, preferred_element_type=pet) +
             jnp.dot(al, bh, preferred_element_type=pet)))


def _mlp_body(uid, sid, ug, sg, f, w1u4, w1s4, w1f, b1, w2, b2, w3t, b3, out):
    lane = lax.broadcasted_iota(jnp.int32, (BLK, LANES), 1) // EMB
    ku, _ = _section_and_row(uid[...], S_U)
    ks, _ = _section_and_row(sid[...], S_S)
    um = (lane == ku).astype(jnp.float32)
    sm = (lane == ks).astype(jnp.float32)
    h = jnp.dot(ug[...] * um, w1u4[...], preferred_element_type=jnp.float32)
    h += jnp.dot(sg[...] * sm, w1s4[...], preferred_element_type=jnp.float32)
    h += lax.dot_general(f[...], w1f[...], (((0,), (0,)), ((), ())),
                         preferred_element_type=jnp.float32)
    h = jnp.maximum(h + b1[...], 0.0)
    h2 = jnp.dot(h, w2[...], preferred_element_type=jnp.float32)
    h2 = jnp.maximum(h2 + b2[...], 0.0)
    o = jnp.sum(h2 * w3t[...], axis=1) + b3[0, 0]
    out[...] = 1.0 / (1.0 + jnp.exp(-o))


def _rows(i):
    return (i, 0)


@jax.jit
def kernel(user_id, store_id, sentiment, rating, distance, hour_sin,
           user_table, store_table, W1, b1, W2, b2, W3, b3):
    uid = user_id.astype(jnp.int32)
    sid = store_id.astype(jnp.int32)
    st = _repack(store_table.T, NST, S_S)
    sg = _gather_store(st, sid.reshape(NW, NCHUNK, CH))
    user_t, _ = lax.optimization_barrier((user_table, st))
    ut = _repack(user_t.T, NU, S_U)
    ug = _gather_user(ut, uid.reshape(NW, NCHUNK, CH))

    f = jnp.stack([sentiment, rating, distance, hour_sin], axis=0)
    w1u4 = jnp.concatenate([W1[:EMB]] * PACK, axis=0)
    w1s4 = jnp.concatenate([W1[EMB:2 * EMB]] * PACK, axis=0)
    w1f = W1[2 * EMB:]

    full = lambda shape: pl.BlockSpec(shape, lambda i: (0, 0))
    out = pl.pallas_call(
        _mlp_body,
        grid=(B // BLK,),
        in_specs=[
            pl.BlockSpec((BLK, 1), _rows),
            pl.BlockSpec((BLK, 1), _rows),
            pl.BlockSpec((BLK, LANES), _rows),
            pl.BlockSpec((BLK, LANES), _rows),
            pl.BlockSpec((4, BLK), lambda i: (0, i)),
            full((LANES, 64)),
            full((LANES, 64)),
            full((4, 64)),
            full((1, 64)),
            full((64, 32)),
            full((1, 32)),
            full((1, 32)),
            full((1, 1)),
        ],
        out_specs=pl.BlockSpec((BLK,), lambda i: (i,)),
        out_shape=jax.ShapeDtypeStruct((B,), jnp.float32),
    )(uid.reshape(B, 1), sid.reshape(B, 1), ug, sg, f, w1u4, w1s4, w1f,
      b1.reshape(1, 64), W2, b2.reshape(1, 32), W3.reshape(1, 32),
      b3.reshape(1, 1))
    return out

# --- scband reference (transcript-rebuilt; emitter-appended) ---
"""Pipeline reference for scband-stall-recommender-78666620993712 (READ-ONLY COPY).

The authoritative reference and input builder live on the scoring server;
editing this copy changes nothing except your own understanding.
"""

import jax, jax.numpy as jnp
import numpy as np

NUM_USERS = 1000000
NUM_STORES = 100000
EMB = 32
B = 16384


def setup_inputs(seed: int = 0) -> dict:
    key = jax.random.key(seed)
    ks = jax.random.split(key, 14)
    user_id = jax.random.randint(ks[0], (B,), 0, NUM_USERS, dtype=jnp.int64 if jax.config.jax_enable_x64 else jnp.int32)
    store_id = jax.random.randint(ks[1], (B,), 0, NUM_STORES, dtype=jnp.int64 if jax.config.jax_enable_x64 else jnp.int32)
    sentiment = jax.random.uniform(ks[2], (B,), dtype=jnp.float32)
    rating = jax.random.uniform(ks[3], (B,), dtype=jnp.float32)
    distance = jax.random.uniform(ks[4], (B,), dtype=jnp.float32)
    hour_sin = jax.random.normal(ks[5], (B,), dtype=jnp.float32)
    user_table = jax.random.normal(ks[6], (NUM_USERS, EMB), dtype=jnp.float32) * 0.02
    store_table = jax.random.normal(ks[7], (NUM_STORES, EMB), dtype=jnp.float32) * 0.02
    W1 = jax.random.normal(ks[8], (EMB + EMB + 4, 64), dtype=jnp.float32) * 0.1
    b1 = jnp.zeros((64,), dtype=jnp.float32)
    W2 = jax.random.normal(ks[9], (64, 32), dtype=jnp.float32) * 0.1
    b2 = jnp.zeros((32,), dtype=jnp.float32)
    W3 = jax.random.normal(ks[10], (32, 1), dtype=jnp.float32) * 0.1
    b3 = jnp.zeros((1,), dtype=jnp.float32)
    return {"user_id": user_id, "store_id": store_id, "sentiment": sentiment, "rating": rating, "distance": distance, "hour_sin": hour_sin, "user_table": user_table, "store_table": store_table, "W1": W1, "b1": b1, "W2": W2, "b2": b2, "W3": W3, "b3": b3}


def reference(user_id, store_id, sentiment, rating, distance, hour_sin, user_table, store_table, W1, b1, W2, b2, W3, b3):
    user_e = jnp.take(user_table, user_id, axis=0)
    store_e = jnp.take(store_table, store_id, axis=0)
    float_features = jnp.stack([sentiment, rating, distance, hour_sin], axis=1)
    x = jnp.concatenate([user_e, store_e, float_features], axis=1)
    h = jax.nn.relu(x @ W1 + b1)
    h = jax.nn.relu(h @ W2 + b2)
    out = jax.nn.sigmoid(h @ W3 + b3)
    return out.squeeze(-1)

if __name__ == "__main__":
    import jax
    _d = setup_inputs()
    print(jax.jit(kernel)(*tuple(_d.values())))

</pallas_src>

<mosaic_0001>
#map = affine_map<(d0, d1) -> (0, 0)>
#map1 = affine_map<(d0, d1) -> (0, 0, 0)>
module attributes {stable_mosaic.version = 14 : i64} {
  func.func @body(%arg0: i32, %arg1: i32, %arg2: memref<32768x128xf32, #tpu.memory_space<hbm>>, %arg3: memref<32x4x128xi32, #tpu.memory_space<hbm>>, %arg4: memref<16384x128xf32, #tpu.memory_space<hbm>>, %arg5: memref<4x128xi32, #tpu.memory_space<vmem>>, %arg6: memref<128x128xf32, #tpu.memory_space<vmem>>, %arg7: memref<128x128xf32, #tpu.memory_space<vmem>>, %arg8: memref<128x128xf32, #tpu.memory_space<vmem>>, %arg9: memref<128x128xf32, #tpu.memory_space<vmem>>, %arg10: memref<!tpu.dma_semaphore, #tpu.memory_space<semaphore_mem>>, %arg11: memref<!tpu.dma_semaphore, #tpu.memory_space<semaphore_mem>>) attributes {dimension_semantics = [#tpu.dimension_semantics<core_parallel>, #tpu.dimension_semantics<subcore_parallel>], iteration_bounds = array<i64: 2, 16>, scalar_prefetch = 0 : i64, scratch_operands = 7 : i64, tpu.core_type = #tpu.core_type<sc_vector_subcore>, window_params = [{transform_indices = #map}, {transform_indices = #map1}, {transform_indices = #map}]} {
    %mul3A = arith.constant 2 : i32
    %mul3A_0 = arith.muli %arg1, %mul3A : i32
    %add3A = arith.addi %mul3A_0, %arg0 : i32
    %mul3A_1 = arith.constant 512 : i32
    %mul3A_2 = arith.muli %add3A, %mul3A_1 : i32
    "tpu.region"() ({
      %run_scoped3A = tpu.sem_alloc : memref<!tpu.dma_semaphore, #tpu.memory_space<semaphore_mem>>
      %dma_start3A_1402 = arith.constant 0 : i32
      %dma_start3A_1403 = arith.constant 0 : i32
      %dma_start3A_1404 = tpu.memref_slice %arg3[%add3A, %dma_start3A_1402, %dma_start3A_1403] : memref<32x4x128xi32, #tpu.memory_space<hbm>> -> memref<1x4x128xi32, #tpu.memory_space<hbm>>
      %dma_start3A_1405 = tpu.memref_squeeze %dma_start3A_1404 : memref<1x4x128xi32, #tpu.memory_space<hbm>> -> memref<4x128xi32, #tpu.memory_space<hbm>>
      %dma_start3A_1406 = arith.constant 0 : i32
      %dma_start3A_1407 = arith.constant 0 : i32
      %dma_start3A_1408 = tpu.memref_slice %arg3[%add3A, %dma_start3A_1406, %dma_start3A_1407] : memref<32x4x128xi32, #tpu.memory_space<hbm>> -> memref<1x4x128xi32, #tpu.memory_space<hbm>>
      %dma_start3A_1409 = tpu.memref_squeeze %dma_start3A_1408 : memref<1x4x128xi32, #tpu.memory_space<hbm>> -> memref<4x128xi32, #tpu.memory_space<hbm>>
      tpu.enqueue_dma source(%dma_start3A_1409 : memref<4x128xi32, #tpu.memory_space<hbm>>) target(%arg5 : memref<4x128xi32, #tpu.memory_space<vmem>>) target_semaphore(%run_scoped3A : memref<!tpu.dma_semaphore, #tpu.memory_space<semaphore_mem>>)
      %dma_wait3A_1410 = arith.constant 0 : i32
      %dma_wait3A_1411 = arith.constant 0 : i32
      %dma_wait3A_1412 = tpu.memref_slice %arg3[%add3A, %dma_wait3A_1410, %dma_wait3A_1411] : memref<32x4x128xi32, #tpu.memory_space<hbm>> -> memref<1x4x128xi32, #tpu.memory_space<hbm>>
      %dma_wait3A_1413 = tpu.memref_squeeze %dma_wait3A_1412 : memref<1x4x128xi32, #tpu.memory_space<hbm>> -> memref<4x128xi32, #tpu.memory_space<hbm>>
      %dma_wait3A_1414 = arith.constant 0 : i32
      %dma_wait3A_1415 = arith.constant 0 : i32
      %dma_wait3A_1416 = tpu.memref_slice %arg3[%add3A, %dma_wait3A_1414, %dma_wait3A_1415] : memref<32x4x128xi32, #tpu.memory_space<hbm>> -> memref<1x4x128xi32, #tpu.memory_space<hbm>>
      %dma_wait3A_1417 = tpu.memref_squeeze %dma_wait3A_1416 : memref<1x4x128xi32, #tpu.memory_space<hbm>> -> memref<4x128xi32, #tpu.memory_space<hbm>>
      tpu.wait_dma2 semaphore(%run_scoped3A : memref<!tpu.dma_semaphore, #tpu.memory_space<semaphore_mem>>) src(%dma_wait3A_1417 : memref<4x128xi32, #tpu.memory_space<hbm>>) dst(%arg5 : memref<4x128xi32, #tpu.memory_space<vmem>>)
      tpu.yield
    }) : () -> ()
    %get3A = arith.constant 0 : i32
    %get3A_3 = arith.index_cast %get3A : i32 to index
    %get3A_4 = arith.constant 0 : index
    %get3A_5 = tpu.vector_load %arg5[%get3A_3, %get3A_4] {strides = array<i32>} : memref<4x128xi32, #tpu.memory_space<vmem>>, vector<1x16xi32>,
    %get3A_6 = vector.shape_cast %get3A_5 : vector<1x16xi32> to vector<16xi32>
    %ge3A = arith.constant 32768 : i32
    %ge3A_7 = vector.broadcast %ge3A : i32 to vector<16xi32>
    %ge3A_8 = arith.cmpi sge, %get3A_6, %ge3A_7 : vector<16xi32>
    %jit3A = arith.constant 1 : i32
    %jit3A_9 = arith.constant 0 : i32
    %broadcast_in_dim3A = vector.broadcast %jit3A : i32 to vector<16xi32>
    %broadcast_in_dim3A_10 = vector.broadcast %jit3A_9 : i32 to vector<16xi32>
    %select_n3A = arith.select %ge3A_8, %broadcast_in_dim3A, %broadcast_in_dim3A_10 : vector<16xi1>, vector<16xi32>
    %ge3A_11 = arith.constant 65536 : i32
    %ge3A_12 = vector.broadcast %ge3A_11 : i32 to vector<16xi32>
    %ge3A_13 = arith.cmpi sge, %get3A_6, %ge3A_12 : vector<16xi32>
    %jit3A_14 = arith.constant 1 : i32
    %jit3A_15 = arith.constant 0 : i32
    %broadcast_in_dim3A_16 = vector.broadcast %jit3A_14 : i32 to vector<16xi32>
    %broadcast_in_dim3A_17 = vector.broadcast %jit3A_15 : i32 to vector<16xi32>
    %select_n3A_18 = arith.select %ge3A_13, %broadcast_in_dim3A_16, %broadcast_in_dim3A_17 : vector<16xi1>, vector<16xi32>
    %add3A_19 = arith.addi %select_n3A, %select_n3A_18 : vector<16xi32>
    %ge3A_20 = arith.constant 98304 : i32
    %ge3A_21 = vector.broadcast %ge3A_20 : i32 to vector<16xi32>
    %ge3A_22 = arith.cmpi sge, %get3A_6, %ge3A_21 : vector<16xi32>
    %jit3A_23 = arith.constant 1 : i32
    %jit3A_24 = arith.constant 0 : i32
    %broadcast_in_dim3A_25 = vector.broadcast %jit3A_23 : i32 to vector<16xi32>
    %broadcast_in_dim3A_26 = vector.broadcast %jit3A_24 : i32 to vector<16xi32>
    %select_n3A_27 = arith.select %ge3A_22, %broadcast_in_dim3A_25, %broadcast_in_dim3A_26 : vector<16xi1>, vector<16xi32>
    %add3A_28 = arith.addi %add3A_19, %select_n3A_27 : vector<16xi32>
    %mul3A_29 = arith.constant 32768 : i32
    %mul3A_30 = vector.broadcast %mul3A_29 : i32 to vector<16xi32>
    %mul3A_31 = arith.muli %add3A_28, %mul3A_30 : vector<16xi32>
    %sub3A = arith.subi %get3A_6, %mul3A_31 : vector<16xi32>
    %swap3A = arith.constant 0 : i32
    %swap3A_32 = arith.index_cast %swap3A : i32 to index
    %swap3A_33 = arith.constant 0 : index
    %swap3A_34 = tpu.vector_load %arg5[%swap3A_32, %swap3A_33] {strides = array<i32>} : memref<4x128xi32, #tpu.memory_space<vmem>>, vector<1x16xi32>,
    %swap3A_35 = vector.shape_cast %swap3A_34 : vector<1x16xi32> to vector<16xi32>
    %swap3A_36 = vector.shape_cast %sub3A : vector<16xi32> to vector<1x16xi32>
    tpu.vector_store %arg5[%swap3A_32, %swap3A_33], %swap3A_36 {strides = array<i32>} : memref<4x128xi32, #tpu.memory_space<vmem>>, vector<1x16xi32>,
    %get3A_37 = arith.constant 0 : i32
    %get3A_38 = arith.index_cast %get3A_37 : i32 to index
    %get3A_39 = arith.constant 16 : index
    %get3A_40 = tpu.vector_load %arg5[%get3A_38, %get3A_39] {strides = array<i32>} : memref<4x128xi32, #tpu.memory_space<vmem>>, vector<1x16xi32>,
    %get3A_41 = vector.shape_cast %get3A_40 : vector<1x16xi32> to vector<16xi32>
    %ge3A_42 = arith.constant 32768 : i32
    %ge3A_43 = vector.broadcast %ge3A_42 : i32 to vector<16xi32>
    %ge3A_44 = arith.cmpi sge, %get3A_41, %ge3A_43 : vector<16xi32>
    %jit3A_45 = arith.constant 1 : i32
    %jit3A_46 = arith.constant 0 : i32
    %broadcast_in_dim3A_47 = vector.broadcast %jit3A_45 : i32 to vector<16xi32>
    %broadcast_in_dim3A_48 = vector.broadcast %jit3A_46 : i32 to vector<16xi32>
    %select_n3A_49 = arith.select %ge3A_44, %broadcast_in_dim3A_47, %broadcast_in_dim3A_48 : vector<16xi1>, vector<16xi32>
    %ge3A_50 = arith.constant 65536 : i32
    %ge3A_51 = vector.broadcast %ge3A_50 : i32 to vector<16xi32>
    %ge3A_52 = arith.cmpi sge, %get3A_41, %ge3A_51 : vector<16xi32>
    %jit3A_53 = arith.constant 1 : i32
    %jit3A_54 = arith.constant 0 : i32
    %broadcast_in_dim3A_55 = vector.broadcast %jit3A_53 : i32 to vector<16xi32>
    %broadcast_in_dim3A_56 = vector.broadcast %jit3A_54 : i32 to vector<16xi32>
    %select_n3A_57 = arith.select %ge3A_52, %broadcast_in_dim3A_55, %broadcast_in_dim3A_56 : vector<16xi1>, vector<16xi32>
    %add3A_58 = arith.addi %select_n3A_49, %select_n3A_57 : vector<16xi32>
    %ge3A_59 = arith.constant 98304 : i32
    %ge3A_60 = vector.broadcast %ge3A_59 : i32 to vector<16xi32>
    %ge3A_61 = arith.cmpi sge, %get3A_41, %ge3A_60 : vector<16xi32>
    %jit3A_62 = arith.constant 1 : i32
    %jit3A_63 = arith.constant 0 : i32
    %broadcast_in_dim3A_64 = vector.broadcast %jit3A_62 : i32 to vector<16xi32>
    %broadcast_in_dim3A_65 = vector.broadcast %jit3A_63 : i32 to vector<16xi32>
    %select_n3A_66 = arith.select %ge3A_61, %broadcast_in_dim3A_64, %broadcast_in_dim3A_65 : vector<16xi1>, vector<16xi32>
    %add3A_67 = arith.addi %add3A_58, %select_n3A_66 : vector<16xi32>
    %mul3A_68 = arith.constant 32768 : i32
    %mul3A_69 = vector.broadcast %mul3A_68 : i32 to vector<16xi32>
    %mul3A_70 = arith.muli %add3A_67, %mul3A_69 : vector<16xi32>
    %sub3A_71 = arith.subi %get3A_41, %mul3A_70 : vector<16xi32>
    %swap3A_72 = arith.constant 0 : i32
    %swap3A_73 = arith.index_cast %swap3A_72 : i32 to index
    %swap3A_74 = arith.constant 16 : index
    %swap3A_75 = tpu.vector_load %arg5[%swap3A_73, %swap3A_74] {strides = array<i32>} : memref<4x128xi32, #tpu.memory_space<vmem>>, vector<1x16xi32>,
    %swap3A_76 = vector.shape_cast %swap3A_75 : vector<1x16xi32> to vector<16xi32>
    %swap3A_77 = vector.shape_cast %sub3A_71 : vector<16xi32> to vector<1x16xi32>
    tpu.vector_store %arg5[%swap3A_73, %swap3A_74], %swap3A_77 {strides = array<i32>} : memref<4x128xi32, #tpu.memory_space<vmem>>, vector<1x16xi32>,
    %get3A_78 = arith.constant 0 : i32
    %get3A_79 = arith.index_cast %get3A_78 : i32 to index
    %get3A_80 = arith.constant 32 : index
    %get3A_81 = tpu.vector_load %arg5[%get3A_79, %get3A_80] {strides = array<i32>} : memref<4x128xi32, #tpu.memory_space<vmem>>, vector<1x16xi32>,
    %get3A_82 = vector.shape_cast %get3A_81 : vector<1x16xi32> to vector<16xi32>
    %ge3A_83 = arith.constant 32768 : i32
    %ge3A_84 = vector.broadcast %ge3A_83 : i32 to vector<16xi32>
    %ge3A_85 = arith.cmpi sge, %get3A_82, %ge3A_84 : vector<16xi32>
    %jit3A_86 = arith.constant 1 : i32
    %jit3A_87 = arith.constant 0 : i32
    %broadcast_in_dim3A_88 = vector.broadcast %jit3A_86 : i32 to vector<16xi32>
    %broadcast_in_dim3A_89 = vector.broadcast %jit3A_87 : i32 to vector<16xi32>
    %select_n3A_90 = arith.select %ge3A_85, %broadcast_in_dim3A_88, %broadcast_in_dim3A_89 : vector<16xi1>, vector<16xi32>
    %ge3A_91 = arith.constant 65536 : i32
    %ge3A_92 = vector.broadcast %ge3A_91 : i32 to vector<16xi32>
    %ge3A_93 = arith.cmpi sge, %get3A_82, %ge3A_92 : vector<16xi32>
    %jit3A_94 = arith.constant 1 : i32
    %jit3A_95 = arith.constant 0 : i32
    %broadcast_in_dim3A_96 = vector.broadcast %jit3A_94 : i32 to vector<16xi32>
    %broadcast_in_dim3A_97 = vector.broadcast %jit3A_95 : i32 to vector<16xi32>
    %select_n3A_98 = arith.select %ge3A_93, %broadcast_in_dim3A_96, %broadcast_in_dim3A_97 : vector<16xi1>, vector<16xi32>
    %add3A_99 = arith.addi %select_n3A_90, %select_n3A_98 : vector<16xi32>
    %ge3A_100 = arith.constant 98304 : i32
    %ge3A_101 = vector.broadcast %ge3A_100 : i32 to vector<16xi32>
    %ge3A_102 = arith.cmpi sge, %get3A_82, %ge3A_101 : vector<16xi32>
    %jit3A_103 = arith.constant 1 : i32
    %jit3A_104 = arith.constant 0 : i32
    %broadcast_in_dim3A_105 = vector.broadcast %jit3A_103 : i32 to vector<16xi32>
    %broadcast_in_dim3A_106 = vector.broadcast %jit3A_104 : i32 to vector<16xi32>
    %select_n3A_107 = arith.select %ge3A_102, %broadcast_in_dim3A_105, %broadcast_in_dim3A_106 : vector<16xi1>, vector<16xi32>
    %add3A_108 = arith.addi %add3A_99, %select_n3A_107 : vector<16xi32>
    %mul3A_109 = arith.constant 32768 : i32
    %mul3A_110 = vector.broadcast %mul3A_109 : i32 to vector<16xi32>
    %mul3A_111 = arith.muli %add3A_108, %mul3A_110 : vector<16xi32>
    %sub3A_112 = arith.subi %get3A_82, %mul3A_111 : vector<16xi32>
    %swap3A_113 = arith.constant 0 : i32
    %swap3A_114 = arith.index_cast %swap3A_113 : i32 to index
    %swap3A_115 = arith.constant 32 : index
    %swap3A_116 = tpu.vector_load %arg5[%swap3A_114, %swap3A_115] {strides = array<i32>} : memref<4x128xi32, #tpu.memory_space<vmem>>, vector<1x16xi32>,
    %swap3A_117 = vector.shape_cast %swap3A_116 : vector<1x16xi32> to vector<16xi32>
    %swap3A_118 = vector.shape_cast %sub3A_112 : vector<16xi32> to vector<1x16xi32>
    tpu.vector_store %arg5[%swap3A_114, %swap3A_115], %swap3A_118 {strides = array<i32>} : memref<4x128xi32, #tpu.memory_space<vmem>>, vector<1x16xi32>,
    %get3A_119 = arith.constant 0 : i32
    %get3A_120 = arith.index_cast %get3A_119 : i32 to index
    %get3A_121 = arith.constant 48 : index
    %get3A_122 = tpu.vector_load %arg5[%get3A_120, %get3A_121] {strides = array<i32>} : memref<4x128xi32, #tpu.memory_space<vmem>>, vector<1x16xi32>,
    %get3A_123 = vector.shape_cast %get3A_122 : vector<1x16xi32> to vector<16xi32>
    %ge3A_124 = arith.constant 32768 : i32
    %ge3A_125 = vector.broadcast %ge3A_124 : i32 to vector<16xi32>
    %ge3A_126 = arith.cmpi sge, %get3A_123, %ge3A_125 : vector<16xi32>
    %jit3A_127 = arith.constant 1 : i32
    %jit3A_128 = arith.constant 0 : i32
    %broadcast_in_dim3A_129 = vector.broadcast %jit3A_127 : i32 to vector<16xi32>
    %broadcast_in_dim3A_130 = vector.broadcast %jit3A_128 : i32 to vector<16xi32>
    %select_n3A_131 = arith.select %ge3A_126, %broadcast_in_dim3A_129, %broadcast_in_dim3A_130 : vector<16xi1>, vector<16xi32>
    %ge3A_132 = arith.constant 65536 : i32
    %ge3A_133 = vector.broadcast %ge3A_132 : i32 to vector<16xi32>
    %ge3A_134 = arith.cmpi sge, %get3A_123, %ge3A_133 : vector<16xi32>
    %jit3A_135 = arith.constant 1 : i32
    %jit3A_136 = arith.constant 0 : i32
    %broadcast_in_dim3A_137 = vector.broadcast %jit3A_135 : i32 to vector<16xi32>
    %broadcast_in_dim3A_138 = vector.broadcast %jit3A_136 : i32 to vector<16xi32>
    %select_n3A_139 = arith.select %ge3A_134, %broadcast_in_dim3A_137, %broadcast_in_dim3A_138 : vector<16xi1>, vector<16xi32>
    %add3A_140 = arith.addi %select_n3A_131, %select_n3A_139 : vector<16xi32>
    %ge3A_141 = arith.constant 98304 : i32
    %ge3A_142 = vector.broadcast %ge3A_141 : i32 to vector<16xi32>
    %ge3A_143 = arith.cmpi sge, %get3A_123, %ge3A_142 : vector<16xi32>
    %jit3A_144 = arith.constant 1 : i32
    %jit3A_145 = arith.constant 0 : i32
    %broadcast_in_dim3A_146 = vector.broadcast %jit3A_144 : i32 to vector<16xi32>
    %broadcast_in_dim3A_147 = vector.broadcast %jit3A_145 : i32 to vector<16xi32>
    %select_n3A_148 = arith.select %ge3A_143, %broadcast_in_dim3A_146, %broadcast_in_dim3A_147 : vector<16xi1>, vector<16xi32>
    %add3A_149 = arith.addi %add3A_140, %select_n3A_148 : vector<16xi32>
    %mul3A_150 = arith.constant 32768 : i32
    %mul3A_151 = vector.broadcast %mul3A_150 : i32 to vector<16xi32>
    %mul3A_152 = arith.muli %add3A_149, %mul3A_151 : vector<16xi32>
    %sub3A_153 = arith.subi %get3A_123, %mul3A_152 : vector<16xi32>
    %swap3A_154 = arith.constant 0 : i32
    %swap3A_155 = arith.index_cast %swap3A_154 : i32 to index
    %swap3A_156 = arith.constant 48 : index
    %swap3A_157 = tpu.vector_load %arg5[%swap3A_155, %swap3A_156] {strides = array<i32>} : memref<4x128xi32, #tpu.memory_space<vmem>>, vector<1x16xi32>,
    %swap3A_158 = vector.shape_cast %swap3A_157 : vector<1x16xi32> to vector<16xi32>
    %swap3A_159 = vector.shape_cast %sub3A_153 : vector<16xi32> to vector<1x16xi32>
    tpu.vector_store %arg5[%swap3A_155, %swap3A_156], %swap3A_159 {strides = array<i32>} : memref<4x128xi32, #tpu.memory_space<vmem>>, vector<1x16xi32>,
    %get3A_160 = arith.constant 0 : i32
    %get3A_161 = arith.index_cast %get3A_160 : i32 to index
    %get3A_162 = arith.constant 64 : index
    %get3A_163 = tpu.vector_load %arg5[%get3A_161, %get3A_162] {strides = array<i32>} : memref<4x128xi32, #tpu.memory_space<vmem>>, vector<1x16xi32>,
    %get3A_164 = vector.shape_cast %get3A_163 : vector<1x16xi32> to vector<16xi32>
    %ge3A_165 = arith.constant 32768 : i32
    %ge3A_166 = vector.broadcast %ge3A_165 : i32 to vector<16xi32>
    %ge3A_167 = arith.cmpi sge, %get3A_164, %ge3A_166 : vector<16xi32>
    %jit3A_168 = arith.constant 1 : i32
    %jit3A_169 = arith.constant 0 : i32
    %broadcast_in_dim3A_170 = vector.broadcast %jit3A_168 : i32 to vector<16xi32>
    %broadcast_in_dim3A_171 = vector.broadcast %jit3A_169 : i32 to vector<16xi32>
    %select_n3A_172 = arith.select %ge3A_167, %broadcast_in_dim3A_170, %broadcast_in_dim3A_171 : vector<16xi1>, vector<16xi32>
    %ge3A_173 = arith.constant 65536 : i32
    %ge3A_174 = vector.broadcast %ge3A_173 : i32 to vector<16xi32>
    %ge3A_175 = arith.cmpi sge, %get3A_164, %ge3A_174 : vector<16xi32>
    %jit3A_176 = arith.constant 1 : i32
    %jit3A_177 = arith.constant 0 : i32
    %broadcast_in_dim3A_178 = vector.broadcast %jit3A_176 : i32 to vector<16xi32>
    %broadcast_in_dim3A_179 = vector.broadcast %jit3A_177 : i32 to vector<16xi32>
    %select_n3A_180 = arith.select %ge3A_175, %broadcast_in_dim3A_178, %broadcast_in_dim3A_179 : vector<16xi1>, vector<16xi32>
    %add3A_181 = arith.addi %select_n3A_172, %select_n3A_180 : vector<16xi32>
    %ge3A_182 = arith.constant 98304 : i32
    %ge3A_183 = vector.broadcast %ge3A_182 : i32 to vector<16xi32>
    %ge3A_184 = arith.cmpi sge, %get3A_164, %ge3A_183 : vector<16xi32>
    %jit3A_185 = arith.constant 1 : i32
    %jit3A_186 = arith.constant 0 : i32
    %broadcast_in_dim3A_187 = vector.broadcast %jit3A_185 : i32 to vector<16xi32>
    %broadcast_in_dim3A_188 = vector.broadcast %jit3A_186 : i32 to vector<16xi32>
    %select_n3A_189 = arith.select %ge3A_184, %broadcast_in_dim3A_187, %broadcast_in_dim3A_188 : vector<16xi1>, vector<16xi32>
    %add3A_190 = arith.addi %add3A_181, %select_n3A_189 : vector<16xi32>
    %mul3A_191 = arith.constant 32768 : i32
    %mul3A_192 = vector.broadcast %mul3A_191 : i32 to vector<16xi32>
    %mul3A_193 = arith.muli %add3A_190, %mul3A_192 : vector<16xi32>
    %sub3A_194 = arith.subi %get3A_164, %mul3A_193 : vector<16xi32>
    %swap3A_195 = arith.constant 0 : i32
    %swap3A_196 = arith.index_cast %swap3A_195 : i32 to index
    %swap3A_197 = arith.constant 64 : index
    %swap3A_198 = tpu.vector_load %arg5[%swap3A_196, %swap3A_197] {strides = array<i32>} : memref<4x128xi32, #tpu.memory_space<vmem>>, vector<1x16xi32>,
    %swap3A_199 = vector.shape_cast %swap3A_198 : vector<1x16xi32> to vector<16xi32>
    %swap3A_200 = vector.shape_cast %sub3A_194 : vector<16xi32> to vector<1x16xi32>
    tpu.vector_store %arg5[%swap3A_196, %swap3A_197], %swap3A_200 {strides = array<i32>} : memref<4x128xi32, #tpu.memory_space<vmem>>, vector<1x16xi32>,
    %get3A_201 = arith.constant 0 : i32
    %get3A_202 = arith.index_cast %get3A_201 : i32 to index
    %get3A_203 = arith.constant 80 : index
    %get3A_204 = tpu.vector_load %arg5[%get3A_202, %get3A_203] {strides = array<i32>} : memref<4x128xi32, #tpu.memory_space<vmem>>, vector<1x16xi32>,
    %get3A_205 = vector.shape_cast %get3A_204 : vector<1x16xi32> to vector<16xi32>
    %ge3A_206 = arith.constant 32768 : i32
    %ge3A_207 = vector.broadcast %ge3A_206 : i32 to vector<16xi32>
    %ge3A_208 = arith.cmpi sge, %get3A_205, %ge3A_207 : vector<16xi32>
    %jit3A_209 = arith.constant 1 : i32
    %jit3A_210 = arith.constant 0 : i32
    %broadcast_in_dim3A_211 = vector.broadcast %jit3A_209 : i32 to vector<16xi32>
    %broadcast_in_dim3A_212 = vector.broadcast %jit3A_210 : i32 to vector<16xi32>
    %select_n3A_213 = arith.select %ge3A_208, %broadcast_in_dim3A_211, %broadcast_in_dim3A_212 : vector<16xi1>, vector<16xi32>
    %ge3A_214 = arith.constant 65536 : i32
    %ge3A_215 = vector.broadcast %ge3A_214 : i32 to vector<16xi32>
    %ge3A_216 = arith.cmpi sge, %get3A_205, %ge3A_215 : vector<16xi32>
    %jit3A_217 = arith.constant 1 : i32
    %jit3A_218 = arith.constant 0 : i32
    %broadcast_in_dim3A_219 = vector.broadcast %jit3A_217 : i32 to vector<16xi32>
    %broadcast_in_dim3A_220 = vector.broadcast %jit3A_218 : i32 to vector<16xi32>
    %select_n3A_221 = arith.select %ge3A_216, %broadcast_in_dim3A_219, %broadcast_in_dim3A_220 : vector<16xi1>, vector<16xi32>
    %add3A_222 = arith.addi %select_n3A_213, %select_n3A_221 : vector<16xi32>
    %ge3A_223 = arith.constant 98304 : i32
    %ge3A_224 = vector.broadcast %ge3A_223 : i32 to vector<16xi32>
    %ge3A_225 = arith.cmpi sge, %get3A_205, %ge3A_224 : vector<16xi32>
    %jit3A_226 = arith.constant 1 : i32
    %jit3A_227 = arith.constant 0 : i32
    %broadcast_in_dim3A_228 = vector.broadcast %jit3A_226 : i32 to vector<16xi32>
    %broadcast_in_dim3A_229 = vector.broadcast %jit3A_227 : i32 to vector<16xi32>
    %select_n3A_230 = arith.select %ge3A_225, %broadcast_in_dim3A_228, %broadcast_in_dim3A_229 : vector<16xi1>, vector<16xi32>
    %add3A_231 = arith.addi %add3A_222, %select_n3A_230 : vector<16xi32>
    %mul3A_232 = arith.constant 32768 : i32
    %mul3A_233 = vector.broadcast %mul3A_232 : i32 to vector<16xi32>
    %mul3A_234 = arith.muli %add3A_231, %mul3A_233 : vector<16xi32>
    %sub3A_235 = arith.subi %get3A_205, %mul3A_234 : vector<16xi32>
    %swap3A_236 = arith.constant 0 : i32
    %swap3A_237 = arith.index_cast %swap3A_236 : i32 to index
    %swap3A_238 = arith.constant 80 : index
    %swap3A_239 = tpu.vector_load %arg5[%swap3A_237, %swap3A_238] {strides = array<i32>} : memref<4x128xi32, #tpu.memory_space<vmem>>, vector<1x16xi32>,
    %swap3A_240 = vector.shape_cast %swap3A_239 : vector<1x16xi32> to vector<16xi32>
    %swap3A_241 = vector.shape_cast %sub3A_235 : vector<16xi32> to vector<1x16xi32>
    tpu.vector_store %arg5[%swap3A_237, %swap3A_238], %swap3A_241 {strides = array<i32>} : memref<4x128xi32, #tpu.memory_space<vmem>>, vector<1x16xi32>,
    %get3A_242 = arith.constant 0 : i32
    %get3A_243 = arith.index_cast %get3A_242 : i32 to index
    %get3A_244 = arith.constant 96 : index
    %get3A_245 = tpu.vector_load %arg5[%get3A_243, %get3A_244] {strides = array<i32>} : memref<4x128xi32, #tpu.memory_space<vmem>>, vector<1x16xi32>,
    %get3A_246 = vector.shape_cast %get3A_245 : vector<1x16xi32> to vector<16xi32>
    %ge3A_247 = arith.constant 32768 : i32
    %ge3A_248 = vector.broadcast %ge3A_247 : i32 to vector<16xi32>
    %ge3A_249 = arith.cmpi sge, %get3A_246, %ge3A_248 : vector<16xi32>
    %jit3A_250 = arith.constant 1 : i32
    %jit3A_251 = arith.constant 0 : i32
    %broadcast_in_dim3A_252 = vector.broadcast %jit3A_250 : i32 to vector<16xi32>
    %broadcast_in_dim3A_253 = vector.broadcast %jit3A_251 : i32 to vector<16xi32>
    %select_n3A_254 = arith.select %ge3A_249, %broadcast_in_dim3A_252, %broadcast_in_dim3A_253 : vector<16xi1>, vector<16xi32>
    %ge3A_255 = arith.constant 65536 : i32
    %ge3A_256 = vector.broadcast %ge3A_255 : i32 to vector<16xi32>
    %ge3A_257 = arith.cmpi sge, %get3A_246, %ge3A_256 : vector<16xi32>
    %jit3A_258 = arith.constant 1 : i32
    %jit3A_259 = arith.constant 0 : i32
    %broadcast_in_dim3A_260 = vector.broadcast %jit3A_258 : i32 to vector<16xi32>
    %broadcast_in_dim3A_261 = vector.broadcast %jit3A_259 : i32 to vector<16xi32>
    %select_n3A_262 = arith.select %ge3A_257, %broadcast_in_dim3A_260, %broadcast_in_dim3A_261 : vector<16xi1>, vector<16xi32>
    %add3A_263 = arith.addi %select_n3A_254, %select_n3A_262 : vector<16xi32>
    %ge3A_264 = arith.constant 98304 : i32
    %ge3A_265 = vector.broadcast %ge3A_264 : i32 to vector<16xi32>
    %ge3A_266 = arith.cmpi sge, %get3A_246, %ge3A_265 : vector<16xi32>
    %jit3A_267 = arith.constant 1 : i32
    %jit3A_268 = arith.constant 0 : i32
    %broadcast_in_dim3A_269 = vector.broadcast %jit3A_267 : i32 to vector<16xi32>
    %broadcast_in_dim3A_270 = vector.broadcast %jit3A_268 : i32 to vector<16xi32>
    %select_n3A_271 = arith.select %ge3A_266, %broadcast_in_dim3A_269, %broadcast_in_dim3A_270 : vector<16xi1>, vector<16xi32>
    %add3A_272 = arith.addi %add3A_263, %select_n3A_271 : vector<16xi32>
    %mul3A_273 = arith.constant 32768 : i32
    %mul3A_274 = vector.broadcast %mul3A_273 : i32 to vector<16xi32>
    %mul3A_275 = arith.muli %add3A_272, %mul3A_274 : vector<16xi32>
    %sub3A_276 = arith.subi %get3A_246, %mul3A_275 : vector<16xi32>
    %swap3A_277 = arith.constant 0 : i32
    %swap3A_278 = arith.index_cast %swap3A_277 : i32 to index
    %swap3A_279 = arith.constant 96 : index
    %swap3A_280 = tpu.vector_load %arg5[%swap3A_278, %swap3A_279] {strides = array<i32>} : memref<4x128xi32, #tpu.memory_space<vmem>>, vector<1x16xi32>,
    %swap3A_281 = vector.shape_cast %swap3A_280 : vector<1x16xi32> to vector<16xi32>
    %swap3A_282 = vector.shape_cast %sub3A_276 : vector<16xi32> to vector<1x16xi32>
    tpu.vector_store %arg5[%swap3A_278, %swap3A_279], %swap3A_282 {strides = array<i32>} : memref<4x128xi32, #tpu.memory_space<vmem>>, vector<1x16xi32>,
    %get3A_283 = arith.constant 0 : i32
    %get3A_284 = arith.index_cast %get3A_283 : i32 to index
    %get3A_285 = arith.constant 112 : index
    %get3A_286 = tpu.vector_load %arg5[%get3A_284, %get3A_285] {strides = array<i32>} : memref<4x128xi32, #tpu.memory_space<vmem>>, vector<1x16xi32>,
    %get3A_287 = vector.shape_cast %get3A_286 : vector<1x16xi32> to vector<16xi32>
    %ge3A_288 = arith.constant 32768 : i32
    %ge3A_289 = vector.broadcast %ge3A_288 : i32 to vector<16xi32>
    %ge3A_290 = arith.cmpi sge, %get3A_287, %ge3A_289 : vector<16xi32>
    %jit3A_291 = arith.constant 1 : i32
    %jit3A_292 = arith.constant 0 : i32
    %broadcast_in_dim3A_293 = vector.broadcast %jit3A_291 : i32 to vector<16xi32>
    %broadcast_in_dim3A_294 = vector.broadcast %jit3A_292 : i32 to vector<16xi32>
    %select_n3A_295 = arith.select %ge3A_290, %broadcast_in_dim3A_293, %broadcast_in_dim3A_294 : vector<16xi1>, vector<16xi32>
    %ge3A_296 = arith.constant 65536 : i32
    %ge3A_297 = vector.broadcast %ge3A_296 : i32 to vector<16xi32>
    %ge3A_298 = arith.cmpi sge, %get3A_287, %ge3A_297 : vector<16xi32>
    %jit3A_299 = arith.constant 1 : i32
    %jit3A_300 = arith.constant 0 : i32
    %broadcast_in_dim3A_301 = vector.broadcast %jit3A_299 : i32 to vector<16xi32>
    %broadcast_in_dim3A_302 = vector.broadcast %jit3A_300 : i32 to vector<16xi32>
    %select_n3A_303 = arith.select %ge3A_298, %broadcast_in_dim3A_301, %broadcast_in_dim3A_302 : vector<16xi1>, vector<16xi32>
    %add3A_304 = arith.addi %select_n3A_295, %select_n3A_303 : vector<16xi32>
    %ge3A_305 = arith.constant 98304 : i32
    %ge3A_306 = vector.broadcast %ge3A_305 : i32 to vector<16xi32>
    %ge3A_307 = arith.cmpi sge, %get3A_287, %ge3A_306 : vector<16xi32>
    %jit3A_308 = arith.constant 1 : i32
    %jit3A_309 = arith.constant 0 : i32
    %broadcast_in_dim3A_310 = vector.broadcast %jit3A_308 : i32 to vector<16xi32>
    %broadcast_in_dim3A_311 = vector.broadcast %jit3A_309 : i32 to vector<16xi32>
    %select_n3A_312 = arith.select %ge3A_307, %broadcast_in_dim3A_310, %broadcast_in_dim3A_311 : vector<16xi1>, vector<16xi32>
    %add3A_313 = arith.addi %add3A_304, %select_n3A_312 : vector<16xi32>
    %mul3A_314 = arith.constant 32768 : i32
    %mul3A_315 = vector.broadcast %mul3A_314 : i32 to vector<16xi32>
    %mul3A_316 = arith.muli %add3A_313, %mul3A_315 : vector<16xi32>
    %sub3A_317 = arith.subi %get3A_287, %mul3A_316 : vector<16xi32>
    %swap3A_318 = arith.constant 0 : i32
    %swap3A_319 = arith.index_cast %swap3A_318 : i32 to index
    %swap3A_320 = arith.constant 112 : index
    %swap3A_321 = tpu.vector_load %arg5[%swap3A_319, %swap3A_320] {strides = array<i32>} : memref<4x128xi32, #tpu.memory_space<vmem>>, vector<1x16xi32>,
    %swap3A_322 = vector.shape_cast %swap3A_321 : vector<1x16xi32> to vector<16xi32>
    %swap3A_323 = vector.shape_cast %sub3A_317 : vector<16xi32> to vector<1x16xi32>
    tpu.vector_store %arg5[%swap3A_319, %swap3A_320], %swap3A_323 {strides = array<i32>} : memref<4x128xi32, #tpu.memory_space<vmem>>, vector<1x16xi32>,
    %get3A_324 = arith.constant 1 : i32
    %get3A_325 = arith.index_cast %get3A_324 : i32 to index
    %get3A_326 = arith.constant 0 : index
    %get3A_327 = tpu.vector_load %arg5[%get3A_325, %get3A_326] {strides = array<i32>} : memref<4x128xi32, #tpu.memory_space<vmem>>, vector<1x16xi32>,
    %get3A_328 = vector.shape_cast %get3A_327 : vector<1x16xi32> to vector<16xi32>
    %ge3A_329 = arith.constant 32768 : i32
    %ge3A_330 = vector.broadcast %ge3A_329 : i32 to vector<16xi32>
    %ge3A_331 = arith.cmpi sge, %get3A_328, %ge3A_330 : vector<16xi32>
    %jit3A_332 = arith.constant 1 : i32
    %jit3A_333 = arith.constant 0 : i32
    %broadcast_in_dim3A_334 = vector.broadcast %jit3A_332 : i32 to vector<16xi32>
    %broadcast_in_dim3A_335 = vector.broadcast %jit3A_333 : i32 to vector<16xi32>
    %select_n3A_336 = arith.select %ge3A_331, %broadcast_in_dim3A_334, %broadcast_in_dim3A_335 : vector<16xi1>, vector<16xi32>
    %ge3A_337 = arith.constant 65536 : i32
    %ge3A_338 = vector.broadcast %ge3A_337 : i32 to vector<16xi32>
    %ge3A_339 = arith.cmpi sge, %get3A_328, %ge3A_338 : vector<16xi32>
    %jit3A_340 = arith.constant 1 : i32
    %jit3A_341 = arith.constant 0 : i32
    %broadcast_in_dim3A_342 = vector.broadcast %jit3A_340 : i32 to vector<16xi32>
    %broadcast_in_dim3A_343 = vector.broadcast %jit3A_341 : i32 to vector<16xi32>
    %select_n3A_344 = arith.select %ge3A_339, %broadcast_in_dim3A_342, %broadcast_in_dim3A_343 : vector<16xi1>, vector<16xi32>
    %add3A_345 = arith.addi %select_n3A_336, %select_n3A_344 : vector<16xi32>
    %ge3A_346 = arith.constant 98304 : i32
    %ge3A_347 = vector.broadcast %ge3A_346 : i32 to vector<16xi32>
    %ge3A_348 = arith.cmpi sge, %get3A_328, %ge3A_347 : vector<16xi32>
    %jit3A_349 = arith.constant 1 : i32
    %jit3A_350 = arith.constant 0 : i32
    %broadcast_in_dim3A_351 = vector.broadcast %jit3A_349 : i32 to vector<16xi32>
    %broadcast_in_dim3A_352 = vector.broadcast %jit3A_350 : i32 to vector<16xi32>
    %select_n3A_353 = arith.select %ge3A_348, %broadcast_in_dim3A_351, %broadcast_in_dim3A_352 : vector<16xi1>, vector<16xi32>
    %add3A_354 = arith.addi %add3A_345, %select_n3A_353 : vector<16xi32>
    %mul3A_355 = arith.constant 32768 : i32
    %mul3A_356 = vector.broadcast %mul3A_355 : i32 to vector<16xi32>
    %mul3A_357 = arith.muli %add3A_354, %mul3A_356 : vector<16xi32>
    %sub3A_358 = arith.subi %get3A_328, %mul3A_357 : vector<16xi32>
    %swap3A_359 = arith.constant 1 : i32
    %swap3A_360 = arith.index_cast %swap3A_359 : i32 to index
    %swap3A_361 = arith.constant 0 : index
    %swap3A_362 = tpu.vector_load %arg5[%swap3A_360, %swap3A_361] {strides = array<i32>} : memref<4x128xi32, #tpu.memory_space<vmem>>, vector<1x16xi32>,
    %swap3A_363 = vector.shape_cast %swap3A_362 : vector<1x16xi32> to vector<16xi32>
    %swap3A_364 = vector.shape_cast %sub3A_358 : vector<16xi32> to vector<1x16xi32>
    tpu.vector_store %arg5[%swap3A_360, %swap3A_361], %swap3A_364 {strides = array<i32>} : memref<4x128xi32, #tpu.memory_space<vmem>>, vector<1x16xi32>,
    %get3A_365 = arith.constant 1 : i32
    %get3A_366 = arith.index_cast %get3A_365 : i32 to index
    %get3A_367 = arith.constant 16 : index
    %get3A_368 = tpu.vector_load %arg5[%get3A_366, %get3A_367] {strides = array<i32>} : memref<4x128xi32, #tpu.memory_space<vmem>>, vector<1x16xi32>,
    %get3A_369 = vector.shape_cast %get3A_368 : vector<1x16xi32> to vector<16xi32>
    %ge3A_370 = arith.constant 32768 : i32
    %ge3A_371 = vector.broadcast %ge3A_370 : i32 to vector<16xi32>
    %ge3A_372 = arith.cmpi sge, %get3A_369, %ge3A_371 : vector<16xi32>
    %jit3A_373 = arith.constant 1 : i32
    %jit3A_374 = arith.constant 0 : i32
    %broadcast_in_dim3A_375 = vector.broadcast %jit3A_373 : i32 to vector<16xi32>
    %broadcast_in_dim3A_376 = vector.broadcast %jit3A_374 : i32 to vector<16xi32>
    %select_n3A_377 = arith.select %ge3A_372, %broadcast_in_dim3A_375, %broadcast_in_dim3A_376 : vector<16xi1>, vector<16xi32>
    %ge3A_378 = arith.constant 65536 : i32
    %ge3A_379 = vector.broadcast %ge3A_378 : i32 to vector<16xi32>
    %ge3A_380 = arith.cmpi sge, %get3A_369, %ge3A_379 : vector<16xi32>
    %jit3A_381 = arith.constant 1 : i32
    %jit3A_382 = arith.constant 0 : i32
    %broadcast_in_dim3A_383 = vector.broadcast %jit3A_381 : i32 to vector<16xi32>
    %broadcast_in_dim3A_384 = vector.broadcast %jit3A_382 : i32 to vector<16xi32>
    %select_n3A_385 = arith.select %ge3A_380, %broadcast_in_dim3A_383, %broadcast_in_dim3A_384 : vector<16xi1>, vector<16xi32>
    %add3A_386 = arith.addi %select_n3A_377, %select_n3A_385 : vector<16xi32>
    %ge3A_387 = arith.constant 98304 : i32
    %ge3A_388 = vector.broadcast %ge3A_387 : i32 to vector<16xi32>
    %ge3A_389 = arith.cmpi sge, %get3A_369, %ge3A_388 : vector<16xi32>
    %jit3A_390 = arith.constant 1 : i32
    %jit3A_391 = arith.constant 0 : i32
    %broadcast_in_dim3A_392 = vector.broadcast %jit3A_390 : i32 to vector<16xi32>
    %broadcast_in_dim3A_393 = vector.broadcast %jit3A_391 : i32 to vector<16xi32>
    %select_n3A_394 = arith.select %ge3A_389, %broadcast_in_dim3A_392, %broadcast_in_dim3A_393 : vector<16xi1>, vector<16xi32>
    %add3A_395 = arith.addi %add3A_386, %select_n3A_394 : vector<16xi32>
    %mul3A_396 = arith.constant 32768 : i32
    %mul3A_397 = vector.broadcast %mul3A_396 : i32 to vector<16xi32>
    %mul3A_398 = arith.muli %add3A_395, %mul3A_397 : vector<16xi32>
    %sub3A_399 = arith.subi %get3A_369, %mul3A_398 : vector<16xi32>
    %swap3A_400 = arith.constant 1 : i32
    %swap3A_401 = arith.index_cast %swap3A_400 : i32 to index
    %swap3A_402 = arith.constant 16 : index
    %swap3A_403 = tpu.vector_load %arg5[%swap3A_401, %swap3A_402] {strides = array<i32>} : memref<4x128xi32, #tpu.memory_space<vmem>>, vector<1x16xi32>,
    %swap3A_404 = vector.shape_cast %swap3A_403 : vector<1x16xi32> to vector<16xi32>
    %swap3A_405 = vector.shape_cast %sub3A_399 : vector<16xi32> to vector<1x16xi32>
    tpu.vector_store %arg5[%swap3A_401, %swap3A_402], %swap3A_405 {strides = array<i32>} : memref<4x128xi32, #tpu.memory_space<vmem>>, vector<1x16xi32>,
    %get3A_406 = arith.constant 1 : i32
    %get3A_407 = arith.index_cast %get3A_406 : i32 to index
    %get3A_408 = arith.constant 32 : index
    %get3A_409 = tpu.vector_load %arg5[%get3A_407, %get3A_408] {strides = array<i32>} : memref<4x128xi32, #tpu.memory_space<vmem>>, vector<1x16xi32>,
    %get3A_410 = vector.shape_cast %get3A_409 : vector<1x16xi32> to vector<16xi32>
    %ge3A_411 = arith.constant 32768 : i32
    %ge3A_412 = vector.broadcast %ge3A_411 : i32 to vector<16xi32>
    %ge3A_413 = arith.cmpi sge, %get3A_410, %ge3A_412 : vector<16xi32>
    %jit3A_414 = arith.constant 1 : i32
    %jit3A_415 = arith.constant 0 : i32
    %broadcast_in_dim3A_416 = vector.broadcast %jit3A_414 : i32 to vector<16xi32>
    %broadcast_in_dim3A_417 = vector.broadcast %jit3A_415 : i32 to vector<16xi32>
    %select_n3A_418 = arith.select %ge3A_413, %broadcast_in_dim3A_416, %broadcast_in_dim3A_417 : vector<16xi1>, vector<16xi32>
    %ge3A_419 = arith.constant 65536 : i32
    %ge3A_420 = vector.broadcast %ge3A_419 : i32 to vector<16xi32>
    %ge3A_421 = arith.cmpi sge, %get3A_410, %ge3A_420 : vector<16xi32>
    %jit3A_422 = arith.constant 1 : i32
    %jit3A_423 = arith.constant 0 : i32
    %broadcast_in_dim3A_424 = vector.broadcast %jit3A_422 : i32 to vector<16xi32>
    %broadcast_in_dim3A_425 = vector.broadcast %jit3A_423 : i32 to vector<16xi32>
    %select_n3A_426 = arith.select %ge3A_421, %broadcast_in_dim3A_424, %broadcast_in_dim3A_425 : vector<16xi1>, vector<16xi32>
    %add3A_427 = arith.addi %select_n3A_418, %select_n3A_426 : vector<16xi32>
    %ge3A_428 = arith.constant 98304 : i32
    %ge3A_429 = vector.broadcast %ge3A_428 : i32 to vector<16xi32>
    %ge3A_430 = arith.cmpi sge, %get3A_410, %ge3A_429 : vector<16xi32>
    %jit3A_431 = arith.constant 1 : i32
    %jit3A_432 = arith.constant 0 : i32
    %broadcast_in_dim3A_433 = vector.broadcast %jit3A_431 : i32 to vector<16xi32>
    %broadcast_in_dim3A_434 = vector.broadcast %jit3A_432 : i32 to vector<16xi32>
    %select_n3A_435 = arith.select %ge3A_430, %broadcast_in_dim3A_433, %broadcast_in_dim3A_434 : vector<16xi1>, vector<16xi32>
    %add3A_436 = arith.addi %add3A_427, %select_n3A_435 : vector<16xi32>
    %mul3A_437 = arith.constant 32768 : i32
    %mul3A_438 = vector.broadcast %mul3A_437 : i32 to vector<16xi32>
    %mul3A_439 = arith.muli %add3A_436, %mul3A_438 : vector<16xi32>
    %sub3A_440 = arith.subi %get3A_410, %mul3A_439 : vector<16xi32>
    %swap3A_441 = arith.constant 1 : i32
    %swap3A_442 = arith.index_cast %swap3A_441 : i32 to index
    %swap3A_443 = arith.constant 32 : index
    %swap3A_444 = tpu.vector_load %arg5[%swap3A_442, %swap3A_443] {strides = array<i32>} : memref<4x128xi32, #tpu.memory_space<vmem>>, vector<1x16xi32>,
    %swap3A_445 = vector.shape_cast %swap3A_444 : vector<1x16xi32> to vector<16xi32>
    %swap3A_446 = vector.shape_cast %sub3A_440 : vector<16xi32> to vector<1x16xi32>
    tpu.vector_store %arg5[%swap3A_442, %swap3A_443], %swap3A_446 {strides = array<i32>} : memref<4x128xi32, #tpu.memory_space<vmem>>, vector<1x16xi32>,
    %get3A_447 = arith.constant 1 : i32
    %get3A_448 = arith.index_cast %get3A_447 : i32 to index
    %get3A_449 = arith.constant 48 : index
    %get3A_450 = tpu.vector_load %arg5[%get3A_448, %get3A_449] {strides = array<i32>} : memref<4x128xi32, #tpu.memory_space<vmem>>, vector<1x16xi32>,
    %get3A_451 = vector.shape_cast %get3A_450 : vector<1x16xi32> to vector<16xi32>
    %ge3A_452 = arith.constant 32768 : i32
    %ge3A_453 = vector.broadcast %ge3A_452 : i32 to vector<16xi32>
    %ge3A_454 = arith.cmpi sge, %get3A_451, %ge3A_453 : vector<16xi32>
    %jit3A_455 = arith.constant 1 : i32
    %jit3A_456 = arith.constant 0 : i32
    %broadcast_in_dim3A_457 = vector.broadcast %jit3A_455 : i32 to vector<16xi32>
    %broadcast_in_dim3A_458 = vector.broadcast %jit3A_456 : i32 to vector<16xi32>
    %select_n3A_459 = arith.select %ge3A_454, %broadcast_in_dim3A_457, %broadcast_in_dim3A_458 : vector<16xi1>, vector<16xi32>
    %ge3A_460 = arith.constant 65536 : i32
    %ge3A_461 = vector.broadcast %ge3A_460 : i32 to vector<16xi32>
    %ge3A_462 = arith.cmpi sge, %get3A_451, %ge3A_461 : vector<16xi32>
    %jit3A_463 = arith.constant 1 : i32
    %jit3A_464 = arith.constant 0 : i32
    %broadcast_in_dim3A_465 = vector.broadcast %jit3A_463 : i32 to vector<16xi32>
    %broadcast_in_dim3A_466 = vector.broadcast %jit3A_464 : i32 to vector<16xi32>
    %select_n3A_467 = arith.select %ge3A_462, %broadcast_in_dim3A_465, %broadcast_in_dim3A_466 : vector<16xi1>, vector<16xi32>
    %add3A_468 = arith.addi %select_n3A_459, %select_n3A_467 : vector<16xi32>
    %ge3A_469 = arith.constant 98304 : i32
    %ge3A_470 = vector.broadcast %ge3A_469 : i32 to vector<16xi32>
    %ge3A_471 = arith.cmpi sge, %get3A_451, %ge3A_470 : vector<16xi32>
    %jit3A_472 = arith.constant 1 : i32
    %jit3A_473 = arith.constant 0 : i32
    %broadcast_in_dim3A_474 = vector.broadcast %jit3A_472 : i32 to vector<16xi32>
    %broadcast_in_dim3A_475 = vector.broadcast %jit3A_473 : i32 to vector<16xi32>
    %select_n3A_476 = arith.select %ge3A_471, %broadcast_in_dim3A_474, %broadcast_in_dim3A_475 : vector<16xi1>, vector<16xi32>
    %add3A_477 = arith.addi %add3A_468, %select_n3A_476 : vector<16xi32>
    %mul3A_478 = arith.constant 32768 : i32
    %mul3A_479 = vector.broadcast %mul3A_478 : i32 to vector<16xi32>
    %mul3A_480 = arith.muli %add3A_477, %mul3A_479 : vector<16xi32>
    %sub3A_481 = arith.subi %get3A_451, %mul3A_480 : vector<16xi32>
    %swap3A_482 = arith.constant 1 : i32
    %swap3A_483 = arith.index_cast %swap3A_482 : i32 to index
    %swap3A_484 = arith.constant 48 : index
    %swap3A_485 = tpu.vector_load %arg5[%swap3A_483, %swap3A_484] {strides = array<i32>} : memref<4x128xi32, #tpu.memory_space<vmem>>, vector<1x16xi32>,
    %swap3A_486 = vector.shape_cast %swap3A_485 : vector<1x16xi32> to vector<16xi32>
    %swap3A_487 = vector.shape_cast %sub3A_481 : vector<16xi32> to vector<1x16xi32>
    tpu.vector_store %arg5[%swap3A_483, %swap3A_484], %swap3A_487 {strides = array<i32>} : memref<4x128xi32, #tpu.memory_space<vmem>>, vector<1x16xi32>,
    %get3A_488 = arith.constant 1 : i32
    %get3A_489 = arith.index_cast %get3A_488 : i32 to index
    %get3A_490 = arith.constant 64 : index
    %get3A_491 = tpu.vector_load %arg5[%get3A_489, %get3A_490] {strides = array<i32>} : memref<4x128xi32, #tpu.memory_space<vmem>>, vector<1x16xi32>,
    %get3A_492 = vector.shape_cast %get3A_491 : vector<1x16xi32> to vector<16xi32>
    %ge3A_493 = arith.constant 32768 : i32
    %ge3A_494 = vector.broadcast %ge3A_493 : i32 to vector<16xi32>
    %ge3A_495 = arith.cmpi sge, %get3A_492, %ge3A_494 : vector<16xi32>
    %jit3A_496 = arith.constant 1 : i32
    %jit3A_497 = arith.constant 0 : i32
    %broadcast_in_dim3A_498 = vector.broadcast %jit3A_496 : i32 to vector<16xi32>
    %broadcast_in_dim3A_499 = vector.broadcast %jit3A_497 : i32 to vector<16xi32>
    %select_n3A_500 = arith.select %ge3A_495, %broadcast_in_dim3A_498, %broadcast_in_dim3A_499 : vector<16xi1>, vector<16xi32>
    %ge3A_501 = arith.constant 65536 : i32
    %ge3A_502 = vector.broadcast %ge3A_501 : i32 to vector<16xi32>
    %ge3A_503 = arith.cmpi sge, %get3A_492, %ge3A_502 : vector<16xi32>
    %jit3A_504 = arith.constant 1 : i32
    %jit3A_505 = arith.constant 0 : i32
    %broadcast_in_dim3A_506 = vector.broadcast %jit3A_504 : i32 to vector<16xi32>
    %broadcast_in_dim3A_507 = vector.broadcast %jit3A_505 : i32 to vector<16xi32>
    %select_n3A_508 = arith.select %ge3A_503, %broadcast_in_dim3A_506, %broadcast_in_dim3A_507 : vector<16xi1>, vector<16xi32>
    %add3A_509 = arith.addi %select_n3A_500, %select_n3A_508 : vector<16xi32>
    %ge3A_510 = arith.constant 98304 : i32
    %ge3A_511 = vector.broadcast %ge3A_510 : i32 to vector<16xi32>
    %ge3A_512 = arith.cmpi sge, %get3A_492, %ge3A_511 : vector<16xi32>
    %jit3A_513 = arith.constant 1 : i32
    %jit3A_514 = arith.constant 0 : i32
    %broadcast_in_dim3A_515 = vector.broadcast %jit3A_513 : i32 to vector<16xi32>
    %broadcast_in_dim3A_516 = vector.broadcast %jit3A_514 : i32 to vector<16xi32>
    %select_n3A_517 = arith.select %ge3A_512, %broadcast_in_dim3A_515, %broadcast_in_dim3A_516 : vector<16xi1>, vector<16xi32>
    %add3A_518 = arith.addi %add3A_509, %select_n3A_517 : vector<16xi32>
    %mul3A_519 = arith.constant 32768 : i32
    %mul3A_520 = vector.broadcast %mul3A_519 : i32 to vector<16xi32>
    %mul3A_521 = arith.muli %add3A_518, %mul3A_520 : vector<16xi32>
    %sub3A_522 = arith.subi %get3A_492, %mul3A_521 : vector<16xi32>
    %swap3A_523 = arith.constant 1 : i32
    %swap3A_524 = arith.index_cast %swap3A_523 : i32 to index
    %swap3A_525 = arith.constant 64 : index
    %swap3A_526 = tpu.vector_load %arg5[%swap3A_524, %swap3A_525] {strides = array<i32>} : memref<4x128xi32, #tpu.memory_space<vmem>>, vector<1x16xi32>,
    %swap3A_527 = vector.shape_cast %swap3A_526 : vector<1x16xi32> to vector<16xi32>
    %swap3A_528 = vector.shape_cast %sub3A_522 : vector<16xi32> to vector<1x16xi32>
    tpu.vector_store %arg5[%swap3A_524, %swap3A_525], %swap3A_528 {strides = array<i32>} : memref<4x128xi32, #tpu.memory_space<vmem>>, vector<1x16xi32>,
    %get3A_529 = arith.constant 1 : i32
    %get3A_530 = arith.index_cast %get3A_529 : i32 to index
    %get3A_531 = arith.constant 80 : index
    %get3A_532 = tpu.vector_load %arg5[%get3A_530, %get3A_531] {strides = array<i32>} : memref<4x128xi32, #tpu.memory_space<vmem>>, vector<1x16xi32>,
    %get3A_533 = vector.shape_cast %get3A_532 : vector<1x16xi32> to vector<16xi32>
    %ge3A_534 = arith.constant 32768 : i32
    %ge3A_535 = vector.broadcast %ge3A_534 : i32 to vector<16xi32>
    %ge3A_536 = arith.cmpi sge, %get3A_533, %ge3A_535 : vector<16xi32>
    %jit3A_537 = arith.constant 1 : i32
    %jit3A_538 = arith.constant 0 : i32
    %broadcast_in_dim3A_539 = vector.broadcast %jit3A_537 : i32 to vector<16xi32>
    %broadcast_in_dim3A_540 = vector.broadcast %jit3A_538 : i32 to vector<16xi32>
    %select_n3A_541 = arith.select %ge3A_536, %broadcast_in_dim3A_539, %broadcast_in_dim3A_540 : vector<16xi1>, vector<16xi32>
    %ge3A_542 = arith.constant 65536 : i32
    %ge3A_543 = vector.broadcast %ge3A_542 : i32 to vector<16xi32>
    %ge3A_544 = arith.cmpi sge, %get3A_533, %ge3A_543 : vector<16xi32>
    %jit3A_545 = arith.constant 1 : i32
    %jit3A_546 = arith.constant 0 : i32
    %broadcast_in_dim3A_547 = vector.broadcast %jit3A_545 : i32 to vector<16xi32>
    %broadcast_in_dim3A_548 = vector.broadcast %jit3A_546 : i32 to vector<16xi32>
    %select_n3A_549 = arith.select %ge3A_544, %broadcast_in_dim3A_547, %broadcast_in_dim3A_548 : vector<16xi1>, vector<16xi32>
    %add3A_550 = arith.addi %select_n3A_541, %select_n3A_549 : vector<16xi32>
    %ge3A_551 = arith.constant 98304 : i32
    %ge3A_552 = vector.broadcast %ge3A_551 : i32 to vector<16xi32>
    %ge3A_553 = arith.cmpi sge, %get3A_533, %ge3A_552 : vector<16xi32>
    %jit3A_554 = arith.constant 1 : i32
    %jit3A_555 = arith.constant 0 : i32
    %broadcast_in_dim3A_556 = vector.broadcast %jit3A_554 : i32 to vector<16xi32>
    %broadcast_in_dim3A_557 = vector.broadcast %jit3A_555 : i32 to vector<16xi32>
    %select_n3A_558 = arith.select %ge3A_553, %broadcast_in_dim3A_556, %broadcast_in_dim3A_557 : vector<16xi1>, vector<16xi32>
    %add3A_559 = arith.addi %add3A_550, %select_n3A_558 : vector<16xi32>
    %mul3A_560 = arith.constant 32768 : i32
    %mul3A_561 = vector.broadcast %mul3A_560 : i32 to vector<16xi32>
    %mul3A_562 = arith.muli %add3A_559, %mul3A_561 : vector<16xi32>
    %sub3A_563 = arith.subi %get3A_533, %mul3A_562 : vector<16xi32>
    %swap3A_564 = arith.constant 1 : i32
    %swap3A_565 = arith.index_cast %swap3A_564 : i32 to index
    %swap3A_566 = arith.constant 80 : index
    %swap3A_567 = tpu.vector_load %arg5[%swap3A_565, %swap3A_566] {strides = array<i32>} : memref<4x128xi32, #tpu.memory_space<vmem>>, vector<1x16xi32>,
    %swap3A_568 = vector.shape_cast %swap3A_567 : vector<1x16xi32> to vector<16xi32>
    %swap3A_569 = vector.shape_cast %sub3A_563 : vector<16xi32> to vector<1x16xi32>
    tpu.vector_store %arg5[%swap3A_565, %swap3A_566], %swap3A_569 {strides = array<i32>} : memref<4x128xi32, #tpu.memory_space<vmem>>, vector<1x16xi32>,
    %get3A_570 = arith.constant 1 : i32
    %get3A_571 = arith.index_cast %get3A_570 : i32 to index
    %get3A_572 = arith.constant 96 : index
    %get3A_573 = tpu.vector_load %arg5[%get3A_571, %get3A_572] {strides = array<i32>} : memref<4x128xi32, #tpu.memory_space<vmem>>, vector<1x16xi32>,
    %get3A_574 = vector.shape_cast %get3A_573 : vector<1x16xi32> to vector<16xi32>
    %ge3A_575 = arith.constant 32768 : i32
    %ge3A_576 = vector.broadcast %ge3A_575 : i32 to vector<16xi32>
    %ge3A_577 = arith.cmpi sge, %get3A_574, %ge3A_576 : vector<16xi32>
    %jit3A_578 = arith.constant 1 : i32
    %jit3A_579 = arith.constant 0 : i32
    %broadcast_in_dim3A_580 = vector.broadcast %jit3A_578 : i32 to vector<16xi32>
    %broadcast_in_dim3A_581 = vector.broadcast %jit3A_579 : i32 to vector<16xi32>
    %select_n3A_582 = arith.select %ge3A_577, %broadcast_in_dim3A_580, %broadcast_in_dim3A_581 : vector<16xi1>, vector<16xi32>
    %ge3A_583 = arith.constant 65536 : i32
    %ge3A_584 = vector.broadcast %ge3A_583 : i32 to vector<16xi32>
    %ge3A_585 = arith.cmpi sge, %get3A_574, %ge3A_584 : vector<16xi32>
    %jit3A_586 = arith.constant 1 : i32
    %jit3A_587 = arith.constant 0 : i32
    %broadcast_in_dim3A_588 = vector.broadcast %jit3A_586 : i32 to vector<16xi32>
    %broadcast_in_dim3A_589 = vector.broadcast %jit3A_587 : i32 to vector<16xi32>
    %select_n3A_590 = arith.select %ge3A_585, %broadcast_in_dim3A_588, %broadcast_in_dim3A_589 : vector<16xi1>, vector<16xi32>
    %add3A_591 = arith.addi %select_n3A_582, %select_n3A_590 : vector<16xi32>
    %ge3A_592 = arith.constant 98304 : i32
    %ge3A_593 = vector.broadcast %ge3A_592 : i32 to vector<16xi32>
    %ge3A_594 = arith.cmpi sge, %get3A_574, %ge3A_593 : vector<16xi32>
    %jit3A_595 = arith.constant 1 : i32
    %jit3A_596 = arith.constant 0 : i32
    %broadcast_in_dim3A_597 = vector.broadcast %jit3A_595 : i32 to vector<16xi32>
    %broadcast_in_dim3A_598 = vector.broadcast %jit3A_596 : i32 to vector<16xi32>
    %select_n3A_599 = arith.select %ge3A_594, %broadcast_in_dim3A_597, %broadcast_in_dim3A_598 : vector<16xi1>, vector<16xi32>
    %add3A_600 = arith.addi %add3A_591, %select_n3A_599 : vector<16xi32>
    %mul3A_601 = arith.constant 32768 : i32
    %mul3A_602 = vector.broadcast %mul3A_601 : i32 to vector<16xi32>
    %mul3A_603 = arith.muli %add3A_600, %mul3A_602 : vector<16xi32>
    %sub3A_604 = arith.subi %get3A_574, %mul3A_603 : vector<16xi32>
    %swap3A_605 = arith.constant 1 : i32
    %swap3A_606 = arith.index_cast %swap3A_605 : i32 to index
    %swap3A_607 = arith.constant 96 : index
    %swap3A_608 = tpu.vector_load %arg5[%swap3A_606, %swap3A_607] {strides = array<i32>} : memref<4x128xi32, #tpu.memory_space<vmem>>, vector<1x16xi32>,
    %swap3A_609 = vector.shape_cast %swap3A_608 : vector<1x16xi32> to vector<16xi32>
    %swap3A_610 = vector.shape_cast %sub3A_604 : vector<16xi32> to vector<1x16xi32>
    tpu.vector_store %arg5[%swap3A_606, %swap3A_607], %swap3A_610 {strides = array<i32>} : memref<4x128xi32, #tpu.memory_space<vmem>>, vector<1x16xi32>,
    %get3A_611 = arith.constant 1 : i32
    %get3A_612 = arith.index_cast %get3A_611 : i32 to index
    %get3A_613 = arith.constant 112 : index
    %get3A_614 = tpu.vector_load %arg5[%get3A_612, %get3A_613] {strides = array<i32>} : memref<4x128xi32, #tpu.memory_space<vmem>>, vector<1x16xi32>,
    %get3A_615 = vector.shape_cast %get3A_614 : vector<1x16xi32> to vector<16xi32>
    %ge3A_616 = arith.constant 32768 : i32
    %ge3A_617 = vector.broadcast %ge3A_616 : i32 to vector<16xi32>
    %ge3A_618 = arith.cmpi sge, %get3A_615, %ge3A_617 : vector<16xi32>
    %jit3A_619 = arith.constant 1 : i32
    %jit3A_620 = arith.constant 0 : i32
    %broadcast_in_dim3A_621 = vector.broadcast %jit3A_619 : i32 to vector<16xi32>
    %broadcast_in_dim3A_622 = vector.broadcast %jit3A_620 : i32 to vector<16xi32>
    %select_n3A_623 = arith.select %ge3A_618, %broadcast_in_dim3A_621, %broadcast_in_dim3A_622 : vector<16xi1>, vector<16xi32>
    %ge3A_624 = arith.constant 65536 : i32
    %ge3A_625 = vector.broadcast %ge3A_624 : i32 to vector<16xi32>
    %ge3A_626 = arith.cmpi sge, %get3A_615, %ge3A_625 : vector<16xi32>
    %jit3A_627 = arith.constant 1 : i32
    %jit3A_628 = arith.constant 0 : i32
    %broadcast_in_dim3A_629 = vector.broadcast %jit3A_627 : i32 to vector<16xi32>
    %broadcast_in_dim3A_630 = vector.broadcast %jit3A_628 : i32 to vector<16xi32>
    %select_n3A_631 = arith.select %ge3A_626, %broadcast_in_dim3A_629, %broadcast_in_dim3A_630 : vector<16xi1>, vector<16xi32>
    %add3A_632 = arith.addi %select_n3A_623, %select_n3A_631 : vector<16xi32>
    %ge3A_633 = arith.constant 98304 : i32
    %ge3A_634 = vector.broadcast %ge3A_633 : i32 to vector<16xi32>
    %ge3A_635 = arith.cmpi sge, %get3A_615, %ge3A_634 : vector<16xi32>
    %jit3A_636 = arith.constant 1 : i32
    %jit3A_637 = arith.constant 0 : i32
    %broadcast_in_dim3A_638 = vector.broadcast %jit3A_636 : i32 to vector<16xi32>
    %broadcast_in_dim3A_639 = vector.broadcast %jit3A_637 : i32 to vector<16xi32>
    %select_n3A_640 = arith.select %ge3A_635, %broadcast_in_dim3A_638, %broadcast_in_dim3A_639 : vector<16xi1>, vector<16xi32>
    %add3A_641 = arith.addi %add3A_632, %select_n3A_640 : vector<16xi32>
    %mul3A_642 = arith.constant 32768 : i32
    %mul3A_643 = vector.broadcast %mul3A_642 : i32 to vector<16xi32>
    %mul3A_644 = arith.muli %add3A_641, %mul3A_643 : vector<16xi32>
    %sub3A_645 = arith.subi %get3A_615, %mul3A_644 : vector<16xi32>
    %swap3A_646 = arith.constant 1 : i32
    %swap3A_647 = arith.index_cast %swap3A_646 : i32 to index
    %swap3A_648 = arith.constant 112 : index
    %swap3A_649 = tpu.vector_load %arg5[%swap3A_647, %swap3A_648] {strides = array<i32>} : memref<4x128xi32, #tpu.memory_space<vmem>>, vector<1x16xi32>,
    %swap3A_650 = vector.shape_cast %swap3A_649 : vector<1x16xi32> to vector<16xi32>
    %swap3A_651 = vector.shape_cast %sub3A_645 : vector<16xi32> to vector<1x16xi32>
    tpu.vector_store %arg5[%swap3A_647, %swap3A_648], %swap3A_651 {strides = array<i32>} : memref<4x128xi32, #tpu.memory_space<vmem>>, vector<1x16xi32>,
    %get3A_652 = arith.constant 2 : i32
    %get3A_653 = arith.index_cast %get3A_652 : i32 to index
    %get3A_654 = arith.constant 0 : index
    %get3A_655 = tpu.vector_load %arg5[%get3A_653, %get3A_654] {strides = array<i32>} : memref<4x128xi32, #tpu.memory_space<vmem>>, vector<1x16xi32>,
    %get3A_656 = vector.shape_cast %get3A_655 : vector<1x16xi32> to vector<16xi32>
    %ge3A_657 = arith.constant 32768 : i32
    %ge3A_658 = vector.broadcast %ge3A_657 : i32 to vector<16xi32>
    %ge3A_659 = arith.cmpi sge, %get3A_656, %ge3A_658 : vector<16xi32>
    %jit3A_660 = arith.constant 1 : i32
    %jit3A_661 = arith.constant 0 : i32
    %broadcast_in_dim3A_662 = vector.broadcast %jit3A_660 : i32 to vector<16xi32>
    %broadcast_in_dim3A_663 = vector.broadcast %jit3A_661 : i32 to vector<16xi32>
    %select_n3A_664 = arith.select %ge3A_659, %broadcast_in_dim3A_662, %broadcast_in_dim3A_663 : vector<16xi1>, vector<16xi32>
    %ge3A_665 = arith.constant 65536 : i32
    %ge3A_666 = vector.broadcast %ge3A_665 : i32 to vector<16xi32>
    %ge3A_667 = arith.cmpi sge, %get3A_656, %ge3A_666 : vector<16xi32>
    %jit3A_668 = arith.constant 1 : i32
    %jit3A_669 = arith.constant 0 : i32
    %broadcast_in_dim3A_670 = vector.broadcast %jit3A_668 : i32 to vector<16xi32>
    %broadcast_in_dim3A_671 = vector.broadcast %jit3A_669 : i32 to vector<16xi32>
    %select_n3A_672 = arith.select %ge3A_667, %broadcast_in_dim3A_670, %broadcast_in_dim3A_671 : vector<16xi1>, vector<16xi32>
    %add3A_673 = arith.addi %select_n3A_664, %select_n3A_672 : vector<16xi32>
    %ge3A_674 = arith.constant 98304 : i32
    %ge3A_675 = vector.broadcast %ge3A_674 : i32 to vector<16xi32>
    %ge3A_676 = arith.cmpi sge, %get3A_656, %ge3A_675 : vector<16xi32>
    %jit3A_677 = arith.constant 1 : i32
    %jit3A_678 = arith.constant 0 : i32
    %broadcast_in_dim3A_679 = vector.broadcast %jit3A_677 : i32 to vector<16xi32>
    %broadcast_in_dim3A_680 = vector.broadcast %jit3A_678 : i32 to vector<16xi32>
    %select_n3A_681 = arith.select %ge3A_676, %broadcast_in_dim3A_679, %broadcast_in_dim3A_680 : vector<16xi1>, vector<16xi32>
    %add3A_682 = arith.addi %add3A_673, %select_n3A_681 : vector<16xi32>
    %mul3A_683 = arith.constant 32768 : i32
    %mul3A_684 = vector.broadcast %mul3A_683 : i32 to vector<16xi32>
    %mul3A_685 = arith.muli %add3A_682, %mul3A_684 : vector<16xi32>
    %sub3A_686 = arith.subi %get3A_656, %mul3A_685 : vector<16xi32>
    %swap3A_687 = arith.constant 2 : i32
    %swap3A_688 = arith.index_cast %swap3A_687 : i32 to index
    %swap3A_689 = arith.constant 0 : index
    %swap3A_690 = tpu.vector_load %arg5[%swap3A_688, %swap3A_689] {strides = array<i32>} : memref<4x128xi32, #tpu.memory_space<vmem>>, vector<1x16xi32>,
    %swap3A_691 = vector.shape_cast %swap3A_690 : vector<1x16xi32> to vector<16xi32>
    %swap3A_692 = vector.shape_cast %sub3A_686 : vector<16xi32> to vector<1x16xi32>
    tpu.vector_store %arg5[%swap3A_688, %swap3A_689], %swap3A_692 {strides = array<i32>} : memref<4x128xi32, #tpu.memory_space<vmem>>, vector<1x16xi32>,
    %get3A_693 = arith.constant 2 : i32
    %get3A_694 = arith.index_cast %get3A_693 : i32 to index
    %get3A_695 = arith.constant 16 : index
    %get3A_696 = tpu.vector_load %arg5[%get3A_694, %get3A_695] {strides = array<i32>} : memref<4x128xi32, #tpu.memory_space<vmem>>, vector<1x16xi32>,
    %get3A_697 = vector.shape_cast %get3A_696 : vector<1x16xi32> to vector<16xi32>
    %ge3A_698 = arith.constant 32768 : i32
    %ge3A_699 = vector.broadcast %ge3A_698 : i32 to vector<16xi32>
    %ge3A_700 = arith.cmpi sge, %get3A_697, %ge3A_699 : vector<16xi32>
    %jit3A_701 = arith.constant 1 : i32
    %jit3A_702 = arith.constant 0 : i32
    %broadcast_in_dim3A_703 = vector.broadcast %jit3A_701 : i32 to vector<16xi32>
    %broadcast_in_dim3A_704 = vector.broadcast %jit3A_702 : i32 to vector<16xi32>
    %select_n3A_705 = arith.select %ge3A_700, %broadcast_in_dim3A_703, %broadcast_in_dim3A_704 : vector<16xi1>, vector<16xi32>
    %ge3A_706 = arith.constant 65536 : i32
    %ge3A_707 = vector.broadcast %ge3A_706 : i32 to vector<16xi32>
    %ge3A_708 = arith.cmpi sge, %get3A_697, %ge3A_707 : vector<16xi32>
    %jit3A_709 = arith.constant 1 : i32
    %jit3A_710 = arith.constant 0 : i32
    %broadcast_in_dim3A_711 = vector.broadcast %jit3A_709 : i32 to vector<16xi32>
    %broadcast_in_dim3A_712 = vector.broadcast %jit3A_710 : i32 to vector<16xi32>
    %select_n3A_713 = arith.select %ge3A_708, %broadcast_in_dim3A_711, %broadcast_in_dim3A_712 : vector<16xi1>, vector<16xi32>
    %add3A_714 = arith.addi %select_n3A_705, %select_n3A_713 : vector<16xi32>
    %ge3A_715 = arith.constant 98304 : i32
    %ge3A_716 = vector.broadcast %ge3A_715 : i32 to vector<16xi32>
    %ge3A_717 = arith.cmpi sge, %get3A_697, %ge3A_716 : vector<16xi32>
    %jit3A_718 = arith.constant 1 : i32
    %jit3A_719 = arith.constant 0 : i32
    %broadcast_in_dim3A_720 = vector.broadcast %jit3A_718 : i32 to vector<16xi32>
    %broadcast_in_dim3A_721 = vector.broadcast %jit3A_719 : i32 to vector<16xi32>
    %select_n3A_722 = arith.select %ge3A_717, %broadcast_in_dim3A_720, %broadcast_in_dim3A_721 : vector<16xi1>, vector<16xi32>
    %add3A_723 = arith.addi %add3A_714, %select_n3A_722 : vector<16xi32>
    %mul3A_724 = arith.constant 32768 : i32
    %mul3A_725 = vector.broadcast %mul3A_724 : i32 to vector<16xi32>
    %mul3A_726 = arith.muli %add3A_723, %mul3A_725 : vector<16xi32>
    %sub3A_727 = arith.subi %get3A_697, %mul3A_726 : vector<16xi32>
    %swap3A_728 = arith.constant 2 : i32
    %swap3A_729 = arith.index_cast %swap3A_728 : i32 to index
    %swap3A_730 = arith.constant 16 : index
    %swap3A_731 = tpu.vector_load %arg5[%swap3A_729, %swap3A_730] {strides = array<i32>} : memref<4x128xi32, #tpu.memory_space<vmem>>, vector<1x16xi32>,
    %swap3A_732 = vector.shape_cast %swap3A_731 : vector<1x16xi32> to vector<16xi32>
    %swap3A_733 = vector.shape_cast %sub3A_727 : vector<16xi32> to vector<1x16xi32>
    tpu.vector_store %arg5[%swap3A_729, %swap3A_730], %swap3A_733 {strides = array<i32>} : memref<4x128xi32, #tpu.memory_space<vmem>>, vector<1x16xi32>,
    %get3A_734 = arith.constant 2 : i32
    %get3A_735 = arith.index_cast %get3A_734 : i32 to index
    %get3A_736 = arith.constant 32 : index
    %get3A_737 = tpu.vector_load %arg5[%get3A_735, %get3A_736] {strides = array<i32>} : memref<4x128xi32, #tpu.memory_space<vmem>>, vector<1x16xi32>,
    %get3A_738 = vector.shape_cast %get3A_737 : vector<1x16xi32> to vector<16xi32>
    %ge3A_739 = arith.constant 32768 : i32
    %ge3A_740 = vector.broadcast %ge3A_739 : i32 to vector<16xi32>
    %ge3A_741 = arith.cmpi sge, %get3A_738, %ge3A_740 : vector<16xi32>
    %jit3A_742 = arith.constant 1 : i32
    %jit3A_743 = arith.constant 0 : i32
    %broadcast_in_dim3A_744 = vector.broadcast %jit3A_742 : i32 to vector<16xi32>
    %broadcast_in_dim3A_745 = vector.broadcast %jit3A_743 : i32 to vector<16xi32>
    %select_n3A_746 = arith.select %ge3A_741, %broadcast_in_dim3A_744, %broadcast_in_dim3A_745 : vector<16xi1>, vector<16xi32>
    %ge3A_747 = arith.constant 65536 : i32
    %ge3A_748 = vector.broadcast %ge3A_747 : i32 to vector<16xi32>
    %ge3A_749 = arith.cmpi sge, %get3A_738, %ge3A_748 : vector<16xi32>
    %jit3A_750 = arith.constant 1 : i32
    %jit3A_751 = arith.constant 0 : i32
    %broadcast_in_dim3A_752 = vector.broadcast %jit3A_750 : i32 to vector<16xi32>
    %broadcast_in_dim3A_753 = vector.broadcast %jit3A_751 : i32 to vector<16xi32>
    %select_n3A_754 = arith.select %ge3A_749, %broadcast_in_dim3A_752, %broadcast_in_dim3A_753 : vector<16xi1>, vector<16xi32>
    %add3A_755 = arith.addi %select_n3A_746, %select_n3A_754 : vector<16xi32>
    %ge3A_756 = arith.constant 98304 : i32
    %ge3A_757 = vector.broadcast %ge3A_756 : i32 to vector<16xi32>
    %ge3A_758 = arith.cmpi sge, %get3A_738, %ge3A_757 : vector<16xi32>
    %jit3A_759 = arith.constant 1 : i32
    %jit3A_760 = arith.constant 0 : i32
    %broadcast_in_dim3A_761 = vector.broadcast %jit3A_759 : i32 to vector<16xi32>
    %broadcast_in_dim3A_762 = vector.broadcast %jit3A_760 : i32 to vector<16xi32>
    %select_n3A_763 = arith.select %ge3A_758, %broadcast_in_dim3A_761, %broadcast_in_dim3A_762 : vector<16xi1>, vector<16xi32>
    %add3A_764 = arith.addi %add3A_755, %select_n3A_763 : vector<16xi32>
    %mul3A_765 = arith.constant 32768 : i32
    %mul3A_766 = vector.broadcast %mul3A_765 : i32 to vector<16xi32>
    %mul3A_767 = arith.muli %add3A_764, %mul3A_766 : vector<16xi32>
    %sub3A_768 = arith.subi %get3A_738, %mul3A_767 : vector<16xi32>
    %swap3A_769 = arith.constant 2 : i32
    %swap3A_770 = arith.index_cast %swap3A_769 : i32 to index
    %swap3A_771 = arith.constant 32 : index
    %swap3A_772 = tpu.vector_load %arg5[%swap3A_770, %swap3A_771] {strides = array<i32>} : memref<4x128xi32, #tpu.memory_space<vmem>>, vector<1x16xi32>,
    %swap3A_773 = vector.shape_cast %swap3A_772 : vector<1x16xi32> to vector<16xi32>
    %swap3A_774 = vector.shape_cast %sub3A_768 : vector<16xi32> to vector<1x16xi32>
    tpu.vector_store %arg5[%swap3A_770, %swap3A_771], %swap3A_774 {strides = array<i32>} : memref<4x128xi32, #tpu.memory_space<vmem>>, vector<1x16xi32>,
    %get3A_775 = arith.constant 2 : i32
    %get3A_776 = arith.index_cast %get3A_775 : i32 to index
    %get3A_777 = arith.constant 48 : index
    %get3A_778 = tpu.vector_load %arg5[%get3A_776, %get3A_777] {strides = array<i32>} : memref<4x128xi32, #tpu.memory_space<vmem>>, vector<1x16xi32>,
    %get3A_779 = vector.shape_cast %get3A_778 : vector<1x16xi32> to vector<16xi32>
    %ge3A_780 = arith.constant 32768 : i32
    %ge3A_781 = vector.broadcast %ge3A_780 : i32 to vector<16xi32>
    %ge3A_782 = arith.cmpi sge, %get3A_779, %ge3A_781 : vector<16xi32>
    %jit3A_783 = arith.constant 1 : i32
    %jit3A_784 = arith.constant 0 : i32
    %broadcast_in_dim3A_785 = vector.broadcast %jit3A_783 : i32 to vector<16xi32>
    %broadcast_in_dim3A_786 = vector.broadcast %jit3A_784 : i32 to vector<16xi32>
    %select_n3A_787 = arith.select %ge3A_782, %broadcast_in_dim3A_785, %broadcast_in_dim3A_786 : vector<16xi1>, vector<16xi32>
    %ge3A_788 = arith.constant 65536 : i32
    %ge3A_789 = vector.broadcast %ge3A_788 : i32 to vector<16xi32>
    %ge3A_790 = arith.cmpi sge, %get3A_779, %ge3A_789 : vector<16xi32>
    %jit3A_791 = arith.constant 1 : i32
    %jit3A_792 = arith.constant 0 : i32
    %broadcast_in_dim3A_793 = vector.broadcast %jit3A_791 : i32 to vector<16xi32>
    %broadcast_in_dim3A_794 = vector.broadcast %jit3A_792 : i32 to vector<16xi32>
    %select_n3A_795 = arith.select %ge3A_790, %broadcast_in_dim3A_793, %broadcast_in_dim3A_794 : vector<16xi1>, vector<16xi32>
    %add3A_796 = arith.addi %select_n3A_787, %select_n3A_795 : vector<16xi32>
    %ge3A_797 = arith.constant 98304 : i32
    %ge3A_798 = vector.broadcast %ge3A_797 : i32 to vector<16xi32>
    %ge3A_799 = arith.cmpi sge, %get3A_779, %ge3A_798 : vector<16xi32>
    %jit3A_800 = arith.constant 1 : i32
    %jit3A_801 = arith.constant 0 : i32
    %broadcast_in_dim3A_802 = vector.broadcast %jit3A_800 : i32 to vector<16xi32>
    %broadcast_in_dim3A_803 = vector.broadcast %jit3A_801 : i32 to vector<16xi32>
    %select_n3A_804 = arith.select %ge3A_799, %broadcast_in_dim3A_802, %broadcast_in_dim3A_803 : vector<16xi1>, vector<16xi32>
    %add3A_805 = arith.addi %add3A_796, %select_n3A_804 : vector<16xi32>
    %mul3A_806 = arith.constant 32768 : i32
    %mul3A_807 = vector.broadcast %mul3A_806 : i32 to vector<16xi32>
    %mul3A_808 = arith.muli %add3A_805, %mul3A_807 : vector<16xi32>
    %sub3A_809 = arith.subi %get3A_779, %mul3A_808 : vector<16xi32>
    %swap3A_810 = arith.constant 2 : i32
    %swap3A_811 = arith.index_cast %swap3A_810 : i32 to index
    %swap3A_812 = arith.constant 48 : index
    %swap3A_813 = tpu.vector_load %arg5[%swap3A_811, %swap3A_812] {strides = array<i32>} : memref<4x128xi32, #tpu.memory_space<vmem>>, vector<1x16xi32>,
    %swap3A_814 = vector.shape_cast %swap3A_813 : vector<1x16xi32> to vector<16xi32>
    %swap3A_815 = vector.shape_cast %sub3A_809 : vector<16xi32> to vector<1x16xi32>
    tpu.vector_store %arg5[%swap3A_811, %swap3A_812], %swap3A_815 {strides = array<i32>} : memref<4x128xi32, #tpu.memory_space<vmem>>, vector<1x16xi32>,
    %get3A_816 = arith.constant 2 : i32
    %get3A_817 = arith.index_cast %get3A_816 : i32 to index
    %get3A_818 = arith.constant 64 : index
    %get3A_819 = tpu.vector_load %arg5[%get3A_817, %get3A_818] {strides = array<i32>} : memref<4x128xi32, #tpu.memory_space<vmem>>, vector<1x16xi32>,
    %get3A_820 = vector.shape_cast %get3A_819 : vector<1x16xi32> to vector<16xi32>
    %ge3A_821 = arith.constant 32768 : i32
    %ge3A_822 = vector.broadcast %ge3A_821 : i32 to vector<16xi32>
    %ge3A_823 = arith.cmpi sge, %get3A_820, %ge3A_822 : vector<16xi32>
    %jit3A_824 = arith.constant 1 : i32
    %jit3A_825 = arith.constant 0 : i32
    %broadcast_in_dim3A_826 = vector.broadcast %jit3A_824 : i32 to vector<16xi32>
    %broadcast_in_dim3A_827 = vector.broadcast %jit3A_825 : i32 to vector<16xi32>
    %select_n3A_828 = arith.select %ge3A_823, %broadcast_in_dim3A_826, %broadcast_in_dim3A_827 : vector<16xi1>, vector<16xi32>
    %ge3A_829 = arith.constant 65536 : i32
    %ge3A_830 = vector.broadcast %ge3A_829 : i32 to vector<16xi32>
    %ge3A_831 = arith.cmpi sge, %get3A_820, %ge3A_830 : vector<16xi32>
    %jit3A_832 = arith.constant 1 : i32
    %jit3A_833 = arith.constant 0 : i32
    %broadcast_in_dim3A_834 = vector.broadcast %jit3A_832 : i32 to vector<16xi32>
    %broadcast_in_dim3A_835 = vector.broadcast %jit3A_833 : i32 to vector<16xi32>
    %select_n3A_836 = arith.select %ge3A_831, %broadcast_in_dim3A_834, %broadcast_in_dim3A_835 : vector<16xi1>, vector<16xi32>
    %add3A_837 = arith.addi %select_n3A_828, %select_n3A_836 : vector<16xi32>
    %ge3A_838 = arith.constant 98304 : i32
    %ge3A_839 = vector.broadcast %ge3A_838 : i32 to vector<16xi32>
    %ge3A_840 = arith.cmpi sge, %get3A_820, %ge3A_839 : vector<16xi32>
    %jit3A_841 = arith.constant 1 : i32
    %jit3A_842 = arith.constant 0 : i32
    %broadcast_in_dim3A_843 = vector.broadcast %jit3A_841 : i32 to vector<16xi32>
    %broadcast_in_dim3A_844 = vector.broadcast %jit3A_842 : i32 to vector<16xi32>
    %select_n3A_845 = arith.select %ge3A_840, %broadcast_in_dim3A_843, %broadcast_in_dim3A_844 : vector<16xi1>, vector<16xi32>
    %add3A_846 = arith.addi %add3A_837, %select_n3A_845 : vector<16xi32>
    %mul3A_847 = arith.constant 32768 : i32
    %mul3A_848 = vector.broadcast %mul3A_847 : i32 to vector<16xi32>
    %mul3A_849 = arith.muli %add3A_846, %mul3A_848 : vector<16xi32>
    %sub3A_850 = arith.subi %get3A_820, %mul3A_849 : vector<16xi32>
    %swap3A_851 = arith.constant 2 : i32
    %swap3A_852 = arith.index_cast %swap3A_851 : i32 to index
    %swap3A_853 = arith.constant 64 : index
    %swap3A_854 = tpu.vector_load %arg5[%swap3A_852, %swap3A_853] {strides = array<i32>} : memref<4x128xi32, #tpu.memory_space<vmem>>, vector<1x16xi32>,
    %swap3A_855 = vector.shape_cast %swap3A_854 : vector<1x16xi32> to vector<16xi32>
    %swap3A_856 = vector.shape_cast %sub3A_850 : vector<16xi32> to vector<1x16xi32>
    tpu.vector_store %arg5[%swap3A_852, %swap3A_853], %swap3A_856 {strides = array<i32>} : memref<4x128xi32, #tpu.memory_space<vmem>>, vector<1x16xi32>,
    %get3A_857 = arith.constant 2 : i32
    %get3A_858 = arith.index_cast %get3A_857 : i32 to index
    %get3A_859 = arith.constant 80 : index
    %get3A_860 = tpu.vector_load %arg5[%get3A_858, %get3A_859] {strides = array<i32>} : memref<4x128xi32, #tpu.memory_space<vmem>>, vector<1x16xi32>,
    %get3A_861 = vector.shape_cast %get3A_860 : vector<1x16xi32> to vector<16xi32>
    %ge3A_862 = arith.constant 32768 : i32
    %ge3A_863 = vector.broadcast %ge3A_862 : i32 to vector<16xi32>
    %ge3A_864 = arith.cmpi sge, %get3A_861, %ge3A_863 : vector<16xi32>
    %jit3A_865 = arith.constant 1 : i32
    %jit3A_866 = arith.constant 0 : i32
    %broadcast_in_dim3A_867 = vector.broadcast %jit3A_865 : i32 to vector<16xi32>
    %broadcast_in_dim3A_868 = vector.broadcast %jit3A_866 : i32 to vector<16xi32>
    %select_n3A_869 = arith.select %ge3A_864, %broadcast_in_dim3A_867, %broadcast_in_dim3A_868 : vector<16xi1>, vector<16xi32>
    %ge3A_870 = arith.constant 65536 : i32
    %ge3A_871 = vector.broadcast %ge3A_870 : i32 to vector<16xi32>
    %ge3A_872 = arith.cmpi sge, %get3A_861, %ge3A_871 : vector<16xi32>
    %jit3A_873 = arith.constant 1 : i32
    %jit3A_874 = arith.constant 0 : i32
    %broadcast_in_dim3A_875 = vector.broadcast %jit3A_873 : i32 to vector<16xi32>
    %broadcast_in_dim3A_876 = vector.broadcast %jit3A_874 : i32 to vector<16xi32>
    %select_n3A_877 = arith.select %ge3A_872, %broadcast_in_dim3A_875, %broadcast_in_dim3A_876 : vector<16xi1>, vector<16xi32>
    %add3A_878 = arith.addi %select_n3A_869, %select_n3A_877 : vector<16xi32>
    %ge3A_879 = arith.constant 98304 : i32
    %ge3A_880 = vector.broadcast %ge3A_879 : i32 to vector<16xi32>
    %ge3A_881 = arith.cmpi sge, %get3A_861, %ge3A_880 : vector<16xi32>
    %jit3A_882 = arith.constant 1 : i32
    %jit3A_883 = arith.constant 0 : i32
    %broadcast_in_dim3A_884 = vector.broadcast %jit3A_882 : i32 to vector<16xi32>
    %broadcast_in_dim3A_885 = vector.broadcast %jit3A_883 : i32 to vector<16xi32>
    %select_n3A_886 = arith.select %ge3A_881, %broadcast_in_dim3A_884, %broadcast_in_dim3A_885 : vector<16xi1>, vector<16xi32>
    %add3A_887 = arith.addi %add3A_878, %select_n3A_886 : vector<16xi32>
    %mul3A_888 = arith.constant 32768 : i32
    %mul3A_889 = vector.broadcast %mul3A_888 : i32 to vector<16xi32>
    %mul3A_890 = arith.muli %add3A_887, %mul3A_889 : vector<16xi32>
    %sub3A_891 = arith.subi %get3A_861, %mul3A_890 : vector<16xi32>
    %swap3A_892 = arith.constant 2 : i32
    %swap3A_893 = arith.index_cast %swap3A_892 : i32 to index
    %swap3A_894 = arith.constant 80 : index
    %swap3A_895 = tpu.vector_load %arg5[%swap3A_893, %swap3A_894] {strides = array<i32>} : memref<4x128xi32, #tpu.memory_space<vmem>>, vector<1x16xi32>,
    %swap3A_896 = vector.shape_cast %swap3A_895 : vector<1x16xi32> to vector<16xi32>
    %swap3A_897 = vector.shape_cast %sub3A_891 : vector<16xi32> to vector<1x16xi32>
    tpu.vector_store %arg5[%swap3A_893, %swap3A_894], %swap3A_897 {strides = array<i32>} : memref<4x128xi32, #tpu.memory_space<vmem>>, vector<1x16xi32>,
    %get3A_898 = arith.constant 2 : i32
    %get3A_899 = arith.index_cast %get3A_898 : i32 to index
    %get3A_900 = arith.constant 96 : index
    %get3A_901 = tpu.vector_load %arg5[%get3A_899, %get3A_900] {strides = array<i32>} : memref<4x128xi32, #tpu.memory_space<vmem>>, vector<1x16xi32>,
    %get3A_902 = vector.shape_cast %get3A_901 : vector<1x16xi32> to vector<16xi32>
    %ge3A_903 = arith.constant 32768 : i32
    %ge3A_904 = vector.broadcast %ge3A_903 : i32 to vector<16xi32>
    %ge3A_905 = arith.cmpi sge, %get3A_902, %ge3A_904 : vector<16xi32>
    %jit3A_906 = arith.constant 1 : i32
    %jit3A_907 = arith.constant 0 : i32
    %broadcast_in_dim3A_908 = vector.broadcast %jit3A_906 : i32 to vector<16xi32>
    %broadcast_in_dim3A_909 = vector.broadcast %jit3A_907 : i32 to vector<16xi32>
    %select_n3A_910 = arith.select %ge3A_905, %broadcast_in_dim3A_908, %broadcast_in_dim3A_909 : vector<16xi1>, vector<16xi32>
    %ge3A_911 = arith.constant 65536 : i32
    %ge3A_912 = vector.broadcast %ge3A_911 : i32 to vector<16xi32>
    %ge3A_913 = arith.cmpi sge, %get3A_902, %ge3A_912 : vector<16xi32>
    %jit3A_914 = arith.constant 1 : i32
    %jit3A_915 = arith.constant 0 : i32
    %broadcast_in_dim3A_916 = vector.broadcast %jit3A_914 : i32 to vector<16xi32>
    %broadcast_in_dim3A_917 = vector.broadcast %jit3A_915 : i32 to vector<16xi32>
    %select_n3A_918 = arith.select %ge3A_913, %broadcast_in_dim3A_916, %broadcast_in_dim3A_917 : vector<16xi1>, vector<16xi32>
    %add3A_919 = arith.addi %select_n3A_910, %select_n3A_918 : vector<16xi32>
    %ge3A_920 = arith.constant 98304 : i32
    %ge3A_921 = vector.broadcast %ge3A_920 : i32 to vector<16xi32>
    %ge3A_922 = arith.cmpi sge, %get3A_902, %ge3A_921 : vector<16xi32>
    %jit3A_923 = arith.constant 1 : i32
    %jit3A_924 = arith.constant 0 : i32
    %broadcast_in_dim3A_925 = vector.broadcast %jit3A_923 : i32 to vector<16xi32>
    %broadcast_in_dim3A_926 = vector.broadcast %jit3A_924 : i32 to vector<16xi32>
    %select_n3A_927 = arith.select %ge3A_922, %broadcast_in_dim3A_925, %broadcast_in_dim3A_926 : vector<16xi1>, vector<16xi32>
    %add3A_928 = arith.addi %add3A_919, %select_n3A_927 : vector<16xi32>
    %mul3A_929 = arith.constant 32768 : i32
    %mul3A_930 = vector.broadcast %mul3A_929 : i32 to vector<16xi32>
    %mul3A_931 = arith.muli %add3A_928, %mul3A_930 : vector<16xi32>
    %sub3A_932 = arith.subi %get3A_902, %mul3A_931 : vector<16xi32>
    %swap3A_933 = arith.constant 2 : i32
    %swap3A_934 = arith.index_cast %swap3A_933 : i32 to index
    %swap3A_935 = arith.constant 96 : index
    %swap3A_936 = tpu.vector_load %arg5[%swap3A_934, %swap3A_935] {strides = array<i32>} : memref<4x128xi32, #tpu.memory_space<vmem>>, vector<1x16xi32>,
    %swap3A_937 = vector.shape_cast %swap3A_936 : vector<1x16xi32> to vector<16xi32>
    %swap3A_938 = vector.shape_cast %sub3A_932 : vector<16xi32> to vector<1x16xi32>
    tpu.vector_store %arg5[%swap3A_934, %swap3A_935], %swap3A_938 {strides = array<i32>} : memref<4x128xi32, #tpu.memory_space<vmem>>, vector<1x16xi32>,
    %get3A_939 = arith.constant 2 : i32
    %get3A_940 = arith.index_cast %get3A_939 : i32 to index
    %get3A_941 = arith.constant 112 : index
    %get3A_942 = tpu.vector_load %arg5[%get3A_940, %get3A_941] {strides = array<i32>} : memref<4x128xi32, #tpu.memory_space<vmem>>, vector<1x16xi32>,
    %get3A_943 = vector.shape_cast %get3A_942 : vector<1x16xi32> to vector<16xi32>
    %ge3A_944 = arith.constant 32768 : i32
    %ge3A_945 = vector.broadcast %ge3A_944 : i32 to vector<16xi32>
    %ge3A_946 = arith.cmpi sge, %get3A_943, %ge3A_945 : vector<16xi32>
    %jit3A_947 = arith.constant 1 : i32
    %jit3A_948 = arith.constant 0 : i32
    %broadcast_in_dim3A_949 = vector.broadcast %jit3A_947 : i32 to vector<16xi32>
    %broadcast_in_dim3A_950 = vector.broadcast %jit3A_948 : i32 to vector<16xi32>
    %select_n3A_951 = arith.select %ge3A_946, %broadcast_in_dim3A_949, %broadcast_in_dim3A_950 : vector<16xi1>, vector<16xi32>
    %ge3A_952 = arith.constant 65536 : i32
    %ge3A_953 = vector.broadcast %ge3A_952 : i32 to vector<16xi32>
    %ge3A_954 = arith.cmpi sge, %get3A_943, %ge3A_953 : vector<16xi32>
    %jit3A_955 = arith.constant 1 : i32
    %jit3A_956 = arith.constant 0 : i32
    %broadcast_in_dim3A_957 = vector.broadcast %jit3A_955 : i32 to vector<16xi32>
    %broadcast_in_dim3A_958 = vector.broadcast %jit3A_956 : i32 to vector<16xi32>
    %select_n3A_959 = arith.select %ge3A_954, %broadcast_in_dim3A_957, %broadcast_in_dim3A_958 : vector<16xi1>, vector<16xi32>
    %add3A_960 = arith.addi %select_n3A_951, %select_n3A_959 : vector<16xi32>
    %ge3A_961 = arith.constant 98304 : i32
    %ge3A_962 = vector.broadcast %ge3A_961 : i32 to vector<16xi32>
    %ge3A_963 = arith.cmpi sge, %get3A_943, %ge3A_962 : vector<16xi32>
    %jit3A_964 = arith.constant 1 : i32
    %jit3A_965 = arith.constant 0 : i32
    %broadcast_in_dim3A_966 = vector.broadcast %jit3A_964 : i32 to vector<16xi32>
    %broadcast_in_dim3A_967 = vector.broadcast %jit3A_965 : i32 to vector<16xi32>
    %select_n3A_968 = arith.select %ge3A_963, %broadcast_in_dim3A_966, %broadcast_in_dim3A_967 : vector<16xi1>, vector<16xi32>
    %add3A_969 = arith.addi %add3A_960, %select_n3A_968 : vector<16xi32>
    %mul3A_970 = arith.constant 32768 : i32
    %mul3A_971 = vector.broadcast %mul3A_970 : i32 to vector<16xi32>
    %mul3A_972 = arith.muli %add3A_969, %mul3A_971 : vector<16xi32>
    %sub3A_973 = arith.subi %get3A_943, %mul3A_972 : vector<16xi32>
    %swap3A_974 = arith.constant 2 : i32
    %swap3A_975 = arith.index_cast %swap3A_974 : i32 to index
    %swap3A_976 = arith.constant 112 : index
    %swap3A_977 = tpu.vector_load %arg5[%swap3A_975, %swap3A_976] {strides = array<i32>} : memref<4x128xi32, #tpu.memory_space<vmem>>, vector<1x16xi32>,
    %swap3A_978 = vector.shape_cast %swap3A_977 : vector<1x16xi32> to vector<16xi32>
    %swap3A_979 = vector.shape_cast %sub3A_973 : vector<16xi32> to vector<1x16xi32>
    tpu.vector_store %arg5[%swap3A_975, %swap3A_976], %swap3A_979 {strides = array<i32>} : memref<4x128xi32, #tpu.memory_space<vmem>>, vector<1x16xi32>,
    %get3A_980 = arith.constant 3 : i32
    %get3A_981 = arith.index_cast %get3A_980 : i32 to index
    %get3A_982 = arith.constant 0 : index
    %get3A_983 = tpu.vector_load %arg5[%get3A_981, %get3A_982] {strides = array<i32>} : memref<4x128xi32, #tpu.memory_space<vmem>>, vector<1x16xi32>,
    %get3A_984 = vector.shape_cast %get3A_983 : vector<1x16xi32> to vector<16xi32>
    %ge3A_985 = arith.constant 32768 : i32
    %ge3A_986 = vector.broadcast %ge3A_985 : i32 to vector<16xi32>
    %ge3A_987 = arith.cmpi sge, %get3A_984, %ge3A_986 : vector<16xi32>
    %jit3A_988 = arith.constant 1 : i32
    %jit3A_989 = arith.constant 0 : i32
    %broadcast_in_dim3A_990 = vector.broadcast %jit3A_988 : i32 to vector<16xi32>
    %broadcast_in_dim3A_991 = vector.broadcast %jit3A_989 : i32 to vector<16xi32>
    %select_n3A_992 = arith.select %ge3A_987, %broadcast_in_dim3A_990, %broadcast_in_dim3A_991 : vector<16xi1>, vector<16xi32>
    %ge3A_993 = arith.constant 65536 : i32
    %ge3A_994 = vector.broadcast %ge3A_993 : i32 to vector<16xi32>
    %ge3A_995 = arith.cmpi sge, %get3A_984, %ge3A_994 : vector<16xi32>
    %jit3A_996 = arith.constant 1 : i32
    %jit3A_997 = arith.constant 0 : i32
    %broadcast_in_dim3A_998 = vector.broadcast %jit3A_996 : i32 to vector<16xi32>
    %broadcast_in_dim3A_999 = vector.broadcast %jit3A_997 : i32 to vector<16xi32>
    %select_n3A_1000 = arith.select %ge3A_995, %broadcast_in_dim3A_998, %broadcast_in_dim3A_999 : vector<16xi1>, vector<16xi32>
    %add3A_1001 = arith.addi %select_n3A_992, %select_n3A_1000 : vector<16xi32>
    %ge3A_1002 = arith.constant 98304 : i32
    %ge3A_1003 = vector.broadcast %ge3A_1002 : i32 to vector<16xi32>
    %ge3A_1004 = arith.cmpi sge, %get3A_984, %ge3A_1003 : vector<16xi32>
    %jit3A_1005 = arith.constant 1 : i32
    %jit3A_1006 = arith.constant 0 : i32
    %broadcast_in_dim3A_1007 = vector.broadcast %jit3A_1005 : i32 to vector<16xi32>
    %broadcast_in_dim3A_1008 = vector.broadcast %jit3A_1006 : i32 to vector<16xi32>
    %select_n3A_1009 = arith.select %ge3A_1004, %broadcast_in_dim3A_1007, %broadcast_in_dim3A_1008 : vector<16xi1>, vector<16xi32>
    %add3A_1010 = arith.addi %add3A_1001, %select_n3A_1009 : vector<16xi32>
    %mul3A_1011 = arith.constant 32768 : i32
    %mul3A_1012 = vector.broadcast %mul3A_1011 : i32 to vector<16xi32>
    %mul3A_1013 = arith.muli %add3A_1010, %mul3A_1012 : vector<16xi32>
    %sub3A_1014 = arith.subi %get3A_984, %mul3A_1013 : vector<16xi32>
    %swap3A_1015 = arith.constant 3 : i32
    %swap3A_1016 = arith.index_cast %swap3A_1015 : i32 to index
    %swap3A_1017 = arith.constant 0 : index
    %swap3A_1018 = tpu.vector_load %arg5[%swap3A_1016, %swap3A_1017] {strides = array<i32>} : memref<4x128xi32, #tpu.memory_space<vmem>>, vector<1x16xi32>,
    %swap3A_1019 = vector.shape_cast %swap3A_1018 : vector<1x16xi32> to vector<16xi32>
    %swap3A_1020 = vector.shape_cast %sub3A_1014 : vector<16xi32> to vector<1x16xi32>
    tpu.vector_store %arg5[%swap3A_1016, %swap3A_1017], %swap3A_1020 {strides = array<i32>} : memref<4x128xi32, #tpu.memory_space<vmem>>, vector<1x16xi32>,
    %get3A_1021 = arith.constant 3 : i32
    %get3A_1022 = arith.index_cast %get3A_1021 : i32 to index
    %get3A_1023 = arith.constant 16 : index
    %get3A_1024 = tpu.vector_load %arg5[%get3A_1022, %get3A_1023] {strides = array<i32>} : memref<4x128xi32, #tpu.memory_space<vmem>>, vector<1x16xi32>,
    %get3A_1025 = vector.shape_cast %get3A_1024 : vector<1x16xi32> to vector<16xi32>
    %ge3A_1026 = arith.constant 32768 : i32
    %ge3A_1027 = vector.broadcast %ge3A_1026 : i32 to vector<16xi32>
    %ge3A_1028 = arith.cmpi sge, %get3A_1025, %ge3A_1027 : vector<16xi32>
    %jit3A_1029 = arith.constant 1 : i32
    %jit3A_1030 = arith.constant 0 : i32
    %broadcast_in_dim3A_1031 = vector.broadcast %jit3A_1029 : i32 to vector<16xi32>
    %broadcast_in_dim3A_1032 = vector.broadcast %jit3A_1030 : i32 to vector<16xi32>
    %select_n3A_1033 = arith.select %ge3A_1028, %broadcast_in_dim3A_1031, %broadcast_in_dim3A_1032 : vector<16xi1>, vector<16xi32>
    %ge3A_1034 = arith.constant 65536 : i32
    %ge3A_1035 = vector.broadcast %ge3A_1034 : i32 to vector<16xi32>
    %ge3A_1036 = arith.cmpi sge, %get3A_1025, %ge3A_1035 : vector<16xi32>
    %jit3A_1037 = arith.constant 1 : i32
    %jit3A_1038 = arith.constant 0 : i32
    %broadcast_in_dim3A_1039 = vector.broadcast %jit3A_1037 : i32 to vector<16xi32>
    %broadcast_in_dim3A_1040 = vector.broadcast %jit3A_1038 : i32 to vector<16xi32>
    %select_n3A_1041 = arith.select %ge3A_1036, %broadcast_in_dim3A_1039, %broadcast_in_dim3A_1040 : vector<16xi1>, vector<16xi32>
    %add3A_1042 = arith.addi %select_n3A_1033, %select_n3A_1041 : vector<16xi32>
    %ge3A_1043 = arith.constant 98304 : i32
    %ge3A_1044 = vector.broadcast %ge3A_1043 : i32 to vector<16xi32>
    %ge3A_1045 = arith.cmpi sge, %get3A_1025, %ge3A_1044 : vector<16xi32>
    %jit3A_1046 = arith.constant 1 : i32
    %jit3A_1047 = arith.constant 0 : i32
    %broadcast_in_dim3A_1048 = vector.broadcast %jit3A_1046 : i32 to vector<16xi32>
    %broadcast_in_dim3A_1049 = vector.broadcast %jit3A_1047 : i32 to vector<16xi32>
    %select_n3A_1050 = arith.select %ge3A_1045, %broadcast_in_dim3A_1048, %broadcast_in_dim3A_1049 : vector<16xi1>, vector<16xi32>
    %add3A_1051 = arith.addi %add3A_1042, %select_n3A_1050 : vector<16xi32>
    %mul3A_1052 = arith.constant 32768 : i32
    %mul3A_1053 = vector.broadcast %mul3A_1052 : i32 to vector<16xi32>
    %mul3A_1054 = arith.muli %add3A_1051, %mul3A_1053 : vector<16xi32>
    %sub3A_1055 = arith.subi %get3A_1025, %mul3A_1054 : vector<16xi32>
    %swap3A_1056 = arith.constant 3 : i32
    %swap3A_1057 = arith.index_cast %swap3A_1056 : i32 to index
    %swap3A_1058 = arith.constant 16 : index
    %swap3A_1059 = tpu.vector_load %arg5[%swap3A_1057, %swap3A_1058] {strides = array<i32>} : memref<4x128xi32, #tpu.memory_space<vmem>>, vector<1x16xi32>,
    %swap3A_1060 = vector.shape_cast %swap3A_1059 : vector<1x16xi32> to vector<16xi32>
    %swap3A_1061 = vector.shape_cast %sub3A_1055 : vector<16xi32> to vector<1x16xi32>
    tpu.vector_store %arg5[%swap3A_1057, %swap3A_1058], %swap3A_1061 {strides = array<i32>} : memref<4x128xi32, #tpu.memory_space<vmem>>, vector<1x16xi32>,
    %get3A_1062 = arith.constant 3 : i32
    %get3A_1063 = arith.index_cast %get3A_1062 : i32 to index
    %get3A_1064 = arith.constant 32 : index
    %get3A_1065 = tpu.vector_load %arg5[%get3A_1063, %get3A_1064] {strides = array<i32>} : memref<4x128xi32, #tpu.memory_space<vmem>>, vector<1x16xi32>,
    %get3A_1066 = vector.shape_cast %get3A_1065 : vector<1x16xi32> to vector<16xi32>
    %ge3A_1067 = arith.constant 32768 : i32
    %ge3A_1068 = vector.broadcast %ge3A_1067 : i32 to vector<16xi32>
    %ge3A_1069 = arith.cmpi sge, %get3A_1066, %ge3A_1068 : vector<16xi32>
    %jit3A_1070 = arith.constant 1 : i32
    %jit3A_1071 = arith.constant 0 : i32
    %broadcast_in_dim3A_1072 = vector.broadcast %jit3A_1070 : i32 to vector<16xi32>
    %broadcast_in_dim3A_1073 = vector.broadcast %jit3A_1071 : i32 to vector<16xi32>
    %select_n3A_1074 = arith.select %ge3A_1069, %broadcast_in_dim3A_1072, %broadcast_in_dim3A_1073 : vector<16xi1>, vector<16xi32>
    %ge3A_1075 = arith.constant 65536 : i32
    %ge3A_1076 = vector.broadcast %ge3A_1075 : i32 to vector<16xi32>
    %ge3A_1077 = arith.cmpi sge, %get3A_1066, %ge3A_1076 : vector<16xi32>
    %jit3A_1078 = arith.constant 1 : i32
    %jit3A_1079 = arith.constant 0 : i32
    %broadcast_in_dim3A_1080 = vector.broadcast %jit3A_1078 : i32 to vector<16xi32>
    %broadcast_in_dim3A_1081 = vector.broadcast %jit3A_1079 : i32 to vector<16xi32>
    %select_n3A_1082 = arith.select %ge3A_1077, %broadcast_in_dim3A_1080, %broadcast_in_dim3A_1081 : vector<16xi1>, vector<16xi32>
    %add3A_1083 = arith.addi %select_n3A_1074, %select_n3A_1082 : vector<16xi32>
    %ge3A_1084 = arith.constant 98304 : i32
    %ge3A_1085 = vector.broadcast %ge3A_1084 : i32 to vector<16xi32>
    %ge3A_1086 = arith.cmpi sge, %get3A_1066, %ge3A_1085 : vector<16xi32>
    %jit3A_1087 = arith.constant 1 : i32
    %jit3A_1088 = arith.constant 0 : i32
    %broadcast_in_dim3A_1089 = vector.broadcast %jit3A_1087 : i32 to vector<16xi32>
    %broadcast_in_dim3A_1090 = vector.broadcast %jit3A_1088 : i32 to vector<16xi32>
    %select_n3A_1091 = arith.select %ge3A_1086, %broadcast_in_dim3A_1089, %broadcast_in_dim3A_1090 : vector<16xi1>, vector<16xi32>
    %add3A_1092 = arith.addi %add3A_1083, %select_n3A_1091 : vector<16xi32>
    %mul3A_1093 = arith.constant 32768 : i32
    %mul3A_1094 = vector.broadcast %mul3A_1093 : i32 to vector<16xi32>
    %mul3A_1095 = arith.muli %add3A_1092, %mul3A_1094 : vector<16xi32>
    %sub3A_1096 = arith.subi %get3A_1066, %mul3A_1095 : vector<16xi32>
    %swap3A_1097 = arith.constant 3 : i32
    %swap3A_1098 = arith.index_cast %swap3A_1097 : i32 to index
    %swap3A_1099 = arith.constant 32 : index
    %swap3A_1100 = tpu.vector_load %arg5[%swap3A_1098, %swap3A_1099] {strides = array<i32>} : memref<4x128xi32, #tpu.memory_space<vmem>>, vector<1x16xi32>,
    %swap3A_1101 = vector.shape_cast %swap3A_1100 : vector<1x16xi32> to vector<16xi32>
    %swap3A_1102 = vector.shape_cast %sub3A_1096 : vector<16xi32> to vector<1x16xi32>
    tpu.vector_store %arg5[%swap3A_1098, %swap3A_1099], %swap3A_1102 {strides = array<i32>} : memref<4x128xi32, #tpu.memory_space<vmem>>, vector<1x16xi32>,
    %get3A_1103 = arith.constant 3 : i32
    %get3A_1104 = arith.index_cast %get3A_1103 : i32 to index
    %get3A_1105 = arith.constant 48 : index
    %get3A_1106 = tpu.vector_load %arg5[%get3A_1104, %get3A_1105] {strides = array<i32>} : memref<4x128xi32, #tpu.memory_space<vmem>>, vector<1x16xi32>,
    %get3A_1107 = vector.shape_cast %get3A_1106 : vector<1x16xi32> to vector<16xi32>
    %ge3A_1108 = arith.constant 32768 : i32
    %ge3A_1109 = vector.broadcast %ge3A_1108 : i32 to vector<16xi32>
    %ge3A_1110 = arith.cmpi sge, %get3A_1107, %ge3A_1109 : vector<16xi32>
    %jit3A_1111 = arith.constant 1 : i32
    %jit3A_1112 = arith.constant 0 : i32
    %broadcast_in_dim3A_1113 = vector.broadcast %jit3A_1111 : i32 to vector<16xi32>
    %broadcast_in_dim3A_1114 = vector.broadcast %jit3A_1112 : i32 to vector<16xi32>
    %select_n3A_1115 = arith.select %ge3A_1110, %broadcast_in_dim3A_1113, %broadcast_in_dim3A_1114 : vector<16xi1>, vector<16xi32>
    %ge3A_1116 = arith.constant 65536 : i32
    %ge3A_1117 = vector.broadcast %ge3A_1116 : i32 to vector<16xi32>
    %ge3A_1118 = arith.cmpi sge, %get3A_1107, %ge3A_1117 : vector<16xi32>
    %jit3A_1119 = arith.constant 1 : i32
    %jit3A_1120 = arith.constant 0 : i32
    %broadcast_in_dim3A_1121 = vector.broadcast %jit3A_1119 : i32 to vector<16xi32>
    %broadcast_in_dim3A_1122 = vector.broadcast %jit3A_1120 : i32 to vector<16xi32>
    %select_n3A_1123 = arith.select %ge3A_1118, %broadcast_in_dim3A_1121, %broadcast_in_dim3A_1122 : vector<16xi1>, vector<16xi32>
    %add3A_1124 = arith.addi %select_n3A_1115, %select_n3A_1123 : vector<16xi32>
    %ge3A_1125 = arith.constant 98304 : i32
    %ge3A_1126 = vector.broadcast %ge3A_1125 : i32 to vector<16xi32>
    %ge3A_1127 = arith.cmpi sge, %get3A_1107, %ge3A_1126 : vector<16xi32>
    %jit3A_1128 = arith.constant 1 : i32
    %jit3A_1129 = arith.constant 0 : i32
    %broadcast_in_dim3A_1130 = vector.broadcast %jit3A_1128 : i32 to vector<16xi32>
    %broadcast_in_dim3A_1131 = vector.broadcast %jit3A_1129 : i32 to vector<16xi32>
    %select_n3A_1132 = arith.select %ge3A_1127, %broadcast_in_dim3A_1130, %broadcast_in_dim3A_1131 : vector<16xi1>, vector<16xi32>
    %add3A_1133 = arith.addi %add3A_1124, %select_n3A_1132 : vector<16xi32>
    %mul3A_1134 = arith.constant 32768 : i32
    %mul3A_1135 = vector.broadcast %mul3A_1134 : i32 to vector<16xi32>
    %mul3A_1136 = arith.muli %add3A_1133, %mul3A_1135 : vector<16xi32>
    %sub3A_1137 = arith.subi %get3A_1107, %mul3A_1136 : vector<16xi32>
    %swap3A_1138 = arith.constant 3 : i32
    %swap3A_1139 = arith.index_cast %swap3A_1138 : i32 to index
    %swap3A_1140 = arith.constant 48 : index
    %swap3A_1141 = tpu.vector_load %arg5[%swap3A_1139, %swap3A_1140] {strides = array<i32>} : memref<4x128xi32, #tpu.memory_space<vmem>>, vector<1x16xi32>,
    %swap3A_1142 = vector.shape_cast %swap3A_1141 : vector<1x16xi32> to vector<16xi32>
    %swap3A_1143 = vector.shape_cast %sub3A_1137 : vector<16xi32> to vector<1x16xi32>
    tpu.vector_store %arg5[%swap3A_1139, %swap3A_1140], %swap3A_1143 {strides = array<i32>} : memref<4x128xi32, #tpu.memory_space<vmem>>, vector<1x16xi32>,
    %get3A_1144 = arith.constant 3 : i32
    %get3A_1145 = arith.index_cast %get3A_1144 : i32 to index
    %get3A_1146 = arith.constant 64 : index
    %get3A_1147 = tpu.vector_load %arg5[%get3A_1145, %get3A_1146] {strides = array<i32>} : memref<4x128xi32, #tpu.memory_space<vmem>>, vector<1x16xi32>,
    %get3A_1148 = vector.shape_cast %get3A_1147 : vector<1x16xi32> to vector<16xi32>
    %ge3A_1149 = arith.constant 32768 : i32
    %ge3A_1150 = vector.broadcast %ge3A_1149 : i32 to vector<16xi32>
    %ge3A_1151 = arith.cmpi sge, %get3A_1148, %ge3A_1150 : vector<16xi32>
    %jit3A_1152 = arith.constant 1 : i32
    %jit3A_1153 = arith.constant 0 : i32
    %broadcast_in_dim3A_1154 = vector.broadcast %jit3A_1152 : i32 to vector<16xi32>
    %broadcast_in_dim3A_1155 = vector.broadcast %jit3A_1153 : i32 to vector<16xi32>
    %select_n3A_1156 = arith.select %ge3A_1151, %broadcast_in_dim3A_1154, %broadcast_in_dim3A_1155 : vector<16xi1>, vector<16xi32>
    %ge3A_1157 = arith.constant 65536 : i32
    %ge3A_1158 = vector.broadcast %ge3A_1157 : i32 to vector<16xi32>
    %ge3A_1159 = arith.cmpi sge, %get3A_1148, %ge3A_1158 : vector<16xi32>
    %jit3A_1160 = arith.constant 1 : i32
    %jit3A_1161 = arith.constant 0 : i32
    %broadcast_in_dim3A_1162 = vector.broadcast %jit3A_1160 : i32 to vector<16xi32>
    %broadcast_in_dim3A_1163 = vector.broadcast %jit3A_1161 : i32 to vector<16xi32>
    %select_n3A_1164 = arith.select %ge3A_1159, %broadcast_in_dim3A_1162, %broadcast_in_dim3A_1163 : vector<16xi1>, vector<16xi32>
    %add3A_1165 = arith.addi %select_n3A_1156, %select_n3A_1164 : vector<16xi32>
    %ge3A_1166 = arith.constant 98304 : i32
    %ge3A_1167 = vector.broadcast %ge3A_1166 : i32 to vector<16xi32>
    %ge3A_1168 = arith.cmpi sge, %get3A_1148, %ge3A_1167 : vector<16xi32>
    %jit3A_1169 = arith.constant 1 : i32
    %jit3A_1170 = arith.constant 0 : i32
    %broadcast_in_dim3A_1171 = vector.broadcast %jit3A_1169 : i32 to vector<16xi32>
    %broadcast_in_dim3A_1172 = vector.broadcast %jit3A_1170 : i32 to vector<16xi32>
    %select_n3A_1173 = arith.select %ge3A_1168, %broadcast_in_dim3A_1171, %broadcast_in_dim3A_1172 : vector<16xi1>, vector<16xi32>
    %add3A_1174 = arith.addi %add3A_1165, %select_n3A_1173 : vector<16xi32>
    %mul3A_1175 = arith.constant 32768 : i32
    %mul3A_1176 = vector.broadcast %mul3A_1175 : i32 to vector<16xi32>
    %mul3A_1177 = arith.muli %add3A_1174, %mul3A_1176 : vector<16xi32>
    %sub3A_1178 = arith.subi %get3A_1148, %mul3A_1177 : vector<16xi32>
    %swap3A_1179 = arith.constant 3 : i32
    %swap3A_1180 = arith.index_cast %swap3A_1179 : i32 to index
    %swap3A_1181 = arith.constant 64 : index
    %swap3A_1182 = tpu.vector_load %arg5[%swap3A_1180, %swap3A_1181] {strides = array<i32>} : memref<4x128xi32, #tpu.memory_space<vmem>>, vector<1x16xi32>,
    %swap3A_1183 = vector.shape_cast %swap3A_1182 : vector<1x16xi32> to vector<16xi32>
    %swap3A_1184 = vector.shape_cast %sub3A_1178 : vector<16xi32> to vector<1x16xi32>
    tpu.vector_store %arg5[%swap3A_1180, %swap3A_1181], %swap3A_1184 {strides = array<i32>} : memref<4x128xi32, #tpu.memory_space<vmem>>, vector<1x16xi32>,
    %get3A_1185 = arith.constant 3 : i32
    %get3A_1186 = arith.index_cast %get3A_1185 : i32 to index
    %get3A_1187 = arith.constant 80 : index
    %get3A_1188 = tpu.vector_load %arg5[%get3A_1186, %get3A_1187] {strides = array<i32>} : memref<4x128xi32, #tpu.memory_space<vmem>>, vector<1x16xi32>,
    %get3A_1189 = vector.shape_cast %get3A_1188 : vector<1x16xi32> to vector<16xi32>
    %ge3A_1190 = arith.constant 32768 : i32
    %ge3A_1191 = vector.broadcast %ge3A_1190 : i32 to vector<16xi32>
    %ge3A_1192 = arith.cmpi sge, %get3A_1189, %ge3A_1191 : vector<16xi32>
    %jit3A_1193 = arith.constant 1 : i32
    %jit3A_1194 = arith.constant 0 : i32
    %broadcast_in_dim3A_1195 = vector.broadcast %jit3A_1193 : i32 to vector<16xi32>
    %broadcast_in_dim3A_1196 = vector.broadcast %jit3A_1194 : i32 to vector<16xi32>
    %select_n3A_1197 = arith.select %ge3A_1192, %broadcast_in_dim3A_1195, %broadcast_in_dim3A_1196 : vector<16xi1>, vector<16xi32>
    %ge3A_1198 = arith.constant 65536 : i32
    %ge3A_1199 = vector.broadcast %ge3A_1198 : i32 to vector<16xi32>
    %ge3A_1200 = arith.cmpi sge, %get3A_1189, %ge3A_1199 : vector<16xi32>
    %jit3A_1201 = arith.constant 1 : i32
    %jit3A_1202 = arith.constant 0 : i32
    %broadcast_in_dim3A_1203 = vector.broadcast %jit3A_1201 : i32 to vector<16xi32>
    %broadcast_in_dim3A_1204 = vector.broadcast %jit3A_1202 : i32 to vector<16xi32>
    %select_n3A_1205 = arith.select %ge3A_1200, %broadcast_in_dim3A_1203, %broadcast_in_dim3A_1204 : vector<16xi1>, vector<16xi32>
    %add3A_1206 = arith.addi %select_n3A_1197, %select_n3A_1205 : vector<16xi32>
    %ge3A_1207 = arith.constant 98304 : i32
    %ge3A_1208 = vector.broadcast %ge3A_1207 : i32 to vector<16xi32>
    %ge3A_1209 = arith.cmpi sge, %get3A_1189, %ge3A_1208 : vector<16xi32>
    %jit3A_1210 = arith.constant 1 : i32
    %jit3A_1211 = arith.constant 0 : i32
    %broadcast_in_dim3A_1212 = vector.broadcast %jit3A_1210 : i32 to vector<16xi32>
    %broadcast_in_dim3A_1213 = vector.broadcast %jit3A_1211 : i32 to vector<16xi32>
    %select_n3A_1214 = arith.select %ge3A_1209, %broadcast_in_dim3A_1212, %broadcast_in_dim3A_1213 : vector<16xi1>, vector<16xi32>
    %add3A_1215 = arith.addi %add3A_1206, %select_n3A_1214 : vector<16xi32>
    %mul3A_1216 = arith.constant 32768 : i32
    %mul3A_1217 = vector.broadcast %mul3A_1216 : i32 to vector<16xi32>
    %mul3A_1218 = arith.muli %add3A_1215, %mul3A_1217 : vector<16xi32>
    %sub3A_1219 = arith.subi %get3A_1189, %mul3A_1218 : vector<16xi32>
    %swap3A_1220 = arith.constant 3 : i32
    %swap3A_1221 = arith.index_cast %swap3A_1220 : i32 to index
    %swap3A_1222 = arith.constant 80 : index
    %swap3A_1223 = tpu.vector_load %arg5[%swap3A_1221, %swap3A_1222] {strides = array<i32>} : memref<4x128xi32, #tpu.memory_space<vmem>>, vector<1x16xi32>,
    %swap3A_1224 = vector.shape_cast %swap3A_1223 : vector<1x16xi32> to vector<16xi32>
    %swap3A_1225 = vector.shape_cast %sub3A_1219 : vector<16xi32> to vector<1x16xi32>
    tpu.vector_store %arg5[%swap3A_1221, %swap3A_1222], %swap3A_1225 {strides = array<i32>} : memref<4x128xi32, #tpu.memory_space<vmem>>, vector<1x16xi32>,
    %get3A_1226 = arith.constant 3 : i32
    %get3A_1227 = arith.index_cast %get3A_1226 : i32 to index
    %get3A_1228 = arith.constant 96 : index
    %get3A_1229 = tpu.vector_load %arg5[%get3A_1227, %get3A_1228] {strides = array<i32>} : memref<4x128xi32, #tpu.memory_space<vmem>>, vector<1x16xi32>,
    %get3A_1230 = vector.shape_cast %get3A_1229 : vector<1x16xi32> to vector<16xi32>
    %ge3A_1231 = arith.constant 32768 : i32
    %ge3A_1232 = vector.broadcast %ge3A_1231 : i32 to vector<16xi32>
    %ge3A_1233 = arith.cmpi sge, %get3A_1230, %ge3A_1232 : vector<16xi32>
    %jit3A_1234 = arith.constant 1 : i32
    %jit3A_1235 = arith.constant 0 : i32
    %broadcast_in_dim3A_1236 = vector.broadcast %jit3A_1234 : i32 to vector<16xi32>
    %broadcast_in_dim3A_1237 = vector.broadcast %jit3A_1235 : i32 to vector<16xi32>
    %select_n3A_1238 = arith.select %ge3A_1233, %broadcast_in_dim3A_1236, %broadcast_in_dim3A_1237 : vector<16xi1>, vector<16xi32>
    %ge3A_1239 = arith.constant 65536 : i32
    %ge3A_1240 = vector.broadcast %ge3A_1239 : i32 to vector<16xi32>
    %ge3A_1241 = arith.cmpi sge, %get3A_1230, %ge3A_1240 : vector<16xi32>
    %jit3A_1242 = arith.constant 1 : i32
    %jit3A_1243 = arith.constant 0 : i32
    %broadcast_in_dim3A_1244 = vector.broadcast %jit3A_1242 : i32 to vector<16xi32>
    %broadcast_in_dim3A_1245 = vector.broadcast %jit3A_1243 : i32 to vector<16xi32>
    %select_n3A_1246 = arith.select %ge3A_1241, %broadcast_in_dim3A_1244, %broadcast_in_dim3A_1245 : vector<16xi1>, vector<16xi32>
    %add3A_1247 = arith.addi %select_n3A_1238, %select_n3A_1246 : vector<16xi32>
    %ge3A_1248 = arith.constant 98304 : i32
    %ge3A_1249 = vector.broadcast %ge3A_1248 : i32 to vector<16xi32>
    %ge3A_1250 = arith.cmpi sge, %get3A_1230, %ge3A_1249 : vector<16xi32>
    %jit3A_1251 = arith.constant 1 : i32
    %jit3A_1252 = arith.constant 0 : i32
    %broadcast_in_dim3A_1253 = vector.broadcast %jit3A_1251 : i32 to vector<16xi32>
    %broadcast_in_dim3A_1254 = vector.broadcast %jit3A_1252 : i32 to vector<16xi32>
    %select_n3A_1255 = arith.select %ge3A_1250, %broadcast_in_dim3A_1253, %broadcast_in_dim3A_1254 : vector<16xi1>, vector<16xi32>
    %add3A_1256 = arith.addi %add3A_1247, %select_n3A_1255 : vector<16xi32>
    %mul3A_1257 = arith.constant 32768 : i32
    %mul3A_1258 = vector.broadcast %mul3A_1257 : i32 to vector<16xi32>
    %mul3A_1259 = arith.muli %add3A_1256, %mul3A_1258 : vector<16xi32>
    %sub3A_1260 = arith.subi %get3A_1230, %mul3A_1259 : vector<16xi32>
    %swap3A_1261 = arith.constant 3 : i32
    %swap3A_1262 = arith.index_cast %swap3A_1261 : i32 to index
    %swap3A_1263 = arith.constant 96 : index
    %swap3A_1264 = tpu.vector_load %arg5[%swap3A_1262, %swap3A_1263] {strides = array<i32>} : memref<4x128xi32, #tpu.memory_space<vmem>>, vector<1x16xi32>,
    %swap3A_1265 = vector.shape_cast %swap3A_1264 : vector<1x16xi32> to vector<16xi32>
    %swap3A_1266 = vector.shape_cast %sub3A_1260 : vector<16xi32> to vector<1x16xi32>
    tpu.vector_store %arg5[%swap3A_1262, %swap3A_1263], %swap3A_1266 {strides = array<i32>} : memref<4x128xi32, #tpu.memory_space<vmem>>, vector<1x16xi32>,
    %get3A_1267 = arith.constant 3 : i32
    %get3A_1268 = arith.index_cast %get3A_1267 : i32 to index
    %get3A_1269 = arith.constant 112 : index
    %get3A_1270 = tpu.vector_load %arg5[%get3A_1268, %get3A_1269] {strides = array<i32>} : memref<4x128xi32, #tpu.memory_space<vmem>>, vector<1x16xi32>,
    %get3A_1271 = vector.shape_cast %get3A_1270 : vector<1x16xi32> to vector<16xi32>
    %ge3A_1272 = arith.constant 32768 : i32
    %ge3A_1273 = vector.broadcast %ge3A_1272 : i32 to vector<16xi32>
    %ge3A_1274 = arith.cmpi sge, %get3A_1271, %ge3A_1273 : vector<16xi32>
    %jit3A_1275 = arith.constant 1 : i32
    %jit3A_1276 = arith.constant 0 : i32
    %broadcast_in_dim3A_1277 = vector.broadcast %jit3A_1275 : i32 to vector<16xi32>
    %broadcast_in_dim3A_1278 = vector.broadcast %jit3A_1276 : i32 to vector<16xi32>
    %select_n3A_1279 = arith.select %ge3A_1274, %broadcast_in_dim3A_1277, %broadcast_in_dim3A_1278 : vector<16xi1>, vector<16xi32>
    %ge3A_1280 = arith.constant 65536 : i32
    %ge3A_1281 = vector.broadcast %ge3A_1280 : i32 to vector<16xi32>
    %ge3A_1282 = arith.cmpi sge, %get3A_1271, %ge3A_1281 : vector<16xi32>
    %jit3A_1283 = arith.constant 1 : i32
    %jit3A_1284 = arith.constant 0 : i32
    %broadcast_in_dim3A_1285 = vector.broadcast %jit3A_1283 : i32 to vector<16xi32>
    %broadcast_in_dim3A_1286 = vector.broadcast %jit3A_1284 : i32 to vector<16xi32>
    %select_n3A_1287 = arith.select %ge3A_1282, %broadcast_in_dim3A_1285, %broadcast_in_dim3A_1286 : vector<16xi1>, vector<16xi32>
    %add3A_1288 = arith.addi %select_n3A_1279, %select_n3A_1287 : vector<16xi32>
    %ge3A_1289 = arith.constant 98304 : i32
    %ge3A_1290 = vector.broadcast %ge3A_1289 : i32 to vector<16xi32>
    %ge3A_1291 = arith.cmpi sge, %get3A_1271, %ge3A_1290 : vector<16xi32>
    %jit3A_1292 = arith.constant 1 : i32
    %jit3A_1293 = arith.constant 0 : i32
    %broadcast_in_dim3A_1294 = vector.broadcast %jit3A_1292 : i32 to vector<16xi32>
    %broadcast_in_dim3A_1295 = vector.broadcast %jit3A_1293 : i32 to vector<16xi32>
    %select_n3A_1296 = arith.select %ge3A_1291, %broadcast_in_dim3A_1294, %broadcast_in_dim3A_1295 : vector<16xi1>, vector<16xi32>
    %add3A_1297 = arith.addi %add3A_1288, %select_n3A_1296 : vector<16xi32>
    %mul3A_1298 = arith.constant 32768 : i32
    %mul3A_1299 = vector.broadcast %mul3A_1298 : i32 to vector<16xi32>
    %mul3A_1300 = arith.muli %add3A_1297, %mul3A_1299 : vector<16xi32>
    %sub3A_1301 = arith.subi %get3A_1271, %mul3A_1300 : vector<16xi32>
    %swap3A_1302 = arith.constant 3 : i32
    %swap3A_1303 = arith.index_cast %swap3A_1302 : i32 to index
    %swap3A_1304 = arith.constant 112 : index
    %swap3A_1305 = tpu.vector_load %arg5[%swap3A_1303, %swap3A_1304] {strides = array<i32>} : memref<4x128xi32, #tpu.memory_space<vmem>>, vector<1x16xi32>,
    %swap3A_1306 = vector.shape_cast %swap3A_1305 : vector<1x16xi32> to vector<16xi32>
    %swap3A_1307 = vector.shape_cast %sub3A_1301 : vector<16xi32> to vector<1x16xi32>
    tpu.vector_store %arg5[%swap3A_1303, %swap3A_1304], %swap3A_1307 {strides = array<i32>} : memref<4x128xi32, #tpu.memory_space<vmem>>, vector<1x16xi32>,
    %dma_start3A = arith.constant 0 : i32
    %dma_start3A_1308 = arith.constant 0 : i32
    %dma_start3A_1309 = tpu.memref_slice %arg5[%dma_start3A, %dma_start3A_1308] : memref<4x128xi32, #tpu.memory_space<vmem>> -> memref<1x128xi32, #tpu.memory_space<vmem>>
    %dma_start3A_1310 = tpu.memref_squeeze %dma_start3A_1309 : memref<1x128xi32, #tpu.memory_space<vmem>> -> memref<128xi32, #tpu.memory_space<vmem>>
    %dma_start3A_1311 = arith.constant 0 : i32
    %dma_start3A_1312 = arith.constant 0 : i32
    %dma_start3A_1313 = tpu.memref_slice %arg2[%dma_start3A_1311, %dma_start3A_1312] : memref<32768x128xf32, #tpu.memory_space<hbm>> -> memref<32768x128xf32, #tpu.memory_space<hbm>>
    tpu.enqueue_indirect_dma source(%dma_start3A_1313 : memref<32768x128xf32, #tpu.memory_space<hbm>>) target(%arg6 : memref<128x128xf32, #tpu.memory_space<vmem>>) offsets(%dma_start3A_1310 : memref<128xi32, #tpu.memory_space<vmem>>) semaphore(%arg10 : memref<!tpu.dma_semaphore, #tpu.memory_space<semaphore_mem>>)
    %dma_start3A_1314 = arith.constant 1 : i32
    %dma_start3A_1315 = arith.constant 0 : i32
    %dma_start3A_1316 = tpu.memref_slice %arg5[%dma_start3A_1314, %dma_start3A_1315] : memref<4x128xi32, #tpu.memory_space<vmem>> -> memref<1x128xi32, #tpu.memory_space<vmem>>
    %dma_start3A_1317 = tpu.memref_squeeze %dma_start3A_1316 : memref<1x128xi32, #tpu.memory_space<vmem>> -> memref<128xi32, #tpu.memory_space<vmem>>
    %dma_start3A_1318 = arith.constant 0 : i32
    %dma_start3A_1319 = arith.constant 0 : i32
    %dma_start3A_1320 = tpu.memref_slice %arg2[%dma_start3A_1318, %dma_start3A_1319] : memref<32768x128xf32, #tpu.memory_space<hbm>> -> memref<32768x128xf32, #tpu.memory_space<hbm>>
    tpu.enqueue_indirect_dma source(%dma_start3A_1320 : memref<32768x128xf32, #tpu.memory_space<hbm>>) target(%arg7 : memref<128x128xf32, #tpu.memory_space<vmem>>) offsets(%dma_start3A_1317 : memref<128xi32, #tpu.memory_space<vmem>>) semaphore(%arg10 : memref<!tpu.dma_semaphore, #tpu.memory_space<semaphore_mem>>)
    %dma_start3A_1321 = arith.constant 2 : i32
    %dma_start3A_1322 = arith.constant 0 : i32
    %dma_start3A_1323 = tpu.memref_slice %arg5[%dma_start3A_1321, %dma_start3A_1322] : memref<4x128xi32, #tpu.memory_space<vmem>> -> memref<1x128xi32, #tpu.memory_space<vmem>>
    %dma_start3A_1324 = tpu.memref_squeeze %dma_start3A_1323 : memref<1x128xi32, #tpu.memory_space<vmem>> -> memref<128xi32, #tpu.memory_space<vmem>>
    %dma_start3A_1325 = arith.constant 0 : i32
    %dma_start3A_1326 = arith.constant 0 : i32
    %dma_start3A_1327 = tpu.memref_slice %arg2[%dma_start3A_1325, %dma_start3A_1326] : memref<32768x128xf32, #tpu.memory_space<hbm>> -> memref<32768x128xf32, #tpu.memory_space<hbm>>
    tpu.enqueue_indirect_dma source(%dma_start3A_1327 : memref<32768x128xf32, #tpu.memory_space<hbm>>) target(%arg8 : memref<128x128xf32, #tpu.memory_space<vmem>>) offsets(%dma_start3A_1324 : memref<128xi32, #tpu.memory_space<vmem>>) semaphore(%arg10 : memref<!tpu.dma_semaphore, #tpu.memory_space<semaphore_mem>>)
    %dma_start3A_1328 = arith.constant 3 : i32
    %dma_start3A_1329 = arith.constant 0 : i32
    %dma_start3A_1330 = tpu.memref_slice %arg5[%dma_start3A_1328, %dma_start3A_1329] : memref<4x128xi32, #tpu.memory_space<vmem>> -> memref<1x128xi32, #tpu.memory_space<vmem>>
    %dma_start3A_1331 = tpu.memref_squeeze %dma_start3A_1330 : memref<1x128xi32, #tpu.memory_space<vmem>> -> memref<128xi32, #tpu.memory_space<vmem>>
    %dma_start3A_1332 = arith.constant 0 : i32
    %dma_start3A_1333 = arith.constant 0 : i32
    %dma_start3A_1334 = tpu.memref_slice %arg2[%dma_start3A_1332, %dma_start3A_1333] : memref<32768x128xf32, #tpu.memory_space<hbm>> -> memref<32768x128xf32, #tpu.memory_space<hbm>>
    tpu.enqueue_indirect_dma source(%dma_start3A_1334 : memref<32768x128xf32, #tpu.memory_space<hbm>>) target(%arg9 : memref<128x128xf32, #tpu.memory_space<vmem>>) offsets(%dma_start3A_1331 : memref<128xi32, #tpu.memory_space<vmem>>) semaphore(%arg10 : memref<!tpu.dma_semaphore, #tpu.memory_space<semaphore_mem>>)
    %dma_wait3A = arith.constant 0 : i32
    %dma_wait3A_1335 = arith.constant 0 : i32
    %dma_wait3A_1336 = tpu.memref_slice %arg5[%dma_wait3A, %dma_wait3A_1335] : memref<4x128xi32, #tpu.memory_space<vmem>> -> memref<1x128xi32, #tpu.memory_space<vmem>>
    %dma_wait3A_1337 = tpu.memref_squeeze %dma_wait3A_1336 : memref<1x128xi32, #tpu.memory_space<vmem>> -> memref<128xi32, #tpu.memory_space<vmem>>
    %dma_wait3A_1338 = arith.constant 0 : i32
    %dma_wait3A_1339 = arith.constant 0 : i32
    %dma_wait3A_1340 = tpu.memref_slice %arg2[%dma_wait3A_1338, %dma_wait3A_1339] : memref<32768x128xf32, #tpu.memory_space<hbm>> -> memref<32768x128xf32, #tpu.memory_space<hbm>>
    tpu.wait_indirect_dma semaphore(%arg10 : memref<!tpu.dma_semaphore, #tpu.memory_space<semaphore_mem>>) src(%dma_wait3A_1340 : memref<32768x128xf32, #tpu.memory_space<hbm>>) dst(%arg6 : memref<128x128xf32, #tpu.memory_space<vmem>>)
    %add3A_1341 = arith.constant 0 : i32
    %add3A_1342 = arith.addi %mul3A_2, %add3A_1341 : i32
    %dma_start3A_1343 = arith.constant 0 : i32
    %dma_start3A_1344 = tpu.memref_slice %arg4[%add3A_1342, %dma_start3A_1343] : memref<16384x128xf32, #tpu.memory_space<hbm>> -> memref<128x128xf32, #tpu.memory_space<hbm>>
    %dma_start3A_1345 = arith.constant 0 : i32
    %dma_start3A_1346 = tpu.memref_slice %arg4[%add3A_1342, %dma_start3A_1345] : memref<16384x128xf32, #tpu.memory_space<hbm>> -> memref<128x128xf32, #tpu.memory_space<hbm>>
    tpu.enqueue_dma source(%arg6 : memref<128x128xf32, #tpu.memory_space<vmem>>) target(%dma_start3A_1346 : memref<128x128xf32, #tpu.memory_space<hbm>>) target_semaphore(%arg11 : memref<!tpu.dma_semaphore, #tpu.memory_space<semaphore_mem>>)
    %dma_wait3A_1347 = arith.constant 1 : i32
    %dma_wait3A_1348 = arith.constant 0 : i32
    %dma_wait3A_1349 = tpu.memref_slice %arg5[%dma_wait3A_1347, %dma_wait3A_1348] : memref<4x128xi32, #tpu.memory_space<vmem>> -> memref<1x128xi32, #tpu.memory_space<vmem>>
    %dma_wait3A_1350 = tpu.memref_squeeze %dma_wait3A_1349 : memref<1x128xi32, #tpu.memory_space<vmem>> -> memref<128xi32, #tpu.memory_space<vmem>>
    %dma_wait3A_1351 = arith.constant 0 : i32
    %dma_wait3A_1352 = arith.constant 0 : i32
    %dma_wait3A_1353 = tpu.memref_slice %arg2[%dma_wait3A_1351, %dma_wait3A_1352] : memref<32768x128xf32, #tpu.memory_space<hbm>> -> memref<32768x128xf32, #tpu.memory_space<hbm>>
    tpu.wait_indirect_dma semaphore(%arg10 : memref<!tpu.dma_semaphore, #tpu.memory_space<semaphore_mem>>) src(%dma_wait3A_1353 : memref<32768x128xf32, #tpu.memory_space<hbm>>) dst(%arg7 : memref<128x128xf32, #tpu.memory_space<vmem>>)
    %add3A_1354 = arith.constant 128 : i32
    %add3A_1355 = arith.addi %mul3A_2, %add3A_1354 : i32
    %dma_start3A_1356 = arith.constant 0 : i32
    %dma_start3A_1357 = tpu.memref_slice %arg4[%add3A_1355, %dma_start3A_1356] : memref<16384x128xf32, #tpu.memory_space<hbm>> -> memref<128x128xf32, #tpu.memory_space<hbm>>
    %dma_start3A_1358 = arith.constant 0 : i32
    %dma_start3A_1359 = tpu.memref_slice %arg4[%add3A_1355, %dma_start3A_1358] : memref<16384x128xf32, #tpu.memory_space<hbm>> -> memref<128x128xf32, #tpu.memory_space<hbm>>
    tpu.enqueue_dma source(%arg7 : memref<128x128xf32, #tpu.memory_space<vmem>>) target(%dma_start3A_1359 : memref<128x128xf32, #tpu.memory_space<hbm>>) target_semaphore(%arg11 : memref<!tpu.dma_semaphore, #tpu.memory_space<semaphore_mem>>)
    %dma_wait3A_1360 = arith.constant 2 : i32
    %dma_wait3A_1361 = arith.constant 0 : i32
    %dma_wait3A_1362 = tpu.memref_slice %arg5[%dma_wait3A_1360, %dma_wait3A_1361] : memref<4x128xi32, #tpu.memory_space<vmem>> -> memref<1x128xi32, #tpu.memory_space<vmem>>
    %dma_wait3A_1363 = tpu.memref_squeeze %dma_wait3A_1362 : memref<1x128xi32, #tpu.memory_space<vmem>> -> memref<128xi32, #tpu.memory_space<vmem>>
    %dma_wait3A_1364 = arith.constant 0 : i32
    %dma_wait3A_1365 = arith.constant 0 : i32
    %dma_wait3A_1366 = tpu.memref_slice %arg2[%dma_wait3A_1364, %dma_wait3A_1365] : memref<32768x128xf32, #tpu.memory_space<hbm>> -> memref<32768x128xf32, #tpu.memory_space<hbm>>
    tpu.wait_indirect_dma semaphore(%arg10 : memref<!tpu.dma_semaphore, #tpu.memory_space<semaphore_mem>>) src(%dma_wait3A_1366 : memref<32768x128xf32, #tpu.memory_space<hbm>>) dst(%arg8 : memref<128x128xf32, #tpu.memory_space<vmem>>)
    %add3A_1367 = arith.constant 256 : i32
    %add3A_1368 = arith.addi %mul3A_2, %add3A_1367 : i32
    %dma_start3A_1369 = arith.constant 0 : i32
    %dma_start3A_1370 = tpu.memref_slice %arg4[%add3A_1368, %dma_start3A_1369] : memref<16384x128xf32, #tpu.memory_space<hbm>> -> memref<128x128xf32, #tpu.memory_space<hbm>>
    %dma_start3A_1371 = arith.constant 0 : i32
    %dma_start3A_1372 = tpu.memref_slice %arg4[%add3A_1368, %dma_start3A_1371] : memref<16384x128xf32, #tpu.memory_space<hbm>> -> memref<128x128xf32, #tpu.memory_space<hbm>>
    tpu.enqueue_dma source(%arg8 : memref<128x128xf32, #tpu.memory_space<vmem>>) target(%dma_start3A_1372 : memref<128x128xf32, #tpu.memory_space<hbm>>) target_semaphore(%arg11 : memref<!tpu.dma_semaphore, #tpu.memory_space<semaphore_mem>>)
    %dma_wait3A_1373 = arith.constant 3 : i32
    %dma_wait3A_1374 = arith.constant 0 : i32
    %dma_wait3A_1375 = tpu.memref_slice %arg5[%dma_wait3A_1373, %dma_wait3A_1374] : memref<4x128xi32, #tpu.memory_space<vmem>> -> memref<1x128xi32, #tpu.memory_space<vmem>>
    %dma_wait3A_1376 = tpu.memref_squeeze %dma_wait3A_1375 : memref<1x128xi32, #tpu.memory_space<vmem>> -> memref<128xi32, #tpu.memory_space<vmem>>
    %dma_wait3A_1377 = arith.constant 0 : i32
    %dma_wait3A_1378 = arith.constant 0 : i32
    %dma_wait3A_1379 = tpu.memref_slice %arg2[%dma_wait3A_1377, %dma_wait3A_1378] : memref<32768x128xf32, #tpu.memory_space<hbm>> -> memref<32768x128xf32, #tpu.memory_space<hbm>>
    tpu.wait_indirect_dma semaphore(%arg10 : memref<!tpu.dma_semaphore, #tpu.memory_space<semaphore_mem>>) src(%dma_wait3A_1379 : memref<32768x128xf32, #tpu.memory_space<hbm>>) dst(%arg9 : memref<128x128xf32, #tpu.memory_space<vmem>>)
    %add3A_1380 = arith.constant 384 : i32
    %add3A_1381 = arith.addi %mul3A_2, %add3A_1380 : i32
    %dma_start3A_1382 = arith.constant 0 : i32
    %dma_start3A_1383 = tpu.memref_slice %arg4[%add3A_1381, %dma_start3A_1382] : memref<16384x128xf32, #tpu.memory_space<hbm>> -> memref<128x128xf32, #tpu.memory_space<hbm>>
    %dma_start3A_1384 = arith.constant 0 : i32
    %dma_start3A_1385 = tpu.memref_slice %arg4[%add3A_1381, %dma_start3A_1384] : memref<16384x128xf32, #tpu.memory_space<hbm>> -> memref<128x128xf32, #tpu.memory_space<hbm>>
    tpu.enqueue_dma source(%arg9 : memref<128x128xf32, #tpu.memory_space<vmem>>) target(%dma_start3A_1385 : memref<128x128xf32, #tpu.memory_space<hbm>>) target_semaphore(%arg11 : memref<!tpu.dma_semaphore, #tpu.memory_space<semaphore_mem>>)
    %dma_wait3A_1386 = arith.constant 0 : i32
    %dma_wait3A_1387 = tpu.memref_slice %arg4[%add3A_1342, %dma_wait3A_1386] : memref<16384x128xf32, #tpu.memory_space<hbm>> -> memref<128x128xf32, #tpu.memory_space<hbm>>
    %dma_wait3A_1388 = arith.constant 0 : i32
    %dma_wait3A_1389 = tpu.memref_slice %arg4[%add3A_1342, %dma_wait3A_1388] : memref<16384x128xf32, #tpu.memory_space<hbm>> -> memref<128x128xf32, #tpu.memory_space<hbm>>
    tpu.wait_dma2 semaphore(%arg11 : memref<!tpu.dma_semaphore, #tpu.memory_space<semaphore_mem>>) src(%arg6 : memref<128x128xf32, #tpu.memory_space<vmem>>) dst(%dma_wait3A_1389 : memref<128x128xf32, #tpu.memory_space<hbm>>)
    %dma_wait3A_1390 = arith.constant 0 : i32
    %dma_wait3A_1391 = tpu.memref_slice %arg4[%add3A_1355, %dma_wait3A_1390] : memref<16384x128xf32, #tpu.memory_space<hbm>> -> memref<128x128xf32, #tpu.memory_space<hbm>>
    %dma_wait3A_1392 = arith.constant 0 : i32
    %dma_wait3A_1393 = tpu.memref_slice %arg4[%add3A_1355, %dma_wait3A_1392] : memref<16384x128xf32, #tpu.memory_space<hbm>> -> memref<128x128xf32, #tpu.memory_space<hbm>>
    tpu.wait_dma2 semaphore(%arg11 : memref<!tpu.dma_semaphore, #tpu.memory_space<semaphore_mem>>) src(%arg7 : memref<128x128xf32, #tpu.memory_space<vmem>>) dst(%dma_wait3A_1393 : memref<128x128xf32, #tpu.memory_space<hbm>>)
    %dma_wait3A_1394 = arith.constant 0 : i32
    %dma_wait3A_1395 = tpu.memref_slice %arg4[%add3A_1368, %dma_wait3A_1394] : memref<16384x128xf32, #tpu.memory_space<hbm>> -> memref<128x128xf32, #tpu.memory_space<hbm>>
    %dma_wait3A_1396 = arith.constant 0 : i32
    %dma_wait3A_1397 = tpu.memref_slice %arg4[%add3A_1368, %dma_wait3A_1396] : memref<16384x128xf32, #tpu.memory_space<hbm>> -> memref<128x128xf32, #tpu.memory_space<hbm>>
    tpu.wait_dma2 semaphore(%arg11 : memref<!tpu.dma_semaphore, #tpu.memory_space<semaphore_mem>>) src(%arg8 : memref<128x128xf32, #tpu.memory_space<vmem>>) dst(%dma_wait3A_1397 : memref<128x128xf32, #tpu.memory_space<hbm>>)
    %dma_wait3A_1398 = arith.constant 0 : i32
    %dma_wait3A_1399 = tpu.memref_slice %arg4[%add3A_1381, %dma_wait3A_1398] : memref<16384x128xf32, #tpu.memory_space<hbm>> -> memref<128x128xf32, #tpu.memory_space<hbm>>
    %dma_wait3A_1400 = arith.constant 0 : i32
    %dma_wait3A_1401 = tpu.memref_slice %arg4[%add3A_1381, %dma_wait3A_1400] : memref<16384x128xf32, #tpu.memory_space<hbm>> -> memref<128x128xf32, #tpu.memory_space<hbm>>
    tpu.wait_dma2 semaphore(%arg11 : memref<!tpu.dma_semaphore, #tpu.memory_space<semaphore_mem>>) src(%arg9 : memref<128x128xf32, #tpu.memory_space<vmem>>) dst(%dma_wait3A_1401 : memref<128x128xf32, #tpu.memory_space<hbm>>)
    return
  }
}

#map = affine_map<(d0, d1) -> (0, 0)>
#map1 = affine_map<(d0, d1) -> (0, 0, 0)>
module attributes {stable_mosaic.version = 14 : i64} {
  func.func @body(%arg0: i32, %arg1: i32, %arg2: memref<253952x128xf32, #tpu.memory_space<hbm>>, %arg3: memref<32x4x128xi32, #tpu.memory_space<hbm>>, %arg4: memref<16384x128xf32, #tpu.memory_space<hbm>>, %arg5: memref<4x128xi32, #tpu.memory_space<vmem>>, %arg6: memref<128x128xf32, #tpu.memory_space<vmem>>, %arg7: memref<128x128xf32, #tpu.memory_space<vmem>>, %arg8: memref<128x128xf32, #tpu.memory_space<vmem>>, %arg9: memref<128x128xf32, #tpu.memory_space<vmem>>, %arg10: memref<!tpu.dma_semaphore, #tpu.memory_space<semaphore_mem>>, %arg11: memref<!tpu.dma_semaphore, #tpu.memory_space<semaphore_mem>>) attributes {dimension_semantics = [#tpu.dimension_semantics<core_parallel>, #tpu.dimension_semantics<subcore_parallel>], iteration_bounds = array<i64: 2, 16>, scalar_prefetch = 0 : i64, scratch_operands = 7 : i64, tpu.core_type = #tpu.core_type<sc_vector_subcore>, window_params = [{transform_indices = #map}, {transform_indices = #map1}, {transform_indices = #map}]} {
    %mul3A = arith.constant 2 : i32
    %mul3A_0 = arith.muli %arg1, %mul3A : i32
    %add3A = arith.addi %mul3A_0, %arg0 : i32
    %mul3A_1 = arith.constant 512 : i32
    %mul3A_2 = arith.muli %add3A, %mul3A_1 : i32
    "tpu.region"() ({
      %run_scoped3A = tpu.sem_alloc : memref<!tpu.dma_semaphore, #tpu.memory_space<semaphore_mem>>
      %dma_start3A_1402 = arith.constant 0 : i32
      %dma_start3A_1403 = arith.constant 0 : i32
      %dma_start3A_1404 = tpu.memref_slice %arg3[%add3A, %dma_start3A_1402, %dma_start3A_1403] : memref<32x4x128xi32, #tpu.memory_space<hbm>> -> memref<1x4x128xi32, #tpu.memory_space<hbm>>
      %dma_start3A_1405 = tpu.memref_squeeze %dma_start3A_1404 : memref<1x4x128xi32, #tpu.memory_space<hbm>> -> memref<4x128xi32, #tpu.memory_space<hbm>>
      %dma_start3A_1406 = arith.constant 0 : i32
      %dma_start3A_1407 = arith.constant 0 : i32
      %dma_start3A_1408 = tpu.memref_slice %arg3[%add3A, %dma_start3A_1406, %dma_start3A_1407] : memref<32x4x128xi32, #tpu.memory_space<hbm>> -> memref<1x4x128xi32, #tpu.memory_space<hbm>>
      %dma_start3A_1409 = tpu.memref_squeeze %dma_start3A_1408 : memref<1x4x128xi32, #tpu.memory_space<hbm>> -> memref<4x128xi32, #tpu.memory_space<hbm>>
      tpu.enqueue_dma source(%dma_start3A_1409 : memref<4x128xi32, #tpu.memory_space<hbm>>) target(%arg5 : memref<4x128xi32, #tpu.memory_space<vmem>>) target_semaphore(%run_scoped3A : memref<!tpu.dma_semaphore, #tpu.memory_space<semaphore_mem>>)
      %dma_wait3A_1410 = arith.constant 0 : i32
      %dma_wait3A_1411 = arith.constant 0 : i32
      %dma_wait3A_1412 = tpu.memref_slice %arg3[%add3A, %dma_wait3A_1410, %dma_wait3A_1411] : memref<32x4x128xi32, #tpu.memory_space<hbm>> -> memref<1x4x128xi32, #tpu.memory_space<hbm>>
      %dma_wait3A_1413 = tpu.memref_squeeze %dma_wait3A_1412 : memref<1x4x128xi32, #tpu.memory_space<hbm>> -> memref<4x128xi32, #tpu.memory_space<hbm>>
      %dma_wait3A_1414 = arith.constant 0 : i32
      %dma_wait3A_1415 = arith.constant 0 : i32
      %dma_wait3A_1416 = tpu.memref_slice %arg3[%add3A, %dma_wait3A_1414, %dma_wait3A_1415] : memref<32x4x128xi32, #tpu.memory_space<hbm>> -> memref<1x4x128xi32, #tpu.memory_space<hbm>>
      %dma_wait3A_1417 = tpu.memref_squeeze %dma_wait3A_1416 : memref<1x4x128xi32, #tpu.memory_space<hbm>> -> memref<4x128xi32, #tpu.memory_space<hbm>>
      tpu.wait_dma2 semaphore(%run_scoped3A : memref<!tpu.dma_semaphore, #tpu.memory_space<semaphore_mem>>) src(%dma_wait3A_1417 : memref<4x128xi32, #tpu.memory_space<hbm>>) dst(%arg5 : memref<4x128xi32, #tpu.memory_space<vmem>>)
      tpu.yield
    }) : () -> ()
    %get3A = arith.constant 0 : i32
    %get3A_3 = arith.index_cast %get3A : i32 to index
    %get3A_4 = arith.constant 0 : index
    %get3A_5 = tpu.vector_load %arg5[%get3A_3, %get3A_4] {strides = array<i32>} : memref<4x128xi32, #tpu.memory_space<vmem>>, vector<1x16xi32>,
    %get3A_6 = vector.shape_cast %get3A_5 : vector<1x16xi32> to vector<16xi32>
    %ge3A = arith.constant 253952 : i32
    %ge3A_7 = vector.broadcast %ge3A : i32 to vector<16xi32>
    %ge3A_8 = arith.cmpi sge, %get3A_6, %ge3A_7 : vector<16xi32>
    %jit3A = arith.constant 1 : i32
    %jit3A_9 = arith.constant 0 : i32
    %broadcast_in_dim3A = vector.broadcast %jit3A : i32 to vector<16xi32>
    %broadcast_in_dim3A_10 = vector.broadcast %jit3A_9 : i32 to vector<16xi32>
    %select_n3A = arith.select %ge3A_8, %broadcast_in_dim3A, %broadcast_in_dim3A_10 : vector<16xi1>, vector<16xi32>
    %ge3A_11 = arith.constant 507904 : i32
    %ge3A_12 = vector.broadcast %ge3A_11 : i32 to vector<16xi32>
    %ge3A_13 = arith.cmpi sge, %get3A_6, %ge3A_12 : vector<16xi32>
    %jit3A_14 = arith.constant 1 : i32
    %jit3A_15 = arith.constant 0 : i32
    %broadcast_in_dim3A_16 = vector.broadcast %jit3A_14 : i32 to vector<16xi32>
    %broadcast_in_dim3A_17 = vector.broadcast %jit3A_15 : i32 to vector<16xi32>
    %select_n3A_18 = arith.select %ge3A_13, %broadcast_in_dim3A_16, %broadcast_in_dim3A_17 : vector<16xi1>, vector<16xi32>
    %add3A_19 = arith.addi %select_n3A, %select_n3A_18 : vector<16xi32>
    %ge3A_20 = arith.constant 761856 : i32
    %ge3A_21 = vector.broadcast %ge3A_20 : i32 to vector<16xi32>
    %ge3A_22 = arith.cmpi sge, %get3A_6, %ge3A_21 : vector<16xi32>
    %jit3A_23 = arith.constant 1 : i32
    %jit3A_24 = arith.constant 0 : i32
    %broadcast_in_dim3A_25 = vector.broadcast %jit3A_23 : i32 to vector<16xi32>
    %broadcast_in_dim3A_26 = vector.broadcast %jit3A_24 : i32 to vector<16xi32>
    %select_n3A_27 = arith.select %ge3A_22, %broadcast_in_dim3A_25, %broadcast_in_dim3A_26 : vector<16xi1>, vector<16xi32>
    %add3A_28 = arith.addi %add3A_19, %select_n3A_27 : vector<16xi32>
    %mul3A_29 = arith.constant 253952 : i32
    %mul3A_30 = vector.broadcast %mul3A_29 : i32 to vector<16xi32>
    %mul3A_31 = arith.muli %add3A_28, %mul3A_30 : vector<16xi32>
    %sub3A = arith.subi %get3A_6, %mul3A_31 : vector<16xi32>
    %swap3A = arith.constant 0 : i32
    %swap3A_32 = arith.index_cast %swap3A : i32 to index
    %swap3A_33 = arith.constant 0 : index
    %swap3A_34 = tpu.vector_load %arg5[%swap3A_32, %swap3A_33] {strides = array<i32>} : memref<4x128xi32, #tpu.memory_space<vmem>>, vector<1x16xi32>,
    %swap3A_35 = vector.shape_cast %swap3A_34 : vector<1x16xi32> to vector<16xi32>
    %swap3A_36 = vector.shape_cast %sub3A : vector<16xi32> to vector<1x16xi32>
    tpu.vector_store %arg5[%swap3A_32, %swap3A_33], %swap3A_36 {strides = array<i32>} : memref<4x128xi32, #tpu.memory_space<vmem>>, vector<1x16xi32>,
    %get3A_37 = arith.constant 0 : i32
    %get3A_38 = arith.index_cast %get3A_37 : i32 to index
    %get3A_39 = arith.constant 16 : index
    %get3A_40 = tpu.vector_load %arg5[%get3A_38, %get3A_39] {strides = array<i32>} : memref<4x128xi32, #tpu.memory_space<vmem>>, vector<1x16xi32>,
    %get3A_41 = vector.shape_cast %get3A_40 : vector<1x16xi32> to vector<16xi32>
    %ge3A_42 = arith.constant 253952 : i32
    %ge3A_43 = vector.broadcast %ge3A_42 : i32 to vector<16xi32>
    %ge3A_44 = arith.cmpi sge, %get3A_41, %ge3A_43 : vector<16xi32>
    %jit3A_45 = arith.constant 1 : i32
    %jit3A_46 = arith.constant 0 : i32
    %broadcast_in_dim3A_47 = vector.broadcast %jit3A_45 : i32 to vector<16xi32>
    %broadcast_in_dim3A_48 = vector.broadcast %jit3A_46 : i32 to vector<16xi32>
    %select_n3A_49 = arith.select %ge3A_44, %broadcast_in_dim3A_47, %broadcast_in_dim3A_48 : vector<16xi1>, vector<16xi32>
    %ge3A_50 = arith.constant 507904 : i32
    %ge3A_51 = vector.broadcast %ge3A_50 : i32 to vector<16xi32>
    %ge3A_52 = arith.cmpi sge, %get3A_41, %ge3A_51 : vector<16xi32>
    %jit3A_53 = arith.constant 1 : i32
    %jit3A_54 = arith.constant 0 : i32
    %broadcast_in_dim3A_55 = vector.broadcast %jit3A_53 : i32 to vector<16xi32>
    %broadcast_in_dim3A_56 = vector.broadcast %jit3A_54 : i32 to vector<16xi32>
    %select_n3A_57 = arith.select %ge3A_52, %broadcast_in_dim3A_55, %broadcast_in_dim3A_56 : vector<16xi1>, vector<16xi32>
    %add3A_58 = arith.addi %select_n3A_49, %select_n3A_57 : vector<16xi32>
    %ge3A_59 = arith.constant 761856 : i32
    %ge3A_60 = vector.broadcast %ge3A_59 : i32 to vector<16xi32>
    %ge3A_61 = arith.cmpi sge, %get3A_41, %ge3A_60 : vector<16xi32>
    %jit3A_62 = arith.constant 1 : i32
    %jit3A_63 = arith.constant 0 : i32
    %broadcast_in_dim3A_64 = vector.broadcast %jit3A_62 : i32 to vector<16xi32>
    %broadcast_in_dim3A_65 = vector.broadcast %jit3A_63 : i32 to vector<16xi32>
    %select_n3A_66 = arith.select %ge3A_61, %broadcast_in_dim3A_64, %broadcast_in_dim3A_65 : vector<16xi1>, vector<16xi32>
    %add3A_67 = arith.addi %add3A_58, %select_n3A_66 : vector<16xi32>
    %mul3A_68 = arith.constant 253952 : i32
    %mul3A_69 = vector.broadcast %mul3A_68 : i32 to vector<16xi32>
    %mul3A_70 = arith.muli %add3A_67, %mul3A_69 : vector<16xi32>
    %sub3A_71 = arith.subi %get3A_41, %mul3A_70 : vector<16xi32>
    %swap3A_72 = arith.constant 0 : i32
    %swap3A_73 = arith.index_cast %swap3A_72 : i32 to index
    %swap3A_74 = arith.constant 16 : index
    %swap3A_75 = tpu.vector_load %arg5[%swap3A_73, %swap3A_74] {strides = array<i32>} : memref<4x128xi32, #tpu.memory_space<vmem>>, vector<1x16xi32>,
    %swap3A_76 = vector.shape_cast %swap3A_75 : vector<1x16xi32> to vector<16xi32>
    %swap3A_77 = vector.shape_cast %sub3A_71 : vector<16xi32> to vector<1x16xi32>
    tpu.vector_store %arg5[%swap3A_73, %swap3A_74], %swap3A_77 {strides = array<i32>} : memref<4x128xi32, #tpu.memory_space<vmem>>, vector<1x16xi32>,
    %get3A_78 = arith.constant 0 : i32
    %get3A_79 = arith.index_cast %get3A_78 : i32 to index
    %get3A_80 = arith.constant 32 : index
    %get3A_81 = tpu.vector_load %arg5[%get3A_79, %get3A_80] {strides = array<i32>} : memref<4x128xi32, #tpu.memory_space<vmem>>, vector<1x16xi32>,
    %get3A_82 = vector.shape_cast %get3A_81 : vector<1x16xi32> to vector<16xi32>
    %ge3A_83 = arith.constant 253952 : i32
    %ge3A_84 = vector.broadcast %ge3A_83 : i32 to vector<16xi32>
    %ge3A_85 = arith.cmpi sge, %get3A_82, %ge3A_84 : vector<16xi32>
    %jit3A_86 = arith.constant 1 : i32
    %jit3A_87 = arith.constant 0 : i32
    %broadcast_in_dim3A_88 = vector.broadcast %jit3A_86 : i32 to vector<16xi32>
    %broadcast_in_dim3A_89 = vector.broadcast %jit3A_87 : i32 to vector<16xi32>
    %select_n3A_90 = arith.select %ge3A_85, %broadcast_in_dim3A_88, %broadcast_in_dim3A_89 : vector<16xi1>, vector<16xi32>
    %ge3A_91 = arith.constant 507904 : i32
    %ge3A_92 = vector.broadcast %ge3A_91 : i32 to vector<16xi32>
    %ge3A_93 = arith.cmpi sge, %get3A_82, %ge3A_92 : vector<16xi32>
    %jit3A_94 = arith.constant 1 : i32
    %jit3A_95 = arith.constant 0 : i32
    %broadcast_in_dim3A_96 = vector.broadcast %jit3A_94 : i32 to vector<16xi32>
    %broadcast_in_dim3A_97 = vector.broadcast %jit3A_95 : i32 to vector<16xi32>
    %select_n3A_98 = arith.select %ge3A_93, %broadcast_in_dim3A_96, %broadcast_in_dim3A_97 : vector<16xi1>, vector<16xi32>
    %add3A_99 = arith.addi %select_n3A_90, %select_n3A_98 : vector<16xi32>
    %ge3A_100 = arith.constant 761856 : i32
    %ge3A_101 = vector.broadcast %ge3A_100 : i32 to vector<16xi32>
    %ge3A_102 = arith.cmpi sge, %get3A_82, %ge3A_101 : vector<16xi32>
    %jit3A_103 = arith.constant 1 : i32
    %jit3A_104 = arith.constant 0 : i32
    %broadcast_in_dim3A_105 = vector.broadcast %jit3A_103 : i32 to vector<16xi32>
    %broadcast_in_dim3A_106 = vector.broadcast %jit3A_104 : i32 to vector<16xi32>
    %select_n3A_107 = arith.select %ge3A_102, %broadcast_in_dim3A_105, %broadcast_in_dim3A_106 : vector<16xi1>, vector<16xi32>
    %add3A_108 = arith.addi %add3A_99, %select_n3A_107 : vector<16xi32>
    %mul3A_109 = arith.constant 253952 : i32
    %mul3A_110 = vector.broadcast %mul3A_109 : i32 to vector<16xi32>
    %mul3A_111 = arith.muli %add3A_108, %mul3A_110 : vector<16xi32>
    %sub3A_112 = arith.subi %get3A_82, %mul3A_111 : vector<16xi32>
    %swap3A_113 = arith.constant 0 : i32
    %swap3A_114 = arith.index_cast %swap3A_113 : i32 to index
    %swap3A_115 = arith.constant 32 : index
    %swap3A_116 = tpu.vector_load %arg5[%swap3A_114, %swap3A_115] {strides = array<i32>} : memref<4x128xi32, #tpu.memory_space<vmem>>, vector<1x16xi32>,
    %swap3A_117 = vector.shape_cast %swap3A_116 : vector<1x16xi32> to vector<16xi32>
    %swap3A_118 = vector.shape_cast %sub3A_112 : vector<16xi32> to vector<1x16xi32>
    tpu.vector_store %arg5[%swap3A_114, %swap3A_115], %swap3A_118 {strides = array<i32>} : memref<4x128xi32, #tpu.memory_space<vmem>>, vector<1x16xi32>,
    %get3A_119 = arith.constant 0 : i32
    %get3A_120 = arith.index_cast %get3A_119 : i32 to index
    %get3A_121 = arith.constant 48 : index
    %get3A_122 = tpu.vector_load %arg5[%get3A_120, %get3A_121] {strides = array<i32>} : memref<4x128xi32, #tpu.memory_space<vmem>>, vector<1x16xi32>,
    %get3A_123 = vector.shape_cast %get3A_122 : vector<1x16xi32> to vector<16xi32>
    %ge3A_124 = arith.constant 253952 : i32
    %ge3A_125 = vector.broadcast %ge3A_124 : i32 to vector<16xi32>
    %ge3A_126 = arith.cmpi sge, %get3A_123, %ge3A_125 : vector<16xi32>
    %jit3A_127 = arith.constant 1 : i32
    %jit3A_128 = arith.constant 0 : i32
    %broadcast_in_dim3A_129 = vector.broadcast %jit3A_127 : i32 to vector<16xi32>
    %broadcast_in_dim3A_130 = vector.broadcast %jit3A_128 : i32 to vector<16xi32>
    %select_n3A_131 = arith.select %ge3A_126, %broadcast_in_dim3A_129, %broadcast_in_dim3A_130 : vector<16xi1>, vector<16xi32>
    %ge3A_132 = arith.constant 507904 : i32
    %ge3A_133 = vector.broadcast %ge3A_132 : i32 to vector<16xi32>
    %ge3A_134 = arith.cmpi sge, %get3A_123, %ge3A_133 : vector<16xi32>
    %jit3A_135 = arith.constant 1 : i32
    %jit3A_136 = arith.constant 0 : i32
    %broadcast_in_dim3A_137 = vector.broadcast %jit3A_135 : i32 to vector<16xi32>
    %broadcast_in_dim3A_138 = vector.broadcast %jit3A_136 : i32 to vector<16xi32>
    %select_n3A_139 = arith.select %ge3A_134, %broadcast_in_dim3A_137, %broadcast_in_dim3A_138 : vector<16xi1>, vector<16xi32>
    %add3A_140 = arith.addi %select_n3A_131, %select_n3A_139 : vector<16xi32>
    %ge3A_141 = arith.constant 761856 : i32
    %ge3A_142 = vector.broadcast %ge3A_141 : i32 to vector<16xi32>
    %ge3A_143 = arith.cmpi sge, %get3A_123, %ge3A_142 : vector<16xi32>
    %jit3A_144 = arith.constant 1 : i32
    %jit3A_145 = arith.constant 0 : i32
    %broadcast_in_dim3A_146 = vector.broadcast %jit3A_144 : i32 to vector<16xi32>
    %broadcast_in_dim3A_147 = vector.broadcast %jit3A_145 : i32 to vector<16xi32>
    %select_n3A_148 = arith.select %ge3A_143, %broadcast_in_dim3A_146, %broadcast_in_dim3A_147 : vector<16xi1>, vector<16xi32>
    %add3A_149 = arith.addi %add3A_140, %select_n3A_148 : vector<16xi32>
    %mul3A_150 = arith.constant 253952 : i32
    %mul3A_151 = vector.broadcast %mul3A_150 : i32 to vector<16xi32>
    %mul3A_152 = arith.muli %add3A_149, %mul3A_151 : vector<16xi32>
    %sub3A_153 = arith.subi %get3A_123, %mul3A_152 : vector<16xi32>
    %swap3A_154 = arith.constant 0 : i32
    %swap3A_155 = arith.index_cast %swap3A_154 : i32 to index
    %swap3A_156 = arith.constant 48 : index
    %swap3A_157 = tpu.vector_load %arg5[%swap3A_155, %swap3A_156] {strides = array<i32>} : memref<4x128xi32, #tpu.memory_space<vmem>>, vector<1x16xi32>,
    %swap3A_158 = vector.shape_cast %swap3A_157 : vector<1x16xi32> to vector<16xi32>
    %swap3A_159 = vector.shape_cast %sub3A_153 : vector<16xi32> to vector<1x16xi32>
    tpu.vector_store %arg5[%swap3A_155, %swap3A_156], %swap3A_159 {strides = array<i32>} : memref<4x128xi32, #tpu.memory_space<vmem>>, vector<1x16xi32>,
    %get3A_160 = arith.constant 0 : i32
    %get3A_161 = arith.index_cast %get3A_160 : i32 to index
    %get3A_162 = arith.constant 64 : index
    %get3A_163 = tpu.vector_load %arg5[%get3A_161, %get3A_162] {strides = array<i32>} : memref<4x128xi32, #tpu.memory_space<vmem>>, vector<1x16xi32>,
    %get3A_164 = vector.shape_cast %get3A_163 : vector<1x16xi32> to vector<16xi32>
    %ge3A_165 = arith.constant 253952 : i32
    %ge3A_166 = vector.broadcast %ge3A_165 : i32 to vector<16xi32>
    %ge3A_167 = arith.cmpi sge, %get3A_164, %ge3A_166 : vector<16xi32>
    %jit3A_168 = arith.constant 1 : i32
    %jit3A_169 = arith.constant 0 : i32
    %broadcast_in_dim3A_170 = vector.broadcast %jit3A_168 : i32 to vector<16xi32>
    %broadcast_in_dim3A_171 = vector.broadcast %jit3A_169 : i32 to vector<16xi32>
    %select_n3A_172 = arith.select %ge3A_167, %broadcast_in_dim3A_170, %broadcast_in_dim3A_171 : vector<16xi1>, vector<16xi32>
    %ge3A_173 = arith.constant 507904 : i32
    %ge3A_174 = vector.broadcast %ge3A_173 : i32 to vector<16xi32>
    %ge3A_175 = arith.cmpi sge, %get3A_164, %ge3A_174 : vector<16xi32>
    %jit3A_176 = arith.constant 1 : i32
    %jit3A_177 = arith.constant 0 : i32
    %broadcast_in_dim3A_178 = vector.broadcast %jit3A_176 : i32 to vector<16xi32>
    %broadcast_in_dim3A_179 = vector.broadcast %jit3A_177 : i32 to vector<16xi32>
    %select_n3A_180 = arith.select %ge3A_175, %broadcast_in_dim3A_178, %broadcast_in_dim3A_179 : vector<16xi1>, vector<16xi32>
    %add3A_181 = arith.addi %select_n3A_172, %select_n3A_180 : vector<16xi32>
    %ge3A_182 = arith.constant 761856 : i32
    %ge3A_183 = vector.broadcast %ge3A_182 : i32 to vector<16xi32>
    %ge3A_184 = arith.cmpi sge, %get3A_164, %ge3A_183 : vector<16xi32>
    %jit3A_185 = arith.constant 1 : i32
    %jit3A_186 = arith.constant 0 : i32
    %broadcast_in_dim3A_187 = vector.broadcast %jit3A_185 : i32 to vector<16xi32>
    %broadcast_in_dim3A_188 = vector.broadcast %jit3A_186 : i32 to vector<16xi32>
    %select_n3A_189 = arith.select %ge3A_184, %broadcast_in_dim3A_187, %broadcast_in_dim3A_188 : vector<16xi1>, vector<16xi32>
    %add3A_190 = arith.addi %add3A_181, %select_n3A_189 : vector<16xi32>
    %mul3A_191 = arith.constant 253952 : i32
    %mul3A_192 = vector.broadcast %mul3A_191 : i32 to vector<16xi32>
    %mul3A_193 = arith.muli %add3A_190, %mul3A_192 : vector<16xi32>
    %sub3A_194 = arith.subi %get3A_164, %mul3A_193 : vector<16xi32>
    %swap3A_195 = arith.constant 0 : i32
    %swap3A_196 = arith.index_cast %swap3A_195 : i32 to index
    %swap3A_197 = arith.constant 64 : index
    %swap3A_198 = tpu.vector_load %arg5[%swap3A_196, %swap3A_197] {strides = array<i32>} : memref<4x128xi32, #tpu.memory_space<vmem>>, vector<1x16xi32>,
    %swap3A_199 = vector.shape_cast %swap3A_198 : vector<1x16xi32> to vector<16xi32>
    %swap3A_200 = vector.shape_cast %sub3A_194 : vector<16xi32> to vector<1x16xi32>
    tpu.vector_store %arg5[%swap3A_196, %swap3A_197], %swap3A_200 {strides = array<i32>} : memref<4x128xi32, #tpu.memory_space<vmem>>, vector<1x16xi32>,
    %get3A_201 = arith.constant 0 : i32
    %get3A_202 = arith.index_cast %get3A_201 : i32 to index
    %get3A_203 = arith.constant 80 : index
    %get3A_204 = tpu.vector_load %arg5[%get3A_202, %get3A_203] {strides = array<i32>} : memref<4x128xi32, #tpu.memory_space<vmem>>, vector<1x16xi32>,
    %get3A_205 = vector.shape_cast %get3A_204 : vector<1x16xi32> to vector<16xi32>
    %ge3A_206 = arith.constant 253952 : i32
    %ge3A_207 = vector.broadcast %ge3A_206 : i32 to vector<16xi32>
    %ge3A_208 = arith.cmpi sge, %get3A_205, %ge3A_207 : vector<16xi32>
    %jit3A_209 = arith.constant 1 : i32
    %jit3A_210 = arith.constant 0 : i32
    %broadcast_in_dim3A_211 = vector.broadcast %jit3A_209 : i32 to vector<16xi32>
    %broadcast_in_dim3A_212 = vector.broadcast %jit3A_210 : i32 to vector<16xi32>
    %select_n3A_213 = arith.select %ge3A_208, %broadcast_in_dim3A_211, %broadcast_in_dim3A_212 : vector<16xi1>, vector<16xi32>
    %ge3A_214 = arith.constant 507904 : i32
    %ge3A_215 = vector.broadcast %ge3A_214 : i32 to vector<16xi32>
    %ge3A_216 = arith.cmpi sge, %get3A_205, %ge3A_215 : vector<16xi32>
    %jit3A_217 = arith.constant 1 : i32
    %jit3A_218 = arith.constant 0 : i32
    %broadcast_in_dim3A_219 = vector.broadcast %jit3A_217 : i32 to vector<16xi32>
    %broadcast_in_dim3A_220 = vector.broadcast %jit3A_218 : i32 to vector<16xi32>
    %select_n3A_221 = arith.select %ge3A_216, %broadcast_in_dim3A_219, %broadcast_in_dim3A_220 : vector<16xi1>, vector<16xi32>
    %add3A_222 = arith.addi %select_n3A_213, %select_n3A_221 : vector<16xi32>
    %ge3A_223 = arith.constant 761856 : i32
    %ge3A_224 = vector.broadcast %ge3A_223 : i32 to vector<16xi32>
    %ge3A_225 = arith.cmpi sge, %get3A_205, %ge3A_224 : vector<16xi32>
    %jit3A_226 = arith.constant 1 : i32
    %jit3A_227 = arith.constant 0 : i32
    %broadcast_in_dim3A_228 = vector.broadcast %jit3A_226 : i32 to vector<16xi32>
    %broadcast_in_dim3A_229 = vector.broadcast %jit3A_227 : i32 to vector<16xi32>
    %select_n3A_230 = arith.select %ge3A_225, %broadcast_in_dim3A_228, %broadcast_in_dim3A_229 : vector<16xi1>, vector<16xi32>
    %add3A_231 = arith.addi %add3A_222, %select_n3A_230 : vector<16xi32>
    %mul3A_232 = arith.constant 253952 : i32
    %mul3A_233 = vector.broadcast %mul3A_232 : i32 to vector<16xi32>
    %mul3A_234 = arith.muli %add3A_231, %mul3A_233 : vector<16xi32>
    %sub3A_235 = arith.subi %get3A_205, %mul3A_234 : vector<16xi32>
    %swap3A_236 = arith.constant 0 : i32
    %swap3A_237 = arith.index_cast %swap3A_236 : i32 to index
    %swap3A_238 = arith.constant 80 : index
    %swap3A_239 = tpu.vector_load %arg5[%swap3A_237, %swap3A_238] {strides = array<i32>} : memref<4x128xi32, #tpu.memory_space<vmem>>, vector<1x16xi32>,
    %swap3A_240 = vector.shape_cast %swap3A_239 : vector<1x16xi32> to vector<16xi32>
    %swap3A_241 = vector.shape_cast %sub3A_235 : vector<16xi32> to vector<1x16xi32>
    tpu.vector_store %arg5[%swap3A_237, %swap3A_238], %swap3A_241 {strides = array<i32>} : memref<4x128xi32, #tpu.memory_space<vmem>>, vector<1x16xi32>,
    %get3A_242 = arith.constant 0 : i32
    %get3A_243 = arith.index_cast %get3A_242 : i32 to index
    %get3A_244 = arith.constant 96 : index
    %get3A_245 = tpu.vector_load %arg5[%get3A_243, %get3A_244] {strides = array<i32>} : memref<4x128xi32, #tpu.memory_space<vmem>>, vector<1x16xi32>,
    %get3A_246 = vector.shape_cast %get3A_245 : vector<1x16xi32> to vector<16xi32>
    %ge3A_247 = arith.constant 253952 : i32
    %ge3A_248 = vector.broadcast %ge3A_247 : i32 to vector<16xi32>
    %ge3A_249 = arith.cmpi sge, %get3A_246, %ge3A_248 : vector<16xi32>
    %jit3A_250 = arith.constant 1 : i32
    %jit3A_251 = arith.constant 0 : i32
    %broadcast_in_dim3A_252 = vector.broadcast %jit3A_250 : i32 to vector<16xi32>
    %broadcast_in_dim3A_253 = vector.broadcast %jit3A_251 : i32 to vector<16xi32>
    %select_n3A_254 = arith.select %ge3A_249, %broadcast_in_dim3A_252, %broadcast_in_dim3A_253 : vector<16xi1>, vector<16xi32>
    %ge3A_255 = arith.constant 507904 : i32
    %ge3A_256 = vector.broadcast %ge3A_255 : i32 to vector<16xi32>
    %ge3A_257 = arith.cmpi sge, %get3A_246, %ge3A_256 : vector<16xi32>
    %jit3A_258 = arith.constant 1 : i32
    %jit3A_259 = arith.constant 0 : i32
    %broadcast_in_dim3A_260 = vector.broadcast %jit3A_258 : i32 to vector<16xi32>
    %broadcast_in_dim3A_261 = vector.broadcast %jit3A_259 : i32 to vector<16xi32>
    %select_n3A_262 = arith.select %ge3A_257, %broadcast_in_dim3A_260, %broadcast_in_dim3A_261 : vector<16xi1>, vector<16xi32>
    %add3A_263 = arith.addi %select_n3A_254, %select_n3A_262 : vector<16xi32>
    %ge3A_264 = arith.constant 761856 : i32
    %ge3A_265 = vector.broadcast %ge3A_264 : i32 to vector<16xi32>
    %ge3A_266 = arith.cmpi sge, %get3A_246, %ge3A_265 : vector<16xi32>
    %jit3A_267 = arith.constant 1 : i32
    %jit3A_268 = arith.constant 0 : i32
    %broadcast_in_dim3A_269 = vector.broadcast %jit3A_267 : i32 to vector<16xi32>
    %broadcast_in_dim3A_270 = vector.broadcast %jit3A_268 : i32 to vector<16xi32>
    %select_n3A_271 = arith.select %ge3A_266, %broadcast_in_dim3A_269, %broadcast_in_dim3A_270 : vector<16xi1>, vector<16xi32>
    %add3A_272 = arith.addi %add3A_263, %select_n3A_271 : vector<16xi32>
    %mul3A_273 = arith.constant 253952 : i32
    %mul3A_274 = vector.broadcast %mul3A_273 : i32 to vector<16xi32>
    %mul3A_275 = arith.muli %add3A_272, %mul3A_274 : vector<16xi32>
    %sub3A_276 = arith.subi %get3A_246, %mul3A_275 : vector<16xi32>
    %swap3A_277 = arith.constant 0 : i32
    %swap3A_278 = arith.index_cast %swap3A_277 : i32 to index
    %swap3A_279 = arith.constant 96 : index
    %swap3A_280 = tpu.vector_load %arg5[%swap3A_278, %swap3A_279] {strides = array<i32>} : memref<4x128xi32, #tpu.memory_space<vmem>>, vector<1x16xi32>,
    %swap3A_281 = vector.shape_cast %swap3A_280 : vector<1x16xi32> to vector<16xi32>
    %swap3A_282 = vector.shape_cast %sub3A_276 : vector<16xi32> to vector<1x16xi32>
    tpu.vector_store %arg5[%swap3A_278, %swap3A_279], %swap3A_282 {strides = array<i32>} : memref<4x128xi32, #tpu.memory_space<vmem>>, vector<1x16xi32>,
    %get3A_283 = arith.constant 0 : i32
    %get3A_284 = arith.index_cast %get3A_283 : i32 to index
    %get3A_285 = arith.constant 112 : index
    %get3A_286 = tpu.vector_load %arg5[%get3A_284, %get3A_285] {strides = array<i32>} : memref<4x128xi32, #tpu.memory_space<vmem>>, vector<1x16xi32>,
    %get3A_287 = vector.shape_cast %get3A_286 : vector<1x16xi32> to vector<16xi32>
    %ge3A_288 = arith.constant 253952 : i32
    %ge3A_289 = vector.broadcast %ge3A_288 : i32 to vector<16xi32>
    %ge3A_290 = arith.cmpi sge, %get3A_287, %ge3A_289 : vector<16xi32>
    %jit3A_291 = arith.constant 1 : i32
    %jit3A_292 = arith.constant 0 : i32
    %broadcast_in_dim3A_293 = vector.broadcast %jit3A_291 : i32 to vector<16xi32>
    %broadcast_in_dim3A_294 = vector.broadcast %jit3A_292 : i32 to vector<16xi32>
    %select_n3A_295 = arith.select %ge3A_290, %broadcast_in_dim3A_293, %broadcast_in_dim3A_294 : vector<16xi1>, vector<16xi32>
    %ge3A_296 = arith.constant 507904 : i32
    %ge3A_297 = vector.broadcast %ge3A_296 : i32 to vector<16xi32>
    %ge3A_298 = arith.cmpi sge, %get3A_287, %ge3A_297 : vector<16xi32>
    %jit3A_299 = arith.constant 1 : i32
    %jit3A_300 = arith.constant 0 : i32
    %broadcast_in_dim3A_301 = vector.broadcast %jit3A_299 : i32 to vector<16xi32>
    %broadcast_in_dim3A_302 = vector.broadcast %jit3A_300 : i32 to vector<16xi32>
    %select_n3A_303 = arith.select %ge3A_298, %broadcast_in_dim3A_301, %broadcast_in_dim3A_302 : vector<16xi1>, vector<16xi32>
    %add3A_304 = arith.addi %select_n3A_295, %select_n3A_303 : vector<16xi32>
    %ge3A_305 = arith.constant 761856 : i32
    %ge3A_306 = vector.broadcast %ge3A_305 : i32 to vector<16xi32>
    %ge3A_307 = arith.cmpi sge, %get3A_287, %ge3A_306 : vector<16xi32>
    %jit3A_308 = arith.constant 1 : i32
    %jit3A_309 = arith.constant 0 : i32
    %broadcast_in_dim3A_310 = vector.broadcast %jit3A_308 : i32 to vector<16xi32>
    %broadcast_in_dim3A_311 = vector.broadcast %jit3A_309 : i32 to vector<16xi32>
    %select_n3A_312 = arith.select %ge3A_307, %broadcast_in_dim3A_310, %broadcast_in_dim3A_311 : vector<16xi1>, vector<16xi32>
    %add3A_313 = arith.addi %add3A_304, %select_n3A_312 : vector<16xi32>
    %mul3A_314 = arith.constant 253952 : i32
    %mul3A_315 = vector.broadcast %mul3A_314 : i32 to vector<16xi32>
    %mul3A_316 = arith.muli %add3A_313, %mul3A_315 : vector<16xi32>
    %sub3A_317 = arith.subi %get3A_287, %mul3A_316 : vector<16xi32>
    %swap3A_318 = arith.constant 0 : i32
    %swap3A_319 = arith.index_cast %swap3A_318 : i32 to index
    %swap3A_320 = arith.constant 112 : index
    %swap3A_321 = tpu.vector_load %arg5[%swap3A_319, %swap3A_320] {strides = array<i32>} : memref<4x128xi32, #tpu.memory_space<vmem>>, vector<1x16xi32>,
    %swap3A_322 = vector.shape_cast %swap3A_321 : vector<1x16xi32> to vector<16xi32>
    %swap3A_323 = vector.shape_cast %sub3A_317 : vector<16xi32> to vector<1x16xi32>
    tpu.vector_store %arg5[%swap3A_319, %swap3A_320], %swap3A_323 {strides = array<i32>} : memref<4x128xi32, #tpu.memory_space<vmem>>, vector<1x16xi32>,
    %get3A_324 = arith.constant 1 : i32
    %get3A_325 = arith.index_cast %get3A_324 : i32 to index
    %get3A_326 = arith.constant 0 : index
    %get3A_327 = tpu.vector_load %arg5[%get3A_325, %get3A_326] {strides = array<i32>} : memref<4x128xi32, #tpu.memory_space<vmem>>, vector<1x16xi32>,
    %get3A_328 = vector.shape_cast %get3A_327 : vector<1x16xi32> to vector<16xi32>
    %ge3A_329 = arith.constant 253952 : i32
    %ge3A_330 = vector.broadcast %ge3A_329 : i32 to vector<16xi32>
    %ge3A_331 = arith.cmpi sge, %get3A_328, %ge3A_330 : vector<16xi32>
    %jit3A_332 = arith.constant 1 : i32
    %jit3A_333 = arith.constant 0 : i32
    %broadcast_in_dim3A_334 = vector.broadcast %jit3A_332 : i32 to vector<16xi32>
    %broadcast_in_dim3A_335 = vector.broadcast %jit3A_333 : i32 to vector<16xi32>
    %select_n3A_336 = arith.select %ge3A_331, %broadcast_in_dim3A_334, %broadcast_in_dim3A_335 : vector<16xi1>, vector<16xi32>
    %ge3A_337 = arith.constant 507904 : i32
    %ge3A_338 = vector.broadcast %ge3A_337 : i32 to vector<16xi32>
    %ge3A_339 = arith.cmpi sge, %get3A_328, %ge3A_338 : vector<16xi32>
    %jit3A_340 = arith.constant 1 : i32
    %jit3A_341 = arith.constant 0 : i32
    %broadcast_in_dim3A_342 = vector.broadcast %jit3A_340 : i32 to vector<16xi32>
    %broadcast_in_dim3A_343 = vector.broadcast %jit3A_341 : i32 to vector<16xi32>
    %select_n3A_344 = arith.select %ge3A_339, %broadcast_in_dim3A_342, %broadcast_in_dim3A_343 : vector<16xi1>, vector<16xi32>
    %add3A_345 = arith.addi %select_n3A_336, %select_n3A_344 : vector<16xi32>
    %ge3A_346 = arith.constant 761856 : i32
    %ge3A_347 = vector.broadcast %ge3A_346 : i32 to vector<16xi32>
    %ge3A_348 = arith.cmpi sge, %get3A_328, %ge3A_347 : vector<16xi32>
    %jit3A_349 = arith.constant 1 : i32
    %jit3A_350 = arith.constant 0 : i32
    %broadcast_in_dim3A_351 = vector.broadcast %jit3A_349 : i32 to vector<16xi32>
    %broadcast_in_dim3A_352 = vector.broadcast %jit3A_350 : i32 to vector<16xi32>
    %select_n3A_353 = arith.select %ge3A_348, %broadcast_in_dim3A_351, %broadcast_in_dim3A_352 : vector<16xi1>, vector<16xi32>
    %add3A_354 = arith.addi %add3A_345, %select_n3A_353 : vector<16xi32>
    %mul3A_355 = arith.constant 253952 : i32
    %mul3A_356 = vector.broadcast %mul3A_355 : i32 to vector<16xi32>
    %mul3A_357 = arith.muli %add3A_354, %mul3A_356 : vector<16xi32>
    %sub3A_358 = arith.subi %get3A_328, %mul3A_357 : vector<16xi32>
    %swap3A_359 = arith.constant 1 : i32
    %swap3A_360 = arith.index_cast %swap3A_359 : i32 to index
    %swap3A_361 = arith.constant 0 : index
    %swap3A_362 = tpu.vector_load %arg5[%swap3A_360, %swap3A_361] {strides = array<i32>} : memref<4x128xi32, #tpu.memory_space<vmem>>, vector<1x16xi32>,
    %swap3A_363 = vector.shape_cast %swap3A_362 : vector<1x16xi32> to vector<16xi32>
    %swap3A_364 = vector.shape_cast %sub3A_358 : vector<16xi32> to vector<1x16xi32>
    tpu.vector_store %arg5[%swap3A_360, %swap3A_361], %swap3A_364 {strides = array<i32>} : memref<4x128xi32, #tpu.memory_space<vmem>>, vector<1x16xi32>,
    %get3A_365 = arith.constant 1 : i32
    %get3A_366 = arith.index_cast %get3A_365 : i32 to index
    %get3A_367 = arith.constant 16 : index
    %get3A_368 = tpu.vector_load %arg5[%get3A_366, %get3A_367] {strides = array<i32>} : memref<4x128xi32, #tpu.memory_space<vmem>>, vector<1x16xi32>,
    %get3A_369 = vector.shape_cast %get3A_368 : vector<1x16xi32> to vector<16xi32>
    %ge3A_370 = arith.constant 253952 : i32
    %ge3A_371 = vector.broadcast %ge3A_370 : i32 to vector<16xi32>
    %ge3A_372 = arith.cmpi sge, %get3A_369, %ge3A_371 : vector<16xi32>
    %jit3A_373 = arith.constant 1 : i32
    %jit3A_374 = arith.constant 0 : i32
    %broadcast_in_dim3A_375 = vector.broadcast %jit3A_373 : i32 to vector<16xi32>
    %broadcast_in_dim3A_376 = vector.broadcast %jit3A_374 : i32 to vector<16xi32>
    %select_n3A_377 = arith.select %ge3A_372, %broadcast_in_dim3A_375, %broadcast_in_dim3A_376 : vector<16xi1>, vector<16xi32>
    %ge3A_378 = arith.constant 507904 : i32
    %ge3A_379 = vector.broadcast %ge3A_378 : i32 to vector<16xi32>
    %ge3A_380 = arith.cmpi sge, %get3A_369, %ge3A_379 : vector<16xi32>
    %jit3A_381 = arith.constant 1 : i32
    %jit3A_382 = arith.constant 0 : i32
    %broadcast_in_dim3A_383 = vector.broadcast %jit3A_381 : i32 to vector<16xi32>
    %broadcast_in_dim3A_384 = vector.broadcast %jit3A_382 : i32 to vector<16xi32>
    %select_n3A_385 = arith.select %ge3A_380, %broadcast_in_dim3A_383, %broadcast_in_dim3A_384 : vector<16xi1>, vector<16xi32>
    %add3A_386 = arith.addi %select_n3A_377, %select_n3A_385 : vector<16xi32>
    %ge3A_387 = arith.constant 761856 : i32
    %ge3A_388 = vector.broadcast %ge3A_387 : i32 to vector<16xi32>
    %ge3A_389 = arith.cmpi sge, %get3A_369, %ge3A_388 : vector<16xi32>
    %jit3A_390 = arith.constant 1 : i32
    %jit3A_391 = arith.constant 0 : i32
    %broadcast_in_dim3A_392 = vector.broadcast %jit3A_390 : i32 to vector<16xi32>
    %broadcast_in_dim3A_393 = vector.broadcast %jit3A_391 : i32 to vector<16xi32>
    %select_n3A_394 = arith.select %ge3A_389, %broadcast_in_dim3A_392, %broadcast_in_dim3A_393 : vector<16xi1>, vector<16xi32>
    %add3A_395 = arith.addi %add3A_386, %select_n3A_394 : vector<16xi32>
    %mul3A_396 = arith.constant 253952 : i32
    %mul3A_397 = vector.broadcast %mul3A_396 : i32 to vector<16xi32>
    %mul3A_398 = arith.muli %add3A_395, %mul3A_397 : vector<16xi32>
    %sub3A_399 = arith.subi %get3A_369, %mul3A_398 : vector<16xi32>
    %swap3A_400 = arith.constant 1 : i32
    %swap3A_401 = arith.index_cast %swap3A_400 : i32 to index
    %swap3A_402 = arith.constant 16 : index
    %swap3A_403 = tpu.vector_load %arg5[%swap3A_401, %swap3A_402] {strides = array<i32>} : memref<4x128xi32, #tpu.memory_space<vmem>>, vector<1x16xi32>,
    %swap3A_404 = vector.shape_cast %swap3A_403 : vector<1x16xi32> to vector<16xi32>
    %swap3A_405 = vector.shape_cast %sub3A_399 : vector<16xi32> to vector<1x16xi32>
    tpu.vector_store %arg5[%swap3A_401, %swap3A_402], %swap3A_405 {strides = array<i32>} : memref<4x128xi32, #tpu.memory_space<vmem>>, vector<1x16xi32>,
    %get3A_406 = arith.constant 1 : i32
    %get3A_407 = arith.index_cast %get3A_406 : i32 to index
    %get3A_408 = arith.constant 32 : index
    %get3A_409 = tpu.vector_load %arg5[%get3A_407, %get3A_408] {strides = array<i32>} : memref<4x128xi32, #tpu.memory_space<vmem>>, vector<1x16xi32>,
    %get3A_410 = vector.shape_cast %get3A_409 : vector<1x16xi32> to vector<16xi32>
    %ge3A_411 = arith.constant 253952 : i32
    %ge3A_412 = vector.broadcast %ge3A_411 : i32 to vector<16xi32>
    %ge3A_413 = arith.cmpi sge, %get3A_410, %ge3A_412 : vector<16xi32>
    %jit3A_414 = arith.constant 1 : i32
    %jit3A_415 = arith.constant 0 : i32
    %broadcast_in_dim3A_416 = vector.broadcast %jit3A_414 : i32 to vector<16xi32>
    %broadcast_in_dim3A_417 = vector.broadcast %jit3A_415 : i32 to vector<16xi32>
    %select_n3A_418 = arith.select %ge3A_413, %broadcast_in_dim3A_416, %broadcast_in_dim3A_417 : vector<16xi1>, vector<16xi32>
    %ge3A_419 = arith.constant 507904 : i32
    %ge3A_420 = vector.broadcast %ge3A_419 : i32 to vector<16xi32>
    %ge3A_421 = arith.cmpi sge, %get3A_410, %ge3A_420 : vector<16xi32>
    %jit3A_422 = arith.constant 1 : i32
    %jit3A_423 = arith.constant 0 : i32
    %broadcast_in_dim3A_424 = vector.broadcast %jit3A_422 : i32 to vector<16xi32>
    %broadcast_in_dim3A_425 = vector.broadcast %jit3A_423 : i32 to vector<16xi32>
    %select_n3A_426 = arith.select %ge3A_421, %broadcast_in_dim3A_424, %broadcast_in_dim3A_425 : vector<16xi1>, vector<16xi32>
    %add3A_427 = arith.addi %select_n3A_418, %select_n3A_426 : vector<16xi32>
    %ge3A_428 = arith.constant 761856 : i32
    %ge3A_429 = vector.broadcast %ge3A_428 : i32 to vector<16xi32>
    %ge3A_430 = arith.cmpi sge, %get3A_410, %ge3A_429 : vector<16xi32>
    %jit3A_431 = arith.constant 1 : i32
    %jit3A_432 = arith.constant 0 : i32
    %broadcast_in_dim3A_433 = vector.broadcast %jit3A_431 : i32 to vector<16xi32>
    %broadcast_in_dim3A_434 = vector.broadcast %jit3A_432 : i32 to vector<16xi32>
    %select_n3A_435 = arith.select %ge3A_430, %broadcast_in_dim3A_433, %broadcast_in_dim3A_434 : vector<16xi1>, vector<16xi32>
    %add3A_436 = arith.addi %add3A_427, %select_n3A_435 : vector<16xi32>
    %mul3A_437 = arith.constant 253952 : i32
    %mul3A_438 = vector.broadcast %mul3A_437 : i32 to vector<16xi32>
    %mul3A_439 = arith.muli %add3A_436, %mul3A_438 : vector<16xi32>
    %sub3A_440 = arith.subi %get3A_410, %mul3A_439 : vector<16xi32>
    %swap3A_441 = arith.constant 1 : i32
    %swap3A_442 = arith.index_cast %swap3A_441 : i32 to index
    %swap3A_443 = arith.constant 32 : index
    %swap3A_444 = tpu.vector_load %arg5[%swap3A_442, %swap3A_443] {strides = array<i32>} : memref<4x128xi32, #tpu.memory_space<vmem>>, vector<1x16xi32>,
    %swap3A_445 = vector.shape_cast %swap3A_444 : vector<1x16xi32> to vector<16xi32>
    %swap3A_446 = vector.shape_cast %sub3A_440 : vector<16xi32> to vector<1x16xi32>
    tpu.vector_store %arg5[%swap3A_442, %swap3A_443], %swap3A_446 {strides = array<i32>} : memref<4x128xi32, #tpu.memory_space<vmem>>, vector<1x16xi32>,
    %get3A_447 = arith.constant 1 : i32
    %get3A_448 = arith.index_cast %get3A_447 : i32 to index
    %get3A_449 = arith.constant 48 : index
    %get3A_450 = tpu.vector_load %arg5[%get3A_448, %get3A_449] {strides = array<i32>} : memref<4x128xi32, #tpu.memory_space<vmem>>, vector<1x16xi32>,
    %get3A_451 = vector.shape_cast %get3A_450 : vector<1x16xi32> to vector<16xi32>
    %ge3A_452 = arith.constant 253952 : i32
    %ge3A_453 = vector.broadcast %ge3A_452 : i32 to vector<16xi32>
    %ge3A_454 = arith.cmpi sge, %get3A_451, %ge3A_453 : vector<16xi32>
    %jit3A_455 = arith.constant 1 : i32
    %jit3A_456 = arith.constant 0 : i32
    %broadcast_in_dim3A_457 = vector.broadcast %jit3A_455 : i32 to vector<16xi32>
    %broadcast_in_dim3A_458 = vector.broadcast %jit3A_456 : i32 to vector<16xi32>
    %select_n3A_459 = arith.select %ge3A_454, %broadcast_in_dim3A_457, %broadcast_in_dim3A_458 : vector<16xi1>, vector<16xi32>
    %ge3A_460 = arith.constant 507904 : i32
    %ge3A_461 = vector.broadcast %ge3A_460 : i32 to vector<16xi32>
    %ge3A_462 = arith.cmpi sge, %get3A_451, %ge3A_461 : vector<16xi32>
    %jit3A_463 = arith.constant 1 : i32
    %jit3A_464 = arith.constant 0 : i32
    %broadcast_in_dim3A_465 = vector.broadcast %jit3A_463 : i32 to vector<16xi32>
    %broadcast_in_dim3A_466 = vector.broadcast %jit3A_464 : i32 to vector<16xi32>
    %select_n3A_467 = arith.select %ge3A_462, %broadcast_in_dim3A_465, %broadcast_in_dim3A_466 : vector<16xi1>, vector<16xi32>
    %add3A_468 = arith.addi %select_n3A_459, %select_n3A_467 : vector<16xi32>
    %ge3A_469 = arith.constant 761856 : i32
    %ge3A_470 = vector.broadcast %ge3A_469 : i32 to vector<16xi32>
    %ge3A_471 = arith.cmpi sge, %get3A_451, %ge3A_470 : vector<16xi32>
    %jit3A_472 = arith.constant 1 : i32
    %jit3A_473 = arith.constant 0 : i32
    %broadcast_in_dim3A_474 = vector.broadcast %jit3A_472 : i32 to vector<16xi32>
    %broadcast_in_dim3A_475 = vector.broadcast %jit3A_473 : i32 to vector<16xi32>
    %select_n3A_476 = arith.select %ge3A_471, %broadcast_in_dim3A_474, %broadcast_in_dim3A_475 : vector<16xi1>, vector<16xi32>
    %add3A_477 = arith.addi %add3A_468, %select_n3A_476 : vector<16xi32>
    %mul3A_478 = arith.constant 253952 : i32
    %mul3A_479 = vector.broadcast %mul3A_478 : i32 to vector<16xi32>
    %mul3A_480 = arith.muli %add3A_477, %mul3A_479 : vector<16xi32>
    %sub3A_481 = arith.subi %get3A_451, %mul3A_480 : vector<16xi32>
    %swap3A_482 = arith.constant 1 : i32
    %swap3A_483 = arith.index_cast %swap3A_482 : i32 to index
    %swap3A_484 = arith.constant 48 : index
    %swap3A_485 = tpu.vector_load %arg5[%swap3A_483, %swap3A_484] {strides = array<i32>} : memref<4x128xi32, #tpu.memory_space<vmem>>, vector<1x16xi32>,
    %swap3A_486 = vector.shape_cast %swap3A_485 : vector<1x16xi32> to vector<16xi32>
    %swap3A_487 = vector.shape_cast %sub3A_481 : vector<16xi32> to vector<1x16xi32>
    tpu.vector_store %arg5[%swap3A_483, %swap3A_484], %swap3A_487 {strides = array<i32>} : memref<4x128xi32, #tpu.memory_space<vmem>>, vector<1x16xi32>,
    %get3A_488 = arith.constant 1 : i32
    %get3A_489 = arith.index_cast %get3A_488 : i32 to index
    %get3A_490 = arith.constant 64 : index
    %get3A_491 = tpu.vector_load %arg5[%get3A_489, %get3A_490] {strides = array<i32>} : memref<4x128xi32, #tpu.memory_space<vmem>>, vector<1x16xi32>,
    %get3A_492 = vector.shape_cast %get3A_491 : vector<1x16xi32> to vector<16xi32>
    %ge3A_493 = arith.constant 253952 : i32
    %ge3A_494 = vector.broadcast %ge3A_493 : i32 to vector<16xi32>
    %ge3A_495 = arith.cmpi sge, %get3A_492, %ge3A_494 : vector<16xi32>
    %jit3A_496 = arith.constant 1 : i32
    %jit3A_497 = arith.constant 0 : i32
    %broadcast_in_dim3A_498 = vector.broadcast %jit3A_496 : i32 to vector<16xi32>
    %broadcast_in_dim3A_499 = vector.broadcast %jit3A_497 : i32 to vector<16xi32>
    %select_n3A_500 = arith.select %ge3A_495, %broadcast_in_dim3A_498, %broadcast_in_dim3A_499 : vector<16xi1>, vector<16xi32>
    %ge3A_501 = arith.constant 507904 : i32
    %ge3A_502 = vector.broadcast %ge3A_501 : i32 to vector<16xi32>
    %ge3A_503 = arith.cmpi sge, %get3A_492, %ge3A_502 : vector<16xi32>
    %jit3A_504 = arith.constant 1 : i32
    %jit3A_505 = arith.constant 0 : i32
    %broadcast_in_dim3A_506 = vector.broadcast %jit3A_504 : i32 to vector<16xi32>
    %broadcast_in_dim3A_507 = vector.broadcast %jit3A_505 : i32 to vector<16xi32>
    %select_n3A_508 = arith.select %ge3A_503, %broadcast_in_dim3A_506, %broadcast_in_dim3A_507 : vector<16xi1>, vector<16xi32>
    %add3A_509 = arith.addi %select_n3A_500, %select_n3A_508 : vector<16xi32>
    %ge3A_510 = arith.constant 761856 : i32
    %ge3A_511 = vector.broadcast %ge3A_510 : i32 to vector<16xi32>
    %ge3A_512 = arith.cmpi sge, %get3A_492, %ge3A_511 : vector<16xi32>
    %jit3A_513 = arith.constant 1 : i32
    %jit3A_514 = arith.constant 0 : i32
    %broadcast_in_dim3A_515 = vector.broadcast %jit3A_513 : i32 to vector<16xi32>
    %broadcast_in_dim3A_516 = vector.broadcast %jit3A_514 : i32 to vector<16xi32>
    %select_n3A_517 = arith.select %ge3A_512, %broadcast_in_dim3A_515, %broadcast_in_dim3A_516 : vector<16xi1>, vector<16xi32>
    %add3A_518 = arith.addi %add3A_509, %select_n3A_517 : vector<16xi32>
    %mul3A_519 = arith.constant 253952 : i32
    %mul3A_520 = vector.broadcast %mul3A_519 : i32 to vector<16xi32>
    %mul3A_521 = arith.muli %add3A_518, %mul3A_520 : vector<16xi32>
    %sub3A_522 = arith.subi %get3A_492, %mul3A_521 : vector<16xi32>
    %swap3A_523 = arith.constant 1 : i32
    %swap3A_524 = arith.index_cast %swap3A_523 : i32 to index
    %swap3A_525 = arith.constant 64 : index
    %swap3A_526 = tpu.vector_load %arg5[%swap3A_524, %swap3A_525] {strides = array<i32>} : memref<4x128xi32, #tpu.memory_space<vmem>>, vector<1x16xi32>,
    %swap3A_527 = vector.shape_cast %swap3A_526 : vector<1x16xi32> to vector<16xi32>
    %swap3A_528 = vector.shape_cast %sub3A_522 : vector<16xi32> to vector<1x16xi32>
    tpu.vector_store %arg5[%swap3A_524, %swap3A_525], %swap3A_528 {strides = array<i32>} : memref<4x128xi32, #tpu.memory_space<vmem>>, vector<1x16xi32>,
    %get3A_529 = arith.constant 1 : i32
    %get3A_530 = arith.index_cast %get3A_529 : i32 to index
    %get3A_531 = arith.constant 80 : index
    %get3A_532 = tpu.vector_load %arg5[%get3A_530, %get3A_531] {strides = array<i32>} : memref<4x128xi32, #tpu.memory_space<vmem>>, vector<1x16xi32>,
    %get3A_533 = vector.shape_cast %get3A_532 : vector<1x16xi32> to vector<16xi32>
    %ge3A_534 = arith.constant 253952 : i32
    %ge3A_535 = vector.broadcast %ge3A_534 : i32 to vector<16xi32>
    %ge3A_536 = arith.cmpi sge, %get3A_533, %ge3A_535 : vector<16xi32>
    %jit3A_537 = arith.constant 1 : i32
    %jit3A_538 = arith.constant 0 : i32
    %broadcast_in_dim3A_539 = vector.broadcast %jit3A_537 : i32 to vector<16xi32>
    %broadcast_in_dim3A_540 = vector.broadcast %jit3A_538 : i32 to vector<16xi32>
    %select_n3A_541 = arith.select %ge3A_536, %broadcast_in_dim3A_539, %broadcast_in_dim3A_540 : vector<16xi1>, vector<16xi32>
    %ge3A_542 = arith.constant 507904 : i32
    %ge3A_543 = vector.broadcast %ge3A_542 : i32 to vector<16xi32>
    %ge3A_544 = arith.cmpi sge, %get3A_533, %ge3A_543 : vector<16xi32>
    %jit3A_545 = arith.constant 1 : i32
    %jit3A_546 = arith.constant 0 : i32
    %broadcast_in_dim3A_547 = vector.broadcast %jit3A_545 : i32 to vector<16xi32>
    %broadcast_in_dim3A_548 = vector.broadcast %jit3A_546 : i32 to vector<16xi32>
    %select_n3A_549 = arith.select %ge3A_544, %broadcast_in_dim3A_547, %broadcast_in_dim3A_548 : vector<16xi1>, vector<16xi32>
    %add3A_550 = arith.addi %select_n3A_541, %select_n3A_549 : vector<16xi32>
    %ge3A_551 = arith.constant 761856 : i32
    %ge3A_552 = vector.broadcast %ge3A_551 : i32 to vector<16xi32>
    %ge3A_553 = arith.cmpi sge, %get3A_533, %ge3A_552 : vector<16xi32>
    %jit3A_554 = arith.constant 1 : i32
    %jit3A_555 = arith.constant 0 : i32
    %broadcast_in_dim3A_556 = vector.broadcast %jit3A_554 : i32 to vector<16xi32>
    %broadcast_in_dim3A_557 = vector.broadcast %jit3A_555 : i32 to vector<16xi32>
    %select_n3A_558 = arith.select %ge3A_553, %broadcast_in_dim3A_556, %broadcast_in_dim3A_557 : vector<16xi1>, vector<16xi32>
    %add3A_559 = arith.addi %add3A_550, %select_n3A_558 : vector<16xi32>
    %mul3A_560 = arith.constant 253952 : i32
    %mul3A_561 = vector.broadcast %mul3A_560 : i32 to vector<16xi32>
    %mul3A_562 = arith.muli %add3A_559, %mul3A_561 : vector<16xi32>
    %sub3A_563 = arith.subi %get3A_533, %mul3A_562 : vector<16xi32>
    %swap3A_564 = arith.constant 1 : i32
    %swap3A_565 = arith.index_cast %swap3A_564 : i32 to index
    %swap3A_566 = arith.constant 80 : index
    %swap3A_567 = tpu.vector_load %arg5[%swap3A_565, %swap3A_566] {strides = array<i32>} : memref<4x128xi32, #tpu.memory_space<vmem>>, vector<1x16xi32>,
    %swap3A_568 = vector.shape_cast %swap3A_567 : vector<1x16xi32> to vector<16xi32>
    %swap3A_569 = vector.shape_cast %sub3A_563 : vector<16xi32> to vector<1x16xi32>
    tpu.vector_store %arg5[%swap3A_565, %swap3A_566], %swap3A_569 {strides = array<i32>} : memref<4x128xi32, #tpu.memory_space<vmem>>, vector<1x16xi32>,
    %get3A_570 = arith.constant 1 : i32
    %get3A_571 = arith.index_cast %get3A_570 : i32 to index
    %get3A_572 = arith.constant 96 : index
    %get3A_573 = tpu.vector_load %arg5[%get3A_571, %get3A_572] {strides = array<i32>} : memref<4x128xi32, #tpu.memory_space<vmem>>, vector<1x16xi32>,
    %get3A_574 = vector.shape_cast %get3A_573 : vector<1x16xi32> to vector<16xi32>
    %ge3A_575 = arith.constant 253952 : i32
    %ge3A_576 = vector.broadcast %ge3A_575 : i32 to vector<16xi32>
    %ge3A_577 = arith.cmpi sge, %get3A_574, %ge3A_576 : vector<16xi32>
    %jit3A_578 = arith.constant 1 : i32
    %jit3A_579 = arith.constant 0 : i32
    %broadcast_in_dim3A_580 = vector.broadcast %jit3A_578 : i32 to vector<16xi32>
    %broadcast_in_dim3A_581 = vector.broadcast %jit3A_579 : i32 to vector<16xi32>
    %select_n3A_582 = arith.select %ge3A_577, %broadcast_in_dim3A_580, %broadcast_in_dim3A_581 : vector<16xi1>, vector<16xi32>
    %ge3A_583 = arith.constant 507904 : i32
    %ge3A_584 = vector.broadcast %ge3A_583 : i32 to vector<16xi32>
    %ge3A_585 = arith.cmpi sge, %get3A_574, %ge3A_584 : vector<16xi32>
    %jit3A_586 = arith.constant 1 : i32
    %jit3A_587 = arith.constant 0 : i32
    %broadcast_in_dim3A_588 = vector.broadcast %jit3A_586 : i32 to vector<16xi32>
    %broadcast_in_dim3A_589 = vector.broadcast %jit3A_587 : i32 to vector<16xi32>
    %select_n3A_590 = arith.select %ge3A_585, %broadcast_in_dim3A_588, %broadcast_in_dim3A_589 : vector<16xi1>, vector<16xi32>
    %add3A_591 = arith.addi %select_n3A_582, %select_n3A_590 : vector<16xi32>
    %ge3A_592 = arith.constant 761856 : i32
    %ge3A_593 = vector.broadcast %ge3A_592 : i32 to vector<16xi32>
    %ge3A_594 = arith.cmpi sge, %get3A_574, %ge3A_593 : vector<16xi32>
    %jit3A_595 = arith.constant 1 : i32
    %jit3A_596 = arith.constant 0 : i32
    %broadcast_in_dim3A_597 = vector.broadcast %jit3A_595 : i32 to vector<16xi32>
    %broadcast_in_dim3A_598 = vector.broadcast %jit3A_596 : i32 to vector<16xi32>
    %select_n3A_599 = arith.select %ge3A_594, %broadcast_in_dim3A_597, %broadcast_in_dim3A_598 : vector<16xi1>, vector<16xi32>
    %add3A_600 = arith.addi %add3A_591, %select_n3A_599 : vector<16xi32>
    %mul3A_601 = arith.constant 253952 : i32
    %mul3A_602 = vector.broadcast %mul3A_601 : i32 to vector<16xi32>
    %mul3A_603 = arith.muli %add3A_600, %mul3A_602 : vector<16xi32>
    %sub3A_604 = arith.subi %get3A_574, %mul3A_603 : vector<16xi32>
    %swap3A_605 = arith.constant 1 : i32
    %swap3A_606 = arith.index_cast %swap3A_605 : i32 to index
    %swap3A_607 = arith.constant 96 : index
    %swap3A_608 = tpu.vector_load %arg5[%swap3A_606, %swap3A_607] {strides = array<i32>} : memref<4x128xi32, #tpu.memory_space<vmem>>, vector<1x16xi32>,
    %swap3A_609 = vector.shape_cast %swap3A_608 : vector<1x16xi32> to vector<16xi32>
    %swap3A_610 = vector.shape_cast %sub3A_604 : vector<16xi32> to vector<1x16xi32>
    tpu.vector_store %arg5[%swap3A_606, %swap3A_607], %swap3A_610 {strides = array<i32>} : memref<4x128xi32, #tpu.memory_space<vmem>>, vector<1x16xi32>,
    %get3A_611 = arith.constant 1 : i32
    %get3A_612 = arith.index_cast %get3A_611 : i32 to index
    %get3A_613 = arith.constant 112 : index
    %get3A_614 = tpu.vector_load %arg5[%get3A_612, %get3A_613] {strides = array<i32>} : memref<4x128xi32, #tpu.memory_space<vmem>>, vector<1x16xi32>,
    %get3A_615 = vector.shape_cast %get3A_614 : vector<1x16xi32> to vector<16xi32>
    %ge3A_616 = arith.constant 253952 : i32
    %ge3A_617 = vector.broadcast %ge3A_616 : i32 to vector<16xi32>
    %ge3A_618 = arith.cmpi sge, %get3A_615, %ge3A_617 : vector<16xi32>
    %jit3A_619 = arith.constant 1 : i32
    %jit3A_620 = arith.constant 0 : i32
    %broadcast_in_dim3A_621 = vector.broadcast %jit3A_619 : i32 to vector<16xi32>
    %broadcast_in_dim3A_622 = vector.broadcast %jit3A_620 : i32 to vector<16xi32>
    %select_n3A_623 = arith.select %ge3A_618, %broadcast_in_dim3A_621, %broadcast_in_dim3A_622 : vector<16xi1>, vector<16xi32>
    %ge3A_624 = arith.constant 507904 : i32
    %ge3A_625 = vector.broadcast %ge3A_624 : i32 to vector<16xi32>
    %ge3A_626 = arith.cmpi sge, %get3A_615, %ge3A_625 : vector<16xi32>
    %jit3A_627 = arith.constant 1 : i32
    %jit3A_628 = arith.constant 0 : i32
    %broadcast_in_dim3A_629 = vector.broadcast %jit3A_627 : i32 to vector<16xi32>
    %broadcast_in_dim3A_630 = vector.broadcast %jit3A_628 : i32 to vector<16xi32>
    %select_n3A_631 = arith.select %ge3A_626, %broadcast_in_dim3A_629, %broadcast_in_dim3A_630 : vector<16xi1>, vector<16xi32>
    %add3A_632 = arith.addi %select_n3A_623, %select_n3A_631 : vector<16xi32>
    %ge3A_633 = arith.constant 761856 : i32
    %ge3A_634 = vector.broadcast %ge3A_633 : i32 to vector<16xi32>
    %ge3A_635 = arith.cmpi sge, %get3A_615, %ge3A_634 : vector<16xi32>
    %jit3A_636 = arith.constant 1 : i32
    %jit3A_637 = arith.constant 0 : i32
    %broadcast_in_dim3A_638 = vector.broadcast %jit3A_636 : i32 to vector<16xi32>
    %broadcast_in_dim3A_639 = vector.broadcast %jit3A_637 : i32 to vector<16xi32>
    %select_n3A_640 = arith.select %ge3A_635, %broadcast_in_dim3A_638, %broadcast_in_dim3A_639 : vector<16xi1>, vector<16xi32>
    %add3A_641 = arith.addi %add3A_632, %select_n3A_640 : vector<16xi32>
    %mul3A_642 = arith.constant 253952 : i32
    %mul3A_643 = vector.broadcast %mul3A_642 : i32 to vector<16xi32>
    %mul3A_644 = arith.muli %add3A_641, %mul3A_643 : vector<16xi32>
    %sub3A_645 = arith.subi %get3A_615, %mul3A_644 : vector<16xi32>
    %swap3A_646 = arith.constant 1 : i32
    %swap3A_647 = arith.index_cast %swap3A_646 : i32 to index
    %swap3A_648 = arith.constant 112 : index
    %swap3A_649 = tpu.vector_load %arg5[%swap3A_647, %swap3A_648] {strides = array<i32>} : memref<4x128xi32, #tpu.memory_space<vmem>>, vector<1x16xi32>,
    %swap3A_650 = vector.shape_cast %swap3A_649 : vector<1x16xi32> to vector<16xi32>
    %swap3A_651 = vector.shape_cast %sub3A_645 : vector<16xi32> to vector<1x16xi32>
    tpu.vector_store %arg5[%swap3A_647, %swap3A_648], %swap3A_651 {strides = array<i32>} : memref<4x128xi32, #tpu.memory_space<vmem>>, vector<1x16xi32>,
    %get3A_652 = arith.constant 2 : i32
    %get3A_653 = arith.index_cast %get3A_652 : i32 to index
    %get3A_654 = arith.constant 0 : index
    %get3A_655 = tpu.vector_load %arg5[%get3A_653, %get3A_654] {strides = array<i32>} : memref<4x128xi32, #tpu.memory_space<vmem>>, vector<1x16xi32>,
    %get3A_656 = vector.shape_cast %get3A_655 : vector<1x16xi32> to vector<16xi32>
    %ge3A_657 = arith.constant 253952 : i32
    %ge3A_658 = vector.broadcast %ge3A_657 : i32 to vector<16xi32>
    %ge3A_659 = arith.cmpi sge, %get3A_656, %ge3A_658 : vector<16xi32>
    %jit3A_660 = arith.constant 1 : i32
    %jit3A_661 = arith.constant 0 : i32
    %broadcast_in_dim3A_662 = vector.broadcast %jit3A_660 : i32 to vector<16xi32>
    %broadcast_in_dim3A_663 = vector.broadcast %jit3A_661 : i32 to vector<16xi32>
    %select_n3A_664 = arith.select %ge3A_659, %broadcast_in_dim3A_662, %broadcast_in_dim3A_663 : vector<16xi1>, vector<16xi32>
    %ge3A_665 = arith.constant 507904 : i32
    %ge3A_666 = vector.broadcast %ge3A_665 : i32 to vector<16xi32>
    %ge3A_667 = arith.cmpi sge, %get3A_656, %ge3A_666 : vector<16xi32>
    %jit3A_668 = arith.constant 1 : i32
    %jit3A_669 = arith.constant 0 : i32
    %broadcast_in_dim3A_670 = vector.broadcast %jit3A_668 : i32 to vector<16xi32>
    %broadcast_in_dim3A_671 = vector.broadcast %jit3A_669 : i32 to vector<16xi32>
    %select_n3A_672 = arith.select %ge3A_667, %broadcast_in_dim3A_670, %broadcast_in_dim3A_671 : vector<16xi1>, vector<16xi32>
    %add3A_673 = arith.addi %select_n3A_664, %select_n3A_672 : vector<16xi32>
    %ge3A_674 = arith.constant 761856 : i32
    %ge3A_675 = vector.broadcast %ge3A_674 : i32 to vector<16xi32>
    %ge3A_676 = arith.cmpi sge, %get3A_656, %ge3A_675 : vector<16xi32>
    %jit3A_677 = arith.constant 1 : i32
    %jit3A_678 = arith.constant 0 : i32
    %broadcast_in_dim3A_679 = vector.broadcast %jit3A_677 : i32 to vector<16xi32>
    %broadcast_in_dim3A_680 = vector.broadcast %jit3A_678 : i32 to vector<16xi32>
    %select_n3A_681 = arith.select %ge3A_676, %broadcast_in_dim3A_679, %broadcast_in_dim3A_680 : vector<16xi1>, vector<16xi32>
    %add3A_682 = arith.addi %add3A_673, %select_n3A_681 : vector<16xi32>
    %mul3A_683 = arith.constant 253952 : i32
    %mul3A_684 = vector.broadcast %mul3A_683 : i32 to vector<16xi32>
    %mul3A_685 = arith.muli %add3A_682, %mul3A_684 : vector<16xi32>
    %sub3A_686 = arith.subi %get3A_656, %mul3A_685 : vector<16xi32>
    %swap3A_687 = arith.constant 2 : i32
    %swap3A_688 = arith.index_cast %swap3A_687 : i32 to index
    %swap3A_689 = arith.constant 0 : index
    %swap3A_690 = tpu.vector_load %arg5[%swap3A_688, %swap3A_689] {strides = array<i32>} : memref<4x128xi32, #tpu.memory_space<vmem>>, vector<1x16xi32>,
    %swap3A_691 = vector.shape_cast %swap3A_690 : vector<1x16xi32> to vector<16xi32>
    %swap3A_692 = vector.shape_cast %sub3A_686 : vector<16xi32> to vector<1x16xi32>
    tpu.vector_store %arg5[%swap3A_688, %swap3A_689], %swap3A_692 {strides = array<i32>} : memref<4x128xi32, #tpu.memory_space<vmem>>, vector<1x16xi32>,
    %get3A_693 = arith.constant 2 : i32
    %get3A_694 = arith.index_cast %get3A_693 : i32 to index
    %get3A_695 = arith.constant 16 : index
    %get3A_696 = tpu.vector_load %arg5[%get3A_694, %get3A_695] {strides = array<i32>} : memref<4x128xi32, #tpu.memory_space<vmem>>, vector<1x16xi32>,
    %get3A_697 = vector.shape_cast %get3A_696 : vector<1x16xi32> to vector<16xi32>
    %ge3A_698 = arith.constant 253952 : i32
    %ge3A_699 = vector.broadcast %ge3A_698 : i32 to vector<16xi32>
    %ge3A_700 = arith.cmpi sge, %get3A_697, %ge3A_699 : vector<16xi32>
    %jit3A_701 = arith.constant 1 : i32
    %jit3A_702 = arith.constant 0 : i32
    %broadcast_in_dim3A_703 = vector.broadcast %jit3A_701 : i32 to vector<16xi32>
    %broadcast_in_dim3A_704 = vector.broadcast %jit3A_702 : i32 to vector<16xi32>
    %select_n3A_705 = arith.select %ge3A_700, %broadcast_in_dim3A_703, %broadcast_in_dim3A_704 : vector<16xi1>, vector<16xi32>
    %ge3A_706 = arith.constant 507904 : i32
    %ge3A_707 = vector.broadcast %ge3A_706 : i32 to vector<16xi32>
    %ge3A_708 = arith.cmpi sge, %get3A_697, %ge3A_707 : vector<16xi32>
    %jit3A_709 = arith.constant 1 : i32
    %jit3A_710 = arith.constant 0 : i32
    %broadcast_in_dim3A_711 = vector.broadcast %jit3A_709 : i32 to vector<16xi32>
    %broadcast_in_dim3A_712 = vector.broadcast %jit3A_710 : i32 to vector<16xi32>
    %select_n3A_713 = arith.select %ge3A_708, %broadcast_in_dim3A_711, %broadcast_in_dim3A_712 : vector<16xi1>, vector<16xi32>
    %add3A_714 = arith.addi %select_n3A_705, %select_n3A_713 : vector<16xi32>
    %ge3A_715 = arith.constant 761856 : i32
    %ge3A_716 = vector.broadcast %ge3A_715 : i32 to vector<16xi32>
    %ge3A_717 = arith.cmpi sge, %get3A_697, %ge3A_716 : vector<16xi32>
    %jit3A_718 = arith.constant 1 : i32
    %jit3A_719 = arith.constant 0 : i32
    %broadcast_in_dim3A_720 = vector.broadcast %jit3A_718 : i32 to vector<16xi32>
    %broadcast_in_dim3A_721 = vector.broadcast %jit3A_719 : i32 to vector<16xi32>
    %select_n3A_722 = arith.select %ge3A_717, %broadcast_in_dim3A_720, %broadcast_in_dim3A_721 : vector<16xi1>, vector<16xi32>
    %add3A_723 = arith.addi %add3A_714, %select_n3A_722 : vector<16xi32>
    %mul3A_724 = arith.constant 253952 : i32
    %mul3A_725 = vector.broadcast %mul3A_724 : i32 to vector<16xi32>
    %mul3A_726 = arith.muli %add3A_723, %mul3A_725 : vector<16xi32>
    %sub3A_727 = arith.subi %get3A_697, %mul3A_726 : vector<16xi32>
    %swap3A_728 = arith.constant 2 : i32
    %swap3A_729 = arith.index_cast %swap3A_728 : i32 to index
    %swap3A_730 = arith.constant 16 : index
    %swap3A_731 = tpu.vector_load %arg5[%swap3A_729, %swap3A_730] {strides = array<i32>} : memref<4x128xi32, #tpu.memory_space<vmem>>, vector<1x16xi32>,
    %swap3A_732 = vector.shape_cast %swap3A_731 : vector<1x16xi32> to vector<16xi32>
    %swap3A_733 = vector.shape_cast %sub3A_727 : vector<16xi32> to vector<1x16xi32>
    tpu.vector_store %arg5[%swap3A_729, %swap3A_730], %swap3A_733 {strides = array<i32>} : memref<4x128xi32, #tpu.memory_space<vmem>>, vector<1x16xi32>,
    %get3A_734 = arith.constant 2 : i32
    %get3A_735 = arith.index_cast %get3A_734 : i32 to index
    %get3A_736 = arith.constant 32 : index
    %get3A_737 = tpu.vector_load %arg5[%get3A_735, %get3A_736] {strides = array<i32>} : memref<4x128xi32, #tpu.memory_space<vmem>>, vector<1x16xi32>,
    %get3A_738 = vector.shape_cast %get3A_737 : vector<1x16xi32> to vector<16xi32>
    %ge3A_739 = arith.constant 253952 : i32
    %ge3A_740 = vector.broadcast %ge3A_739 : i32 to vector<16xi32>
    %ge3A_741 = arith.cmpi sge, %get3A_738, %ge3A_740 : vector<16xi32>
    %jit3A_742 = arith.constant 1 : i32
    %jit3A_743 = arith.constant 0 : i32
    %broadcast_in_dim3A_744 = vector.broadcast %jit3A_742 : i32 to vector<16xi32>
    %broadcast_in_dim3A_745 = vector.broadcast %jit3A_743 : i32 to vector<16xi32>
    %select_n3A_746 = arith.select %ge3A_741, %broadcast_in_dim3A_744, %broadcast_in_dim3A_745 : vector<16xi1>, vector<16xi32>
    %ge3A_747 = arith.constant 507904 : i32
    %ge3A_748 = vector.broadcast %ge3A_747 : i32 to vector<16xi32>
    %ge3A_749 = arith.cmpi sge, %get3A_738, %ge3A_748 : vector<16xi32>
    %jit3A_750 = arith.constant 1 : i32
    %jit3A_751 = arith.constant 0 : i32
    %broadcast_in_dim3A_752 = vector.broadcast %jit3A_750 : i32 to vector<16xi32>
    %broadcast_in_dim3A_753 = vector.broadcast %jit3A_751 : i32 to vector<16xi32>
    %select_n3A_754 = arith.select %ge3A_749, %broadcast_in_dim3A_752, %broadcast_in_dim3A_753 : vector<16xi1>, vector<16xi32>
    %add3A_755 = arith.addi %select_n3A_746, %select_n3A_754 : vector<16xi32>
    %ge3A_756 = arith.constant 761856 : i32
    %ge3A_757 = vector.broadcast %ge3A_756 : i32 to vector<16xi32>
    %ge3A_758 = arith.cmpi sge, %get3A_738, %ge3A_757 : vector<16xi32>
    %jit3A_759 = arith.constant 1 : i32
    %jit3A_760 = arith.constant 0 : i32
    %broadcast_in_dim3A_761 = vector.broadcast %jit3A_759 : i32 to vector<16xi32>
    %broadcast_in_dim3A_762 = vector.broadcast %jit3A_760 : i32 to vector<16xi32>
    %select_n3A_763 = arith.select %ge3A_758, %broadcast_in_dim3A_761, %broadcast_in_dim3A_762 : vector<16xi1>, vector<16xi32>
    %add3A_764 = arith.addi %add3A_755, %select_n3A_763 : vector<16xi32>
    %mul3A_765 = arith.constant 253952 : i32
    %mul3A_766 = vector.broadcast %mul3A_765 : i32 to vector<16xi32>
    %mul3A_767 = arith.muli %add3A_764, %mul3A_766 : vector<16xi32>
    %sub3A_768 = arith.subi %get3A_738, %mul3A_767 : vector<16xi32>
    %swap3A_769 = arith.constant 2 : i32
    %swap3A_770 = arith.index_cast %swap3A_769 : i32 to index
    %swap3A_771 = arith.constant 32 : index
    %swap3A_772 = tpu.vector_load %arg5[%swap3A_770, %swap3A_771] {strides = array<i32>} : memref<4x128xi32, #tpu.memory_space<vmem>>, vector<1x16xi32>,
    %swap3A_773 = vector.shape_cast %swap3A_772 : vector<1x16xi32> to vector<16xi32>
    %swap3A_774 = vector.shape_cast %sub3A_768 : vector<16xi32> to vector<1x16xi32>
    tpu.vector_store %arg5[%swap3A_770, %swap3A_771], %swap3A_774 {strides = array<i32>} : memref<4x128xi32, #tpu.memory_space<vmem>>, vector<1x16xi32>,
    %get3A_775 = arith.constant 2 : i32
    %get3A_776 = arith.index_cast %get3A_775 : i32 to index
    %get3A_777 = arith.constant 48 : index
    %get3A_778 = tpu.vector_load %arg5[%get3A_776, %get3A_777] {strides = array<i32>} : memref<4x128xi32, #tpu.memory_space<vmem>>, vector<1x16xi32>,
    %get3A_779 = vector.shape_cast %get3A_778 : vector<1x16xi32> to vector<16xi32>
    %ge3A_780 = arith.constant 253952 : i32
    %ge3A_781 = vector.broadcast %ge3A_780 : i32 to vector<16xi32>
    %ge3A_782 = arith.cmpi sge, %get3A_779, %ge3A_781 : vector<16xi32>
    %jit3A_783 = arith.constant 1 : i32
    %jit3A_784 = arith.constant 0 : i32
    %broadcast_in_dim3A_785 = vector.broadcast %jit3A_783 : i32 to vector<16xi32>
    %broadcast_in_dim3A_786 = vector.broadcast %jit3A_784 : i32 to vector<16xi32>
    %select_n3A_787 = arith.select %ge3A_782, %broadcast_in_dim3A_785, %broadcast_in_dim3A_786 : vector<16xi1>, vector<16xi32>
    %ge3A_788 = arith.constant 507904 : i32
    %ge3A_789 = vector.broadcast %ge3A_788 : i32 to vector<16xi32>
    %ge3A_790 = arith.cmpi sge, %get3A_779, %ge3A_789 : vector<16xi32>
    %jit3A_791 = arith.constant 1 : i32
    %jit3A_792 = arith.constant 0 : i32
    %broadcast_in_dim3A_793 = vector.broadcast %jit3A_791 : i32 to vector<16xi32>
    %broadcast_in_dim3A_794 = vector.broadcast %jit3A_792 : i32 to vector<16xi32>
    %select_n3A_795 = arith.select %ge3A_790, %broadcast_in_dim3A_793, %broadcast_in_dim3A_794 : vector<16xi1>, vector<16xi32>
    %add3A_796 = arith.addi %select_n3A_787, %select_n3A_795 : vector<16xi32>
    %ge3A_797 = arith.constant 761856 : i32
    %ge3A_798 = vector.broadcast %ge3A_797 : i32 to vector<16xi32>
    %ge3A_799 = arith.cmpi sge, %get3A_779, %ge3A_798 : vector<16xi32>
    %jit3A_800 = arith.constant 1 : i32
    %jit3A_801 = arith.constant 0 : i32
    %broadcast_in_dim3A_802 = vector.broadcast %jit3A_800 : i32 to vector<16xi32>
    %broadcast_in_dim3A_803 = vector.broadcast %jit3A_801 : i32 to vector<16xi32>
    %select_n3A_804 = arith.select %ge3A_799, %broadcast_in_dim3A_802, %broadcast_in_dim3A_803 : vector<16xi1>, vector<16xi32>
    %add3A_805 = arith.addi %add3A_796, %select_n3A_804 : vector<16xi32>
    %mul3A_806 = arith.constant 253952 : i32
    %mul3A_807 = vector.broadcast %mul3A_806 : i32 to vector<16xi32>
    %mul3A_808 = arith.muli %add3A_805, %mul3A_807 : vector<16xi32>
    %sub3A_809 = arith.subi %get3A_779, %mul3A_808 : vector<16xi32>
    %swap3A_810 = arith.constant 2 : i32
    %swap3A_811 = arith.index_cast %swap3A_810 : i32 to index
    %swap3A_812 = arith.constant 48 : index
    %swap3A_813 = tpu.vector_load %arg5[%swap3A_811, %swap3A_812] {strides = array<i32>} : memref<4x128xi32, #tpu.memory_space<vmem>>, vector<1x16xi32>,
    %swap3A_814 = vector.shape_cast %swap3A_813 : vector<1x16xi32> to vector<16xi32>
    %swap3A_815 = vector.shape_cast %sub3A_809 : vector<16xi32> to vector<1x16xi32>
    tpu.vector_store %arg5[%swap3A_811, %swap3A_812], %swap3A_815 {strides = array<i32>} : memref<4x128xi32, #tpu.memory_space<vmem>>, vector<1x16xi32>,
    %get3A_816 = arith.constant 2 : i32
    %get3A_817 = arith.index_cast %get3A_816 : i32 to index
    %get3A_818 = arith.constant 64 : index
    %get3A_819 = tpu.vector_load %arg5[%get3A_817, %get3A_818] {strides = array<i32>} : memref<4x128xi32, #tpu.memory_space<vmem>>, vector<1x16xi32>,
    %get3A_820 = vector.shape_cast %get3A_819 : vector<1x16xi32> to vector<16xi32>
    %ge3A_821 = arith.constant 253952 : i32
    %ge3A_822 = vector.broadcast %ge3A_821 : i32 to vector<16xi32>
    %ge3A_823 = arith.cmpi sge, %get3A_820, %ge3A_822 : vector<16xi32>
    %jit3A_824 = arith.constant 1 : i32
    %jit3A_825 = arith.constant 0 : i32
    %broadcast_in_dim3A_826 = vector.broadcast %jit3A_824 : i32 to vector<16xi32>
    %broadcast_in_dim3A_827 = vector.broadcast %jit3A_825 : i32 to vector<16xi32>
    %select_n3A_828 = arith.select %ge3A_823, %broadcast_in_dim3A_826, %broadcast_in_dim3A_827 : vector<16xi1>, vector<16xi32>
    %ge3A_829 = arith.constant 507904 : i32
    %ge3A_830 = vector.broadcast %ge3A_829 : i32 to vector<16xi32>
    %ge3A_831 = arith.cmpi sge, %get3A_820, %ge3A_830 : vector<16xi32>
    %jit3A_832 = arith.constant 1 : i32
    %jit3A_833 = arith.constant 0 : i32
    %broadcast_in_dim3A_834 = vector.broadcast %jit3A_832 : i32 to vector<16xi32>
    %broadcast_in_dim3A_835 = vector.broadcast %jit3A_833 : i32 to vector<16xi32>
    %select_n3A_836 = arith.select %ge3A_831, %broadcast_in_dim3A_834, %broadcast_in_dim3A_835 : vector<16xi1>, vector<16xi32>
    %add3A_837 = arith.addi %select_n3A_828, %select_n3A_836 : vector<16xi32>
    %ge3A_838 = arith.constant 761856 : i32
    %ge3A_839 = vector.broadcast %ge3A_838 : i32 to vector<16xi32>
    %ge3A_840 = arith.cmpi sge, %get3A_820, %ge3A_839 : vector<16xi32>
    %jit3A_841 = arith.constant 1 : i32
    %jit3A_842 = arith.constant 0 : i32
    %broadcast_in_dim3A_843 = vector.broadcast %jit3A_841 : i32 to vector<16xi32>
    %broadcast_in_dim3A_844 = vector.broadcast %jit3A_842 : i32 to vector<16xi32>
    %select_n3A_845 = arith.select %ge3A_840, %broadcast_in_dim3A_843, %broadcast_in_dim3A_844 : vector<16xi1>, vector<16xi32>
    %add3A_846 = arith.addi %add3A_837, %select_n3A_845 : vector<16xi32>
    %mul3A_847 = arith.constant 253952 : i32
    %mul3A_848 = vector.broadcast %mul3A_847 : i32 to vector<16xi32>
    %mul3A_849 = arith.muli %add3A_846, %mul3A_848 : vector<16xi32>
    %sub3A_850 = arith.subi %get3A_820, %mul3A_849 : vector<16xi32>
    %swap3A_851 = arith.constant 2 : i32
    %swap3A_852 = arith.index_cast %swap3A_851 : i32 to index
    %swap3A_853 = arith.constant 64 : index
    %swap3A_854 = tpu.vector_load %arg5[%swap3A_852, %swap3A_853] {strides = array<i32>} : memref<4x128xi32, #tpu.memory_space<vmem>>, vector<1x16xi32>,
    %swap3A_855 = vector.shape_cast %swap3A_854 : vector<1x16xi32> to vector<16xi32>
    %swap3A_856 = vector.shape_cast %sub3A_850 : vector<16xi32> to vector<1x16xi32>
    tpu.vector_store %arg5[%swap3A_852, %swap3A_853], %swap3A_856 {strides = array<i32>} : memref<4x128xi32, #tpu.memory_space<vmem>>, vector<1x16xi32>,
    %get3A_857 = arith.constant 2 : i32
    %get3A_858 = arith.index_cast %get3A_857 : i32 to index
    %get3A_859 = arith.constant 80 : index
    %get3A_860 = tpu.vector_load %arg5[%get3A_858, %get3A_859] {strides = array<i32>} : memref<4x128xi32, #tpu.memory_space<vmem>>, vector<1x16xi32>,
    %get3A_861 = vector.shape_cast %get3A_860 : vector<1x16xi32> to vector<16xi32>
    %ge3A_862 = arith.constant 253952 : i32
    %ge3A_863 = vector.broadcast %ge3A_862 : i32 to vector<16xi32>
    %ge3A_864 = arith.cmpi sge, %get3A_861, %ge3A_863 : vector<16xi32>
    %jit3A_865 = arith.constant 1 : i32
    %jit3A_866 = arith.constant 0 : i32
    %broadcast_in_dim3A_867 = vector.broadcast %jit3A_865 : i32 to vector<16xi32>
    %broadcast_in_dim3A_868 = vector.broadcast %jit3A_866 : i32 to vector<16xi32>
    %select_n3A_869 = arith.select %ge3A_864, %broadcast_in_dim3A_867, %broadcast_in_dim3A_868 : vector<16xi1>, vector<16xi32>
    %ge3A_870 = arith.constant 507904 : i32
    %ge3A_871 = vector.broadcast %ge3A_870 : i32 to vector<16xi32>
    %ge3A_872 = arith.cmpi sge, %get3A_861, %ge3A_871 : vector<16xi32>
    %jit3A_873 = arith.constant 1 : i32
    %jit3A_874 = arith.constant 0 : i32
    %broadcast_in_dim3A_875 = vector.broadcast %jit3A_873 : i32 to vector<16xi32>
    %broadcast_in_dim3A_876 = vector.broadcast %jit3A_874 : i32 to vector<16xi32>
    %select_n3A_877 = arith.select %ge3A_872, %broadcast_in_dim3A_875, %broadcast_in_dim3A_876 : vector<16xi1>, vector<16xi32>
    %add3A_878 = arith.addi %select_n3A_869, %select_n3A_877 : vector<16xi32>
    %ge3A_879 = arith.constant 761856 : i32
    %ge3A_880 = vector.broadcast %ge3A_879 : i32 to vector<16xi32>
    %ge3A_881 = arith.cmpi sge, %get3A_861, %ge3A_880 : vector<16xi32>
    %jit3A_882 = arith.constant 1 : i32
    %jit3A_883 = arith.constant 0 : i32
    %broadcast_in_dim3A_884 = vector.broadcast %jit3A_882 : i32 to vector<16xi32>
    %broadcast_in_dim3A_885 = vector.broadcast %jit3A_883 : i32 to vector<16xi32>
    %select_n3A_886 = arith.select %ge3A_881, %broadcast_in_dim3A_884, %broadcast_in_dim3A_885 : vector<16xi1>, vector<16xi32>
    %add3A_887 = arith.addi %add3A_878, %select_n3A_886 : vector<16xi32>
    %mul3A_888 = arith.constant 253952 : i32
    %mul3A_889 = vector.broadcast %mul3A_888 : i32 to vector<16xi32>
    %mul3A_890 = arith.muli %add3A_887, %mul3A_889 : vector<16xi32>
    %sub3A_891 = arith.subi %get3A_861, %mul3A_890 : vector<16xi32>
    %swap3A_892 = arith.constant 2 : i32
    %swap3A_893 = arith.index_cast %swap3A_892 : i32 to index
    %swap3A_894 = arith.constant 80 : index
    %swap3A_895 = tpu.vector_load %arg5[%swap3A_893, %swap3A_894] {strides = array<i32>} : memref<4x128xi32, #tpu.memory_space<vmem>>, vector<1x16xi32>,
    %swap3A_896 = vector.shape_cast %swap3A_895 : vector<1x16xi32> to vector<16xi32>
    %swap3A_897 = vector.shape_cast %sub3A_891 : vector<16xi32> to vector<1x16xi32>
    tpu.vector_store %arg5[%swap3A_893, %swap3A_894], %swap3A_897 {strides = array<i32>} : memref<4x128xi32, #tpu.memory_space<vmem>>, vector<1x16xi32>,
    %get3A_898 = arith.constant 2 : i32
    %get3A_899 = arith.index_cast %get3A_898 : i32 to index
    %get3A_900 = arith.constant 96 : index
    %get3A_901 = tpu.vector_load %arg5[%get3A_899, %get3A_900] {strides = array<i32>} : memref<4x128xi32, #tpu.memory_space<vmem>>, vector<1x16xi32>,
    %get3A_902 = vector.shape_cast %get3A_901 : vector<1x16xi32> to vector<16xi32>
    %ge3A_903 = arith.constant 253952 : i32
    %ge3A_904 = vector.broadcast %ge3A_903 : i32 to vector<16xi32>
    %ge3A_905 = arith.cmpi sge, %get3A_902, %ge3A_904 : vector<16xi32>
    %jit3A_906 = arith.constant 1 : i32
    %jit3A_907 = arith.constant 0 : i32
    %broadcast_in_dim3A_908 = vector.broadcast %jit3A_906 : i32 to vector<16xi32>
    %broadcast_in_dim3A_909 = vector.broadcast %jit3A_907 : i32 to vector<16xi32>
    %select_n3A_910 = arith.select %ge3A_905, %broadcast_in_dim3A_908, %broadcast_in_dim3A_909 : vector<16xi1>, vector<16xi32>
    %ge3A_911 = arith.constant 507904 : i32
    %ge3A_912 = vector.broadcast %ge3A_911 : i32 to vector<16xi32>
    %ge3A_913 = arith.cmpi sge, %get3A_902, %ge3A_912 : vector<16xi32>
    %jit3A_914 = arith.constant 1 : i32
    %jit3A_915 = arith.constant 0 : i32
    %broadcast_in_dim3A_916 = vector.broadcast %jit3A_914 : i32 to vector<16xi32>
    %broadcast_in_dim3A_917 = vector.broadcast %jit3A_915 : i32 to vector<16xi32>
    %select_n3A_918 = arith.select %ge3A_913, %broadcast_in_dim3A_916, %broadcast_in_dim3A_917 : vector<16xi1>, vector<16xi32>
    %add3A_919 = arith.addi %select_n3A_910, %select_n3A_918 : vector<16xi32>
    %ge3A_920 = arith.constant 761856 : i32
    %ge3A_921 = vector.broadcast %ge3A_920 : i32 to vector<16xi32>
    %ge3A_922 = arith.cmpi sge, %get3A_902, %ge3A_921 : vector<16xi32>
    %jit3A_923 = arith.constant 1 : i32
    %jit3A_924 = arith.constant 0 : i32
    %broadcast_in_dim3A_925 = vector.broadcast %jit3A_923 : i32 to vector<16xi32>
    %broadcast_in_dim3A_926 = vector.broadcast %jit3A_924 : i32 to vector<16xi32>
    %select_n3A_927 = arith.select %ge3A_922, %broadcast_in_dim3A_925, %broadcast_in_dim3A_926 : vector<16xi1>, vector<16xi32>
    %add3A_928 = arith.addi %add3A_919, %select_n3A_927 : vector<16xi32>
    %mul3A_929 = arith.constant 253952 : i32
    %mul3A_930 = vector.broadcast %mul3A_929 : i32 to vector<16xi32>
    %mul3A_931 = arith.muli %add3A_928, %mul3A_930 : vector<16xi32>
    %sub3A_932 = arith.subi %get3A_902, %mul3A_931 : vector<16xi32>
    %swap3A_933 = arith.constant 2 : i32
    %swap3A_934 = arith.index_cast %swap3A_933 : i32 to index
    %swap3A_935 = arith.constant 96 : index
    %swap3A_936 = tpu.vector_load %arg5[%swap3A_934, %swap3A_935] {strides = array<i32>} : memref<4x128xi32, #tpu.memory_space<vmem>>, vector<1x16xi32>,
    %swap3A_937 = vector.shape_cast %swap3A_936 : vector<1x16xi32> to vector<16xi32>
    %swap3A_938 = vector.shape_cast %sub3A_932 : vector<16xi32> to vector<1x16xi32>
    tpu.vector_store %arg5[%swap3A_934, %swap3A_935], %swap3A_938 {strides = array<i32>} : memref<4x128xi32, #tpu.memory_space<vmem>>, vector<1x16xi32>,
    %get3A_939 = arith.constant 2 : i32
    %get3A_940 = arith.index_cast %get3A_939 : i32 to index
    %get3A_941 = arith.constant 112 : index
    %get3A_942 = tpu.vector_load %arg5[%get3A_940, %get3A_941] {strides = array<i32>} : memref<4x128xi32, #tpu.memory_space<vmem>>, vector<1x16xi32>,
    %get3A_943 = vector.shape_cast %get3A_942 : vector<1x16xi32> to vector<16xi32>
    %ge3A_944 = arith.constant 253952 : i32
    %ge3A_945 = vector.broadcast %ge3A_944 : i32 to vector<16xi32>
    %ge3A_946 = arith.cmpi sge, %get3A_943, %ge3A_945 : vector<16xi32>
    %jit3A_947 = arith.constant 1 : i32
    %jit3A_948 = arith.constant 0 : i32
    %broadcast_in_dim3A_949 = vector.broadcast %jit3A_947 : i32 to vector<16xi32>
    %broadcast_in_dim3A_950 = vector.broadcast %jit3A_948 : i32 to vector<16xi32>
    %select_n3A_951 = arith.select %ge3A_946, %broadcast_in_dim3A_949, %broadcast_in_dim3A_950 : vector<16xi1>, vector<16xi32>
    %ge3A_952 = arith.constant 507904 : i32
    %ge3A_953 = vector.broadcast %ge3A_952 : i32 to vector<16xi32>
    %ge3A_954 = arith.cmpi sge, %get3A_943, %ge3A_953 : vector<16xi32>
    %jit3A_955 = arith.constant 1 : i32
    %jit3A_956 = arith.constant 0 : i32
    %broadcast_in_dim3A_957 = vector.broadcast %jit3A_955 : i32 to vector<16xi32>
    %broadcast_in_dim3A_958 = vector.broadcast %jit3A_956 : i32 to vector<16xi32>
    %select_n3A_959 = arith.select %ge3A_954, %broadcast_in_dim3A_957, %broadcast_in_dim3A_958 : vector<16xi1>, vector<16xi32>
    %add3A_960 = arith.addi %select_n3A_951, %select_n3A_959 : vector<16xi32>
    %ge3A_961 = arith.constant 761856 : i32
    %ge3A_962 = vector.broadcast %ge3A_961 : i32 to vector<16xi32>
    %ge3A_963 = arith.cmpi sge, %get3A_943, %ge3A_962 : vector<16xi32>
    %jit3A_964 = arith.constant 1 : i32
    %jit3A_965 = arith.constant 0 : i32
    %broadcast_in_dim3A_966 = vector.broadcast %jit3A_964 : i32 to vector<16xi32>
    %broadcast_in_dim3A_967 = vector.broadcast %jit3A_965 : i32 to vector<16xi32>
    %select_n3A_968 = arith.select %ge3A_963, %broadcast_in_dim3A_966, %broadcast_in_dim3A_967 : vector<16xi1>, vector<16xi32>
    %add3A_969 = arith.addi %add3A_960, %select_n3A_968 : vector<16xi32>
    %mul3A_970 = arith.constant 253952 : i32
    %mul3A_971 = vector.broadcast %mul3A_970 : i32 to vector<16xi32>
    %mul3A_972 = arith.muli %add3A_969, %mul3A_971 : vector<16xi32>
    %sub3A_973 = arith.subi %get3A_943, %mul3A_972 : vector<16xi32>
    %swap3A_974 = arith.constant 2 : i32
    %swap3A_975 = arith.index_cast %swap3A_974 : i32 to index
    %swap3A_976 = arith.constant 112 : index
    %swap3A_977 = tpu.vector_load %arg5[%swap3A_975, %swap3A_976] {strides = array<i32>} : memref<4x128xi32, #tpu.memory_space<vmem>>, vector<1x16xi32>,
    %swap3A_978 = vector.shape_cast %swap3A_977 : vector<1x16xi32> to vector<16xi32>
    %swap3A_979 = vector.shape_cast %sub3A_973 : vector<16xi32> to vector<1x16xi32>
    tpu.vector_store %arg5[%swap3A_975, %swap3A_976], %swap3A_979 {strides = array<i32>} : memref<4x128xi32, #tpu.memory_space<vmem>>, vector<1x16xi32>,
    %get3A_980 = arith.constant 3 : i32
    %get3A_981 = arith.index_cast %get3A_980 : i32 to index
    %get3A_982 = arith.constant 0 : index
    %get3A_983 = tpu.vector_load %arg5[%get3A_981, %get3A_982] {strides = array<i32>} : memref<4x128xi32, #tpu.memory_space<vmem>>, vector<1x16xi32>,
    %get3A_984 = vector.shape_cast %get3A_983 : vector<1x16xi32> to vector<16xi32>
    %ge3A_985 = arith.constant 253952 : i32
    %ge3A_986 = vector.broadcast %ge3A_985 : i32 to vector<16xi32>
    %ge3A_987 = arith.cmpi sge, %get3A_984, %ge3A_986 : vector<16xi32>
    %jit3A_988 = arith.constant 1 : i32
    %jit3A_989 = arith.constant 0 : i32
    %broadcast_in_dim3A_990 = vector.broadcast %jit3A_988 : i32 to vector<16xi32>
    %broadcast_in_dim3A_991 = vector.broadcast %jit3A_989 : i32 to vector<16xi32>
    %select_n3A_992 = arith.select %ge3A_987, %broadcast_in_dim3A_990, %broadcast_in_dim3A_991 : vector<16xi1>, vector<16xi32>
    %ge3A_993 = arith.constant 507904 : i32
    %ge3A_994 = vector.broadcast %ge3A_993 : i32 to vector<16xi32>
    %ge3A_995 = arith.cmpi sge, %get3A_984, %ge3A_994 : vector<16xi32>
    %jit3A_996 = arith.constant 1 : i32
    %jit3A_997 = arith.constant 0 : i32
    %broadcast_in_dim3A_998 = vector.broadcast %jit3A_996 : i32 to vector<16xi32>
    %broadcast_in_dim3A_999 = vector.broadcast %jit3A_997 : i32 to vector<16xi32>
    %select_n3A_1000 = arith.select %ge3A_995, %broadcast_in_dim3A_998, %broadcast_in_dim3A_999 : vector<16xi1>, vector<16xi32>
    %add3A_1001 = arith.addi %select_n3A_992, %select_n3A_1000 : vector<16xi32>
    %ge3A_1002 = arith.constant 761856 : i32
    %ge3A_1003 = vector.broadcast %ge3A_1002 : i32 to vector<16xi32>
    %ge3A_1004 = arith.cmpi sge, %get3A_984, %ge3A_1003 : vector<16xi32>
    %jit3A_1005 = arith.constant 1 : i32
    %jit3A_1006 = arith.constant 0 : i32
    %broadcast_in_dim3A_1007 = vector.broadcast %jit3A_1005 : i32 to vector<16xi32>
    %broadcast_in_dim3A_1008 = vector.broadcast %jit3A_1006 : i32 to vector<16xi32>
    %select_n3A_1009 = arith.select %ge3A_1004, %broadcast_in_dim3A_1007, %broadcast_in_dim3A_1008 : vector<16xi1>, vector<16xi32>
    %add3A_1010 = arith.addi %add3A_1001, %select_n3A_1009 : vector<16xi32>
    %mul3A_1011 = arith.constant 253952 : i32
    %mul3A_1012 = vector.broadcast %mul3A_1011 : i32 to vector<16xi32>
    %mul3A_1013 = arith.muli %add3A_1010, %mul3A_1012 : vector<16xi32>
    %sub3A_1014 = arith.subi %get3A_984, %mul3A_1013 : vector<16xi32>
    %swap3A_1015 = arith.constant 3 : i32
    %swap3A_1016 = arith.index_cast %swap3A_1015 : i32 to index
    %swap3A_1017 = arith.constant 0 : index
    %swap3A_1018 = tpu.vector_load %arg5[%swap3A_1016, %swap3A_1017] {strides = array<i32>} : memref<4x128xi32, #tpu.memory_space<vmem>>, vector<1x16xi32>,
    %swap3A_1019 = vector.shape_cast %swap3A_1018 : vector<1x16xi32> to vector<16xi32>
    %swap3A_1020 = vector.shape_cast %sub3A_1014 : vector<16xi32> to vector<1x16xi32>
    tpu.vector_store %arg5[%swap3A_1016, %swap3A_1017], %swap3A_1020 {strides = array<i32>} : memref<4x128xi32, #tpu.memory_space<vmem>>, vector<1x16xi32>,
    %get3A_1021 = arith.constant 3 : i32
    %get3A_1022 = arith.index_cast %get3A_1021 : i32 to index
    %get3A_1023 = arith.constant 16 : index
    %get3A_1024 = tpu.vector_load %arg5[%get3A_1022, %get3A_1023] {strides = array<i32>} : memref<4x128xi32, #tpu.memory_space<vmem>>, vector<1x16xi32>,
    %get3A_1025 = vector.shape_cast %get3A_1024 : vector<1x16xi32> to vector<16xi32>
    %ge3A_1026 = arith.constant 253952 : i32
    %ge3A_1027 = vector.broadcast %ge3A_1026 : i32 to vector<16xi32>
    %ge3A_1028 = arith.cmpi sge, %get3A_1025, %ge3A_1027 : vector<16xi32>
    %jit3A_1029 = arith.constant 1 : i32
    %jit3A_1030 = arith.constant 0 : i32
    %broadcast_in_dim3A_1031 = vector.broadcast %jit3A_1029 : i32 to vector<16xi32>
    %broadcast_in_dim3A_1032 = vector.broadcast %jit3A_1030 : i32 to vector<16xi32>
    %select_n3A_1033 = arith.select %ge3A_1028, %broadcast_in_dim3A_1031, %broadcast_in_dim3A_1032 : vector<16xi1>, vector<16xi32>
    %ge3A_1034 = arith.constant 507904 : i32
    %ge3A_1035 = vector.broadcast %ge3A_1034 : i32 to vector<16xi32>
    %ge3A_1036 = arith.cmpi sge, %get3A_1025, %ge3A_1035 : vector<16xi32>
    %jit3A_1037 = arith.constant 1 : i32
    %jit3A_1038 = arith.constant 0 : i32
    %broadcast_in_dim3A_1039 = vector.broadcast %jit3A_1037 : i32 to vector<16xi32>
    %broadcast_in_dim3A_1040 = vector.broadcast %jit3A_1038 : i32 to vector<16xi32>
    %select_n3A_1041 = arith.select %ge3A_1036, %broadcast_in_dim3A_1039, %broadcast_in_dim3A_1040 : vector<16xi1>, vector<16xi32>
    %add3A_1042 = arith.addi %select_n3A_1033, %select_n3A_1041 : vector<16xi32>
    %ge3A_1043 = arith.constant 761856 : i32
    %ge3A_1044 = vector.broadcast %ge3A_1043 : i32 to vector<16xi32>
    %ge3A_1045 = arith.cmpi sge, %get3A_1025, %ge3A_1044 : vector<16xi32>
    %jit3A_1046 = arith.constant 1 : i32
    %jit3A_1047 = arith.constant 0 : i32
    %broadcast_in_dim3A_1048 = vector.broadcast %jit3A_1046 : i32 to vector<16xi32>
    %broadcast_in_dim3A_1049 = vector.broadcast %jit3A_1047 : i32 to vector<16xi32>
    %select_n3A_1050 = arith.select %ge3A_1045, %broadcast_in_dim3A_1048, %broadcast_in_dim3A_1049 : vector<16xi1>, vector<16xi32>
    %add3A_1051 = arith.addi %add3A_1042, %select_n3A_1050 : vector<16xi32>
    %mul3A_1052 = arith.constant 253952 : i32
    %mul3A_1053 = vector.broadcast %mul3A_1052 : i32 to vector<16xi32>
    %mul3A_1054 = arith.muli %add3A_1051, %mul3A_1053 : vector<16xi32>
    %sub3A_1055 = arith.subi %get3A_1025, %mul3A_1054 : vector<16xi32>
    %swap3A_1056 = arith.constant 3 : i32
    %swap3A_1057 = arith.index_cast %swap3A_1056 : i32 to index
    %swap3A_1058 = arith.constant 16 : index
    %swap3A_1059 = tpu.vector_load %arg5[%swap3A_1057, %swap3A_1058] {strides = array<i32>} : memref<4x128xi32, #tpu.memory_space<vmem>>, vector<1x16xi32>,
    %swap3A_1060 = vector.shape_cast %swap3A_1059 : vector<1x16xi32> to vector<16xi32>
    %swap3A_1061 = vector.shape_cast %sub3A_1055 : vector<16xi32> to vector<1x16xi32>
    tpu.vector_store %arg5[%swap3A_1057, %swap3A_1058], %swap3A_1061 {strides = array<i32>} : memref<4x128xi32, #tpu.memory_space<vmem>>, vector<1x16xi32>,
    %get3A_1062 = arith.constant 3 : i32
    %get3A_1063 = arith.index_cast %get3A_1062 : i32 to index
    %get3A_1064 = arith.constant 32 : index
    %get3A_1065 = tpu.vector_load %arg5[%get3A_1063, %get3A_1064] {strides = array<i32>} : memref<4x128xi32, #tpu.memory_space<vmem>>, vector<1x16xi32>,
    %get3A_1066 = vector.shape_cast %get3A_1065 : vector<1x16xi32> to vector<16xi32>
    %ge3A_1067 = arith.constant 253952 : i32
    %ge3A_1068 = vector.broadcast %ge3A_1067 : i32 to vector<16xi32>
    %ge3A_1069 = arith.cmpi sge, %get3A_1066, %ge3A_1068 : vector<16xi32>
    %jit3A_1070 = arith.constant 1 : i32
    %jit3A_1071 = arith.constant 0 : i32
    %broadcast_in_dim3A_1072 = vector.broadcast %jit3A_1070 : i32 to vector<16xi32>
    %broadcast_in_dim3A_1073 = vector.broadcast %jit3A_1071 : i32 to vector<16xi32>
    %select_n3A_1074 = arith.select %ge3A_1069, %broadcast_in_dim3A_1072, %broadcast_in_dim3A_1073 : vector<16xi1>, vector<16xi32>
    %ge3A_1075 = arith.constant 507904 : i32
    %ge3A_1076 = vector.broadcast %ge3A_1075 : i32 to vector<16xi32>
    %ge3A_1077 = arith.cmpi sge, %get3A_1066, %ge3A_1076 : vector<16xi32>
    %jit3A_1078 = arith.constant 1 : i32
    %jit3A_1079 = arith.constant 0 : i32
    %broadcast_in_dim3A_1080 = vector.broadcast %jit3A_1078 : i32 to vector<16xi32>
    %broadcast_in_dim3A_1081 = vector.broadcast %jit3A_1079 : i32 to vector<16xi32>
    %select_n3A_1082 = arith.select %ge3A_1077, %broadcast_in_dim3A_1080, %broadcast_in_dim3A_1081 : vector<16xi1>, vector<16xi32>
    %add3A_1083 = arith.addi %select_n3A_1074, %select_n3A_1082 : vector<16xi32>
    %ge3A_1084 = arith.constant 761856 : i32
    %ge3A_1085 = vector.broadcast %ge3A_1084 : i32 to vector<16xi32>
    %ge3A_1086 = arith.cmpi sge, %get3A_1066, %ge3A_1085 : vector<16xi32>
    %jit3A_1087 = arith.constant 1 : i32
    %jit3A_1088 = arith.constant 0 : i32
    %broadcast_in_dim3A_1089 = vector.broadcast %jit3A_1087 : i32 to vector<16xi32>
    %broadcast_in_dim3A_1090 = vector.broadcast %jit3A_1088 : i32 to vector<16xi32>
    %select_n3A_1091 = arith.select %ge3A_1086, %broadcast_in_dim3A_1089, %broadcast_in_dim3A_1090 : vector<16xi1>, vector<16xi32>
    %add3A_1092 = arith.addi %add3A_1083, %select_n3A_1091 : vector<16xi32>
    %mul3A_1093 = arith.constant 253952 : i32
    %mul3A_1094 = vector.broadcast %mul3A_1093 : i32 to vector<16xi32>
    %mul3A_1095 = arith.muli %add3A_1092, %mul3A_1094 : vector<16xi32>
    %sub3A_1096 = arith.subi %get3A_1066, %mul3A_1095 : vector<16xi32>
    %swap3A_1097 = arith.constant 3 : i32
    %swap3A_1098 = arith.index_cast %swap3A_1097 : i32 to index
    %swap3A_1099 = arith.constant 32 : index
    %swap3A_1100 = tpu.vector_load %arg5[%swap3A_1098, %swap3A_1099] {strides = array<i32>} : memref<4x128xi32, #tpu.memory_space<vmem>>, vector<1x16xi32>,
    %swap3A_1101 = vector.shape_cast %swap3A_1100 : vector<1x16xi32> to vector<16xi32>
    %swap3A_1102 = vector.shape_cast %sub3A_1096 : vector<16xi32> to vector<1x16xi32>
    tpu.vector_store %arg5[%swap3A_1098, %swap3A_1099], %swap3A_1102 {strides = array<i32>} : memref<4x128xi32, #tpu.memory_space<vmem>>, vector<1x16xi32>,
    %get3A_1103 = arith.constant 3 : i32
    %get3A_1104 = arith.index_cast %get3A_1103 : i32 to index
    %get3A_1105 = arith.constant 48 : index
    %get3A_1106 = tpu.vector_load %arg5[%get3A_1104, %get3A_1105] {strides = array<i32>} : memref<4x128xi32, #tpu.memory_space<vmem>>, vector<1x16xi32>,
    %get3A_1107 = vector.shape_cast %get3A_1106 : vector<1x16xi32> to vector<16xi32>
    %ge3A_1108 = arith.constant 253952 : i32
    %ge3A_1109 = vector.broadcast %ge3A_1108 : i32 to vector<16xi32>
    %ge3A_1110 = arith.cmpi sge, %get3A_1107, %ge3A_1109 : vector<16xi32>
    %jit3A_1111 = arith.constant 1 : i32
    %jit3A_1112 = arith.constant 0 : i32
    %broadcast_in_dim3A_1113 = vector.broadcast %jit3A_1111 : i32 to vector<16xi32>
    %broadcast_in_dim3A_1114 = vector.broadcast %jit3A_1112 : i32 to vector<16xi32>
    %select_n3A_1115 = arith.select %ge3A_1110, %broadcast_in_dim3A_1113, %broadcast_in_dim3A_1114 : vector<16xi1>, vector<16xi32>
    %ge3A_1116 = arith.constant 507904 : i32
    %ge3A_1117 = vector.broadcast %ge3A_1116 : i32 to vector<16xi32>
    %ge3A_1118 = arith.cmpi sge, %get3A_1107, %ge3A_1117 : vector<16xi32>
    %jit3A_1119 = arith.constant 1 : i32
    %jit3A_1120 = arith.constant 0 : i32
    %broadcast_in_dim3A_1121 = vector.broadcast %jit3A_1119 : i32 to vector<16xi32>
    %broadcast_in_dim3A_1122 = vector.broadcast %jit3A_1120 : i32 to vector<16xi32>
    %select_n3A_1123 = arith.select %ge3A_1118, %broadcast_in_dim3A_1121, %broadcast_in_dim3A_1122 : vector<16xi1>, vector<16xi32>
    %add3A_1124 = arith.addi %select_n3A_1115, %select_n3A_1123 : vector<16xi32>
    %ge3A_1125 = arith.constant 761856 : i32
    %ge3A_1126 = vector.broadcast %ge3A_1125 : i32 to vector<16xi32>
    %ge3A_1127 = arith.cmpi sge, %get3A_1107, %ge3A_1126 : vector<16xi32>
    %jit3A_1128 = arith.constant 1 : i32
    %jit3A_1129 = arith.constant 0 : i32
    %broadcast_in_dim3A_1130 = vector.broadcast %jit3A_1128 : i32 to vector<16xi32>
    %broadcast_in_dim3A_1131 = vector.broadcast %jit3A_1129 : i32 to vector<16xi32>
    %select_n3A_1132 = arith.select %ge3A_1127, %broadcast_in_dim3A_1130, %broadcast_in_dim3A_1131 : vector<16xi1>, vector<16xi32>
    %add3A_1133 = arith.addi %add3A_1124, %select_n3A_1132 : vector<16xi32>
    %mul3A_1134 = arith.constant 253952 : i32
    %mul3A_1135 = vector.broadcast %mul3A_1134 : i32 to vector<16xi32>
    %mul3A_1136 = arith.muli %add3A_1133, %mul3A_1135 : vector<16xi32>
    %sub3A_1137 = arith.subi %get3A_1107, %mul3A_1136 : vector<16xi32>
    %swap3A_1138 = arith.constant 3 : i32
    %swap3A_1139 = arith.index_cast %swap3A_1138 : i32 to index
    %swap3A_1140 = arith.constant 48 : index
    %swap3A_1141 = tpu.vector_load %arg5[%swap3A_1139, %swap3A_1140] {strides = array<i32>} : memref<4x128xi32, #tpu.memory_space<vmem>>, vector<1x16xi32>,
    %swap3A_1142 = vector.shape_cast %swap3A_1141 : vector<1x16xi32> to vector<16xi32>
    %swap3A_1143 = vector.shape_cast %sub3A_1137 : vector<16xi32> to vector<1x16xi32>
    tpu.vector_store %arg5[%swap3A_1139, %swap3A_1140], %swap3A_1143 {strides = array<i32>} : memref<4x128xi32, #tpu.memory_space<vmem>>, vector<1x16xi32>,
    %get3A_1144 = arith.constant 3 : i32
    %get3A_1145 = arith.index_cast %get3A_1144 : i32 to index
    %get3A_1146 = arith.constant 64 : index
    %get3A_1147 = tpu.vector_load %arg5[%get3A_1145, %get3A_1146] {strides = array<i32>} : memref<4x128xi32, #tpu.memory_space<vmem>>, vector<1x16xi32>,
    %get3A_1148 = vector.shape_cast %get3A_1147 : vector<1x16xi32> to vector<16xi32>
    %ge3A_1149 = arith.constant 253952 : i32
    %ge3A_1150 = vector.broadcast %ge3A_1149 : i32 to vector<16xi32>
    %ge3A_1151 = arith.cmpi sge, %get3A_1148, %ge3A_1150 : vector<16xi32>
    %jit3A_1152 = arith.constant 1 : i32
    %jit3A_1153 = arith.constant 0 : i32
    %broadcast_in_dim3A_1154 = vector.broadcast %jit3A_1152 : i32 to vector<16xi32>
    %broadcast_in_dim3A_1155 = vector.broadcast %jit3A_1153 : i32 to vector<16xi32>
    %select_n3A_1156 = arith.select %ge3A_1151, %broadcast_in_dim3A_1154, %broadcast_in_dim3A_1155 : vector<16xi1>, vector<16xi32>
    %ge3A_1157 = arith.constant 507904 : i32
    %ge3A_1158 = vector.broadcast %ge3A_1157 : i32 to vector<16xi32>
    %ge3A_1159 = arith.cmpi sge, %get3A_1148, %ge3A_1158 : vector<16xi32>
    %jit3A_1160 = arith.constant 1 : i32
    %jit3A_1161 = arith.constant 0 : i32
    %broadcast_in_dim3A_1162 = vector.broadcast %jit3A_1160 : i32 to vector<16xi32>
    %broadcast_in_dim3A_1163 = vector.broadcast %jit3A_1161 : i32 to vector<16xi32>
    %select_n3A_1164 = arith.select %ge3A_1159, %broadcast_in_dim3A_1162, %broadcast_in_dim3A_1163 : vector<16xi1>, vector<16xi32>
    %add3A_1165 = arith.addi %select_n3A_1156, %select_n3A_1164 : vector<16xi32>
    %ge3A_1166 = arith.constant 761856 : i32
    %ge3A_1167 = vector.broadcast %ge3A_1166 : i32 to vector<16xi32>
    %ge3A_1168 = arith.cmpi sge, %get3A_1148, %ge3A_1167 : vector<16xi32>
    %jit3A_1169 = arith.constant 1 : i32
    %jit3A_1170 = arith.constant 0 : i32
    %broadcast_in_dim3A_1171 = vector.broadcast %jit3A_1169 : i32 to vector<16xi32>
    %broadcast_in_dim3A_1172 = vector.broadcast %jit3A_1170 : i32 to vector<16xi32>
    %select_n3A_1173 = arith.select %ge3A_1168, %broadcast_in_dim3A_1171, %broadcast_in_dim3A_1172 : vector<16xi1>, vector<16xi32>
    %add3A_1174 = arith.addi %add3A_1165, %select_n3A_1173 : vector<16xi32>
    %mul3A_1175 = arith.constant 253952 : i32
    %mul3A_1176 = vector.broadcast %mul3A_1175 : i32 to vector<16xi32>
    %mul3A_1177 = arith.muli %add3A_1174, %mul3A_1176 : vector<16xi32>
    %sub3A_1178 = arith.subi %get3A_1148, %mul3A_1177 : vector<16xi32>
    %swap3A_1179 = arith.constant 3 : i32
    %swap3A_1180 = arith.index_cast %swap3A_1179 : i32 to index
    %swap3A_1181 = arith.constant 64 : index
    %swap3A_1182 = tpu.vector_load %arg5[%swap3A_1180, %swap3A_1181] {strides = array<i32>} : memref<4x128xi32, #tpu.memory_space<vmem>>, vector<1x16xi32>,
    %swap3A_1183 = vector.shape_cast %swap3A_1182 : vector<1x16xi32> to vector<16xi32>
    %swap3A_1184 = vector.shape_cast %sub3A_1178 : vector<16xi32> to vector<1x16xi32>
    tpu.vector_store %arg5[%swap3A_1180, %swap3A_1181], %swap3A_1184 {strides = array<i32>} : memref<4x128xi32, #tpu.memory_space<vmem>>, vector<1x16xi32>,
    %get3A_1185 = arith.constant 3 : i32
    %get3A_1186 = arith.index_cast %get3A_1185 : i32 to index
    %get3A_1187 = arith.constant 80 : index
    %get3A_1188 = tpu.vector_load %arg5[%get3A_1186, %get3A_1187] {strides = array<i32>} : memref<4x128xi32, #tpu.memory_space<vmem>>, vector<1x16xi32>,
    %get3A_1189 = vector.shape_cast %get3A_1188 : vector<1x16xi32> to vector<16xi32>
    %ge3A_1190 = arith.constant 253952 : i32
    %ge3A_1191 = vector.broadcast %ge3A_1190 : i32 to vector<16xi32>
    %ge3A_1192 = arith.cmpi sge, %get3A_1189, %ge3A_1191 : vector<16xi32>
    %jit3A_1193 = arith.constant 1 : i32
    %jit3A_1194 = arith.constant 0 : i32
    %broadcast_in_dim3A_1195 = vector.broadcast %jit3A_1193 : i32 to vector<16xi32>
    %broadcast_in_dim3A_1196 = vector.broadcast %jit3A_1194 : i32 to vector<16xi32>
    %select_n3A_1197 = arith.select %ge3A_1192, %broadcast_in_dim3A_1195, %broadcast_in_dim3A_1196 : vector<16xi1>, vector<16xi32>
    %ge3A_1198 = arith.constant 507904 : i32
    %ge3A_1199 = vector.broadcast %ge3A_1198 : i32 to vector<16xi32>
    %ge3A_1200 = arith.cmpi sge, %get3A_1189, %ge3A_1199 : vector<16xi32>
    %jit3A_1201 = arith.constant 1 : i32
    %jit3A_1202 = arith.constant 0 : i32
    %broadcast_in_dim3A_1203 = vector.broadcast %jit3A_1201 : i32 to vector<16xi32>
    %broadcast_in_dim3A_1204 = vector.broadcast %jit3A_1202 : i32 to vector<16xi32>
    %select_n3A_1205 = arith.select %ge3A_1200, %broadcast_in_dim3A_1203, %broadcast_in_dim3A_1204 : vector<16xi1>, vector<16xi32>
    %add3A_1206 = arith.addi %select_n3A_1197, %select_n3A_1205 : vector<16xi32>
    %ge3A_1207 = arith.constant 761856 : i32
    %ge3A_1208 = vector.broadcast %ge3A_1207 : i32 to vector<16xi32>
    %ge3A_1209 = arith.cmpi sge, %get3A_1189, %ge3A_1208 : vector<16xi32>
    %jit3A_1210 = arith.constant 1 : i32
    %jit3A_1211 = arith.constant 0 : i32
    %broadcast_in_dim3A_1212 = vector.broadcast %jit3A_1210 : i32 to vector<16xi32>
    %broadcast_in_dim3A_1213 = vector.broadcast %jit3A_1211 : i32 to vector<16xi32>
    %select_n3A_1214 = arith.select %ge3A_1209, %broadcast_in_dim3A_1212, %broadcast_in_dim3A_1213 : vector<16xi1>, vector<16xi32>
    %add3A_1215 = arith.addi %add3A_1206, %select_n3A_1214 : vector<16xi32>
    %mul3A_1216 = arith.constant 253952 : i32
    %mul3A_1217 = vector.broadcast %mul3A_1216 : i32 to vector<16xi32>
    %mul3A_1218 = arith.muli %add3A_1215, %mul3A_1217 : vector<16xi32>
    %sub3A_1219 = arith.subi %get3A_1189, %mul3A_1218 : vector<16xi32>
    %swap3A_1220 = arith.constant 3 : i32
    %swap3A_1221 = arith.index_cast %swap3A_1220 : i32 to index
    %swap3A_1222 = arith.constant 80 : index
    %swap3A_1223 = tpu.vector_load %arg5[%swap3A_1221, %swap3A_1222] {strides = array<i32>} : memref<4x128xi32, #tpu.memory_space<vmem>>, vector<1x16xi32>,
    %swap3A_1224 = vector.shape_cast %swap3A_1223 : vector<1x16xi32> to vector<16xi32>
    %swap3A_1225 = vector.shape_cast %sub3A_1219 : vector<16xi32> to vector<1x16xi32>
    tpu.vector_store %arg5[%swap3A_1221, %swap3A_1222], %swap3A_1225 {strides = array<i32>} : memref<4x128xi32, #tpu.memory_space<vmem>>, vector<1x16xi32>,
    %get3A_1226 = arith.constant 3 : i32
    %get3A_1227 = arith.index_cast %get3A_1226 : i32 to index
    %get3A_1228 = arith.constant 96 : index
    %get3A_1229 = tpu.vector_load %arg5[%get3A_1227, %get3A_1228] {strides = array<i32>} : memref<4x128xi32, #tpu.memory_space<vmem>>, vector<1x16xi32>,
    %get3A_1230 = vector.shape_cast %get3A_1229 : vector<1x16xi32> to vector<16xi32>
    %ge3A_1231 = arith.constant 253952 : i32
    %ge3A_1232 = vector.broadcast %ge3A_1231 : i32 to vector<16xi32>
    %ge3A_1233 = arith.cmpi sge, %get3A_1230, %ge3A_1232 : vector<16xi32>
    %jit3A_1234 = arith.constant 1 : i32
    %jit3A_1235 = arith.constant 0 : i32
    %broadcast_in_dim3A_1236 = vector.broadcast %jit3A_1234 : i32 to vector<16xi32>
    %broadcast_in_dim3A_1237 = vector.broadcast %jit3A_1235 : i32 to vector<16xi32>
    %select_n3A_1238 = arith.select %ge3A_1233, %broadcast_in_dim3A_1236, %broadcast_in_dim3A_1237 : vector<16xi1>, vector<16xi32>
    %ge3A_1239 = arith.constant 507904 : i32
    %ge3A_1240 = vector.broadcast %ge3A_1239 : i32 to vector<16xi32>
    %ge3A_1241 = arith.cmpi sge, %get3A_1230, %ge3A_1240 : vector<16xi32>
    %jit3A_1242 = arith.constant 1 : i32
    %jit3A_1243 = arith.constant 0 : i32
    %broadcast_in_dim3A_1244 = vector.broadcast %jit3A_1242 : i32 to vector<16xi32>
    %broadcast_in_dim3A_1245 = vector.broadcast %jit3A_1243 : i32 to vector<16xi32>
    %select_n3A_1246 = arith.select %ge3A_1241, %broadcast_in_dim3A_1244, %broadcast_in_dim3A_1245 : vector<16xi1>, vector<16xi32>
    %add3A_1247 = arith.addi %select_n3A_1238, %select_n3A_1246 : vector<16xi32>
    %ge3A_1248 = arith.constant 761856 : i32
    %ge3A_1249 = vector.broadcast %ge3A_1248 : i32 to vector<16xi32>
    %ge3A_1250 = arith.cmpi sge, %get3A_1230, %ge3A_1249 : vector<16xi32>
    %jit3A_1251 = arith.constant 1 : i32
    %jit3A_1252 = arith.constant 0 : i32
    %broadcast_in_dim3A_1253 = vector.broadcast %jit3A_1251 : i32 to vector<16xi32>
    %broadcast_in_dim3A_1254 = vector.broadcast %jit3A_1252 : i32 to vector<16xi32>
    %select_n3A_1255 = arith.select %ge3A_1250, %broadcast_in_dim3A_1253, %broadcast_in_dim3A_1254 : vector<16xi1>, vector<16xi32>
    %add3A_1256 = arith.addi %add3A_1247, %select_n3A_1255 : vector<16xi32>
    %mul3A_1257 = arith.constant 253952 : i32
    %mul3A_1258 = vector.broadcast %mul3A_1257 : i32 to vector<16xi32>
    %mul3A_1259 = arith.muli %add3A_1256, %mul3A_1258 : vector<16xi32>
    %sub3A_1260 = arith.subi %get3A_1230, %mul3A_1259 : vector<16xi32>
    %swap3A_1261 = arith.constant 3 : i32
    %swap3A_1262 = arith.index_cast %swap3A_1261 : i32 to index
    %swap3A_1263 = arith.constant 96 : index
    %swap3A_1264 = tpu.vector_load %arg5[%swap3A_1262, %swap3A_1263] {strides = array<i32>} : memref<4x128xi32, #tpu.memory_space<vmem>>, vector<1x16xi32>,
    %swap3A_1265 = vector.shape_cast %swap3A_1264 : vector<1x16xi32> to vector<16xi32>
    %swap3A_1266 = vector.shape_cast %sub3A_1260 : vector<16xi32> to vector<1x16xi32>
    tpu.vector_store %arg5[%swap3A_1262, %swap3A_1263], %swap3A_1266 {strides = array<i32>} : memref<4x128xi32, #tpu.memory_space<vmem>>, vector<1x16xi32>,
    %get3A_1267 = arith.constant 3 : i32
    %get3A_1268 = arith.index_cast %get3A_1267 : i32 to index
    %get3A_1269 = arith.constant 112 : index
    %get3A_1270 = tpu.vector_load %arg5[%get3A_1268, %get3A_1269] {strides = array<i32>} : memref<4x128xi32, #tpu.memory_space<vmem>>, vector<1x16xi32>,
    %get3A_1271 = vector.shape_cast %get3A_1270 : vector<1x16xi32> to vector<16xi32>
    %ge3A_1272 = arith.constant 253952 : i32
    %ge3A_1273 = vector.broadcast %ge3A_1272 : i32 to vector<16xi32>
    %ge3A_1274 = arith.cmpi sge, %get3A_1271, %ge3A_1273 : vector<16xi32>
    %jit3A_1275 = arith.constant 1 : i32
    %jit3A_1276 = arith.constant 0 : i32
    %broadcast_in_dim3A_1277 = vector.broadcast %jit3A_1275 : i32 to vector<16xi32>
    %broadcast_in_dim3A_1278 = vector.broadcast %jit3A_1276 : i32 to vector<16xi32>
    %select_n3A_1279 = arith.select %ge3A_1274, %broadcast_in_dim3A_1277, %broadcast_in_dim3A_1278 : vector<16xi1>, vector<16xi32>
    %ge3A_1280 = arith.constant 507904 : i32
    %ge3A_1281 = vector.broadcast %ge3A_1280 : i32 to vector<16xi32>
    %ge3A_1282 = arith.cmpi sge, %get3A_1271, %ge3A_1281 : vector<16xi32>
    %jit3A_1283 = arith.constant 1 : i32
    %jit3A_1284 = arith.constant 0 : i32
    %broadcast_in_dim3A_1285 = vector.broadcast %jit3A_1283 : i32 to vector<16xi32>
    %broadcast_in_dim3A_1286 = vector.broadcast %jit3A_1284 : i32 to vector<16xi32>
    %select_n3A_1287 = arith.select %ge3A_1282, %broadcast_in_dim3A_1285, %broadcast_in_dim3A_1286 : vector<16xi1>, vector<16xi32>
    %add3A_1288 = arith.addi %select_n3A_1279, %select_n3A_1287 : vector<16xi32>
    %ge3A_1289 = arith.constant 761856 : i32
    %ge3A_1290 = vector.broadcast %ge3A_1289 : i32 to vector<16xi32>
    %ge3A_1291 = arith.cmpi sge, %get3A_1271, %ge3A_1290 : vector<16xi32>
    %jit3A_1292 = arith.constant 1 : i32
    %jit3A_1293 = arith.constant 0 : i32
    %broadcast_in_dim3A_1294 = vector.broadcast %jit3A_1292 : i32 to vector<16xi32>
    %broadcast_in_dim3A_1295 = vector.broadcast %jit3A_1293 : i32 to vector<16xi32>
    %select_n3A_1296 = arith.select %ge3A_1291, %broadcast_in_dim3A_1294, %broadcast_in_dim3A_1295 : vector<16xi1>, vector<16xi32>
    %add3A_1297 = arith.addi %add3A_1288, %select_n3A_1296 : vector<16xi32>
    %mul3A_1298 = arith.constant 253952 : i32
    %mul3A_1299 = vector.broadcast %mul3A_1298 : i32 to vector<16xi32>
    %mul3A_1300 = arith.muli %add3A_1297, %mul3A_1299 : vector<16xi32>
    %sub3A_1301 = arith.subi %get3A_1271, %mul3A_1300 : vector<16xi32>
    %swap3A_1302 = arith.constant 3 : i32
    %swap3A_1303 = arith.index_cast %swap3A_1302 : i32 to index
    %swap3A_1304 = arith.constant 112 : index
    %swap3A_1305 = tpu.vector_load %arg5[%swap3A_1303, %swap3A_1304] {strides = array<i32>} : memref<4x128xi32, #tpu.memory_space<vmem>>, vector<1x16xi32>,
    %swap3A_1306 = vector.shape_cast %swap3A_1305 : vector<1x16xi32> to vector<16xi32>
    %swap3A_1307 = vector.shape_cast %sub3A_1301 : vector<16xi32> to vector<1x16xi32>
    tpu.vector_store %arg5[%swap3A_1303, %swap3A_1304], %swap3A_1307 {strides = array<i32>} : memref<4x128xi32, #tpu.memory_space<vmem>>, vector<1x16xi32>,
    %dma_start3A = arith.constant 0 : i32
    %dma_start3A_1308 = arith.constant 0 : i32
    %dma_start3A_1309 = tpu.memref_slice %arg5[%dma_start3A, %dma_start3A_1308] : memref<4x128xi32, #tpu.memory_space<vmem>> -> memref<1x128xi32, #tpu.memory_space<vmem>>
    %dma_start3A_1310 = tpu.memref_squeeze %dma_start3A_1309 : memref<1x128xi32, #tpu.memory_space<vmem>> -> memref<128xi32, #tpu.memory_space<vmem>>
    %dma_start3A_1311 = arith.constant 0 : i32
    %dma_start3A_1312 = arith.constant 0 : i32
    %dma_start3A_1313 = tpu.memref_slice %arg2[%dma_start3A_1311, %dma_start3A_1312] : memref<253952x128xf32, #tpu.memory_space<hbm>> -> memref<253952x128xf32, #tpu.memory_space<hbm>>
    tpu.enqueue_indirect_dma source(%dma_start3A_1313 : memref<253952x128xf32, #tpu.memory_space<hbm>>) target(%arg6 : memref<128x128xf32, #tpu.memory_space<vmem>>) offsets(%dma_start3A_1310 : memref<128xi32, #tpu.memory_space<vmem>>) semaphore(%arg10 : memref<!tpu.dma_semaphore, #tpu.memory_space<semaphore_mem>>)
    %dma_start3A_1314 = arith.constant 1 : i32
    %dma_start3A_1315 = arith.constant 0 : i32
    %dma_start3A_1316 = tpu.memref_slice %arg5[%dma_start3A_1314, %dma_start3A_1315] : memref<4x128xi32, #tpu.memory_space<vmem>> -> memref<1x128xi32, #tpu.memory_space<vmem>>
    %dma_start3A_1317 = tpu.memref_squeeze %dma_start3A_1316 : memref<1x128xi32, #tpu.memory_space<vmem>> -> memref<128xi32, #tpu.memory_space<vmem>>
    %dma_start3A_1318 = arith.constant 0 : i32
    %dma_start3A_1319 = arith.constant 0 : i32
    %dma_start3A_1320 = tpu.memref_slice %arg2[%dma_start3A_1318, %dma_start3A_1319] : memref<253952x128xf32, #tpu.memory_space<hbm>> -> memref<253952x128xf32, #tpu.memory_space<hbm>>
    tpu.enqueue_indirect_dma source(%dma_start3A_1320 : memref<253952x128xf32, #tpu.memory_space<hbm>>) target(%arg7 : memref<128x128xf32, #tpu.memory_space<vmem>>) offsets(%dma_start3A_1317 : memref<128xi32, #tpu.memory_space<vmem>>) semaphore(%arg10 : memref<!tpu.dma_semaphore, #tpu.memory_space<semaphore_mem>>)
    %dma_start3A_1321 = arith.constant 2 : i32
    %dma_start3A_1322 = arith.constant 0 : i32
    %dma_start3A_1323 = tpu.memref_slice %arg5[%dma_start3A_1321, %dma_start3A_1322] : memref<4x128xi32, #tpu.memory_space<vmem>> -> memref<1x128xi32, #tpu.memory_space<vmem>>
    %dma_start3A_1324 = tpu.memref_squeeze %dma_start3A_1323 : memref<1x128xi32, #tpu.memory_space<vmem>> -> memref<128xi32, #tpu.memory_space<vmem>>
    %dma_start3A_1325 = arith.constant 0 : i32
    %dma_start3A_1326 = arith.constant 0 : i32
    %dma_start3A_1327 = tpu.memref_slice %arg2[%dma_start3A_1325, %dma_start3A_1326] : memref<253952x128xf32, #tpu.memory_space<hbm>> -> memref<253952x128xf32, #tpu.memory_space<hbm>>
    tpu.enqueue_indirect_dma source(%dma_start3A_1327 : memref<253952x128xf32, #tpu.memory_space<hbm>>) target(%arg8 : memref<128x128xf32, #tpu.memory_space<vmem>>) offsets(%dma_start3A_1324 : memref<128xi32, #tpu.memory_space<vmem>>) semaphore(%arg10 : memref<!tpu.dma_semaphore, #tpu.memory_space<semaphore_mem>>)
    %dma_start3A_1328 = arith.constant 3 : i32
    %dma_start3A_1329 = arith.constant 0 : i32
    %dma_start3A_1330 = tpu.memref_slice %arg5[%dma_start3A_1328, %dma_start3A_1329] : memref<4x128xi32, #tpu.memory_space<vmem>> -> memref<1x128xi32, #tpu.memory_space<vmem>>
    %dma_start3A_1331 = tpu.memref_squeeze %dma_start3A_1330 : memref<1x128xi32, #tpu.memory_space<vmem>> -> memref<128xi32, #tpu.memory_space<vmem>>
    %dma_start3A_1332 = arith.constant 0 : i32
    %dma_start3A_1333 = arith.constant 0 : i32
    %dma_start3A_1334 = tpu.memref_slice %arg2[%dma_start3A_1332, %dma_start3A_1333] : memref<253952x128xf32, #tpu.memory_space<hbm>> -> memref<253952x128xf32, #tpu.memory_space<hbm>>
    tpu.enqueue_indirect_dma source(%dma_start3A_1334 : memref<253952x128xf32, #tpu.memory_space<hbm>>) target(%arg9 : memref<128x128xf32, #tpu.memory_space<vmem>>) offsets(%dma_start3A_1331 : memref<128xi32, #tpu.memory_space<vmem>>) semaphore(%arg10 : memref<!tpu.dma_semaphore, #tpu.memory_space<semaphore_mem>>)
    %dma_wait3A = arith.constant 0 : i32
    %dma_wait3A_1335 = arith.constant 0 : i32
    %dma_wait3A_1336 = tpu.memref_slice %arg5[%dma_wait3A, %dma_wait3A_1335] : memref<4x128xi32, #tpu.memory_space<vmem>> -> memref<1x128xi32, #tpu.memory_space<vmem>>
    %dma_wait3A_1337 = tpu.memref_squeeze %dma_wait3A_1336 : memref<1x128xi32, #tpu.memory_space<vmem>> -> memref<128xi32, #tpu.memory_space<vmem>>
    %dma_wait3A_1338 = arith.constant 0 : i32
    %dma_wait3A_1339 = arith.constant 0 : i32
    %dma_wait3A_1340 = tpu.memref_slice %arg2[%dma_wait3A_1338, %dma_wait3A_1339] : memref<253952x128xf32, #tpu.memory_space<hbm>> -> memref<253952x128xf32, #tpu.memory_space<hbm>>
    tpu.wait_indirect_dma semaphore(%arg10 : memref<!tpu.dma_semaphore, #tpu.memory_space<semaphore_mem>>) src(%dma_wait3A_1340 : memref<253952x128xf32, #tpu.memory_space<hbm>>) dst(%arg6 : memref<128x128xf32, #tpu.memory_space<vmem>>)
    %add3A_1341 = arith.constant 0 : i32
    %add3A_1342 = arith.addi %mul3A_2, %add3A_1341 : i32
    %dma_start3A_1343 = arith.constant 0 : i32
    %dma_start3A_1344 = tpu.memref_slice %arg4[%add3A_1342, %dma_start3A_1343] : memref<16384x128xf32, #tpu.memory_space<hbm>> -> memref<128x128xf32, #tpu.memory_space<hbm>>
    %dma_start3A_1345 = arith.constant 0 : i32
    %dma_start3A_1346 = tpu.memref_slice %arg4[%add3A_1342, %dma_start3A_1345] : memref<16384x128xf32, #tpu.memory_space<hbm>> -> memref<128x128xf32, #tpu.memory_space<hbm>>
    tpu.enqueue_dma source(%arg6 : memref<128x128xf32, #tpu.memory_space<vmem>>) target(%dma_start3A_1346 : memref<128x128xf32, #tpu.memory_space<hbm>>) target_semaphore(%arg11 : memref<!tpu.dma_semaphore, #tpu.memory_space<semaphore_mem>>)
    %dma_wait3A_1347 = arith.constant 1 : i32
    %dma_wait3A_1348 = arith.constant 0 : i32
    %dma_wait3A_1349 = tpu.memref_slice %arg5[%dma_wait3A_1347, %dma_wait3A_1348] : memref<4x128xi32, #tpu.memory_space<vmem>> -> memref<1x128xi32, #tpu.memory_space<vmem>>
    %dma_wait3A_1350 = tpu.memref_squeeze %dma_wait3A_1349 : memref<1x128xi32, #tpu.memory_space<vmem>> -> memref<128xi32, #tpu.memory_space<vmem>>
    %dma_wait3A_1351 = arith.constant 0 : i32
    %dma_wait3A_1352 = arith.constant 0 : i32
    %dma_wait3A_1353 = tpu.memref_slice %arg2[%dma_wait3A_1351, %dma_wait3A_1352] : memref<253952x128xf32, #tpu.memory_space<hbm>> -> memref<253952x128xf32, #tpu.memory_space<hbm>>
    tpu.wait_indirect_dma semaphore(%arg10 : memref<!tpu.dma_semaphore, #tpu.memory_space<semaphore_mem>>) src(%dma_wait3A_1353 : memref<253952x128xf32, #tpu.memory_space<hbm>>) dst(%arg7 : memref<128x128xf32, #tpu.memory_space<vmem>>)
    %add3A_1354 = arith.constant 128 : i32
    %add3A_1355 = arith.addi %mul3A_2, %add3A_1354 : i32
    %dma_start3A_1356 = arith.constant 0 : i32
    %dma_start3A_1357 = tpu.memref_slice %arg4[%add3A_1355, %dma_start3A_1356] : memref<16384x128xf32, #tpu.memory_space<hbm>> -> memref<128x128xf32, #tpu.memory_space<hbm>>
    %dma_start3A_1358 = arith.constant 0 : i32
    %dma_start3A_1359 = tpu.memref_slice %arg4[%add3A_1355, %dma_start3A_1358] : memref<16384x128xf32, #tpu.memory_space<hbm>> -> memref<128x128xf32, #tpu.memory_space<hbm>>
    tpu.enqueue_dma source(%arg7 : memref<128x128xf32, #tpu.memory_space<vmem>>) target(%dma_start3A_1359 : memref<128x128xf32, #tpu.memory_space<hbm>>) target_semaphore(%arg11 : memref<!tpu.dma_semaphore, #tpu.memory_space<semaphore_mem>>)
    %dma_wait3A_1360 = arith.constant 2 : i32
    %dma_wait3A_1361 = arith.constant 0 : i32
    %dma_wait3A_1362 = tpu.memref_slice %arg5[%dma_wait3A_1360, %dma_wait3A_1361] : memref<4x128xi32, #tpu.memory_space<vmem>> -> memref<1x128xi32, #tpu.memory_space<vmem>>
    %dma_wait3A_1363 = tpu.memref_squeeze %dma_wait3A_1362 : memref<1x128xi32, #tpu.memory_space<vmem>> -> memref<128xi32, #tpu.memory_space<vmem>>
    %dma_wait3A_1364 = arith.constant 0 : i32
    %dma_wait3A_1365 = arith.constant 0 : i32
    %dma_wait3A_1366 = tpu.memref_slice %arg2[%dma_wait3A_1364, %dma_wait3A_1365] : memref<253952x128xf32, #tpu.memory_space<hbm>> -> memref<253952x128xf32, #tpu.memory_space<hbm>>
    tpu.wait_indirect_dma semaphore(%arg10 : memref<!tpu.dma_semaphore, #tpu.memory_space<semaphore_mem>>) src(%dma_wait3A_1366 : memref<253952x128xf32, #tpu.memory_space<hbm>>) dst(%arg8 : memref<128x128xf32, #tpu.memory_space<vmem>>)
    %add3A_1367 = arith.constant 256 : i32
    %add3A_1368 = arith.addi %mul3A_2, %add3A_1367 : i32
    %dma_start3A_1369 = arith.constant 0 : i32
    %dma_start3A_1370 = tpu.memref_slice %arg4[%add3A_1368, %dma_start3A_1369] : memref<16384x128xf32, #tpu.memory_space<hbm>> -> memref<128x128xf32, #tpu.memory_space<hbm>>
    %dma_start3A_1371 = arith.constant 0 : i32
    %dma_start3A_1372 = tpu.memref_slice %arg4[%add3A_1368, %dma_start3A_1371] : memref<16384x128xf32, #tpu.memory_space<hbm>> -> memref<128x128xf32, #tpu.memory_space<hbm>>
    tpu.enqueue_dma source(%arg8 : memref<128x128xf32, #tpu.memory_space<vmem>>) target(%dma_start3A_1372 : memref<128x128xf32, #tpu.memory_space<hbm>>) target_semaphore(%arg11 : memref<!tpu.dma_semaphore, #tpu.memory_space<semaphore_mem>>)
    %dma_wait3A_1373 = arith.constant 3 : i32
    %dma_wait3A_1374 = arith.constant 0 : i32
    %dma_wait3A_1375 = tpu.memref_slice %arg5[%dma_wait3A_1373, %dma_wait3A_1374] : memref<4x128xi32, #tpu.memory_space<vmem>> -> memref<1x128xi32, #tpu.memory_space<vmem>>
    %dma_wait3A_1376 = tpu.memref_squeeze %dma_wait3A_1375 : memref<1x128xi32, #tpu.memory_space<vmem>> -> memref<128xi32, #tpu.memory_space<vmem>>
    %dma_wait3A_1377 = arith.constant 0 : i32
    %dma_wait3A_1378 = arith.constant 0 : i32
    %dma_wait3A_1379 = tpu.memref_slice %arg2[%dma_wait3A_1377, %dma_wait3A_1378] : memref<253952x128xf32, #tpu.memory_space<hbm>> -> memref<253952x128xf32, #tpu.memory_space<hbm>>
    tpu.wait_indirect_dma semaphore(%arg10 : memref<!tpu.dma_semaphore, #tpu.memory_space<semaphore_mem>>) src(%dma_wait3A_1379 : memref<253952x128xf32, #tpu.memory_space<hbm>>) dst(%arg9 : memref<128x128xf32, #tpu.memory_space<vmem>>)
    %add3A_1380 = arith.constant 384 : i32
    %add3A_1381 = arith.addi %mul3A_2, %add3A_1380 : i32
    %dma_start3A_1382 = arith.constant 0 : i32
    %dma_start3A_1383 = tpu.memref_slice %arg4[%add3A_1381, %dma_start3A_1382] : memref<16384x128xf32, #tpu.memory_space<hbm>> -> memref<128x128xf32, #tpu.memory_space<hbm>>
    %dma_start3A_1384 = arith.constant 0 : i32
    %dma_start3A_1385 = tpu.memref_slice %arg4[%add3A_1381, %dma_start3A_1384] : memref<16384x128xf32, #tpu.memory_space<hbm>> -> memref<128x128xf32, #tpu.memory_space<hbm>>
    tpu.enqueue_dma source(%arg9 : memref<128x128xf32, #tpu.memory_space<vmem>>) target(%dma_start3A_1385 : memref<128x128xf32, #tpu.memory_space<hbm>>) target_semaphore(%arg11 : memref<!tpu.dma_semaphore, #tpu.memory_space<semaphore_mem>>)
    %dma_wait3A_1386 = arith.constant 0 : i32
    %dma_wait3A_1387 = tpu.memref_slice %arg4[%add3A_1342, %dma_wait3A_1386] : memref<16384x128xf32, #tpu.memory_space<hbm>> -> memref<128x128xf32, #tpu.memory_space<hbm>>
    %dma_wait3A_1388 = arith.constant 0 : i32
    %dma_wait3A_1389 = tpu.memref_slice %arg4[%add3A_1342, %dma_wait3A_1388] : memref<16384x128xf32, #tpu.memory_space<hbm>> -> memref<128x128xf32, #tpu.memory_space<hbm>>
    tpu.wait_dma2 semaphore(%arg11 : memref<!tpu.dma_semaphore, #tpu.memory_space<semaphore_mem>>) src(%arg6 : memref<128x128xf32, #tpu.memory_space<vmem>>) dst(%dma_wait3A_1389 : memref<128x128xf32, #tpu.memory_space<hbm>>)
    %dma_wait3A_1390 = arith.constant 0 : i32
    %dma_wait3A_1391 = tpu.memref_slice %arg4[%add3A_1355, %dma_wait3A_1390] : memref<16384x128xf32, #tpu.memory_space<hbm>> -> memref<128x128xf32, #tpu.memory_space<hbm>>
    %dma_wait3A_1392 = arith.constant 0 : i32
    %dma_wait3A_1393 = tpu.memref_slice %arg4[%add3A_1355, %dma_wait3A_1392] : memref<16384x128xf32, #tpu.memory_space<hbm>> -> memref<128x128xf32, #tpu.memory_space<hbm>>
    tpu.wait_dma2 semaphore(%arg11 : memref<!tpu.dma_semaphore, #tpu.memory_space<semaphore_mem>>) src(%arg7 : memref<128x128xf32, #tpu.memory_space<vmem>>) dst(%dma_wait3A_1393 : memref<128x128xf32, #tpu.memory_space<hbm>>)
    %dma_wait3A_1394 = arith.constant 0 : i32
    %dma_wait3A_1395 = tpu.memref_slice %arg4[%add3A_1368, %dma_wait3A_1394] : memref<16384x128xf32, #tpu.memory_space<hbm>> -> memref<128x128xf32, #tpu.memory_space<hbm>>
    %dma_wait3A_1396 = arith.constant 0 : i32
    %dma_wait3A_1397 = tpu.memref_slice %arg4[%add3A_1368, %dma_wait3A_1396] : memref<16384x128xf32, #tpu.memory_space<hbm>> -> memref<128x128xf32, #tpu.memory_space<hbm>>
    tpu.wait_dma2 semaphore(%arg11 : memref<!tpu.dma_semaphore, #tpu.memory_space<semaphore_mem>>) src(%arg8 : memref<128x128xf32, #tpu.memory_space<vmem>>) dst(%dma_wait3A_1397 : memref<128x128xf32, #tpu.memory_space<hbm>>)
    %dma_wait3A_1398 = arith.constant 0 : i32
    %dma_wait3A_1399 = tpu.memref_slice %arg4[%add3A_1381, %dma_wait3A_1398] : memref<16384x128xf32, #tpu.memory_space<hbm>> -> memref<128x128xf32, #tpu.memory_space<hbm>>
    %dma_wait3A_1400 = arith.constant 0 : i32
    %dma_wait3A_1401 = tpu.memref_slice %arg4[%add3A_1381, %dma_wait3A_1400] : memref<16384x128xf32, #tpu.memory_space<hbm>> -> memref<128x128xf32, #tpu.memory_space<hbm>>
    tpu.wait_dma2 semaphore(%arg11 : memref<!tpu.dma_semaphore, #tpu.memory_space<semaphore_mem>>) src(%arg9 : memref<128x128xf32, #tpu.memory_space<vmem>>) dst(%dma_wait3A_1401 : memref<128x128xf32, #tpu.memory_space<hbm>>)
    return
  }
}

module attributes {stable_mosaic.version = 14 : i64} {
  func.func @_repack_body(%arg0: i32, %arg1: memref<32x8192xf32, #tpu.memory_space<vmem>>, %arg2: memref<32x8192xf32, #tpu.memory_space<vmem>>, %arg3: memref<32x8192xf32, #tpu.memory_space<vmem>>, %arg4: memref<32x8192xf32, #tpu.memory_space<vmem>>, %arg5: memref<128x128xbf16, #tpu.memory_space<vmem>>, %arg6: memref<8192x128xf32, #tpu.memory_space<vmem>>) attributes {dimension_semantics = [#tpu.dimension_semantics<arbitrary>], iteration_bounds = array<i64: 4>, scalar_prefetch = 0 : i64, scratch_operands = 0 : i64, tpu.core_type = #tpu.core_type<tc>, window_params = [{transform_indices = @transform_0, window_bounds = array<i64: 32, 8192>}, {transform_indices = @transform_1, window_bounds = array<i64: 32, 8192>}, {transform_indices = @transform_2, window_bounds = array<i64: 32, 8192>}, {transform_indices = @transform_3, window_bounds = array<i64: 32, 8192>}, {pipeline_mode = #tpu.pipeline_mode<synchronous>, transform_indices = @transform_4, window_bounds = array<i64: 128, 128>}, {transform_indices = @transform_5, window_bounds = array<i64: 8192, 128>}]} {
    %get3A = arith.constant 0 : index
    %get3A_0 = arith.constant 0 : index
    %get3A_1 = vector.load %arg1[%get3A, %get3A_0] : memref<32x8192xf32, #tpu.memory_space<vmem>>, vector<32x8192xf32>
    %get3A_2 = arith.constant 0 : index
    %get3A_3 = arith.constant 0 : index
    %get3A_4 = vector.load %arg2[%get3A_2, %get3A_3] : memref<32x8192xf32, #tpu.memory_space<vmem>>, vector<32x8192xf32>
    %get3A_5 = arith.constant 0 : index
    %get3A_6 = arith.constant 0 : index
    %get3A_7 = vector.load %arg3[%get3A_5, %get3A_6] : memref<32x8192xf32, #tpu.memory_space<vmem>>, vector<32x8192xf32>
    %get3A_8 = arith.constant 0 : index
    %get3A_9 = arith.constant 0 : index
    %get3A_10 = vector.load %arg4[%get3A_8, %get3A_9] : memref<32x8192xf32, #tpu.memory_space<vmem>>, vector<32x8192xf32>
    %concatenate3A = tpu.concatenate %get3A_1, %get3A_4, %get3A_7, %get3A_10 in 0 : vector<32x8192xf32>, vector<32x8192xf32>, vector<32x8192xf32>, vector<32x8192xf32> -> vector<128x8192xf32>
    %convert_element_type3A = arith.truncf %concatenate3A : vector<128x8192xf32> to vector<128x8192xbf16>
    %convert_element_type3A_11 = arith.extf %convert_element_type3A : vector<128x8192xbf16> to vector<128x8192xf32>
    %sub3A = arith.subf %concatenate3A, %convert_element_type3A_11 : vector<128x8192xf32>
    %convert_element_type3A_12 = arith.truncf %sub3A : vector<128x8192xf32> to vector<128x8192xbf16>
    %get3A_13 = arith.constant 0 : index
    %get3A_14 = arith.constant 0 : index
    %get3A_15 = vector.load %arg5[%get3A_13, %get3A_14] : memref<128x128xbf16, #tpu.memory_space<vmem>>, vector<128x128xbf16>
    %dot_general3A = arith.constant dense<0.000000e+00> : vector<8192x128xf32>
    %dot_general3A_16 = tpu.matmul %convert_element_type3A, %get3A_15, %dot_general3A {dimension_numbers = #tpu.dot_dimension_numbers<[0], [0], [1], [1], [0, 1, 1, 1], [], []>, transpose_lhs_hint = false} : vector<128x8192xbf16>, vector<128x128xbf16>, vector<8192x128xf32> -> vector<8192x128xf32>
    %get3A_17 = arith.constant 0 : index
    %get3A_18 = arith.constant 0 : index
    %get3A_19 = vector.load %arg5[%get3A_17, %get3A_18] : memref<128x128xbf16, #tpu.memory_space<vmem>>, vector<128x128xbf16>
    %dot_general3A_20 = arith.constant dense<0.000000e+00> : vector<8192x128xf32>
    %dot_general3A_21 = tpu.matmul %convert_element_type3A_12, %get3A_19, %dot_general3A_20 {dimension_numbers = #tpu.dot_dimension_numbers<[0], [0], [1], [1], [0, 1, 1, 1], [], []>, transpose_lhs_hint = false} : vector<128x8192xbf16>, vector<128x128xbf16>, vector<8192x128xf32> -> vector<8192x128xf32>
    %add3A = arith.addf %dot_general3A_16, %dot_general3A_21 : vector<8192x128xf32>
    %swap3A = arith.constant 0 : index
    %swap3A_22 = arith.constant 0 : index
    %swap3A_23 = vector.load %arg6[%swap3A, %swap3A_22] : memref<8192x128xf32, #tpu.memory_space<vmem>>, vector<8192x128xf32>
    tpu.vector_store %arg6[%swap3A, %swap3A_22], %add3A {strides = array<i32>} : memref<8192x128xf32, #tpu.memory_space<vmem>>, vector<8192x128xf32>,
    return
  }
  func.func @transform_0(%arg0: i32) -> (i32, i32) {
    %add3A = arith.constant 0 : i32
    %add3A_0 = arith.addi %arg0, %add3A : i32
    %min3A = arith.constant 12 : i32
    %min3A_1 = arith.minsi %add3A_0, %min3A : i32
    %c0_i32 = arith.constant 0 : i32
    %c0_i32_2 = arith.constant 0 : i32
    return %c0_i32, %min3A_1 : i32, i32
  }
  func.func @transform_1(%arg0: i32) -> (i32, i32) {
    %add3A = arith.constant 4 : i32
    %add3A_0 = arith.addi %arg0, %add3A : i32
    %min3A = arith.constant 12 : i32
    %min3A_1 = arith.minsi %add3A_0, %min3A : i32
    %c0_i32 = arith.constant 0 : i32
    %c0_i32_2 = arith.constant 0 : i32
    return %c0_i32, %min3A_1 : i32, i32
  }
  func.func @transform_2(%arg0: i32) -> (i32, i32) {
    %add3A = arith.constant 8 : i32
    %add3A_0 = arith.addi %arg0, %add3A : i32
    %min3A = arith.constant 12 : i32
    %min3A_1 = arith.minsi %add3A_0, %min3A : i32
    %c0_i32 = arith.constant 0 : i32
    %c0_i32_2 = arith.constant 0 : i32
    return %c0_i32, %min3A_1 : i32, i32
  }
  func.func @transform_3(%arg0: i32) -> (i32, i32) {
    %add3A = arith.constant 12 : i32
    %add3A_0 = arith.addi %arg0, %add3A : i32
    %min3A = arith.constant 12 : i32
    %min3A_1 = arith.minsi %add3A_0, %min3A : i32
    %c0_i32 = arith.constant 0 : i32
    %c0_i32_2 = arith.constant 0 : i32
    return %c0_i32, %min3A_1 : i32, i32
  }
  func.func @transform_4(%arg0: i32) -> (i32, i32) {
    %c0_i32 = arith.constant 0 : i32
    %c0_i32_0 = arith.constant 0 : i32
    %c0_i32_1 = arith.constant 0 : i32
    return %c0_i32, %c0_i32_0 : i32, i32
  }
  func.func @transform_5(%arg0: i32) -> (i32, i32) {
    %c0_i32 = arith.constant 0 : i32
    %c0_i32_0 = arith.constant 0 : i32
    return %arg0, %c0_i32 : i32, i32
  }
}

module attributes {stable_mosaic.version = 14 : i64} {
  func.func @_repack_body(%arg0: i32, %arg1: memref<32x8192xf32, #tpu.memory_space<vmem>>, %arg2: memref<32x8192xf32, #tpu.memory_space<vmem>>, %arg3: memref<32x8192xf32, #tpu.memory_space<vmem>>, %arg4: memref<32x8192xf32, #tpu.memory_space<vmem>>, %arg5: memref<128x128xbf16, #tpu.memory_space<vmem>>, %arg6: memref<8192x128xf32, #tpu.memory_space<vmem>>) attributes {dimension_semantics = [#tpu.dimension_semantics<arbitrary>], iteration_bounds = array<i64: 31>, scalar_prefetch = 0 : i64, scratch_operands = 0 : i64, tpu.core_type = #tpu.core_type<tc>, window_params = [{transform_indices = @transform_0, window_bounds = array<i64: 32, 8192>}, {transform_indices = @transform_1, window_bounds = array<i64: 32, 8192>}, {transform_indices = @transform_2, window_bounds = array<i64: 32, 8192>}, {transform_indices = @transform_3, window_bounds = array<i64: 32, 8192>}, {pipeline_mode = #tpu.pipeline_mode<synchronous>, transform_indices = @transform_4, window_bounds = array<i64: 128, 128>}, {transform_indices = @transform_5, window_bounds = array<i64: 8192, 128>}]} {
    %get3A = arith.constant 0 : index
    %get3A_0 = arith.constant 0 : index
    %get3A_1 = vector.load %arg1[%get3A, %get3A_0] : memref<32x8192xf32, #tpu.memory_space<vmem>>, vector<32x8192xf32>
    %get3A_2 = arith.constant 0 : index
    %get3A_3 = arith.constant 0 : index
    %get3A_4 = vector.load %arg2[%get3A_2, %get3A_3] : memref<32x8192xf32, #tpu.memory_space<vmem>>, vector<32x8192xf32>
    %get3A_5 = arith.constant 0 : index
    %get3A_6 = arith.constant 0 : index
    %get3A_7 = vector.load %arg3[%get3A_5, %get3A_6] : memref<32x8192xf32, #tpu.memory_space<vmem>>, vector<32x8192xf32>
    %get3A_8 = arith.constant 0 : index
    %get3A_9 = arith.constant 0 : index
    %get3A_10 = vector.load %arg4[%get3A_8, %get3A_9] : memref<32x8192xf32, #tpu.memory_space<vmem>>, vector<32x8192xf32>
    %concatenate3A = tpu.concatenate %get3A_1, %get3A_4, %get3A_7, %get3A_10 in 0 : vector<32x8192xf32>, vector<32x8192xf32>, vector<32x8192xf32>, vector<32x8192xf32> -> vector<128x8192xf32>
    %convert_element_type3A = arith.truncf %concatenate3A : vector<128x8192xf32> to vector<128x8192xbf16>
    %convert_element_type3A_11 = arith.extf %convert_element_type3A : vector<128x8192xbf16> to vector<128x8192xf32>
    %sub3A = arith.subf %concatenate3A, %convert_element_type3A_11 : vector<128x8192xf32>
    %convert_element_type3A_12 = arith.truncf %sub3A : vector<128x8192xf32> to vector<128x8192xbf16>
    %get3A_13 = arith.constant 0 : index
    %get3A_14 = arith.constant 0 : index
    %get3A_15 = vector.load %arg5[%get3A_13, %get3A_14] : memref<128x128xbf16, #tpu.memory_space<vmem>>, vector<128x128xbf16>
    %dot_general3A = arith.constant dense<0.000000e+00> : vector<8192x128xf32>
    %dot_general3A_16 = tpu.matmul %convert_element_type3A, %get3A_15, %dot_general3A {dimension_numbers = #tpu.dot_dimension_numbers<[0], [0], [1], [1], [0, 1, 1, 1], [], []>, transpose_lhs_hint = false} : vector<128x8192xbf16>, vector<128x128xbf16>, vector<8192x128xf32> -> vector<8192x128xf32>
    %get3A_17 = arith.constant 0 : index
    %get3A_18 = arith.constant 0 : index
    %get3A_19 = vector.load %arg5[%get3A_17, %get3A_18] : memref<128x128xbf16, #tpu.memory_space<vmem>>, vector<128x128xbf16>
    %dot_general3A_20 = arith.constant dense<0.000000e+00> : vector<8192x128xf32>
    %dot_general3A_21 = tpu.matmul %convert_element_type3A_12, %get3A_19, %dot_general3A_20 {dimension_numbers = #tpu.dot_dimension_numbers<[0], [0], [1], [1], [0, 1, 1, 1], [], []>, transpose_lhs_hint = false} : vector<128x8192xbf16>, vector<128x128xbf16>, vector<8192x128xf32> -> vector<8192x128xf32>
    %add3A = arith.addf %dot_general3A_16, %dot_general3A_21 : vector<8192x128xf32>
    %swap3A = arith.constant 0 : index
    %swap3A_22 = arith.constant 0 : index
    %swap3A_23 = vector.load %arg6[%swap3A, %swap3A_22] : memref<8192x128xf32, #tpu.memory_space<vmem>>, vector<8192x128xf32>
    tpu.vector_store %arg6[%swap3A, %swap3A_22], %add3A {strides = array<i32>} : memref<8192x128xf32, #tpu.memory_space<vmem>>, vector<8192x128xf32>,
    return
  }
  func.func @transform_0(%arg0: i32) -> (i32, i32) {
    %add3A = arith.constant 0 : i32
    %add3A_0 = arith.addi %arg0, %add3A : i32
    %min3A = arith.constant 122 : i32
    %min3A_1 = arith.minsi %add3A_0, %min3A : i32
    %c0_i32 = arith.constant 0 : i32
    %c0_i32_2 = arith.constant 0 : i32
    return %c0_i32, %min3A_1 : i32, i32
  }
  func.func @transform_1(%arg0: i32) -> (i32, i32) {
    %add3A = arith.constant 31 : i32
    %add3A_0 = arith.addi %arg0, %add3A : i32
    %min3A = arith.constant 122 : i32
    %min3A_1 = arith.minsi %add3A_0, %min3A : i32
    %c0_i32 = arith.constant 0 : i32
    %c0_i32_2 = arith.constant 0 : i32
    return %c0_i32, %min3A_1 : i32, i32
  }
  func.func @transform_2(%arg0: i32) -> (i32, i32) {
    %add3A = arith.constant 62 : i32
    %add3A_0 = arith.addi %arg0, %add3A : i32
    %min3A = arith.constant 122 : i32
    %min3A_1 = arith.minsi %add3A_0, %min3A : i32
    %c0_i32 = arith.constant 0 : i32
    %c0_i32_2 = arith.constant 0 : i32
    return %c0_i32, %min3A_1 : i32, i32
  }
  func.func @transform_3(%arg0: i32) -> (i32, i32) {
    %add3A = arith.constant 93 : i32
    %add3A_0 = arith.addi %arg0, %add3A : i32
    %min3A = arith.constant 122 : i32
    %min3A_1 = arith.minsi %add3A_0, %min3A : i32
    %c0_i32 = arith.constant 0 : i32
    %c0_i32_2 = arith.constant 0 : i32
    return %c0_i32, %min3A_1 : i32, i32
  }
  func.func @transform_4(%arg0: i32) -> (i32, i32) {
    %c0_i32 = arith.constant 0 : i32
    %c0_i32_0 = arith.constant 0 : i32
    %c0_i32_1 = arith.constant 0 : i32
    return %c0_i32, %c0_i32_0 : i32, i32
  }
  func.func @transform_5(%arg0: i32) -> (i32, i32) {
    %c0_i32 = arith.constant 0 : i32
    %c0_i32_0 = arith.constant 0 : i32
    return %arg0, %c0_i32 : i32, i32
  }
}

module attributes {stable_mosaic.version = 14 : i64} {
  func.func @_mlp_body(%arg0: i32, %arg1: memref<4096x1xi32, #tpu.memory_space<vmem>>, %arg2: memref<4096x1xi32, #tpu.memory_space<vmem>>, %arg3: memref<4096x128xf32, #tpu.memory_space<vmem>>, %arg4: memref<4096x128xf32, #tpu.memory_space<vmem>>, %arg5: memref<4x4096xf32, #tpu.memory_space<vmem>>, %arg6: memref<128x64xf32, #tpu.memory_space<vmem>>, %arg7: memref<128x64xf32, #tpu.memory_space<vmem>>, %arg8: memref<4x64xf32, #tpu.memory_space<vmem>>, %arg9: memref<1x64xf32, #tpu.memory_space<vmem>>, %arg10: memref<64x32xf32, #tpu.memory_space<vmem>>, %arg11: memref<1x32xf32, #tpu.memory_space<vmem>>, %arg12: memref<1x32xf32, #tpu.memory_space<vmem>>, %arg13: memref<1x1xf32, #tpu.memory_space<vmem>>, %arg14: memref<4096xf32, #tpu.memory_space<vmem>>) attributes {dimension_semantics = [#tpu.dimension_semantics<arbitrary>], iteration_bounds = array<i64: 4>, scalar_prefetch = 0 : i64, scratch_operands = 0 : i64, tpu.core_type = #tpu.core_type<tc>, window_params = [{transform_indices = @transform_0, window_bounds = array<i64: 4096, 1>}, {transform_indices = @transform_1, window_bounds = array<i64: 4096, 1>}, {transform_indices = @transform_2, window_bounds = array<i64: 4096, 128>}, {transform_indices = @transform_3, window_bounds = array<i64: 4096, 128>}, {transform_indices = @transform_4, window_bounds = array<i64: 4, 4096>}, {pipeline_mode = #tpu.pipeline_mode<synchronous>, transform_indices = @transform_5, window_bounds = array<i64: 128, 64>}, {pipeline_mode = #tpu.pipeline_mode<synchronous>, transform_indices = @transform_6, window_bounds = array<i64: 128, 64>}, {pipeline_mode = #tpu.pipeline_mode<synchronous>, transform_indices = @transform_7, window_bounds = array<i64: 4, 64>}, {pipeline_mode = #tpu.pipeline_mode<synchronous>, transform_indices = @transform_8, window_bounds = array<i64: 1, 64>}, {pipeline_mode = #tpu.pipeline_mode<synchronous>, transform_indices = @transform_9, window_bounds = array<i64: 64, 32>}, {pipeline_mode = #tpu.pipeline_mode<synchronous>, transform_indices = @transform_10, window_bounds = array<i64: 1, 32>}, {pipeline_mode = #tpu.pipeline_mode<synchronous>, transform_indices = @transform_11, window_bounds = array<i64: 1, 32>}, {pipeline_mode = #tpu.pipeline_mode<synchronous>, transform_indices = @transform_12, window_bounds = array<i64: 1, 1>}, {transform_indices = @transform_13, window_bounds = array<i64: 4096>}]} {
    %iota3A = tpu.iota {dimensions = array<i32: 1>} : vector<4096x128xi32>
    %jit3A = arith.constant 32 : i32
    %div3A = vector.broadcast %jit3A : i32 to vector<4096x128xi32>
    %div3A_0 = arith.divsi %iota3A, %div3A : vector<4096x128xi32>
    %sign3A = arith.constant 0 : i32
    %sign3A_1 = vector.broadcast %sign3A : i32 to vector<4096x128xi32>
    %sign3A_2 = arith.cmpi sgt, %iota3A, %sign3A_1 : vector<4096x128xi32>
    %sign3A_3 = arith.extui %sign3A_2 : vector<4096x128xi1> to vector<4096x128xi32>
    %sign3A_4 = arith.constant 0 : i32
    %sign3A_5 = vector.broadcast %sign3A_4 : i32 to vector<4096x128xi32>
    %sign3A_6 = arith.cmpi slt, %iota3A, %sign3A_5 : vector<4096x128xi32>
    %sign3A_7 = arith.extui %sign3A_6 : vector<4096x128xi1> to vector<4096x128xi32>
    %sign3A_8 = arith.subi %sign3A_3, %sign3A_7 : vector<4096x128xi32>
    %sign3A_9 = arith.constant 0 : i32
    %sign3A_10 = arith.cmpi sgt, %jit3A, %sign3A_9 : i32
    %sign3A_11 = arith.extui %sign3A_10 : i1 to i32
    %sign3A_12 = arith.constant 0 : i32
    %sign3A_13 = arith.cmpi slt, %jit3A, %sign3A_12 : i32
    %sign3A_14 = arith.extui %sign3A_13 : i1 to i32
    %sign3A_15 = arith.subi %sign3A_11, %sign3A_14 : i32
    %ne3A = vector.broadcast %sign3A_15 : i32 to vector<4096x128xi32>
    %ne3A_16 = arith.cmpi ne, %sign3A_8, %ne3A : vector<4096x128xi32>
    %rem3A = vector.broadcast %jit3A : i32 to vector<4096x128xi32>
    %rem3A_17 = arith.remsi %iota3A, %rem3A : vector<4096x128xi32>
    %ne3A_18 = arith.constant 0 : i32
    %ne3A_19 = vector.broadcast %ne3A_18 : i32 to vector<4096x128xi32>
    %ne3A_20 = arith.cmpi ne, %rem3A_17, %ne3A_19 : vector<4096x128xi32>
    %and3A = arith.andi %ne3A_16, %ne3A_20 : vector<4096x128xi1>
    %sub3A = arith.constant 1 : i32
    %sub3A_21 = vector.broadcast %sub3A : i32 to vector<4096x128xi32>
    %sub3A_22 = arith.subi %div3A_0, %sub3A_21 : vector<4096x128xi32>
    %select_n3A = arith.select %and3A, %sub3A_22, %div3A_0 : vector<4096x128xi1>, vector<4096x128xi32>
    %get3A = arith.constant 0 : index
    %get3A_23 = arith.constant 0 : index
    %get3A_24 = vector.load %arg1[%get3A, %get3A_23] : memref<4096x1xi32, #tpu.memory_space<vmem>>, vector<4096x1xi32>
    %ge3A = arith.constant 253952 : i32
    %ge3A_25 = vector.broadcast %ge3A : i32 to vector<4096x1xi32>
    %ge3A_26 = arith.cmpi sge, %get3A_24, %ge3A_25 : vector<4096x1xi32>
    %jit3A_27 = arith.constant 1 : i32
    %jit3A_28 = arith.constant 0 : i32
    %broadcast_in_dim3A = vector.broadcast %jit3A_27 : i32 to vector<4096x1xi32>
    %broadcast_in_dim3A_29 = vector.broadcast %jit3A_28 : i32 to vector<4096x1xi32>
    %select_n3A_30 = arith.select %ge3A_26, %broadcast_in_dim3A, %broadcast_in_dim3A_29 : vector<4096x1xi1>, vector<4096x1xi32>
    %ge3A_31 = arith.constant 507904 : i32
    %ge3A_32 = vector.broadcast %ge3A_31 : i32 to vector<4096x1xi32>
    %ge3A_33 = arith.cmpi sge, %get3A_24, %ge3A_32 : vector<4096x1xi32>
    %jit3A_34 = arith.constant 1 : i32
    %jit3A_35 = arith.constant 0 : i32
    %broadcast_in_dim3A_36 = vector.broadcast %jit3A_34 : i32 to vector<4096x1xi32>
    %broadcast_in_dim3A_37 = vector.broadcast %jit3A_35 : i32 to vector<4096x1xi32>
    %select_n3A_38 = arith.select %ge3A_33, %broadcast_in_dim3A_36, %broadcast_in_dim3A_37 : vector<4096x1xi1>, vector<4096x1xi32>
    %add3A = arith.addi %select_n3A_30, %select_n3A_38 : vector<4096x1xi32>
    %ge3A_39 = arith.constant 761856 : i32
    %ge3A_40 = vector.broadcast %ge3A_39 : i32 to vector<4096x1xi32>
    %ge3A_41 = arith.cmpi sge, %get3A_24, %ge3A_40 : vector<4096x1xi32>
    %jit3A_42 = arith.constant 1 : i32
    %jit3A_43 = arith.constant 0 : i32
    %broadcast_in_dim3A_44 = vector.broadcast %jit3A_42 : i32 to vector<4096x1xi32>
    %broadcast_in_dim3A_45 = vector.broadcast %jit3A_43 : i32 to vector<4096x1xi32>
    %select_n3A_46 = arith.select %ge3A_41, %broadcast_in_dim3A_44, %broadcast_in_dim3A_45 : vector<4096x1xi1>, vector<4096x1xi32>
    %add3A_47 = arith.addi %add3A, %select_n3A_46 : vector<4096x1xi32>
    %get3A_48 = arith.constant 0 : index
    %get3A_49 = arith.constant 0 : index
    %get3A_50 = vector.load %arg2[%get3A_48, %get3A_49] : memref<4096x1xi32, #tpu.memory_space<vmem>>, vector<4096x1xi32>
    %ge3A_51 = arith.constant 32768 : i32
    %ge3A_52 = vector.broadcast %ge3A_51 : i32 to vector<4096x1xi32>
    %ge3A_53 = arith.cmpi sge, %get3A_50, %ge3A_52 : vector<4096x1xi32>
    %jit3A_54 = arith.constant 1 : i32
    %jit3A_55 = arith.constant 0 : i32
    %broadcast_in_dim3A_56 = vector.broadcast %jit3A_54 : i32 to vector<4096x1xi32>
    %broadcast_in_dim3A_57 = vector.broadcast %jit3A_55 : i32 to vector<4096x1xi32>
    %select_n3A_58 = arith.select %ge3A_53, %broadcast_in_dim3A_56, %broadcast_in_dim3A_57 : vector<4096x1xi1>, vector<4096x1xi32>
    %ge3A_59 = arith.constant 65536 : i32
    %ge3A_60 = vector.broadcast %ge3A_59 : i32 to vector<4096x1xi32>
    %ge3A_61 = arith.cmpi sge, %get3A_50, %ge3A_60 : vector<4096x1xi32>
    %jit3A_62 = arith.constant 1 : i32
    %jit3A_63 = arith.constant 0 : i32
    %broadcast_in_dim3A_64 = vector.broadcast %jit3A_62 : i32 to vector<4096x1xi32>
    %broadcast_in_dim3A_65 = vector.broadcast %jit3A_63 : i32 to vector<4096x1xi32>
    %select_n3A_66 = arith.select %ge3A_61, %broadcast_in_dim3A_64, %broadcast_in_dim3A_65 : vector<4096x1xi1>, vector<4096x1xi32>
    %add3A_67 = arith.addi %select_n3A_58, %select_n3A_66 : vector<4096x1xi32>
    %ge3A_68 = arith.constant 98304 : i32
    %ge3A_69 = vector.broadcast %ge3A_68 : i32 to vector<4096x1xi32>
    %ge3A_70 = arith.cmpi sge, %get3A_50, %ge3A_69 : vector<4096x1xi32>
    %jit3A_71 = arith.constant 1 : i32
    %jit3A_72 = arith.constant 0 : i32
    %broadcast_in_dim3A_73 = vector.broadcast %jit3A_71 : i32 to vector<4096x1xi32>
    %broadcast_in_dim3A_74 = vector.broadcast %jit3A_72 : i32 to vector<4096x1xi32>
    %select_n3A_75 = arith.select %ge3A_70, %broadcast_in_dim3A_73, %broadcast_in_dim3A_74 : vector<4096x1xi1>, vector<4096x1xi32>
    %add3A_76 = arith.addi %add3A_67, %select_n3A_75 : vector<4096x1xi32>
    %eq3A = vector.broadcast %add3A_47 : vector<4096x1xi32> to vector<4096x128xi32>
    %eq3A_77 = arith.cmpi eq, %select_n3A, %eq3A : vector<4096x128xi32>
    %convert_element_type3A = arith.extui %eq3A_77 : vector<4096x128xi1> to vector<4096x128xi32>
    %convert_element_type3A_78 = arith.sitofp %convert_element_type3A : vector<4096x128xi32> to vector<4096x128xf32>
    %eq3A_79 = vector.broadcast %add3A_76 : vector<4096x1xi32> to vector<4096x128xi32>
    %eq3A_80 = arith.cmpi eq, %select_n3A, %eq3A_79 : vector<4096x128xi32>
    %convert_element_type3A_81 = arith.extui %eq3A_80 : vector<4096x128xi1> to vector<4096x128xi32>
    %convert_element_type3A_82 = arith.sitofp %convert_element_type3A_81 : vector<4096x128xi32> to vector<4096x128xf32>
    %get3A_83 = arith.constant 0 : index
    %get3A_84 = arith.constant 0 : index
    %get3A_85 = vector.load %arg3[%get3A_83, %get3A_84] : memref<4096x128xf32, #tpu.memory_space<vmem>>, vector<4096x128xf32>
    %mul3A = arith.mulf %get3A_85, %convert_element_type3A_78 : vector<4096x128xf32>
    %get3A_86 = arith.constant 0 : index
    %get3A_87 = arith.constant 0 : index
    %get3A_88 = vector.load %arg6[%get3A_86, %get3A_87] : memref<128x64xf32, #tpu.memory_space<vmem>>, vector<128x64xf32>
    %dot_general3A = arith.constant dense<0.000000e+00> : vector<4096x64xf32>
    %dot_general3A_89 = tpu.matmul %mul3A, %get3A_88, %dot_general3A {dimension_numbers = #tpu.dot_dimension_numbers<[1], [0], [0], [1], [0, 0, 1, 1], [], []>, transpose_lhs_hint = false} : vector<4096x128xf32>, vector<128x64xf32>, vector<4096x64xf32> -> vector<4096x64xf32>
    %get3A_90 = arith.constant 0 : index
    %get3A_91 = arith.constant 0 : index
    %get3A_92 = vector.load %arg4[%get3A_90, %get3A_91] : memref<4096x128xf32, #tpu.memory_space<vmem>>, vector<4096x128xf32>
    %mul3A_93 = arith.mulf %get3A_92, %convert_element_type3A_82 : vector<4096x128xf32>
    %get3A_94 = arith.constant 0 : index
    %get3A_95 = arith.constant 0 : index
    %get3A_96 = vector.load %arg7[%get3A_94, %get3A_95] : memref<128x64xf32, #tpu.memory_space<vmem>>, vector<128x64xf32>
    %dot_general3A_97 = arith.constant dense<0.000000e+00> : vector<4096x64xf32>
    %dot_general3A_98 = tpu.matmul %mul3A_93, %get3A_96, %dot_general3A_97 {dimension_numbers = #tpu.dot_dimension_numbers<[1], [0], [0], [1], [0, 0, 1, 1], [], []>, transpose_lhs_hint = false} : vector<4096x128xf32>, vector<128x64xf32>, vector<4096x64xf32> -> vector<4096x64xf32>
    %add3A_99 = arith.addf %dot_general3A_89, %dot_general3A_98 : vector<4096x64xf32>
    %get3A_100 = arith.constant 0 : index
    %get3A_101 = arith.constant 0 : index
    %get3A_102 = vector.load %arg5[%get3A_100, %get3A_101] : memref<4x4096xf32, #tpu.memory_space<vmem>>, vector<4x4096xf32>
    %get3A_103 = arith.constant 0 : index
    %get3A_104 = arith.constant 0 : index
    %get3A_105 = vector.load %arg8[%get3A_103, %get3A_104] : memref<4x64xf32, #tpu.memory_space<vmem>>, vector<4x64xf32>
    %dot_general3A_106 = arith.constant dense<0.000000e+00> : vector<4096x64xf32>
    %dot_general3A_107 = tpu.matmul %get3A_102, %get3A_105, %dot_general3A_106 {dimension_numbers = #tpu.dot_dimension_numbers<[0], [0], [1], [1], [0, 1, 1, 1], [], []>, transpose_lhs_hint = false} : vector<4x4096xf32>, vector<4x64xf32>, vector<4096x64xf32> -> vector<4096x64xf32>
    %add3A_108 = arith.addf %add3A_99, %dot_general3A_107 : vector<4096x64xf32>
    %get3A_109 = arith.constant 0 : index
    %get3A_110 = arith.constant 0 : index
    %get3A_111 = vector.load %arg9[%get3A_109, %get3A_110] : memref<1x64xf32, #tpu.memory_space<vmem>>, vector<1x64xf32>
    %add3A_112 = vector.broadcast %get3A_111 : vector<1x64xf32> to vector<4096x64xf32>
    %add3A_113 = arith.addf %add3A_108, %add3A_112 : vector<4096x64xf32>
    %max3A = arith.constant 0.000000e+00 : f32
    %max3A_114 = vector.broadcast %max3A : f32 to vector<4096x64xf32>
    %max3A_115 = arith.maximumf %add3A_113, %max3A_114 : vector<4096x64xf32>
    %get3A_116 = arith.constant 0 : index
    %get3A_117 = arith.constant 0 : index
    %get3A_118 = vector.load %arg10[%get3A_116, %get3A_117] : memref<64x32xf32, #tpu.memory_space<vmem>>, vector<64x32xf32>
    %dot_general3A_119 = arith.constant dense<0.000000e+00> : vector<4096x32xf32>
    %dot_general3A_120 = tpu.matmul %max3A_115, %get3A_118, %dot_general3A_119 {dimension_numbers = #tpu.dot_dimension_numbers<[1], [0], [0], [1], [0, 0, 1, 1], [], []>, transpose_lhs_hint = false} : vector<4096x64xf32>, vector<64x32xf32>, vector<4096x32xf32> -> vector<4096x32xf32>
    %get3A_121 = arith.constant 0 : index
    %get3A_122 = arith.constant 0 : index
    %get3A_123 = vector.load %arg11[%get3A_121, %get3A_122] : memref<1x32xf32, #tpu.memory_space<vmem>>, vector<1x32xf32>
    %add3A_124 = vector.broadcast %get3A_123 : vector<1x32xf32> to vector<4096x32xf32>
    %add3A_125 = arith.addf %dot_general3A_120, %add3A_124 : vector<4096x32xf32>
    %max3A_126 = arith.constant 0.000000e+00 : f32
    %max3A_127 = vector.broadcast %max3A_126 : f32 to vector<4096x32xf32>
    %max3A_128 = arith.maximumf %add3A_125, %max3A_127 : vector<4096x32xf32>
    %get3A_129 = arith.constant 0 : index
    %get3A_130 = arith.constant 0 : index
    %get3A_131 = vector.load %arg12[%get3A_129, %get3A_130] : memref<1x32xf32, #tpu.memory_space<vmem>>, vector<1x32xf32>
    %mul3A_132 = vector.broadcast %get3A_131 : vector<1x32xf32> to vector<4096x32xf32>
    %mul3A_133 = arith.mulf %max3A_128, %mul3A_132 : vector<4096x32xf32>
    %reduce_sum3A = arith.constant dense<0.000000e+00> : vector<4096xf32>
    %reduce_sum3A_134 = vector.multi_reduction <add>, %mul3A_133, %reduce_sum3A [1] : vector<4096x32xf32> to vector<4096xf32>
    %get3A_135 = arith.constant 0 : index
    %get3A_136 = arith.constant 0 : index
    %get3A_137 = vector.load %arg13[%get3A_135, %get3A_136] : memref<1x1xf32, #tpu.memory_space<vmem>>, vector<1x1xf32>
    %get3A_138 = vector.extract %get3A_137[0, 0] : f32 from vector<1x1xf32>
    %add3A_139 = vector.broadcast %get3A_138 : f32 to vector<4096xf32>
    %add3A_140 = arith.addf %reduce_sum3A_134, %add3A_139 : vector<4096xf32>
    %neg3A = arith.constant 0.000000e+00 : f32
    %neg3A_141 = vector.broadcast %neg3A : f32 to vector<4096xf32>
    %neg3A_142 = arith.subf %neg3A_141, %add3A_140 : vector<4096xf32>
    %exp3A = math.exp %neg3A_142 : vector<4096xf32>
    %add3A_143 = arith.constant 1.000000e+00 : f32
    %add3A_144 = vector.broadcast %add3A_143 : f32 to vector<4096xf32>
    %add3A_145 = arith.addf %add3A_144, %exp3A : vector<4096xf32>
    %div3A_146 = arith.constant 1.000000e+00 : f32
    %div3A_147 = vector.broadcast %div3A_146 : f32 to vector<4096xf32>
    %div3A_148 = arith.divf %div3A_147, %add3A_145 : vector<4096xf32>
    %swap3A = arith.constant 0 : index
    %swap3A_149 = vector.load %arg14[%swap3A] : memref<4096xf32, #tpu.memory_space<vmem>>, vector<4096xf32>
    tpu.vector_store %arg14[%swap3A], %div3A_148 {strides = array<i32>} : memref<4096xf32, #tpu.memory_space<vmem>>, vector<4096xf32>,
    return
  }
  func.func @transform_0(%arg0: i32) -> (i32, i32) {
    %c0_i32 = arith.constant 0 : i32
    %c0_i32_0 = arith.constant 0 : i32
    return %arg0, %c0_i32 : i32, i32
  }
  func.func @transform_1(%arg0: i32) -> (i32, i32) {
    %c0_i32 = arith.constant 0 : i32
    %c0_i32_0 = arith.constant 0 : i32
    return %arg0, %c0_i32 : i32, i32
  }
  func.func @transform_2(%arg0: i32) -> (i32, i32) {
    %c0_i32 = arith.constant 0 : i32
    %c0_i32_0 = arith.constant 0 : i32
    return %arg0, %c0_i32 : i32, i32
  }
  func.func @transform_3(%arg0: i32) -> (i32, i32) {
    %c0_i32 = arith.constant 0 : i32
    %c0_i32_0 = arith.constant 0 : i32
    return %arg0, %c0_i32 : i32, i32
  }
  func.func @transform_4(%arg0: i32) -> (i32, i32) {
    %c0_i32 = arith.constant 0 : i32
    %c0_i32_0 = arith.constant 0 : i32
    return %c0_i32, %arg0 : i32, i32
  }
  func.func @transform_5(%arg0: i32) -> (i32, i32) {
    %c0_i32 = arith.constant 0 : i32
    %c0_i32_0 = arith.constant 0 : i32
    %c0_i32_1 = arith.constant 0 : i32
    return %c0_i32, %c0_i32_0 : i32, i32
  }
  func.func @transform_6(%arg0: i32) -> (i32, i32) {
    %c0_i32 = arith.constant 0 : i32
    %c0_i32_0 = arith.constant 0 : i32
    %c0_i32_1 = arith.constant 0 : i32
    return %c0_i32, %c0_i32_0 : i32, i32
  }
  func.func @transform_7(%arg0: i32) -> (i32, i32) {
    %c0_i32 = arith.constant 0 : i32
    %c0_i32_0 = arith.constant 0 : i32
    %c0_i32_1 = arith.constant 0 : i32
    return %c0_i32, %c0_i32_0 : i32, i32
  }
  func.func @transform_8(%arg0: i32) -> (i32, i32) {
    %c0_i32 = arith.constant 0 : i32
    %c0_i32_0 = arith.constant 0 : i32
    %c0_i32_1 = arith.constant 0 : i32
    return %c0_i32, %c0_i32_0 : i32, i32
  }
  func.func @transform_9(%arg0: i32) -> (i32, i32) {
    %c0_i32 = arith.constant 0 : i32
    %c0_i32_0 = arith.constant 0 : i32
    %c0_i32_1 = arith.constant 0 : i32
    return %c0_i32, %c0_i32_0 : i32, i32
  }
  func.func @transform_10(%arg0: i32) -> (i32, i32) {
    %c0_i32 = arith.constant 0 : i32
    %c0_i32_0 = arith.constant 0 : i32
    %c0_i32_1 = arith.constant 0 : i32
    return %c0_i32, %c0_i32_0 : i32, i32
  }
  func.func @transform_11(%arg0: i32) -> (i32, i32) {
    %c0_i32 = arith.constant 0 : i32
    %c0_i32_0 = arith.constant 0 : i32
    %c0_i32_1 = arith.constant 0 : i32
    return %c0_i32, %c0_i32_0 : i32, i32
  }
  func.func @transform_12(%arg0: i32) -> (i32, i32) {
    %c0_i32 = arith.constant 0 : i32
    %c0_i32_0 = arith.constant 0 : i32
    %c0_i32_1 = arith.constant 0 : i32
    return %c0_i32, %c0_i32_0 : i32, i32
  }
  func.func @transform_13(%arg0: i32) -> i32 {
    %c0_i32 = arith.constant 0 : i32
    return %arg0 : i32
  }
}

</mosaic_0001>

<sc_bundles>
// kernel: kernel.10.cloned.1.call-start
scs
__scs_entry_jumppad:
0x0: {  	(pc) =	sbr.rel $0x88, $3  }
0x1: {  	(tag) =	ssettag $0x0;
	lr =	simm.s32 $0x1  }
0x2: {  	[smem:$0x3F93] =	sst lr;
	_ =	strace $0xD0000000  }
0x3: {  	_ = 	snop  }
0x4: {  	_ = 	snop  }
0x5: {  	_ = 	snop  }
0x6: {  	_ = 	snop  }
0x7: {  	_ = 	snop  }
__scs_overlays_trampoline_lowered:
0x8: {  	[smem:$0x3FA2] =	sst s0  }
0x9: {  	[smem:$0x3FA3] =	sst s1  }
0xa: {  	[smem:$0x3FA4] =	sst s2  }
0xb: {  	[smem:$0x3FA5] =	sst s3  }
0xc: {  	[smem:$0x3FA6] =	sst s4  }
0xd: {  	[smem:$0x3FA7] =	sst s5  }
0xe: {  	[smem:$0x3FA8] =	sst s6  }
0xf: {  	[smem:$0x3FA9] =	sst s7  }
0x10: {  	[smem:$0x3FAA] =	sst s8  }
0x11: {  	[smem:$0x3FAB] =	sst s9;
	s0 =	simm.s32 @!p0 $0x0  }
0x12: {  	s1 =	sld [smem:$0x3F91];
	s0 =	simm.s32 @p0 $0x1  }
0x13: {  	[smem:$0x3FAC] =	sst s0;
	s0 =	simm.s32 @!p1 $0x0  }
0x14: {  	s2 =	sld [smem:$0x3F90];
	s0 =	simm.s32 @p1 $0x1  }
0x15: {  	[smem:$0x3FAD] =	sst s0;
	s0 =	simm.s32 @!p2 $0x0  }
0x16: {  	s3 =	sld [smem:$0x3FDB];
	s0 =	simm.s32 @p2 $0x1  }
0x17: {  	s4 =	simm.s32 $0x1BF5;
	[smem:$0x3FAF] =	sst s0  }
0x18: {  	s0 =	sld [smem:$0x3F92];
	_ =	swait.ge [sflag:s4], $0x0  }
0x19: {  	s7 =	sld [smem:$0x3F93]  }
0x1a: {  	s8 =	sadd.s32 $0xFFFFE003, lr  }
0x1b: {  	s9 =	sadd.s32 $0xFFFFFEF7, lr;
	s5 =	simm.s32 $0xFFFFFFFF;
	p2 =	slt.u32 s8, $0xFFFFF086  }
0x1c: {  	p1 =	slt.u32 s9, $0xF7A;
	s5 =	simm.s32 @!p2 $0x0  }
0x1d: {  	s5 =	simm.s32 @p1 $0x1;
	p0 =	seq.s32 s7, s2  }
0x1e: {  	s7 =	smul.u32 @!p0 $0xF7A, s2;
	p2 =	seq.s32 @!p0 s5, $0x0  }
0x1f: {  	s9 =	smul.u32 $0xF7A, s1;
	s8 =	simm.s32 @!p0 $0x1BF5;
	p2 =	por !p2, p0  }
0x20: {  	[sflag:s8] =	ssyncset.s32 @!p0 $0xFFFFF086;
	s6 =	sadd.s32 @!p0 s3, s7;
	s7 =	simm.s32 @!p0 $0x108  }
0x21: {  	s3 =	sadd.s32 s3, s9;
	s6 =	sadd.s32 @!p0 $0x88, s6;
	s7 =	simm.s32 @p2 $0x1082  }
0x22: {  	[simem:s7], [sflag:s8] =	dma.local @!p0 [hbm:s6], $0xF7A  }
0x23: {  	s9 =	sor.u32 $0xD0000000, s2;
	s6 =	simm.s32 $0x108;
	_ =	swait.ge @!p0 [sflag:s8], $0x0  }
0x24: {  	s3 =	sadd.s32 $0x88, s3;
	s6 =	simm.s32 @!p1 $0x1082;
	[sflag:s4] =	ssyncset.s32 $0xFFFFF086  }
0x25: {  	[simem:s6], [sflag:s4] =	dma.local [hbm:s3], $0xF7A  }
0x26: {  	[smem:$0x3F93] =	sst s1;
	(tag) =	ssettag s2;
	_ =	strace s9  }
0x27: {  	s1 =	sld [smem:$0x3FA3]  }
0x28: {  	s2 =	sld [smem:$0x3FA4]  }
0x29: {  	s4 =	sld [smem:$0x3FA6]  }
0x2a: {  	p0 =	seq.s32 s5, $0x0;
	s5 =	sld [smem:$0x3FA7]  }
0x2b: {  	s6 =	sld [smem:$0x3FA8]  }
0x2c: {  	s7 =	sld [smem:$0x3FA9]  }
0x2d: {  	s3 =	simm.s32 $0x108;
	s8 =	sld [smem:$0x3FAA]  }
0x2e: {  	s3 =	simm.s32 @!p0 $0x1082;
	s9 =	sld [smem:$0x3FAB]  }
0x2f: {  	lr =	sadd.s32 s0, s3;
	s0 =	sld [smem:$0x3FA2]  }
0x30: {  	s3 =	sld [smem:$0x3FA5]  }
0x31: {  	[smem:$0x3FAE] =	sst s10  }
0x32: {  	s10 =	sld [smem:$0x3FAC];
	_ =	sdelay $0x3  }
0x33: {  	p0 =	seq.s32 s10, $0x1;
	s10 =	sld [smem:$0x3FAE];
	_ =	sdelay $0x3  }
0x34: {  	[smem:$0x3FAE] =	sst s10  }
0x35: {  	s10 =	sld [smem:$0x3FAD];
	_ =	sdelay $0x3  }
0x36: {  	p1 =	seq.s32 s10, $0x1;
	s10 =	sld [smem:$0x3FAE];
	_ =	sdelay $0x3  }
0x37: {  	[smem:$0x3FAE] =	sst s10  }
0x38: {  	s10 =	sld [smem:$0x3FAF]  }
0x39: {  	_ = 	snop;
	(pc) =	sbr.ind lr, $3  }
0x3a: {  	_ = 	snop  }
0x3b: {  	_ = 	snop  }
0x3c: {  	p2 =	seq.s32 s10, $0x1;
	s10 =	sld [smem:$0x3FAE]  }
0x3d: {  	_ =	shalt  }
0x3e: {  	_ =	shalt  }
0x3f: {  	_ =	shalt  }
0x40: {  	_ =	shalt  }
0x41: {  	_ =	shalt  }
0x42: {  	_ =	shalt  }
0x43: {  	_ =	shalt  }
0x44: {  	_ =	shalt  }
0x45: {  	_ =	shalt  }
0x46: {  	_ =	shalt  }
0x47: {  	_ =	shalt  }
0x48: {  	_ =	shalt  }
0x49: {  	_ =	shalt  }
0x4a: {  	_ =	shalt  }
0x4b: {  	_ =	shalt  }
0x4c: {  	_ =	shalt  }
0x4d: {  	_ =	shalt  }
0x4e: {  	_ =	shalt  }
0x4f: {  	_ =	shalt  }
0x50: {  	_ =	shalt  }
0x51: {  	_ =	shalt  }
0x52: {  	_ =	shalt  }
0x53: {  	_ =	shalt  }
0x54: {  	_ =	shalt  }
0x55: {  	_ =	shalt  }
0x56: {  	_ =	shalt  }
0x57: {  	_ =	shalt  }
0x58: {  	_ =	shalt  }
0x59: {  	_ =	shalt  }
0x5a: {  	_ =	shalt  }
0x5b: {  	_ =	shalt  }
0x5c: {  	_ =	shalt  }
0x5d: {  	_ =	shalt  }
0x5e: {  	_ =	shalt  }
0x5f: {  	_ =	shalt  }
0x60: {  	_ =	shalt  }
0x61: {  	_ =	shalt  }
0x62: {  	_ =	shalt  }
0x63: {  	_ =	shalt  }
0x64: {  	_ =	shalt  }
0x65: {  	_ =	shalt  }
0x66: {  	_ =	shalt  }
0x67: {  	_ =	shalt  }
0x68: {  	_ =	shalt  }
0x69: {  	_ =	shalt  }
0x6a: {  	_ =	shalt  }
0x6b: {  	_ =	shalt  }
0x6c: {  	_ =	shalt  }
0x6d: {  	_ =	shalt  }
0x6e: {  	_ =	shalt  }
0x6f: {  	_ =	shalt  }
0x70: {  	_ =	shalt  }
0x71: {  	_ =	shalt  }
0x72: {  	_ =	shalt  }
0x73: {  	_ =	shalt  }
0x74: {  	_ =	shalt  }
0x75: {  	_ =	shalt  }
0x76: {  	_ =	shalt  }
0x77: {  	_ =	shalt  }
0x78: {  	_ =	shalt  }
0x79: {  	_ =	shalt  }
0x7a: {  	_ =	shalt  }
0x7b: {  	_ =	shalt  }
0x7c: {  	_ =	shalt  }
0x7d: {  	_ =	shalt  }
0x7e: {  	_ =	shalt  }
0x7f: {  	_ =	shalt  }
0x80: {  	_ =	shalt  }
0x81: {  	_ =	shalt  }
0x82: {  	_ =	shalt  }
0x83: {  	_ =	shalt  }
0x84: {  	_ =	shalt  }
0x85: {  	_ =	shalt  }
0x86: {  	_ =	shalt  }
0x87: {  	_ =	shalt  }
.Lfunc_end0:
.L_simem_size_0:
called_computation.1_lowered:
.L_overlay_start_0:
0x88: {  	s2 =	sld [smem:$0x3FD9]  }
0x89: {  	s3 =	sld [smem:$0x3FFE];
	_ =	sdelay $0x1  }
0x8a: {  	s1 =	srdreg.scid  }
0x8b: {  	s0 =	sand.u32 $0x1, s1  }
0x8c: {  	s17 =	sshll.u32 s0, $0xA;
	s2 =	sadd.s32 s3, s2  }
0x8d: {  	s2 =	sadd.s32 s2, s17  }
0x8e: {  	[smem:$0x3FBA] =	sst s2  }
0x8f: {  	_ = 	snop  }
0x90: {  	s2 =	sld [smem:$0x3FC9];
	(tm) =	ssettm $0x1  }
0x91: {  	s18 =	sld [smem:$0x3FFB];
	_ =	sdelay $0x3  }
0x92: {  	_ =	strace s18  }
0x93: {  	s3 =	sld [smem:$0x3FFC];
	_ =	sdelay $0x3  }
0x94: {  	_ =	strace s3  }
0x95: {  	s3 =	sld [smem:$0x3FFD];
	_ =	sdelay $0x3  }
0x96: {  	_ =	strace s3  }
0x97: {  	_ =	strace $0x8FFFFFFF  }
0x98: {  	s19 =	sld [smem:$0x3FDB];
	_ =	sdelay $0x1  }
0x99: {  	s4 =	simm.s32 $_scs_section_size  }
0x9a: {  	s5 =	simm.s32 $_size__tile_overlayer_lowered;
	s6 =	simm.s32 $_tile_overlayer_lowered  }
0x9b: {  	s22 =	simm.s32 $0x1BFF;
	s21 =	sshll.u32 s6, $0x1;
	s3 =	sadd.s32 s4, s19  }
0x9c: {  	s7 =	simm.s32 $0x0;
	s20 =	sshll.u32 s5, $0x1;
	s5 =	sadd.s32 s21, s3  }
0x9d: {  	[timem:s7], [sflag:s22] =	dma.local [hbm:s5], s20  }
0x9e: {  	_ =	swait.ge [sflag:s22], s20  }
0x9f: {  	s4 =	ssub.s32 $0x0, s20;
	[sflag:s22] =	ssyncset.done $0x0  }
0xa0: {  	[sflag:s22] =	ssyncadd.s32 s4;
	_ =	sdelay $0x1  }
0xa1: {  	s23 =	simm.s32 $0x1B8B  }
0xa2: {  	_ =	swait.ge [sflag:s23], $0x1  }
0xa3: {  	[sflag:s23] =	ssyncset.done $0x0  }
0xa4: {  	s25 =	simm.s32 $0x1B8E;
	s24 =	sld [smem:$0x3FFE];
	[sflag:s23] =	ssyncadd.s32 $0xFFFFFFFF  }
0xa5: {  	s26 =	simm.s32 $execute0_lowered;
	[smem:$0x3FD2] =	sst s25  }
0xa6: {  	s5 =	sshll.u32 s26, $0x1;
	_ =	strace $0x80000046;
	[dreg:$0x1] =	wrdreg $0xFFFFFFFF  }
0xa7: {  	s28 =	simm.s32 $_size_execute0_lowered;
	s3 =	sadd.s32 s3, s5;
	[dreg:$0x0] =	wrdreg $0x0  }
0xa8: {  	s5 =	sshll.u32 s28, $0x1;
	[dreg:$0x2] =	wrdreg s3  }
0xa9: {  	[dreg:$0x3] =	wrdreg s5  }
0xaa: {  	[dreg:$0x4] =	wrdreg $0xC0  }
0xab: {  	_ =	task [dreg:s7], $0x5FFFF  }
0xac: {  	[dreg:$0x1] =	wrdreg $0xFFFFFFFF  }
0xad: {  	[dreg:$0x0] =	wrdreg $0x60  }
0xae: {  	[dreg:$0x2] =	wrdreg s24  }
0xaf: {  	[dreg:$0x3] =	wrdreg s2  }
0xb0: {  	[dreg:$0x4] =	wrdreg $0xA  }
0xb1: {  	_ =	task.clear_ibuf [dreg:s7], $0x5FFFF;
	_ =	strace $0x90000046  }
0xb2: {  	s29 =	simm.s32 $0xA;
	_ =	strace $0x80000048  }
0xb3: {  	_ =	swait.ge [sflag:s29], $0x1  }
0xb4: {  	[sflag:s29] =	ssyncadd.s32 $0xFFFFFFFF  }
0xb5: {  	_ =	strace $0x90000048  }
0xb6: {  	_ =	sfence  }
0xb7: {  	s30 =	sld [smem:$0x0];
	_ =	sdelay $0x2  }
0xb8: {  	s31 =	sshll.u32 s1, $0xD;
	s1 =	sshrl.u32 s1, $0x2  }
0xb9: {  	s3 =	sand.u32 $0x4000, s31;
	s1 =	sadd.s32 s1, s30  }
0xba: {  	s0 =	sor.u32 s3, s0;
	s1 =	sshll.u32 s1, $0x11  }
0xbb: {  	s0 =	sor.u32 s1, s0  }
0xbc: {  	s0 =	sadd.s32 $0x8F2B, s0  }
0xbd: {  	[sflag:s0] =	ssyncadd.remote.s32 $0x1  }
0xbe: {  	_ =	sfence.sel $0xFFFF  }
0xbf: {  	[dreg:$0x0] =	wrdreg $0xFFFFFFFF;
	(pc) =	sbr.abs _section_cstart, $3  }
0xc0: {  	[dreg:$0x1] =	wrdreg $0xFFFFFFFF  }
0xc1: {  	_ =	task.clear_ibuf [dreg:s7], $0x2FFFF;
	_ =	strace $0x9FFFFFFF  }
0xc2: {  	(tm) =	ssettm $0x7FFFFFFF  }
0xc3: {  	_ =	shalt  }
tec
execute0_lowered:
.L_overlay_start_1:
0x0: {  	(tag) =	ssettag $0x1  }
0x1: {  	s4 =	rddreg [dreg:$0x0]  }
0x2: {  	s5 =	rddreg [dreg:$0x1];
	s2 =	srdreg.scid  }
0x3: {  	s0 =	rddreg [dreg:$0x2];
	s1 =	stileid.u32  }
0x4: {  	s11 =	simm.s32 $0x80;
	s12 =	simm.s32 $0x200;
	s13 =	simm.s32 $0x4200  }
0x5: {  	s14 =	simm.s32 $0x100;
	s15 =	simm.s32 $0x8200;
	s16 =	simm.s32 $0x180  }
0x6: {  	s17 =	simm.s32 $0xC200;
	s18 =	simm.s32 $0x1;
	s3 =	sand.u32 $0x1, s2  }
0x7: {  	s2 =	simm.s32 $0x0;
	s6 =	sshll.u32 s1, $0xA;
	s7 =	sshll.u32 s3, $0x9  }
0x8: {  	s19 =	simm.s32 $0x2;
	[smem:$0x7FF] =	sst s2;
	s6 =	sor.u32 s7, s6  }
0x9: {  	s8 =	ssub.s32 $0x2, s3;
	s3 =	sadd.s32 $0x82400, s4;
	s7 =	sshll.u32 s6, $0x4  }
0xa: {  	_ =	strace $0x80000047;
	s31 =	sshrl.u32 s8, $0x1;
	s9 =	sadd.s32 s7, s4  }
0xb: {  	s10 =	ssub.s32 s8, s31;
	s6 =	sshrl.u32 s6, $0x3;
	s4 =	sadd.s32 $0x462400, s9  }
0xc: {  	s5 =	sadd.s32 s5, s6;
	s6 =	sadd.s32 $0x462C00, s9;
	s7 =	sadd.s32 $0x463400, s9  }
0xd: {  	v0 =	vimm.s32 $0x0;
	s8 =	sadd.s32 $0x463C00, s9;
	s9 =	smax.u32 s10, $0x1;
	s10 =	simm.s32 $0x3  }
.LBB2_1:
0xe: {  	[tilespmem:s2], [sflag:$0x3] =	stream.linear.gather [hbm4b:s5+s2], $0x200, $0x38;
	[tilespmem:$0x10200] =	vst v63  }
0xf: {  	_ =	swait.ge [sflag:s10], $0x200  }
0x10: {  	[sflag:s10] =	ssyncset.done $0x0  }
0x11: {  	[sflag:s10] =	ssyncadd.s32 $0xFFFFFE00  }
0x12: {  	v1 =	vld [tilespmem:$0x0]  }
0x13: {  	v2 =	vld [tilespmem:$0x10]  }
0x14: {  	v5 =	vld [tilespmem:$0x20]  }
0x15: {  	v28 =	vld [tilespmem:$0x30]  }
0x16: {  	v29 =	vld [tilespmem:$0x40]  }
0x17: {  	vm0 =	vgt.s32 v1, $0x3DFFF  }
0x18: {  	vm6 =	vgt.s32 v1, $0x7BFFF;
	vm7 =	vgt.s32 v1, $0xB9FFF;
	vm1 =	vgt.s32 v2, $0x3DFFF  }
0x19: {  	vm8 =	vgt.s32 v2, $0x7BFFF;
	vm9 =	vgt.s32 v2, $0xB9FFF;
	vm10 =	vgt.s32 v5, $0x3DFFF  }
0x1a: {  	vm11 =	vgt.s32 v5, $0x7BFFF;
	vm12 =	vgt.s32 v5, $0xB9FFF;
	vm13 =	vgt.s32 v28, $0x3DFFF  }
0x1b: {  	v9 =	vld [tilespmem:$0x50];
	vm14 =	vgt.s32 v28, $0x7BFFF;
	vm15 =	vgt.s32 v28, $0xB9FFF;
	vm4 =	vgt.s32 v29, $0x3DFFF  }
0x1c: {  	v10 =	vld [tilespmem:$0x60];
	vm5 =	vgt.s32 v29, $0x7BFFF;
	v3 =	vsel vm0, $0x1, v0;
	v4 =	vsel vm6, $0x1, v0  }
0x1d: {  	v37 =	vld [tilespmem:$0x70];
	v6 =	vsel vm7, $0x1, v0;
	v7 =	vsel vm1, $0x1, v0;
	v26 =	vsel vm8, $0x1, v0  }
0x1e: {  	v14 =	vld [tilespmem:$0x80];
	v27 =	vsel vm9, $0x1, v0;
	v30 =	vsel vm11, $0x1, v0;
	v31 =	vsel vm12, $0x1, v0  }
0x1f: {  	v32 =	vsel vm13, $0x1, v0;
	v8 =	vsel vm14, $0x1, v0;
	v33 =	vsel vm15, $0x1, v0  }
0x20: {  	v34 =	vsel vm4, $0x1, v0;
	v12 =	vsel vm5, $0x1, v0;
	vm6 =	vgt.s32 v29, $0xB9FFF  }
0x21: {  	vm7 =	vgt.s32 v9, $0x3DFFF;
	vm8 =	vgt.s32 v9, $0x7BFFF;
	vm9 =	vgt.s32 v9, $0xB9FFF  }
0x22: {  	vm11 =	vgt.s32 v10, $0x7BFFF;
	vm12 =	vgt.s32 v10, $0xB9FFF;
	vm13 =	vgt.s32 v37, $0x3DFFF  }
0x23: {  	v16 =	vld [tilespmem:$0x90];
	vm14 =	vgt.s32 v37, $0x7BFFF;
	vm15 =	vgt.s32 v37, $0xB9FFF;
	vm4 =	vgt.s32 v14, $0x3DFFF  }
0x24: {  	v48 =	vld [tilespmem:$0xA0];
	vm5 =	vgt.s32 v14, $0x7BFFF;
	v3 =	vadd.s32 v4, v3;
	v4 =	vadd.s32 v26, v7  }
0x25: {  	v52 =	vld [tilespmem:$0xB0];
	v35 =	vsel vm6, $0x1, v0;
	v36 =	vsel vm7, $0x1, v0;
	v38 =	vsel vm8, $0x1, v0  }
0x26: {  	v56 =	vld [tilespmem:$0xC0];
	v39 =	vsel vm9, $0x1, v0;
	v40 =	vsel vm11, $0x1, v0;
	v41 =	vsel vm12, $0x1, v0  }
0x27: {  	v15 =	vsel vm13, $0x1, v0;
	v42 =	vsel vm14, $0x1, v0;
	v43 =	vsel vm15, $0x1, v0  }
0x28: {  	v47 =	vsel vm4, $0x1, v0;
	v49 =	vsel vm5, $0x1, v0;
	vm6 =	vgt.s32 v14, $0xB9FFF  }
0x29: {  	vm7 =	vgt.s32 v16, $0x3DFFF;
	vm8 =	vgt.s32 v16, $0x7BFFF;
	vm9 =	vgt.s32 v16, $0xB9FFF  }
0x2a: {  	vm11 =	vgt.s32 v48, $0x7BFFF;
	vm12 =	vgt.s32 v48, $0xB9FFF;
	vm13 =	vgt.s32 v52, $0x3DFFF  }
0x2b: {  	vm14 =	vgt.s32 v52, $0x7BFFF;
	vm15 =	vgt.s32 v52, $0xB9FFF;
	vm4 =	vgt.s32 v56, $0x3DFFF  }
0x2c: {  	v59 =	vld [tilespmem:$0xD0];
	vm5 =	vgt.s32 v56, $0x7BFFF;
	v3 =	vadd.s32 v6, v3;
	v4 =	vadd.s32 v27, v4  }
0x2d: {  	v20 =	vld [tilespmem:$0xE0];
	v7 =	vadd.s32 v38, v36;
	v50 =	vsel vm6, $0x1, v0;
	v51 =	vsel vm7, $0x1, v0  }
0x2e: {  	v53 =	vsel vm8, $0x1, v0;
	v54 =	vsel vm9, $0x1, v0;
	v18 =	vsel vm11, $0x1, v0  }
0x2f: {  	v57 =	vsel vm12, $0x1, v0;
	v58 =	vsel vm13, $0x1, v0;
	v60 =	vsel vm14, $0x1, v0  }
0x30: {  	v61 =	vsel vm15, $0x1, v0;
	v19 =	vsel vm4, $0x1, v0;
	v62 =	vsel vm5, $0x1, v0  }
0x31: {  	vm6 =	vgt.s32 v56, $0xB9FFF;
	vm7 =	vgt.s32 v59, $0x3DFFF;
	vm8 =	vgt.s32 v59, $0x7BFFF  }
0x32: {  	vm9 =	vgt.s32 v59, $0xB9FFF;
	vm11 =	vgt.s32 v20, $0x7BFFF;
	vm12 =	vgt.s32 v20, $0xB9FFF  }
0x33: {  	v3 =	vmul.u32 $0xFFFC2000, v3;
	v4 =	vmul.u32 $0xFFFC2000, v4;
	v7 =	vadd.s32 v39, v7  }
0x34: {  	v63 =	vsel vm6, $0x1, v0;
	v22 =	vsel vm7, $0x1, v0;
	v23 =	vsel vm8, $0x1, v0  }
0x35: {  	v25 =	vsel vm9, $0x1, v0;
	v7 =	vmul.u32 $0xFFFC2000, v7;
	v24 =	vadd.s32 v23, v22  }
0x36: {  	v1 =	vadd.s32 v1, v3;
	v3 =	vsel vm10, $0x1, v0;
	v2 =	vadd.s32 v2, v4  }
0x37: {  	v4 =	vadd.s32 v8, v32;
	v8 =	vadd.s32 v12, v34;
	vm10 =	vgt.s32 v10, $0x3DFFF  }
0x38: {  	v38 =	vld [tilespmem:$0x120];
	v27 =	vadd.s32 v25, v24;
	v32 =	vsel vm12, $0x1, v0;
	v3 =	vadd.s32 v30, v3  }
0x39: {  	v4 =	vadd.s32 v33, v4;
	v13 =	vsel vm10, $0x1, v0;
	v7 =	vadd.s32 v9, v7  }
0x3a: {  	v9 =	vadd.s32 v49, v47;
	vm10 =	vgt.s32 v48, $0x3DFFF;
	v3 =	vadd.s32 v31, v3  }
0x3b: {  	v11 =	vmul.u32 $0xFFFC2000, v4;
	v12 =	vadd.s32 v40, v13;
	v13 =	vadd.s32 v42, v15  }
0x3c: {  	v22 =	vld [tilespmem:$0xF0];
	v9 =	vadd.s32 v50, v9;
	v55 =	vsel vm10, $0x1, v0;
	vm10 =	vgt.s32 v20, $0x3DFFF  }
0x3d: {  	v31 =	vsel vm11, $0x1, v0;
	vm11 =	vgt.s32 v38, $0x7BFFF;
	vm12 =	vgt.s32 v38, $0xB9FFF  }
0x3e: {  	v3 =	vmul.u32 $0xFFFC2000, v3;
	v12 =	vadd.s32 v41, v12;
	v45 =	vadd.s32 v43, v13  }
0x3f: {  	v9 =	vmul.u32 $0xFFFC2000, v9;
	v13 =	vadd.s32 v18, v55;
	v18 =	vadd.s32 v62, v19  }
0x40: {  	v34 =	vld [tilespmem:$0x110];
	v44 =	vmul.u32 $0xFFFC2000, v12;
	v46 =	vmul.u32 $0xFFFC2000, v45;
	v13 =	vadd.s32 v57, v13  }
0x41: {  	vm13 =	vgt.s32 v22, $0x3DFFF;
	vm14 =	vgt.s32 v22, $0x7BFFF;
	vm15 =	vgt.s32 v22, $0xB9FFF  }
0x42: {  	v30 =	vld [tilespmem:$0x100];
	v45 =	vsel vm12, $0x1, v0;
	v4 =	vadd.s32 v5, v3;
	v3 =	vadd.s32 v28, v11  }
0x43: {  	v5 =	vadd.s32 v35, v8;
	v13 =	vmul.u32 $0xFFFC2000, v13;
	v28 =	vmul.u32 $0xFFFC2000, v27  }
0x44: {  	v49 =	vld [tilespmem:$0x150];
	v33 =	vsel vm13, $0x1, v0;
	v35 =	vsel vm14, $0x1, v0;
	v36 =	vsel vm15, $0x1, v0  }
0x45: {  	vm7 =	vgt.s32 v34, $0x3DFFF;
	vm8 =	vgt.s32 v34, $0x7BFFF;
	vm9 =	vgt.s32 v34, $0xB9FFF  }
0x46: {  	v5 =	vmul.u32 $0xFFFC2000, v5;
	v6 =	vadd.s32 v10, v44;
	v10 =	vadd.s32 v53, v51  }
0x47: {  	vm4 =	vgt.s32 v30, $0x3DFFF;
	vm5 =	vgt.s32 v30, $0x7BFFF;
	vm6 =	vgt.s32 v30, $0xB9FFF  }
0x48: {  	v40 =	vsel vm7, $0x1, v0;
	v42 =	vsel vm8, $0x1, v0;
	v43 =	vsel vm9, $0x1, v0  }
0x49: {  	v41 =	vld [tilespmem:$0x130];
	v44 =	vsel vm11, $0x1, v0;
	vm7 =	vgt.s32 v49, $0x3DFFF;
	vm8 =	vgt.s32 v49, $0x7BFFF  }
0x4a: {  	vm9 =	vgt.s32 v49, $0xB9FFF;
	v10 =	vadd.s32 v54, v10;
	v11 =	vadd.s32 v59, v28  }
0x4b: {  	v24 =	vsel vm5, $0x1, v0;
	v39 =	vsel vm6, $0x1, v0;
	v57 =	vsel vm7, $0x1, v0  }
0x4c: {  	v59 =	vsel vm8, $0x1, v0;
	v8 =	vadd.s32 v29, v5;
	v5 =	vadd.s32 v37, v46  }
0x4d: {  	v17 =	vmul.u32 $0xFFFC2000, v10;
	v10 =	vadd.s32 v14, v9;
	v29 =	vsel vm10, $0x1, v0  }
0x4e: {  	v37 =	vsel vm4, $0x1, v0;
	vm10 =	vgt.s32 v38, $0x3DFFF;
	vm13 =	vgt.s32 v41, $0x3DFFF  }
0x4f: {  	vm14 =	vgt.s32 v41, $0x7BFFF;
	vm15 =	vgt.s32 v41, $0xB9FFF;
	v15 =	vadd.s32 v31, v29  }
0x50: {  	v19 =	vadd.s32 v24, v37;
	v25 =	vsel vm10, $0x1, v0;
	v27 =	vsel vm13, $0x1, v0  }
0x51: {  	v54 =	vld [tilespmem:$0x160];
	v46 =	vsel vm14, $0x1, v0;
	v9 =	vadd.s32 v16, v17;
	v16 =	vadd.s32 v60, v58  }
0x52: {  	v15 =	vadd.s32 v32, v15;
	v19 =	vadd.s32 v39, v19;
	v24 =	vadd.s32 v44, v25  }
0x53: {  	v47 =	vadd.s32 v46, v27;
	v60 =	vsel vm9, $0x1, v0;
	v14 =	vadd.s32 v61, v16  }
0x54: {  	v16 =	vadd.s32 v63, v18;
	v15 =	vmul.u32 $0xFFFC2000, v15;
	v19 =	vmul.u32 $0xFFFC2000, v19  }
0x55: {  	v21 =	vmul.u32 $0xFFFC2000, v14;
	v14 =	vadd.s32 v48, v13;
	v26 =	vmul.u32 $0xFFFC2000, v16  }
0x56: {  	v58 =	vld [tilespmem:$0x170];
	v16 =	vadd.s32 v35, v33;
	v48 =	vsel vm15, $0x1, v0;
	vm10 =	vgt.s32 v54, $0x3DFFF  }
0x57: {  	vm11 =	vgt.s32 v54, $0x7BFFF;
	vm12 =	vgt.s32 v54, $0xB9FFF;
	v16 =	vadd.s32 v36, v16  }
0x58: {  	v18 =	vadd.s32 v30, v19;
	v51 =	vadd.s32 v48, v47;
	v61 =	vsel vm10, $0x1, v0  }
0x59: {  	v29 =	vsel vm11, $0x1, v0;
	v62 =	vsel vm12, $0x1, v0;
	v13 =	vadd.s32 v52, v21  }
0x5a: {  	v12 =	vadd.s32 v56, v26;
	v23 =	vmul.u32 $0xFFFC2000, v16;
	v16 =	vadd.s32 v20, v15  }
0x5b: {  	v52 =	vmul.u32 $0xFFFC2000, v51;
	v25 =	vadd.s32 v29, v61;
	vm13 =	vgt.s32 v58, $0x3DFFF  }
0x5c: {  	[tilespmem:$0x0] =	vst v1;
	v30 =	vld [tilespmem:$0x190];
	vm14 =	vgt.s32 v58, $0x7BFFF;
	vm15 =	vgt.s32 v58, $0xB9FFF;
	v1 =	vadd.s32 v62, v25  }
0x5d: {  	v26 =	vld [tilespmem:$0x140];
	v15 =	vadd.s32 v22, v23;
	v22 =	vadd.s32 v42, v40;
	v23 =	vadd.s32 v59, v57  }
0x5e: {  	v63 =	vsel vm13, $0x1, v0;
	v33 =	vsel vm14, $0x1, v0;
	v1 =	vmul.u32 $0xFFFC2000, v1  }
0x5f: {  	v48 =	vld [tilespmem:$0x1D0];
	v20 =	vadd.s32 v43, v22;
	v22 =	vadd.s32 v45, v24;
	v23 =	vadd.s32 v60, v23  }
0x60: {  	v35 =	vadd.s32 v33, v63;
	v20 =	vmul.u32 $0xFFFC2000, v20;
	v50 =	vmul.u32 $0xFFFC2000, v22  }
0x61: {  	v23 =	vmul.u32 $0xFFFC2000, v23;
	vm7 =	vgt.s32 v30, $0x3DFFF;
	vm8 =	vgt.s32 v30, $0x7BFFF  }
0x62: {  	v28 =	vld [tilespmem:$0x180];
	vm9 =	vgt.s32 v30, $0xB9FFF;
	v1 =	vadd.s32 v54, v1;
	vm4 =	vgt.s32 v26, $0x3DFFF  }
0x63: {  	vm5 =	vgt.s32 v26, $0x7BFFF;
	vm6 =	vgt.s32 v26, $0xB9FFF;
	v39 =	vsel vm7, $0x1, v0  }
0x64: {  	v40 =	vsel vm8, $0x1, v0;
	vm7 =	vgt.s32 v48, $0x3DFFF;
	vm8 =	vgt.s32 v48, $0x7BFFF  }
0x65: {  	v17 =	vadd.s32 v34, v20;
	v19 =	vadd.s32 v38, v50;
	v53 =	vsel vm4, $0x1, v0  }
0x66: {  	[tilespmem:$0x10] =	vst v2;
	v20 =	vadd.s32 v41, v52;
	v55 =	vsel vm5, $0x1, v0;
	v56 =	vsel vm6, $0x1, v0  }
0x67: {  	[tilespmem:$0x50] =	vst v7;
	v42 =	vld [tilespmem:$0x1B0];
	v23 =	vadd.s32 v49, v23;
	v34 =	vsel vm15, $0x1, v0;
	vm4 =	vgt.s32 v28, $0x3DFFF  }
0x68: {  	[tilespmem:$0x20] =	vst v4;
	v44 =	vld [tilespmem:$0x1C0];
	vm5 =	vgt.s32 v28, $0x7BFFF;
	vm6 =	vgt.s32 v28, $0xB9FFF;
	v4 =	vadd.s32 v40, v39  }
0x69: {  	[tilespmem:$0x30] =	vst v3;
	v41 =	vsel vm9, $0x1, v0;
	v57 =	vsel vm8, $0x1, v0;
	vm9 =	vgt.s32 v48, $0xB9FFF  }
0x6a: {  	[tilespmem:$0x60] =	vst v6;
	v21 =	vadd.s32 v55, v53;
	v2 =	vsel vm4, $0x1, v0;
	v36 =	vsel vm5, $0x1, v0  }
0x6b: {  	[tilespmem:$0xD0] =	vst v11;
	v3 =	vadd.s32 v34, v35;
	v37 =	vsel vm6, $0x1, v0;
	v4 =	vadd.s32 v41, v4  }
0x6c: {  	[tilespmem:$0x40] =	vst v8;
	vm13 =	vgt.s32 v42, $0x3DFFF;
	vm14 =	vgt.s32 v42, $0x7BFFF;
	vm15 =	vgt.s32 v42, $0xB9FFF  }
0x6d: {  	[tilespmem:$0x70] =	vst v5;
	vm4 =	vgt.s32 v44, $0x3DFFF;
	vm5 =	vgt.s32 v44, $0x7BFFF;
	vm6 =	vgt.s32 v44, $0xB9FFF  }
0x6e: {  	[tilespmem:$0x80] =	vst v10;
	v55 =	vsel vm7, $0x1, v0;
	v21 =	vadd.s32 v56, v21;
	v2 =	vadd.s32 v36, v2  }
0x6f: {  	[tilespmem:$0x90] =	vst v9;
	v3 =	vmul.u32 $0xFFFC2000, v3;
	v4 =	vmul.u32 $0xFFFC2000, v4;
	v47 =	vsel vm13, $0x1, v0  }
0x70: {  	[tilespmem:$0xA0] =	vst v14;
	v38 =	vld [tilespmem:$0x1A0];
	v49 =	vsel vm14, $0x1, v0;
	v50 =	vsel vm15, $0x1, v0;
	v51 =	vsel vm4, $0x1, v0  }
0x71: {  	[tilespmem:$0x160] =	vst v1;
	v53 =	vsel vm5, $0x1, v0;
	v54 =	vsel vm6, $0x1, v0;
	v1 =	vadd.s32 v57, v55  }
0x72: {  	[tilespmem:$0x100] =	vst v18;
	v21 =	vmul.u32 $0xFFFC2000, v21;
	v2 =	vadd.s32 v37, v2;
	v8 =	vadd.s32 v49, v47  }
0x73: {  	[tilespmem:$0xB0] =	vst v13;
	v10 =	vadd.s32 v53, v51;
	v2 =	vmul.u32 $0xFFFC2000, v2;
	v3 =	vadd.s32 v58, v3  }
0x74: {  	[tilespmem:$0xC0] =	vst v12;
	v52 =	vld [tilespmem:$0x1E0];
	v4 =	vadd.s32 v30, v4;
	v8 =	vadd.s32 v50, v8;
	v10 =	vadd.s32 v54, v10  }
0x75: {  	[tilespmem:$0xE0] =	vst v16;
	v58 =	vsel vm9, $0x1, v0;
	v21 =	vadd.s32 v26, v21;
	vm10 =	vgt.s32 v38, $0x3DFFF  }
0x76: {  	[tilespmem:$0xF0] =	vst v15;
	vm11 =	vgt.s32 v38, $0x7BFFF;
	vm12 =	vgt.s32 v38, $0xB9FFF;
	v8 =	vmul.u32 $0xFFFC2000, v8  }
0x77: {  	[tilespmem:$0x110] =	vst v17;
	v56 =	vld [tilespmem:$0x1F0];
	v10 =	vmul.u32 $0xFFFC2000, v10;
	v1 =	vadd.s32 v58, v1;
	v2 =	vadd.s32 v28, v2  }
0x78: {  	[tilespmem:$0x120] =	vst v19;
	v43 =	vsel vm10, $0x1, v0;
	v45 =	vsel vm11, $0x1, v0;
	v46 =	vsel vm12, $0x1, v0  }
0x79: {  	[tilespmem:$0x130] =	vst v20;
	vm10 =	vgt.s32 v52, $0x3DFFF;
	vm11 =	vgt.s32 v52, $0x7BFFF;
	vm12 =	vgt.s32 v52, $0xB9FFF  }
0x7a: {  	[tilespmem:$0x150] =	vst v23;
	v1 =	vmul.u32 $0xFFFC2000, v1;
	v5 =	vadd.s32 v45, v43;
	v7 =	vadd.s32 v42, v8  }
0x7b: {  	[tilespmem:$0x170] =	vst v3;
	v59 =	vsel vm10, $0x1, v0;
	v60 =	vsel vm11, $0x1, v0;
	v3 =	vsel vm12, $0x1, v0  }
0x7c: {  	[tilespmem:$0x190] =	vst v4;
	vm13 =	vgt.s32 v56, $0x3DFFF;
	vm14 =	vgt.s32 v56, $0x7BFFF;
	vm15 =	vgt.s32 v56, $0xB9FFF  }
0x7d: {  	[tilespmem:$0x180] =	vst v2;
	v63 =	vadd.s32 v44, v10;
	v5 =	vadd.s32 v46, v5;
	v2 =	vadd.s32 v60, v59  }
0x7e: {  	[tilespmem:$0x140] =	vst v21;
	v61 =	vsel vm13, $0x1, v0;
	v2 =	vadd.s32 v3, v2;
	v3 =	vsel vm14, $0x1, v0  }
0x7f: {  	v62 =	vsel vm15, $0x1, v0;
	[tilespmem:$0x1B0] =	vst v7;
	v5 =	vmul.u32 $0xFFFC2000, v5;
	v3 =	vadd.s32 v3, v61  }
0x80: {  	[tilespmem:$0x1C0] =	vst v63;
	v1 =	vadd.s32 v48, v1;
	v2 =	vmul.u32 $0xFFFC2000, v2;
	v3 =	vadd.s32 v62, v3  }
0x81: {  	[tilespmem:$0x1D0] =	vst v1;
	v5 =	vadd.s32 v38, v5;
	v3 =	vmul.u32 $0xFFFC2000, v3  }
0x82: {  	[tilespmem:$0x1A0] =	vst v5;
	v1 =	vadd.s32 v52, v2  }
0x83: {  	[tilespmem:$0x1E0] =	vst v1;
	v1 =	vadd.s32 v56, v3  }
0x84: {  	[tilespmem:$0x1F0] =	vst v1  }
0x85: {  	[tilespmem:s12], [sflag:$0x1] =	stream.indirect.gather [hbm4b:s3+s11], $0x80, s2, s11, $0xb8;
	[tilespmem:$0x10200] =	vst v63  }
0x86: {  	_ = 	snop  }
0x87: {  	[tilespmem:s13], [sflag:$0x1] =	stream.indirect.gather [hbm4b:s3+s11], $0x80, s11, s11, $0xb8;
	[tilespmem:$0x10200] =	vst v63  }
0x88: {  	_ = 	snop  }
0x89: {  	[tilespmem:s15], [sflag:$0x1] =	stream.indirect.gather [hbm4b:s3+s11], $0x80, s14, s11, $0xb8;
	[tilespmem:$0x10200] =	vst v63  }
0x8a: {  	_ = 	snop  }
0x8b: {  	[tilespmem:s17], [sflag:$0x1] =	stream.indirect.gather [hbm4b:s3+s11], $0x80, s16, s11, $0xb8;
	[tilespmem:$0x10200] =	vst v63  }
0x8c: {  	_ =	swait.ge [sflag:s18], $0x4000  }
0x8d: {  	[sflag:s18] =	ssyncset.done $0x0  }
0x8e: {  	[sflag:s18] =	ssyncadd.s32 $0xFFFFC000  }
0x8f: {  	[hbm4b:s4+s2] =	stream.linear.scatter [tilespmem:s12], [sflag:$0x2], $0x4000, $0x38;
	[tilespmem:$0x10200] =	vst v63  }
0x90: {  	_ =	swait.ge [sflag:s18], $0x4000  }
0x91: {  	[sflag:s18] =	ssyncset.done $0x0  }
0x92: {  	[sflag:s18] =	ssyncadd.s32 $0xFFFFC000  }
0x93: {  	[hbm4b:s6+s2] =	stream.linear.scatter [tilespmem:s13], [sflag:$0x2], $0x4000, $0x38;
	[tilespmem:$0x10200] =	vst v63  }
0x94: {  	_ =	swait.ge [sflag:s18], $0x4000  }
0x95: {  	[sflag:s18] =	ssyncset.done $0x0  }
0x96: {  	[sflag:s18] =	ssyncadd.s32 $0xFFFFC000  }
0x97: {  	[hbm4b:s7+s2] =	stream.linear.scatter [tilespmem:s15], [sflag:$0x2], $0x4000, $0x38;
	[tilespmem:$0x10200] =	vst v63  }
0x98: {  	_ =	swait.ge [sflag:s18], $0x4000  }
0x99: {  	[sflag:s18] =	ssyncset.done $0x0  }
0x9a: {  	[sflag:s18] =	ssyncadd.s32 $0xFFFFC000  }
0x9b: {  	[hbm4b:s8+s2] =	stream.linear.scatter [tilespmem:s17], [sflag:$0x2], $0x4000, $0x38;
	[tilespmem:$0x10200] =	vst v63  }
0x9c: {  	_ =	swait.ge [sflag:s19], $0x4000  }
0x9d: {  	[sflag:s19] =	ssyncset.done $0x0  }
0x9e: {  	[sflag:s19] =	ssyncadd.s32 $0xFFFFC000  }
0x9f: {  	_ =	swait.ge [sflag:s19], $0x4000  }
0xa0: {  	[sflag:s19] =	ssyncset.done $0x0  }
0xa1: {  	[sflag:s19] =	ssyncadd.s32 $0xFFFFC000  }
0xa2: {  	p0 =	sne.s32 s9, $0x1;
	_ =	swait.ge [sflag:s19], $0x4000  }
.Ltmp0:
0xa3: {  	[sflag:s19] =	ssyncset.done $0x0;
	(pc) =	sbr.rel @p0 .LBB2_1-.Ltmp0, $4  }
0xa4: {  	[sflag:s19] =	ssyncadd.s32 $0xFFFFC000  }
0xa5: {  	_ =	swait.ge [sflag:s19], $0x4000  }
0xa6: {  	[sflag:s19] =	ssyncset.done $0x0  }
0xa7: {  	s9 =	sadd.s32 $0xFFFFFFFF, s9;
	[sflag:s19] =	ssyncadd.s32 $0xFFFFC000  }
0xa8: {  	_ =	sfence.sel $0x180000  }
0xa9: {  	[bflag:$0x0] =	sbarrier.arrive $0xFFFF  }
0xaa: {  	p0 =	sne.s32 s1, $0x0;
	_ =	strace $0x90000047  }
0xab: {  	s0 =	sadd.s32 @!p0 $0x100000, s0;
	[bflag:$0x2] =	sbarrier.arrive $0xFFFF  }
0xac: {  	[sflag:s0] =	ssyncadd.tile.s32 @!p0 $0x1;
	_ =	shalt  }
.Lfunc_end2:
_tile_overlayer_lowered:
.L_overlay_start_2:
0xad: {  	(tag) =	ssettag $0x2  }
0xae: {  	s0 =	rddreg [dreg:$0x0];
	s2 =	stileid.u32  }
0xaf: {  	s1 =	rddreg [dreg:$0x1];
	p0 =	sne.s32 s2, $0x0  }
0xb0: {  	s3 =	rddreg [dreg:$0x2];
	[bflag:$0x3] =	sbarrier.arrive $0xFFFF;
	s2 =	simm.s32 @!p0 $0x1C03  }
0xb1: {  	[timem:s3], [sflag:s2] =	dma.local @!p0 [hbm:s0], s1  }
0xb2: {  	s0 =	simm.s32 @!p0 $0x3  }
0xb3: {  	_ =	swait.ge @!p0 [sflag:s0], s1  }
0xb4: {  	s1 =	ssub.s32 @!p0 $0x0, s1;
	[sflag:s0] =	ssyncset.done @!p0 $0x0  }
0xb5: {  	[sflag:s0] =	ssyncadd.s32 @!p0 s1  }
0xb6: {  	[bflag:$0x3] =	sbarrier.arrive $0xFFFF  }
0xb7: {  	_ =	shalt  }

// kernel: kernel.7.cloned.1.call-start
scs
__scs_entry_jumppad:
0x0: {  	(pc) =	sbr.rel $0x88, $3  }
0x1: {  	(tag) =	ssettag $0x0;
	lr =	simm.s32 $0x1  }
0x2: {  	[smem:$0x3F93] =	sst lr;
	_ =	strace $0xD0000000  }
0x3: {  	_ = 	snop  }
0x4: {  	_ = 	snop  }
0x5: {  	_ = 	snop  }
0x6: {  	_ = 	snop  }
0x7: {  	_ = 	snop  }
__scs_overlays_trampoline_lowered:
0x8: {  	[smem:$0x3FA2] =	sst s0  }
0x9: {  	[smem:$0x3FA3] =	sst s1  }
0xa: {  	[smem:$0x3FA4] =	sst s2  }
0xb: {  	[smem:$0x3FA5] =	sst s3  }
0xc: {  	[smem:$0x3FA6] =	sst s4  }
0xd: {  	[smem:$0x3FA7] =	sst s5  }
0xe: {  	[smem:$0x3FA8] =	sst s6  }
0xf: {  	[smem:$0x3FA9] =	sst s7  }
0x10: {  	[smem:$0x3FAA] =	sst s8  }
0x11: {  	[smem:$0x3FAB] =	sst s9;
	s0 =	simm.s32 @!p0 $0x0  }
0x12: {  	s1 =	sld [smem:$0x3F91];
	s0 =	simm.s32 @p0 $0x1  }
0x13: {  	[smem:$0x3FAC] =	sst s0;
	s0 =	simm.s32 @!p1 $0x0  }
0x14: {  	s2 =	sld [smem:$0x3F90];
	s0 =	simm.s32 @p1 $0x1  }
0x15: {  	[smem:$0x3FAD] =	sst s0;
	s0 =	simm.s32 @!p2 $0x0  }
0x16: {  	s3 =	sld [smem:$0x3FDB];
	s0 =	simm.s32 @p2 $0x1  }
0x17: {  	s4 =	simm.s32 $0x1BF5;
	[smem:$0x3FAF] =	sst s0  }
0x18: {  	s0 =	sld [smem:$0x3F92];
	_ =	swait.ge [sflag:s4], $0x0  }
0x19: {  	s7 =	sld [smem:$0x3F93]  }
0x1a: {  	s8 =	sadd.s32 $0xFFFFE003, lr  }
0x1b: {  	s9 =	sadd.s32 $0xFFFFFEF7, lr;
	s5 =	simm.s32 $0xFFFFFFFF;
	p2 =	slt.u32 s8, $0xFFFFF086  }
0x1c: {  	p1 =	slt.u32 s9, $0xF7A;
	s5 =	simm.s32 @!p2 $0x0  }
0x1d: {  	s5 =	simm.s32 @p1 $0x1;
	p0 =	seq.s32 s7, s2  }
0x1e: {  	s7 =	smul.u32 @!p0 $0xF7A, s2;
	p2 =	seq.s32 @!p0 s5, $0x0  }
0x1f: {  	s9 =	smul.u32 $0xF7A, s1;
	s8 =	simm.s32 @!p0 $0x1BF5;
	p2 =	por !p2, p0  }
0x20: {  	[sflag:s8] =	ssyncset.s32 @!p0 $0xFFFFF086;
	s6 =	sadd.s32 @!p0 s3, s7;
	s7 =	simm.s32 @!p0 $0x108  }
0x21: {  	s3 =	sadd.s32 s3, s9;
	s6 =	sadd.s32 @!p0 $0x88, s6;
	s7 =	simm.s32 @p2 $0x1082  }
0x22: {  	[simem:s7], [sflag:s8] =	dma.local @!p0 [hbm:s6], $0xF7A  }
0x23: {  	s9 =	sor.u32 $0xD0000000, s2;
	s6 =	simm.s32 $0x108;
	_ =	swait.ge @!p0 [sflag:s8], $0x0  }
0x24: {  	s3 =	sadd.s32 $0x88, s3;
	s6 =	simm.s32 @!p1 $0x1082;
	[sflag:s4] =	ssyncset.s32 $0xFFFFF086  }
0x25: {  	[simem:s6], [sflag:s4] =	dma.local [hbm:s3], $0xF7A  }
0x26: {  	[smem:$0x3F93] =	sst s1;
	(tag) =	ssettag s2;
	_ =	strace s9  }
0x27: {  	s1 =	sld [smem:$0x3FA3]  }
0x28: {  	s2 =	sld [smem:$0x3FA4]  }
0x29: {  	s4 =	sld [smem:$0x3FA6]  }
0x2a: {  	p0 =	seq.s32 s5, $0x0;
	s5 =	sld [smem:$0x3FA7]  }
0x2b: {  	s6 =	sld [smem:$0x3FA8]  }
0x2c: {  	s7 =	sld [smem:$0x3FA9]  }
0x2d: {  	s3 =	simm.s32 $0x108;
	s8 =	sld [smem:$0x3FAA]  }
0x2e: {  	s3 =	simm.s32 @!p0 $0x1082;
	s9 =	sld [smem:$0x3FAB]  }
0x2f: {  	lr =	sadd.s32 s0, s3;
	s0 =	sld [smem:$0x3FA2]  }
0x30: {  	s3 =	sld [smem:$0x3FA5]  }
0x31: {  	[smem:$0x3FAE] =	sst s10  }
0x32: {  	s10 =	sld [smem:$0x3FAC];
	_ =	sdelay $0x3  }
0x33: {  	p0 =	seq.s32 s10, $0x1;
	s10 =	sld [smem:$0x3FAE];
	_ =	sdelay $0x3  }
0x34: {  	[smem:$0x3FAE] =	sst s10  }
0x35: {  	s10 =	sld [smem:$0x3FAD];
	_ =	sdelay $0x3  }
0x36: {  	p1 =	seq.s32 s10, $0x1;
	s10 =	sld [smem:$0x3FAE];
	_ =	sdelay $0x3  }
0x37: {  	[smem:$0x3FAE] =	sst s10  }
0x38: {  	s10 =	sld [smem:$0x3FAF]  }
0x39: {  	_ = 	snop;
	(pc) =	sbr.ind lr, $3  }
0x3a: {  	_ = 	snop  }
0x3b: {  	_ = 	snop  }
0x3c: {  	p2 =	seq.s32 s10, $0x1;
	s10 =	sld [smem:$0x3FAE]  }
0x3d: {  	_ =	shalt  }
0x3e: {  	_ =	shalt  }
0x3f: {  	_ =	shalt  }
0x40: {  	_ =	shalt  }
0x41: {  	_ =	shalt  }
0x42: {  	_ =	shalt  }
0x43: {  	_ =	shalt  }
0x44: {  	_ =	shalt  }
0x45: {  	_ =	shalt  }
0x46: {  	_ =	shalt  }
0x47: {  	_ =	shalt  }
0x48: {  	_ =	shalt  }
0x49: {  	_ =	shalt  }
0x4a: {  	_ =	shalt  }
0x4b: {  	_ =	shalt  }
0x4c: {  	_ =	shalt  }
0x4d: {  	_ =	shalt  }
0x4e: {  	_ =	shalt  }
0x4f: {  	_ =	shalt  }
0x50: {  	_ =	shalt  }
0x51: {  	_ =	shalt  }
0x52: {  	_ =	shalt  }
0x53: {  	_ =	shalt  }
0x54: {  	_ =	shalt  }
0x55: {  	_ =	shalt  }
0x56: {  	_ =	shalt  }
0x57: {  	_ =	shalt  }
0x58: {  	_ =	shalt  }
0x59: {  	_ =	shalt  }
0x5a: {  	_ =	shalt  }
0x5b: {  	_ =	shalt  }
0x5c: {  	_ =	shalt  }
0x5d: {  	_ =	shalt  }
0x5e: {  	_ =	shalt  }
0x5f: {  	_ =	shalt  }
0x60: {  	_ =	shalt  }
0x61: {  	_ =	shalt  }
0x62: {  	_ =	shalt  }
0x63: {  	_ =	shalt  }
0x64: {  	_ =	shalt  }
0x65: {  	_ =	shalt  }
0x66: {  	_ =	shalt  }
0x67: {  	_ =	shalt  }
0x68: {  	_ =	shalt  }
0x69: {  	_ =	shalt  }
0x6a: {  	_ =	shalt  }
0x6b: {  	_ =	shalt  }
0x6c: {  	_ =	shalt  }
0x6d: {  	_ =	shalt  }
0x6e: {  	_ =	shalt  }
0x6f: {  	_ =	shalt  }
0x70: {  	_ =	shalt  }
0x71: {  	_ =	shalt  }
0x72: {  	_ =	shalt  }
0x73: {  	_ =	shalt  }
0x74: {  	_ =	shalt  }
0x75: {  	_ =	shalt  }
0x76: {  	_ =	shalt  }
0x77: {  	_ =	shalt  }
0x78: {  	_ =	shalt  }
0x79: {  	_ =	shalt  }
0x7a: {  	_ =	shalt  }
0x7b: {  	_ =	shalt  }
0x7c: {  	_ =	shalt  }
0x7d: {  	_ =	shalt  }
0x7e: {  	_ =	shalt  }
0x7f: {  	_ =	shalt  }
0x80: {  	_ =	shalt  }
0x81: {  	_ =	shalt  }
0x82: {  	_ =	shalt  }
0x83: {  	_ =	shalt  }
0x84: {  	_ =	shalt  }
0x85: {  	_ =	shalt  }
0x86: {  	_ =	shalt  }
0x87: {  	_ =	shalt  }
.Lfunc_end0:
.L_simem_size_0:
called_computation_lowered:
.L_overlay_start_0:
0x88: {  	s2 =	sld [smem:$0x3FD9]  }
0x89: {  	s3 =	sld [smem:$0x3FFE];
	_ =	sdelay $0x1  }
0x8a: {  	s1 =	srdreg.scid  }
0x8b: {  	s0 =	sand.u32 $0x1, s1  }
0x8c: {  	s17 =	sshll.u32 s0, $0xA;
	s2 =	sadd.s32 s3, s2  }
0x8d: {  	s2 =	sadd.s32 s2, s17  }
0x8e: {  	[smem:$0x3FBA] =	sst s2  }
0x8f: {  	_ = 	snop  }
0x90: {  	s18 =	sld [smem:$0x3FC8];
	(tm) =	ssettm $0x1  }
0x91: {  	s19 =	sld [smem:$0x3FFB];
	_ =	sdelay $0x3  }
0x92: {  	_ =	strace s19  }
0x93: {  	s2 =	sld [smem:$0x3FFC];
	_ =	sdelay $0x3  }
0x94: {  	_ =	strace s2  }
0x95: {  	s2 =	sld [smem:$0x3FFD];
	_ =	sdelay $0x3  }
0x96: {  	_ =	strace s2  }
0x97: {  	_ =	strace $0x8FFFFFFF  }
0x98: {  	s20 =	sld [smem:$0x3FDB];
	_ =	sdelay $0x1  }
0x99: {  	s4 =	simm.s32 $_scs_section_size  }
0x9a: {  	s5 =	simm.s32 $_size__tile_overlayer_lowered;
	s6 =	simm.s32 $_tile_overlayer_lowered  }
0x9b: {  	s7 =	simm.s32 $0x1BFF;
	s21 =	sshll.u32 s6, $0x1;
	s4 =	sadd.s32 s4, s20  }
0x9c: {  	s22 =	simm.s32 $0x0;
	s5 =	sshll.u32 s5, $0x1;
	s6 =	sadd.s32 s21, s4  }
0x9d: {  	[timem:s22], [sflag:s7] =	dma.local [hbm:s6], s5  }
0x9e: {  	_ =	swait.ge [sflag:s7], s5  }
0x9f: {  	s5 =	ssub.s32 $0x0, s5;
	[sflag:s7] =	ssyncset.done $0x0  }
0xa0: {  	[sflag:s7] =	ssyncadd.s32 s5;
	_ =	sdelay $0x1  }
0xa1: {  	s23 =	simm.s32 $0x1B8B  }
0xa2: {  	_ =	swait.ge [sflag:s23], $0x1  }
0xa3: {  	[sflag:s23] =	ssyncset.done $0x0  }
0xa4: {  	[sflag:s23] =	ssyncadd.s32 $0xFFFFFFFF  }
0xa5: {  	s5 =	sld [smem:$0x0]  }
0xa6: {  	s6 =	sand.u32 $0xFFFFFFFE, s1  }
0xa7: {  	p0 =	sne.s32 s1, s6  }
0xa8: {  	s6 =	sshll.u32 @p0 s6, $0xE  }
0xa9: {  	s6 =	sadd.s32 @p0 $0x11B8D, s6;
	s7 =	sshll.u32 @p0 s5, $0x11  }
0xaa: {  	s6 =	sor.u32 @p0 s7, s6  }
0xab: {  	[sflag:s6] =	ssyncadd.remote.s32 @p0 $0x1;
	_ =	sdelay $0x1  }
0xac: {  	s6 =	simm.s32 @p0 $0x1B8D  }
0xad: {  	_ =	swait.eq @p0 [sflag:s6], $0x1  }
0xae: {  	[sflag:s6] =	ssyncadd.s32 @p0 $0xFFFFFFFF  }
0xaf: {  	s7 =	sshll.u32 @!p0 s1, $0xE  }
0xb0: {  	s7 =	sor.u32 @!p0 $0x4000, s7;
	s6 =	simm.s32 @!p0 $0x1B8D  }
0xb1: {  	s5 =	sshll.u32 @!p0 s5, $0x11;
	s7 =	sadd.s32 @!p0 $0x11B8D, s7;
	_ =	swait.eq @!p0 [sflag:s6], $0x1  }
0xb2: {  	s5 =	sor.u32 @!p0 s5, s7;
	[sflag:s6] =	ssyncadd.s32 @!p0 $0xFFFFFFFF  }
0xb3: {  	s25 =	simm.s32 $0x1B8E;
	s24 =	sld [smem:$0x3FFE];
	[sflag:s5] =	ssyncadd.remote.s32 @!p0 $0x1  }
0xb4: {  	s26 =	simm.s32 $execute0_lowered;
	[smem:$0x3FD2] =	sst s25  }
0xb5: {  	s6 =	sshll.u32 s26, $0x1;
	_ =	strace $0x80000049;
	[dreg:$0x1] =	wrdreg $0xFFFFFFFF  }
0xb6: {  	s28 =	simm.s32 $_size_execute0_lowered;
	s4 =	sadd.s32 s4, s6;
	[dreg:$0x0] =	wrdreg $0x0  }
0xb7: {  	s6 =	sshll.u32 s28, $0x1;
	[dreg:$0x2] =	wrdreg s4  }
0xb8: {  	[dreg:$0x3] =	wrdreg s6  }
0xb9: {  	[dreg:$0x4] =	wrdreg $0xC0  }
0xba: {  	_ =	task [dreg:s22], $0x5FFFF  }
0xbb: {  	[dreg:$0x1] =	wrdreg $0xFFFFFFFF  }
0xbc: {  	[dreg:$0x0] =	wrdreg $0x60  }
0xbd: {  	[dreg:$0x2] =	wrdreg s24  }
0xbe: {  	[dreg:$0x3] =	wrdreg s18  }
0xbf: {  	[dreg:$0x4] =	wrdreg $0x9  }
0xc0: {  	_ =	task.clear_ibuf [dreg:s22], $0x5FFFF;
	_ =	strace $0x90000049  }
0xc1: {  	s29 =	simm.s32 $0x9;
	_ =	strace $0x8000004B  }
0xc2: {  	_ =	swait.ge [sflag:s29], $0x1  }
0xc3: {  	[sflag:s29] =	ssyncadd.s32 $0xFFFFFFFF  }
0xc4: {  	_ =	strace $0x9000004B  }
0xc5: {  	_ =	sfence  }
0xc6: {  	s30 =	sld [smem:$0x0];
	_ =	sdelay $0x2  }
0xc7: {  	s31 =	sshll.u32 s1, $0xD;
	s1 =	sshrl.u32 s1, $0x2  }
0xc8: {  	s4 =	sand.u32 $0x4000, s31;
	s1 =	sadd.s32 s1, s30  }
0xc9: {  	s0 =	sor.u32 s4, s0;
	s1 =	sshll.u32 s1, $0x11  }
0xca: {  	s0 =	sor.u32 s1, s0  }
0xcb: {  	s0 =	sadd.s32 $0x8F2B, s0  }
0xcc: {  	[sflag:s0] =	ssyncadd.remote.s32 $0x1  }
0xcd: {  	_ =	sfence.sel $0xFFFF  }
0xce: {  	[dreg:$0x0] =	wrdreg $0xFFFFFFFF;
	(pc) =	sbr.abs _section_cstart, $3  }
0xcf: {  	[dreg:$0x1] =	wrdreg $0xFFFFFFFF  }
0xd0: {  	_ =	task.clear_ibuf [dreg:s22], $0x2FFFF;
	_ =	strace $0x9FFFFFFF  }
0xd1: {  	(tm) =	ssettm $0x7FFFFFFF  }
tec
execute0_lowered:
.L_overlay_start_1:
0x0: {  	(tag) =	ssettag $0x1  }
0x1: {  	s4 =	rddreg [dreg:$0x0]  }
0x2: {  	s5 =	rddreg [dreg:$0x1];
	s2 =	srdreg.scid  }
0x3: {  	s0 =	rddreg [dreg:$0x2];
	s1 =	stileid.u32  }
0x4: {  	s11 =	simm.s32 $0x80;
	s12 =	simm.s32 $0x200;
	s13 =	simm.s32 $0x4200  }
0x5: {  	s14 =	simm.s32 $0x100;
	s15 =	simm.s32 $0x8200;
	s16 =	simm.s32 $0x180  }
0x6: {  	s17 =	simm.s32 $0xC200;
	s18 =	simm.s32 $0x1;
	s3 =	sand.u32 $0x1, s2  }
0x7: {  	s2 =	simm.s32 $0x0;
	s6 =	sshll.u32 s1, $0xA;
	s7 =	sshll.u32 s3, $0x9  }
0x8: {  	s19 =	simm.s32 $0x2;
	[smem:$0x7FF] =	sst s2;
	s6 =	sor.u32 s7, s6  }
0x9: {  	s8 =	ssub.s32 $0x2, s3;
	s3 =	sadd.s32 $0x2400, s4;
	s7 =	sshll.u32 s6, $0x4  }
0xa: {  	_ =	strace $0x8000004A;
	s31 =	sshrl.u32 s8, $0x1;
	s9 =	sadd.s32 s7, s4  }
0xb: {  	s10 =	ssub.s32 s8, s31;
	s6 =	sshrl.u32 s6, $0x3;
	s4 =	sadd.s32 $0x4A2400, s9  }
0xc: {  	s5 =	sadd.s32 s5, s6;
	s6 =	sadd.s32 $0x4A2C00, s9;
	s7 =	sadd.s32 $0x4A3400, s9  }
0xd: {  	v0 =	vimm.s32 $0x0;
	s8 =	sadd.s32 $0x4A3C00, s9;
	s9 =	smax.u32 s10, $0x1;
	s10 =	simm.s32 $0x3  }
.LBB2_1:
0xe: {  	[tilespmem:s2], [sflag:$0x3] =	stream.linear.gather [hbm4b:s5+s2], $0x200, $0x38;
	[tilespmem:$0x10200] =	vst v63  }
0xf: {  	_ =	swait.ge [sflag:s10], $0x200  }
0x10: {  	[sflag:s10] =	ssyncset.done $0x0  }
0x11: {  	[sflag:s10] =	ssyncadd.s32 $0xFFFFFE00  }
0x12: {  	v1 =	vld [tilespmem:$0x0]  }
0x13: {  	v2 =	vld [tilespmem:$0x10]  }
0x14: {  	v3 =	vld [tilespmem:$0x20]  }
0x15: {  	v7 =	vld [tilespmem:$0x30]  }
0x16: {  	v8 =	vld [tilespmem:$0x40]  }
0x17: {  	vm0 =	vgt.s32 v1, $0x7FFF;
	vm1 =	vgt.s32 v1, $0xFFFF  }
0x18: {  	vm6 =	vgt.s32 v1, $0x17FFF;
	vm7 =	vgt.s32 v2, $0x7FFF;
	vm8 =	vgt.s32 v2, $0xFFFF  }
0x19: {  	vm9 =	vgt.s32 v2, $0x17FFF;
	vm10 =	vgt.s32 v3, $0x7FFF;
	vm11 =	vgt.s32 v3, $0xFFFF  }
0x1a: {  	vm12 =	vgt.s32 v3, $0x17FFF;
	vm13 =	vgt.s32 v7, $0x7FFF;
	vm14 =	vgt.s32 v7, $0xFFFF  }
0x1b: {  	vm15 =	vgt.s32 v7, $0x17FFF;
	vm4 =	vgt.s32 v8, $0x7FFF;
	vm5 =	vgt.s32 v8, $0xFFFF  }
0x1c: {  	v54 =	vld [tilespmem:$0x50];
	v4 =	vsel vm0, $0xFFFFFFFF, v0;
	v5 =	vsel vm1, $0xFFFFFFFF, v0;
	v46 =	vsel vm6, $0xFFFFFFFF, v0  }
0x1d: {  	v10 =	vld [tilespmem:$0x60];
	v47 =	vsel vm7, $0xFFFFFFFF, v0;
	v6 =	vsel vm8, $0xFFFFFFFF, v0;
	v48 =	vsel vm9, $0xFFFFFFFF, v0  }
0x1e: {  	v11 =	vld [tilespmem:$0x70];
	v49 =	vsel vm10, $0xFFFFFFFF, v0;
	v50 =	vsel vm11, $0xFFFFFFFF, v0;
	v51 =	vsel vm12, $0xFFFFFFFF, v0  }
0x1f: {  	v63 =	vld [tilespmem:$0x80];
	v53 =	vsel vm13, $0xFFFFFFFF, v0;
	v55 =	vsel vm14, $0xFFFFFFFF, v0;
	v56 =	vsel vm15, $0xFFFFFFFF, v0  }
0x20: {  	v57 =	vsel vm4, $0xFFFFFFFF, v0;
	v9 =	vsel vm5, $0xFFFFFFFF, v0;
	vm6 =	vgt.s32 v8, $0x17FFF  }
0x21: {  	vm7 =	vgt.s32 v54, $0x7FFF;
	vm8 =	vgt.s32 v54, $0xFFFF;
	vm9 =	vgt.s32 v54, $0x17FFF  }
0x22: {  	vm10 =	vgt.s32 v10, $0x7FFF;
	vm11 =	vgt.s32 v10, $0xFFFF;
	vm12 =	vgt.s32 v10, $0x17FFF  }
0x23: {  	vm13 =	vgt.s32 v11, $0x7FFF;
	vm14 =	vgt.s32 v11, $0xFFFF;
	vm15 =	vgt.s32 v11, $0x17FFF  }
0x24: {  	v13 =	vld [tilespmem:$0x90];
	vm4 =	vgt.s32 v63, $0x7FFF;
	vm5 =	vgt.s32 v63, $0xFFFF;
	v4 =	vadd.s32 v5, v4  }
0x25: {  	v14 =	vld [tilespmem:$0xA0];
	v5 =	vadd.s32 v6, v47;
	v58 =	vsel vm6, $0xFFFFFFFF, v0;
	v59 =	vsel vm7, $0xFFFFFFFF, v0  }
0x26: {  	v24 =	vld [tilespmem:$0xB0];
	v60 =	vsel vm8, $0xFFFFFFFF, v0;
	v61 =	vsel vm9, $0xFFFFFFFF, v0;
	v62 =	vsel vm10, $0xFFFFFFFF, v0  }
0x27: {  	v16 =	vsel vm11, $0xFFFFFFFF, v0;
	v17 =	vsel vm12, $0xFFFFFFFF, v0;
	v18 =	vsel vm13, $0xFFFFFFFF, v0  }
0x28: {  	v12 =	vsel vm14, $0xFFFFFFFF, v0;
	v19 =	vsel vm15, $0xFFFFFFFF, v0;
	v20 =	vsel vm4, $0xFFFFFFFF, v0  }
0x29: {  	v21 =	vsel vm5, $0xFFFFFFFF, v0;
	vm6 =	vgt.s32 v63, $0x17FFF;
	vm7 =	vgt.s32 v13, $0x7FFF  }
0x2a: {  	vm8 =	vgt.s32 v13, $0xFFFF;
	vm9 =	vgt.s32 v13, $0x17FFF;
	vm10 =	vgt.s32 v14, $0x7FFF  }
0x2b: {  	v33 =	vld [tilespmem:$0xE0];
	vm11 =	vgt.s32 v14, $0xFFFF;
	vm12 =	vgt.s32 v14, $0x17FFF;
	vm13 =	vgt.s32 v24, $0x7FFF  }
0x2c: {  	vm14 =	vgt.s32 v24, $0xFFFF;
	vm15 =	vgt.s32 v24, $0x17FFF;
	v4 =	vadd.s32 v46, v4  }
0x2d: {  	v22 =	vsel vm6, $0xFFFFFFFF, v0;
	v23 =	vsel vm7, $0xFFFFFFFF, v0;
	v25 =	vsel vm8, $0xFFFFFFFF, v0  }
0x2e: {  	v26 =	vsel vm9, $0xFFFFFFFF, v0;
	v27 =	vsel vm10, $0xFFFFFFFF, v0;
	v15 =	vsel vm11, $0xFFFFFFFF, v0  }
0x2f: {  	v28 =	vsel vm12, $0xFFFFFFFF, v0;
	v29 =	vsel vm13, $0xFFFFFFFF, v0;
	v30 =	vsel vm14, $0xFFFFFFFF, v0  }
0x30: {  	v31 =	vsel vm15, $0xFFFFFFFF, v0;
	vm10 =	vgt.s32 v33, $0x7FFF;
	vm11 =	vgt.s32 v33, $0xFFFF  }
0x31: {  	vm12 =	vgt.s32 v33, $0x17FFF;
	v4 =	vshll.u32 v4, $0xF;
	v38 =	vsel vm10, $0xFFFFFFFF, v0  }
0x32: {  	v1 =	vadd.s32 v1, v4;
	v4 =	vadd.s32 v48, v5;
	v5 =	vadd.s32 v50, v49  }
0x33: {  	v4 =	vshll.u32 v4, $0xF;
	v52 =	vadd.s32 v51, v5;
	v5 =	vadd.s32 v9, v57  }
0x34: {  	v2 =	vadd.s32 v2, v4;
	v4 =	vshll.u32 v52, $0xF;
	v5 =	vadd.s32 v58, v5  }
0x35: {  	v3 =	vadd.s32 v3, v4;
	v4 =	vadd.s32 v55, v53;
	v5 =	vshll.u32 v5, $0xF  }
0x36: {  	v4 =	vadd.s32 v56, v4;
	v5 =	vadd.s32 v8, v5;
	v8 =	vadd.s32 v12, v18  }
0x37: {  	v39 =	vsel vm11, $0xFFFFFFFF, v0;
	v4 =	vshll.u32 v4, $0xF;
	v8 =	vadd.s32 v19, v8;
	v19 =	vld [tilespmem:$0xF0]  }
0x38: {  	v4 =	vadd.s32 v7, v4;
	v7 =	vadd.s32 v60, v59;
	v8 =	vshll.u32 v8, $0xF  }
0x39: {  	v7 =	vadd.s32 v61, v7;
	v8 =	vadd.s32 v11, v8;
	v11 =	vadd.s32 v15, v27  }
0x3a: {  	v40 =	vsel vm12, $0xFFFFFFFF, v0;
	v7 =	vshll.u32 v7, $0xF;
	v11 =	vadd.s32 v28, v11  }
0x3b: {  	v6 =	vadd.s32 v54, v7;
	v7 =	vadd.s32 v16, v62;
	v16 =	vld [tilespmem:$0xC0];
	v11 =	vshll.u32 v11, $0xF  }
0x3c: {  	v7 =	vadd.s32 v17, v7;
	v11 =	vadd.s32 v14, v11;
	vm13 =	vgt.s32 v19, $0x7FFF  }
0x3d: {  	vm14 =	vgt.s32 v19, $0xFFFF;
	vm15 =	vgt.s32 v19, $0x17FFF;
	v7 =	vshll.u32 v7, $0xF  }
0x3e: {  	v17 =	vld [tilespmem:$0xD0];
	v41 =	vsel vm13, $0xFFFFFFFF, v0;
	v7 =	vadd.s32 v10, v7;
	v10 =	vadd.s32 v21, v20  }
0x3f: {  	v43 =	vsel vm14, $0xFFFFFFFF, v0;
	v44 =	vsel vm15, $0xFFFFFFFF, v0;
	v10 =	vadd.s32 v22, v10  }
0x40: {  	v42 =	vld [tilespmem:$0x110];
	v10 =	vshll.u32 v10, $0xF;
	vm4 =	vgt.s32 v16, $0x7FFF;
	vm5 =	vgt.s32 v16, $0xFFFF  }
0x41: {  	vm6 =	vgt.s32 v16, $0x17FFF;
	v9 =	vadd.s32 v63, v10;
	v10 =	vadd.s32 v25, v23  }
0x42: {  	v20 =	vld [tilespmem:$0x100];
	v32 =	vsel vm4, $0xFFFFFFFF, v0;
	v34 =	vsel vm5, $0xFFFFFFFF, v0;
	v35 =	vsel vm6, $0xFFFFFFFF, v0  }
0x43: {  	vm7 =	vgt.s32 v17, $0x7FFF;
	vm8 =	vgt.s32 v17, $0xFFFF;
	vm9 =	vgt.s32 v17, $0x17FFF  }
0x44: {  	v10 =	vadd.s32 v26, v10;
	v36 =	vsel vm7, $0xFFFFFFFF, v0;
	v18 =	vsel vm8, $0xFFFFFFFF, v0  }
0x45: {  	v37 =	vsel vm9, $0xFFFFFFFF, v0;
	vm7 =	vgt.s32 v42, $0x7FFF;
	vm8 =	vgt.s32 v42, $0xFFFF  }
0x46: {  	v22 =	vld [tilespmem:$0x120];
	vm9 =	vgt.s32 v42, $0x17FFF;
	v10 =	vshll.u32 v10, $0xF;
	v14 =	vadd.s32 v18, v36  }
0x47: {  	v51 =	vld [tilespmem:$0x140];
	vm4 =	vgt.s32 v20, $0x7FFF;
	vm5 =	vgt.s32 v20, $0xFFFF;
	vm6 =	vgt.s32 v20, $0x17FFF  }
0x48: {  	v47 =	vsel vm7, $0xFFFFFFFF, v0;
	v48 =	vsel vm8, $0xFFFFFFFF, v0;
	v49 =	vsel vm9, $0xFFFFFFFF, v0  }
0x49: {  	v10 =	vadd.s32 v13, v10;
	v13 =	vadd.s32 v30, v29;
	v14 =	vadd.s32 v37, v14  }
0x4a: {  	v28 =	vld [tilespmem:$0x180];
	v45 =	vsel vm4, $0xFFFFFFFF, v0;
	v21 =	vsel vm5, $0xFFFFFFFF, v0;
	v46 =	vsel vm6, $0xFFFFFFFF, v0  }
0x4b: {  	vm10 =	vgt.s32 v22, $0x7FFF;
	vm11 =	vgt.s32 v22, $0xFFFF;
	vm12 =	vgt.s32 v22, $0x17FFF  }
0x4c: {  	v23 =	vld [tilespmem:$0x130];
	vm4 =	vgt.s32 v51, $0x7FFF;
	vm5 =	vgt.s32 v51, $0xFFFF;
	vm6 =	vgt.s32 v51, $0x17FFF  }
0x4d: {  	v25 =	vld [tilespmem:$0x150];
	v13 =	vadd.s32 v31, v13;
	v14 =	vshll.u32 v14, $0xF;
	v50 =	vsel vm10, $0xFFFFFFFF, v0  }
0x4e: {  	v52 =	vsel vm11, $0xFFFFFFFF, v0;
	v53 =	vsel vm12, $0xFFFFFFFF, v0;
	v56 =	vsel vm4, $0xFFFFFFFF, v0  }
0x4f: {  	v57 =	vsel vm5, $0xFFFFFFFF, v0;
	v58 =	vsel vm6, $0xFFFFFFFF, v0;
	vm4 =	vgt.s32 v28, $0x7FFF  }
0x50: {  	vm5 =	vgt.s32 v28, $0xFFFF;
	vm6 =	vgt.s32 v28, $0x17FFF;
	v13 =	vshll.u32 v13, $0xF  }
0x51: {  	v14 =	vadd.s32 v17, v14;
	v17 =	vadd.s32 v21, v45;
	vm13 =	vgt.s32 v23, $0x7FFF  }
0x52: {  	v26 =	vld [tilespmem:$0x160];
	vm14 =	vgt.s32 v23, $0xFFFF;
	vm15 =	vgt.s32 v23, $0x17FFF;
	vm7 =	vgt.s32 v25, $0x7FFF  }
0x53: {  	[tilespmem:$0x20] =	vst v3;
	v60 =	vld [tilespmem:$0x170];
	vm8 =	vgt.s32 v25, $0xFFFF;
	vm9 =	vgt.s32 v25, $0x17FFF;
	v3 =	vsel vm4, $0xFFFFFFFF, v0  }
0x54: {  	v36 =	vsel vm5, $0xFFFFFFFF, v0;
	v37 =	vsel vm6, $0xFFFFFFFF, v0;
	v12 =	vadd.s32 v24, v13  }
0x55: {  	v13 =	vadd.s32 v34, v32;
	v17 =	vadd.s32 v46, v17;
	v54 =	vsel vm13, $0xFFFFFFFF, v0  }
0x56: {  	v24 =	vsel vm14, $0xFFFFFFFF, v0;
	v55 =	vsel vm15, $0xFFFFFFFF, v0;
	v59 =	vsel vm7, $0xFFFFFFFF, v0  }
0x57: {  	v61 =	vsel vm8, $0xFFFFFFFF, v0;
	v62 =	vsel vm9, $0xFFFFFFFF, v0;
	vm10 =	vgt.s32 v26, $0x7FFF  }
0x58: {  	vm11 =	vgt.s32 v26, $0xFFFF;
	vm12 =	vgt.s32 v26, $0x17FFF;
	vm13 =	vgt.s32 v60, $0x7FFF  }
0x59: {  	vm14 =	vgt.s32 v60, $0xFFFF;
	vm15 =	vgt.s32 v60, $0x17FFF;
	v3 =	vadd.s32 v36, v3  }
0x5a: {  	v13 =	vadd.s32 v35, v13;
	v17 =	vshll.u32 v17, $0xF;
	v63 =	vsel vm10, $0xFFFFFFFF, v0  }
0x5b: {  	v27 =	vsel vm11, $0xFFFFFFFF, v0;
	v30 =	vsel vm12, $0xFFFFFFFF, v0;
	v31 =	vsel vm13, $0xFFFFFFFF, v0  }
0x5c: {  	v32 =	vsel vm14, $0xFFFFFFFF, v0;
	v34 =	vsel vm15, $0xFFFFFFFF, v0;
	v3 =	vadd.s32 v37, v3  }
0x5d: {  	v13 =	vshll.u32 v13, $0xF;
	v17 =	vadd.s32 v20, v17;
	v20 =	vadd.s32 v24, v54  }
0x5e: {  	[tilespmem:$0x10] =	vst v2;
	v35 =	vld [tilespmem:$0x1A0];
	v2 =	vadd.s32 v32, v31;
	v3 =	vshll.u32 v3, $0xF;
	v13 =	vadd.s32 v16, v13  }
0x5f: {  	v16 =	vadd.s32 v39, v38;
	v20 =	vadd.s32 v55, v20;
	v2 =	vadd.s32 v34, v2  }
0x60: {  	v3 =	vadd.s32 v28, v3;
	v16 =	vadd.s32 v40, v16;
	v20 =	vshll.u32 v20, $0xF  }
0x61: {  	v2 =	vshll.u32 v2, $0xF;
	v16 =	vshll.u32 v16, $0xF;
	v20 =	vadd.s32 v23, v20  }
0x62: {  	v40 =	vld [tilespmem:$0x1B0];
	v23 =	vadd.s32 v27, v63;
	v2 =	vadd.s32 v60, v2;
	v15 =	vadd.s32 v33, v16  }
0x63: {  	[tilespmem:$0x0] =	vst v1;
	v16 =	vadd.s32 v43, v41;
	v1 =	vadd.s32 v30, v23;
	vm10 =	vgt.s32 v35, $0x7FFF  }
0x64: {  	v55 =	vld [tilespmem:$0x1F0];
	vm11 =	vgt.s32 v35, $0xFFFF;
	vm12 =	vgt.s32 v35, $0x17FFF;
	v16 =	vadd.s32 v44, v16  }
0x65: {  	v1 =	vshll.u32 v1, $0xF;
	v43 =	vsel vm11, $0xFFFFFFFF, v0;
	v16 =	vshll.u32 v16, $0xF  }
0x66: {  	v33 =	vld [tilespmem:$0x190];
	v45 =	vsel vm12, $0xFFFFFFFF, v0;
	v1 =	vadd.s32 v26, v1;
	v16 =	vadd.s32 v19, v16  }
0x67: {  	[tilespmem:$0x40] =	vst v5;
	v19 =	vadd.s32 v48, v47;
	vm13 =	vgt.s32 v40, $0x7FFF;
	vm14 =	vgt.s32 v40, $0xFFFF  }
0x68: {  	[tilespmem:$0x30] =	vst v4;
	vm15 =	vgt.s32 v40, $0x17FFF;
	v19 =	vadd.s32 v49, v19;
	v46 =	vsel vm13, $0xFFFFFFFF, v0  }
0x69: {  	[tilespmem:$0x70] =	vst v8;
	v44 =	vld [tilespmem:$0x1C0];
	v48 =	vsel vm14, $0xFFFFFFFF, v0;
	v49 =	vsel vm15, $0xFFFFFFFF, v0;
	vm13 =	vgt.s32 v55, $0x7FFF  }
0x6a: {  	[tilespmem:$0x50] =	vst v6;
	vm14 =	vgt.s32 v55, $0xFFFF;
	vm15 =	vgt.s32 v55, $0x17FFF;
	v19 =	vshll.u32 v19, $0xF  }
0x6b: {  	[tilespmem:$0xA0] =	vst v11;
	vm7 =	vgt.s32 v33, $0x7FFF;
	vm8 =	vgt.s32 v33, $0xFFFF;
	vm9 =	vgt.s32 v33, $0x17FFF  }
0x6c: {  	[tilespmem:$0x60] =	vst v7;
	v63 =	vsel vm15, $0xFFFFFFFF, v0;
	v18 =	vadd.s32 v42, v19;
	v19 =	vadd.s32 v52, v50  }
0x6d: {  	[tilespmem:$0x80] =	vst v9;
	v47 =	vld [tilespmem:$0x1D0];
	v38 =	vsel vm7, $0xFFFFFFFF, v0;
	v39 =	vsel vm8, $0xFFFFFFFF, v0;
	v41 =	vsel vm9, $0xFFFFFFFF, v0  }
0x6e: {  	[tilespmem:$0x90] =	vst v10;
	v42 =	vsel vm10, $0xFFFFFFFF, v0;
	vm4 =	vgt.s32 v44, $0x7FFF;
	vm5 =	vgt.s32 v44, $0xFFFF  }
0x6f: {  	[tilespmem:$0xD0] =	vst v14;
	vm6 =	vgt.s32 v44, $0x17FFF;
	v19 =	vadd.s32 v53, v19;
	v5 =	vadd.s32 v39, v38  }
0x70: {  	[tilespmem:$0xB0] =	vst v12;
	v6 =	vadd.s32 v43, v42;
	v50 =	vsel vm4, $0xFFFFFFFF, v0;
	v52 =	vsel vm5, $0xFFFFFFFF, v0  }
0x71: {  	[tilespmem:$0x100] =	vst v17;
	v53 =	vsel vm6, $0xFFFFFFFF, v0;
	v19 =	vshll.u32 v19, $0xF;
	v5 =	vadd.s32 v41, v5  }
0x72: {  	[tilespmem:$0xC0] =	vst v13;
	v6 =	vadd.s32 v45, v6;
	vm7 =	vgt.s32 v47, $0x7FFF;
	v8 =	vadd.s32 v52, v50  }
0x73: {  	[tilespmem:$0x180] =	vst v3;
	vm8 =	vgt.s32 v47, $0xFFFF;
	vm9 =	vgt.s32 v47, $0x17FFF;
	v19 =	vadd.s32 v22, v19  }
0x74: {  	[tilespmem:$0x130] =	vst v20;
	v22 =	vadd.s32 v57, v56;
	v5 =	vshll.u32 v5, $0xF;
	v6 =	vshll.u32 v6, $0xF  }
0x75: {  	[tilespmem:$0x170] =	vst v2;
	v54 =	vsel vm7, $0xFFFFFFFF, v0;
	v7 =	vadd.s32 v53, v8;
	v22 =	vadd.s32 v58, v22  }
0x76: {  	[tilespmem:$0xE0] =	vst v15;
	v56 =	vsel vm8, $0xFFFFFFFF, v0;
	v57 =	vsel vm9, $0xFFFFFFFF, v0;
	v22 =	vshll.u32 v22, $0xF  }
0x77: {  	[tilespmem:$0x160] =	vst v1;
	v5 =	vadd.s32 v33, v5;
	v4 =	vadd.s32 v35, v6;
	v21 =	vadd.s32 v51, v22;
	v51 =	vld [tilespmem:$0x1E0]  }
0x78: {  	[tilespmem:$0xF0] =	vst v16;
	v6 =	vadd.s32 v48, v46;
	v7 =	vshll.u32 v7, $0xF;
	v2 =	vadd.s32 v56, v54  }
0x79: {  	[tilespmem:$0x110] =	vst v18;
	v6 =	vadd.s32 v49, v6;
	v1 =	vadd.s32 v44, v7;
	v2 =	vadd.s32 v57, v2  }
0x7a: {  	[tilespmem:$0x120] =	vst v19;
	v22 =	vadd.s32 v61, v59;
	v6 =	vshll.u32 v6, $0xF;
	v61 =	vsel vm13, $0xFFFFFFFF, v0  }
0x7b: {  	[tilespmem:$0x190] =	vst v5;
	v2 =	vshll.u32 v2, $0xF;
	v22 =	vadd.s32 v62, v22;
	v6 =	vadd.s32 v40, v6  }
0x7c: {  	[tilespmem:$0x1A0] =	vst v4;
	v62 =	vsel vm14, $0xFFFFFFFF, v0;
	vm10 =	vgt.s32 v51, $0x7FFF;
	vm11 =	vgt.s32 v51, $0xFFFF  }
0x7d: {  	[tilespmem:$0x1C0] =	vst v1;
	vm12 =	vgt.s32 v51, $0x17FFF;
	v58 =	vsel vm10, $0xFFFFFFFF, v0;
	v59 =	vsel vm11, $0xFFFFFFFF, v0  }
0x7e: {  	[tilespmem:$0x140] =	vst v21;
	v1 =	vadd.s32 v47, v2;
	v3 =	vsel vm12, $0xFFFFFFFF, v0;
	v60 =	vadd.s32 v59, v58  }
0x7f: {  	v22 =	vshll.u32 v22, $0xF;
	[tilespmem:$0x1B0] =	vst v6;
	v4 =	vadd.s32 v62, v61;
	v3 =	vadd.s32 v3, v60  }
0x80: {  	[tilespmem:$0x1D0] =	vst v1;
	v22 =	vadd.s32 v25, v22;
	v2 =	vadd.s32 v63, v4;
	v3 =	vshll.u32 v3, $0xF  }
0x81: {  	[tilespmem:$0x150] =	vst v22;
	v2 =	vshll.u32 v2, $0xF;
	v1 =	vadd.s32 v51, v3  }
0x82: {  	[tilespmem:$0x1E0] =	vst v1;
	v1 =	vadd.s32 v55, v2  }
0x83: {  	[tilespmem:$0x1F0] =	vst v1  }
0x84: {  	[tilespmem:s12], [sflag:$0x1] =	stream.indirect.gather [hbm4b:s3+s11], $0x80, s2, s11, $0xb8;
	[tilespmem:$0x10200] =	vst v63  }
0x85: {  	_ = 	snop  }
0x86: {  	[tilespmem:s13], [sflag:$0x1] =	stream.indirect.gather [hbm4b:s3+s11], $0x80, s11, s11, $0xb8;
	[tilespmem:$0x10200] =	vst v63  }
0x87: {  	_ = 	snop  }
0x88: {  	[tilespmem:s15], [sflag:$0x1] =	stream.indirect.gather [hbm4b:s3+s11], $0x80, s14, s11, $0xb8;
	[tilespmem:$0x10200] =	vst v63  }
0x89: {  	_ = 	snop  }
0x8a: {  	[tilespmem:s17], [sflag:$0x1] =	stream.indirect.gather [hbm4b:s3+s11], $0x80, s16, s11, $0xb8;
	[tilespmem:$0x10200] =	vst v63  }
0x8b: {  	_ =	swait.ge [sflag:s18], $0x4000  }
0x8c: {  	[sflag:s18] =	ssyncset.done $0x0  }
0x8d: {  	[sflag:s18] =	ssyncadd.s32 $0xFFFFC000  }
0x8e: {  	[hbm4b:s4+s2] =	stream.linear.scatter [tilespmem:s12], [sflag:$0x2], $0x4000, $0x38;
	[tilespmem:$0x10200] =	vst v63  }
0x8f: {  	_ =	swait.ge [sflag:s18], $0x4000  }
0x90: {  	[sflag:s18] =	ssyncset.done $0x0  }
0x91: {  	[sflag:s18] =	ssyncadd.s32 $0xFFFFC000  }
0x92: {  	[hbm4b:s6+s2] =	stream.linear.scatter [tilespmem:s13], [sflag:$0x2], $0x4000, $0x38;
	[tilespmem:$0x10200] =	vst v63  }
0x93: {  	_ =	swait.ge [sflag:s18], $0x4000  }
0x94: {  	[sflag:s18] =	ssyncset.done $0x0  }
0x95: {  	[sflag:s18] =	ssyncadd.s32 $0xFFFFC000  }
0x96: {  	[hbm4b:s7+s2] =	stream.linear.scatter [tilespmem:s15], [sflag:$0x2], $0x4000, $0x38;
	[tilespmem:$0x10200] =	vst v63  }
0x97: {  	_ =	swait.ge [sflag:s18], $0x4000  }
0x98: {  	[sflag:s18] =	ssyncset.done $0x0  }
0x99: {  	[sflag:s18] =	ssyncadd.s32 $0xFFFFC000  }
0x9a: {  	[hbm4b:s8+s2] =	stream.linear.scatter [tilespmem:s17], [sflag:$0x2], $0x4000, $0x38;
	[tilespmem:$0x10200] =	vst v63  }
0x9b: {  	_ =	swait.ge [sflag:s19], $0x4000  }
0x9c: {  	[sflag:s19] =	ssyncset.done $0x0  }
0x9d: {  	[sflag:s19] =	ssyncadd.s32 $0xFFFFC000  }
0x9e: {  	_ =	swait.ge [sflag:s19], $0x4000  }
0x9f: {  	[sflag:s19] =	ssyncset.done $0x0  }
0xa0: {  	[sflag:s19] =	ssyncadd.s32 $0xFFFFC000  }
0xa1: {  	p0 =	sne.s32 s9, $0x1;
	_ =	swait.ge [sflag:s19], $0x4000  }
.Ltmp0:
0xa2: {  	[sflag:s19] =	ssyncset.done $0x0;
	(pc) =	sbr.rel @p0 .LBB2_1-.Ltmp0, $4  }
0xa3: {  	[sflag:s19] =	ssyncadd.s32 $0xFFFFC000  }
0xa4: {  	_ =	swait.ge [sflag:s19], $0x4000  }
0xa5: {  	[sflag:s19] =	ssyncset.done $0x0  }
0xa6: {  	s9 =	sadd.s32 $0xFFFFFFFF, s9;
	[sflag:s19] =	ssyncadd.s32 $0xFFFFC000  }
0xa7: {  	_ =	sfence.sel $0x180000  }
0xa8: {  	[bflag:$0x0] =	sbarrier.arrive $0xFFFF  }
0xa9: {  	p0 =	sne.s32 s1, $0x0;
	_ =	strace $0x9000004A  }
0xaa: {  	s0 =	sadd.s32 @!p0 $0x100000, s0;
	[bflag:$0x2] =	sbarrier.arrive $0xFFFF  }
0xab: {  	[sflag:s0] =	ssyncadd.tile.s32 @!p0 $0x1;
	_ =	shalt  }
.Lfunc_end2:
_tile_overlayer_lowered:
.L_overlay_start_2:
0xac: {  	(tag) =	ssettag $0x2  }
0xad: {  	s0 =	rddreg [dreg:$0x0];
	s2 =	stileid.u32  }
0xae: {  	s1 =	rddreg [dreg:$0x1];
	p0 =	sne.s32 s2, $0x0  }
0xaf: {  	s3 =	rddreg [dreg:$0x2];
	[bflag:$0x3] =	sbarrier.arrive $0xFFFF;
	s2 =	simm.s32 @!p0 $0x1C03  }
0xb0: {  	[timem:s3], [sflag:s2] =	dma.local @!p0 [hbm:s0], s1  }
0xb1: {  	s0 =	simm.s32 @!p0 $0x3  }
0xb2: {  	_ =	swait.ge @!p0 [sflag:s0], s1  }
0xb3: {  	s1 =	ssub.s32 @!p0 $0x0, s1;
	[sflag:s0] =	ssyncset.done @!p0 $0x0  }
0xb4: {  	[sflag:s0] =	ssyncadd.s32 @!p0 s1  }
0xb5: {  	[bflag:$0x3] =	sbarrier.arrive $0xFFFF  }
0xb6: {  	_ =	shalt  }

</sc_bundles>
